<compile_context>
chip_gen: v7x
topology: tpu7x:2x2x1
jax: 0.10.2.dev20260603
libtpu: 0.0.44.dev20260713+nightly
codegen_flags: <defaults>
</compile_context>

<pallas_src>
import functools

import jax
import jax.numpy as jnp
from jax import lax
from jax.experimental import pallas as pl
from jax.experimental.pallas import tpu as pltpu
from jax.experimental.pallas import tpu_sc as plsc

B = 4096
KBLK = 8
MARGIN = 0.3
INF = float("inf")

NC = 2
NS = 16
L = 16
NW = NC * NS
R_SC = 2048
ROWS_W = R_SC // NW
CH_R = 8
N_CH = ROWS_W // CH_R
U = 16

TBLK = 512
N_TBLK = (B - R_SC) // TBLK
TCW = 128


def _merge2min(m1a, m2a, m1b, m2b):
    return (jnp.minimum(m1a, m1b),
            jnp.minimum(jnp.maximum(m1a, m1b), jnp.minimum(m2a, m2b)))


def _tec_body(dm_hbm, out_hbm, buf0, buf1, accv, sem0, sem1):
    wid = lax.axis_index("s") * NC + lax.axis_index("c")
    row0 = wid * ROWS_W
    lane = lax.iota(jnp.int32, L)
    bufs = (buf0, buf1)
    sems = (sem0, sem1)

    def run_rows(buf, base, acc):
        def row_body(r, acc):
            i = base + r
            w0 = (i // L) * L
            v = buf[r, pl.ds(w0, L)]
            col = w0 + lane
            mask = ((col // KBLK) == (i // KBLK)) & (col != i)
            pos = jnp.max(jnp.where(mask, v, jnp.float32(0.0)))
            buf[r, pl.ds(w0, L)] = jnp.where(mask, INF, v)

            def min_body(off, carry):
                ms = list(carry)
                for p in range(U // 2):
                    x = buf[r, pl.ds(off + (2 * p) * L, L)]
                    y = buf[r, pl.ds(off + (2 * p + 1) * L, L)]
                    lo = jnp.minimum(x, y)
                    hi = jnp.maximum(x, y)
                    k = p % 4
                    m1, m2 = ms[2 * k], ms[2 * k + 1]
                    ms[2 * k + 1] = jnp.minimum(jnp.maximum(m1, lo),
                                                jnp.minimum(m2, hi))
                    ms[2 * k] = jnp.minimum(m1, lo)
                return tuple(ms)

            init = tuple(jnp.full((L,), INF) for _ in range(8))
            ms = plsc.parallel_loop(0, B, U * L, carry=init)(min_body)
            m1a, m2a = _merge2min(*ms[0:4])
            m1b, m2b = _merge2min(*ms[4:8])
            m1, m2 = _merge2min(m1a, m2a, m1b, m2b)

            g1 = jnp.min(m1)
            g1v = jnp.full((L,), g1)
            ell = plsc.all_reduce_ffs(m1 == g1v)
            neg = jnp.min(jnp.where(lane == ell, m2, m1))
            negv = jnp.full((L,), neg)
            posv = jnp.full((L,), pos)
            loss = jnp.maximum(posv - negv + MARGIN, jnp.float32(0.0))
            return acc + loss
        return plsc.parallel_loop(0, CH_R, 1, carry=acc)(row_body)

    def issue(c, slot):
        @pl.when(c < N_CH)
        def _():
            pltpu.async_copy(dm_hbm.at[pl.ds(row0 + c * CH_R, CH_R)],
                             bufs[slot], sems[slot])

    issue(0, 0)
    issue(1, 1)

    def super_body(s, acc):
        c0 = 2 * s
        for b in range(2):
            c = c0 + b
            pltpu.make_async_copy(
                dm_hbm.at[pl.ds(row0 + c * CH_R, CH_R)],
                bufs[b], sems[b]).wait()
            acc = run_rows(bufs[b], row0 + c * CH_R, acc)
            issue(c + 2, b)
        return acc

    acc = lax.fori_loop(0, N_CH // 2, super_body,
                        jnp.zeros((L,), jnp.float32))
    accv[...] = acc
    pltpu.sync_copy(accv, out_hbm.at[wid])


def _sc_call(distance_matrix):
    mesh = plsc.VectorSubcoreMesh(core_axis_name="c", subcore_axis_name="s")
    run = functools.partial(
        pl.kernel,
        mesh=mesh,
        out_type=jax.ShapeDtypeStruct((NW, L), jnp.float32),
        scratch_types=[
            pltpu.VMEM((CH_R, B), jnp.float32),
            pltpu.VMEM((CH_R, B), jnp.float32),
            pltpu.VMEM((L,), jnp.float32),
            pltpu.SemaphoreType.DMA,
            pltpu.SemaphoreType.DMA,
        ],
        compiler_params=pltpu.CompilerParams(needs_layout_passes=False),
    )(_tec_body)
    return run(distance_matrix)


HB = 64


def _tc_kernel(x_ref, out_ref):
    g = pl.program_id(0)
    base = R_SC + g * TBLK
    total = jnp.float32(0.0)
    for h in range(TBLK // HB):
        wbase = base + (h * HB // TCW) * TCW
        jd = wbase // TCW
        rows = (base + h * HB
                + lax.broadcasted_iota(jnp.int32, (HB, TCW), 0))
        cols = wbase + lax.broadcasted_iota(jnp.int32, (HB, TCW), 1)
        mask = ((cols // KBLK) == (rows // KBLK)) & (cols != rows)

        vd = x_ref[pl.ds(h * HB, HB), pl.ds(wbase, TCW)]
        pos = jnp.max(jnp.where(mask, vd, jnp.float32(0.0)), axis=1,
                      keepdims=True)
        m1 = jnp.where(mask, INF, vd)
        m2 = jnp.full((HB, TCW), INF)
        infv = jnp.full((HB, TCW), INF)
        for jc in range(B // TCW):
            v = x_ref[pl.ds(h * HB, HB), pl.ds(jc * TCW, TCW)]
            v = jnp.where(jc == jd, infv, v)
            m2 = jnp.minimum(m2, jnp.maximum(m1, v))
            m1 = jnp.minimum(m1, v)

        g1 = jnp.min(m1, axis=1, keepdims=True)
        eq = m1 == g1
        cnt = jnp.sum(eq.astype(jnp.float32), axis=1, keepdims=True)
        second = jnp.min(jnp.where(eq, INF, m1), axis=1, keepdims=True)
        c2 = jnp.min(jnp.where(eq, m2, INF), axis=1, keepdims=True)
        neg = jnp.where(cnt >= 2.0, g1, jnp.minimum(second, c2))
        loss = jnp.maximum(pos - neg + MARGIN, jnp.float32(0.0))
        total = total + jnp.sum(loss)
    out_ref[0, 0, 0] = total


def _tc_call(distance_matrix):
    return pl.pallas_call(
        _tc_kernel,
        grid=(N_TBLK,),
        in_specs=[pl.BlockSpec((TBLK, B), lambda g: (R_SC // TBLK + g, 0))],
        out_specs=pl.BlockSpec((1, 1, 1), lambda g: (g, 0, 0),
                               memory_space=pltpu.SMEM),
        out_shape=jax.ShapeDtypeStruct((N_TBLK, 1, 1), jnp.float32),
    )(distance_matrix)


@jax.jit
def _loss(distance_matrix):
    tc_partials = _tc_call(distance_matrix)
    sc_partials = _sc_call(distance_matrix)
    both = jnp.concatenate(
        [sc_partials.reshape(-1) * jnp.float32(1.0 / L),
         tc_partials.reshape(-1)])
    return jnp.sum(both) / jnp.float32(B)


def kernel(distance_matrix):
    return _loss(distance_matrix)

# --- scband reference (transcript-rebuilt; emitter-appended) ---
"""Pipeline reference for scband-triplet-loss-40089224741249 (READ-ONLY COPY).

The authoritative reference and input builder live on the scoring server;
editing this copy changes nothing except your own understanding.
"""

import jax, jax.numpy as jnp
import numpy as np

MARGIN = 0.3
BATCH = 4096
P = 512
K = 8
SOFT_MARGIN = False
# NOTE: the torch forward references an undefined global `num_batch_classes`;
# under PK sampling it equals p (number of classes per batch), so P is used here.


def _template():
    idx = jnp.arange(BATCH)
    same_block = (idx[:, None] // K) == (idx[None, :] // K)
    off_diag = idx[:, None] != idx[None, :]
    return jnp.where(same_block & off_diag, 1.0, 0.0).astype(jnp.float32)


def setup_inputs(seed: int = 0) -> dict:
    key = jax.random.key(seed)
    distance_matrix = jax.random.uniform(key, (BATCH, BATCH), dtype=jnp.float32)
    return {"distance_matrix": distance_matrix}


def reference(distance_matrix):
    num_batch_images = distance_matrix.shape[0]
    num_batch_classes = P
    num_images_per_class = num_batch_images // num_batch_classes
    template = _template()
    positive_distance_matrix = distance_matrix * template
    negative_distance_matrix = distance_matrix - positive_distance_matrix
    positive_distance = jnp.max(positive_distance_matrix, axis=1)
    negative_sorted = jnp.sort(negative_distance_matrix, axis=-1)
    negative_distance = negative_sorted[:, num_images_per_class]
    one = -jnp.ones((BATCH,), dtype=jnp.float32)
    if SOFT_MARGIN:
        x = positive_distance - negative_distance
        loss = jnp.mean(jnp.log1p(jnp.exp(-one * x)))
    else:
        losses = positive_distance - negative_distance + MARGIN
        losses = jnp.maximum(losses, 0.0)
        loss = jnp.mean(losses)
    return loss

if __name__ == "__main__":
    import jax
    _d = setup_inputs()
    print(jax.jit(kernel)(*tuple(_d.values())))

</pallas_src>

<mosaic_0001>
#map = affine_map<(d0, d1) -> (0, 0)>
module attributes {stable_mosaic.version = 14 : i64} {
  func.func @_tec_body(%arg0: i32, %arg1: i32, %arg2: memref<4096x4096xf32, #tpu.memory_space<hbm>>, %arg3: memref<32x16xf32, #tpu.memory_space<hbm>>, %arg4: memref<8x4096xf32, #tpu.memory_space<vmem>>, %arg5: memref<8x4096xf32, #tpu.memory_space<vmem>>, %arg6: memref<16xf32, #tpu.memory_space<vmem>>, %arg7: memref<!tpu.dma_semaphore, #tpu.memory_space<semaphore_mem>>, %arg8: memref<!tpu.dma_semaphore, #tpu.memory_space<semaphore_mem>>) attributes {dimension_semantics = [#tpu.dimension_semantics<core_parallel>, #tpu.dimension_semantics<subcore_parallel>], iteration_bounds = array<i64: 2, 16>, scalar_prefetch = 0 : i64, scratch_operands = 5 : i64, tpu.core_type = #tpu.core_type<sc_vector_subcore>, window_params = [{transform_indices = #map}, {transform_indices = #map}]} {
    %mul3A = arith.constant 2 : i32
    %mul3A_0 = arith.muli %arg1, %mul3A : i32
    %add3A = arith.addi %mul3A_0, %arg0 : i32
    %mul3A_1 = arith.constant 64 : i32
    %mul3A_2 = arith.muli %add3A, %mul3A_1 : i32
    %iota3A = tpu.iota {dimensions = array<i32: 0>} : vector<16xi32>
    %add3A_3 = arith.constant 0 : i32
    %add3A_4 = arith.addi %mul3A_2, %add3A_3 : i32
    %dma_start3A = arith.constant 0 : i32
    %dma_start3A_5 = tpu.memref_slice %arg2[%add3A_4, %dma_start3A] : memref<4096x4096xf32, #tpu.memory_space<hbm>> -> memref<8x4096xf32, #tpu.memory_space<hbm>>
    %dma_start3A_6 = arith.constant 0 : i32
    %dma_start3A_7 = tpu.memref_slice %arg2[%add3A_4, %dma_start3A_6] : memref<4096x4096xf32, #tpu.memory_space<hbm>> -> memref<8x4096xf32, #tpu.memory_space<hbm>>
    tpu.enqueue_dma source(%dma_start3A_7 : memref<8x4096xf32, #tpu.memory_space<hbm>>) target(%arg4 : memref<8x4096xf32, #tpu.memory_space<vmem>>) target_semaphore(%arg7 : memref<!tpu.dma_semaphore, #tpu.memory_space<semaphore_mem>>)
    %add3A_8 = arith.constant 8 : i32
    %add3A_9 = arith.addi %mul3A_2, %add3A_8 : i32
    %dma_start3A_10 = arith.constant 0 : i32
    %dma_start3A_11 = tpu.memref_slice %arg2[%add3A_9, %dma_start3A_10] : memref<4096x4096xf32, #tpu.memory_space<hbm>> -> memref<8x4096xf32, #tpu.memory_space<hbm>>
    %dma_start3A_12 = arith.constant 0 : i32
    %dma_start3A_13 = tpu.memref_slice %arg2[%add3A_9, %dma_start3A_12] : memref<4096x4096xf32, #tpu.memory_space<hbm>> -> memref<8x4096xf32, #tpu.memory_space<hbm>>
    tpu.enqueue_dma source(%dma_start3A_13 : memref<8x4096xf32, #tpu.memory_space<hbm>>) target(%arg5 : memref<8x4096xf32, #tpu.memory_space<vmem>>) target_semaphore(%arg8 : memref<!tpu.dma_semaphore, #tpu.memory_space<semaphore_mem>>)
    %broadcast_in_dim3A = arith.constant 0.000000e+00 : f32
    %broadcast_in_dim3A_14 = vector.broadcast %broadcast_in_dim3A : f32 to vector<16xf32>
    %scan3A = arith.constant 0 : i32
    %scan3A_15 = arith.constant 4 : i32
    %scan3A_16 = arith.addi %scan3A, %scan3A_15 : i32
    %scan3A_17 = arith.constant 1 : i32
    %scan3A_18 = scf.for %scan3A_21 = %scan3A to %scan3A_16 step %scan3A_17 iter_args(%scan3A_22 = %broadcast_in_dim3A_14) -> (vector<16xf32>)  : i32 {
      %mul3A_23 = arith.constant 2 : i32
      %mul3A_24 = arith.muli %mul3A_23, %scan3A_21 : i32
      %add3A_25 = arith.constant 0 : i32
      %add3A_26 = arith.addi %mul3A_24, %add3A_25 : i32
      %mul3A_27 = arith.constant 8 : i32
      %mul3A_28 = arith.muli %add3A_26, %mul3A_27 : i32
      %add3A_29 = arith.addi %mul3A_2, %mul3A_28 : i32
      %dma_wait3A = arith.constant 0 : i32
      %dma_wait3A_30 = tpu.memref_slice %arg2[%add3A_29, %dma_wait3A] : memref<4096x4096xf32, #tpu.memory_space<hbm>> -> memref<8x4096xf32, #tpu.memory_space<hbm>>
      %dma_wait3A_31 = arith.constant 0 : i32
      %dma_wait3A_32 = tpu.memref_slice %arg2[%add3A_29, %dma_wait3A_31] : memref<4096x4096xf32, #tpu.memory_space<hbm>> -> memref<8x4096xf32, #tpu.memory_space<hbm>>
      tpu.wait_dma2 semaphore(%arg7 : memref<!tpu.dma_semaphore, #tpu.memory_space<semaphore_mem>>) src(%dma_wait3A_32 : memref<8x4096xf32, #tpu.memory_space<hbm>>) dst(%arg4 : memref<8x4096xf32, #tpu.memory_space<vmem>>)
      %mul3A_33 = arith.constant 8 : i32
      %mul3A_34 = arith.muli %add3A_26, %mul3A_33 : i32
      %add3A_35 = arith.addi %mul3A_2, %mul3A_34 : i32
      %parallel_loop3A = arith.constant 0 : i32
      %parallel_loop3A_36 = arith.constant 8 : i32
      %parallel_loop3A_37 = arith.constant 1 : i32
      %parallel_loop3A_38 = scf.for %parallel_loop3A_66 = %parallel_loop3A to %parallel_loop3A_36 step %parallel_loop3A_37 iter_args(%parallel_loop3A_67 = %scan3A_22) -> (vector<16xf32>)  : i32 {
        %parallel_loop3A_68 = arith.addi %add3A_35, %parallel_loop3A_66 : i32
        %parallel_loop3A_69 = arith.constant 16 : i32
        %parallel_loop3A_70 = arith.divsi %parallel_loop3A_68, %parallel_loop3A_69 : i32
        %parallel_loop3A_71 = arith.constant 0 : i32
        %parallel_loop3A_72 = arith.cmpi sgt, %parallel_loop3A_68, %parallel_loop3A_71 : i32
        %parallel_loop3A_73 = arith.extui %parallel_loop3A_72 : i1 to i32
        %parallel_loop3A_74 = arith.constant 0 : i32
        %parallel_loop3A_75 = arith.cmpi slt, %parallel_loop3A_68, %parallel_loop3A_74 : i32
        %parallel_loop3A_76 = arith.extui %parallel_loop3A_75 : i1 to i32
        %parallel_loop3A_77 = arith.subi %parallel_loop3A_73, %parallel_loop3A_76 : i32
        %parallel_loop3A_78 = arith.constant 0 : i32
        %parallel_loop3A_79 = arith.cmpi sgt, %parallel_loop3A_69, %parallel_loop3A_78 : i32
        %parallel_loop3A_80 = arith.extui %parallel_loop3A_79 : i1 to i32
        %parallel_loop3A_81 = arith.constant 0 : i32
        %parallel_loop3A_82 = arith.cmpi slt, %parallel_loop3A_69, %parallel_loop3A_81 : i32
        %parallel_loop3A_83 = arith.extui %parallel_loop3A_82 : i1 to i32
        %parallel_loop3A_84 = arith.subi %parallel_loop3A_80, %parallel_loop3A_83 : i32
        %parallel_loop3A_85 = arith.cmpi ne, %parallel_loop3A_77, %parallel_loop3A_84 : i32
        %parallel_loop3A_86 = arith.remsi %parallel_loop3A_68, %parallel_loop3A_69 : i32
        %parallel_loop3A_87 = arith.constant 0 : i32
        %parallel_loop3A_88 = arith.cmpi ne, %parallel_loop3A_86, %parallel_loop3A_87 : i32
        %parallel_loop3A_89 = arith.andi %parallel_loop3A_85, %parallel_loop3A_88 : i1
        %parallel_loop3A_90 = arith.constant 1 : i32
        %parallel_loop3A_91 = arith.subi %parallel_loop3A_70, %parallel_loop3A_90 : i32
        %parallel_loop3A_92 = arith.select %parallel_loop3A_89, %parallel_loop3A_91, %parallel_loop3A_70 : i32
        %parallel_loop3A_93 = arith.constant 16 : i32
        %parallel_loop3A_94 = arith.muli %parallel_loop3A_92, %parallel_loop3A_93 : i32
        %parallel_loop3A_95 = arith.index_cast %parallel_loop3A_66 : i32 to index
        %parallel_loop3A_96 = arith.index_cast %parallel_loop3A_94 : i32 to index
        %parallel_loop3A_97 = tpu.vector_load %arg4[%parallel_loop3A_95, %parallel_loop3A_96] {strides = array<i32>} : memref<8x4096xf32, #tpu.memory_space<vmem>>, vector<16xf32>,
        %parallel_loop3A_98 = vector.broadcast %parallel_loop3A_94 : i32 to vector<16xi32>
        %parallel_loop3A_99 = arith.addi %parallel_loop3A_98, %iota3A : vector<16xi32>
        %parallel_loop3A_100 = arith.constant 8 : i32
        %parallel_loop3A_101 = vector.broadcast %parallel_loop3A_100 : i32 to vector<16xi32>
        %parallel_loop3A_102 = arith.divsi %parallel_loop3A_99, %parallel_loop3A_101 : vector<16xi32>
        %parallel_loop3A_103 = arith.constant 0 : i32
        %parallel_loop3A_104 = vector.broadcast %parallel_loop3A_103 : i32 to vector<16xi32>
        %parallel_loop3A_105 = arith.cmpi sgt, %parallel_loop3A_99, %parallel_loop3A_104 : vector<16xi32>
        %parallel_loop3A_106 = arith.extui %parallel_loop3A_105 : vector<16xi1> to vector<16xi32>
        %parallel_loop3A_107 = arith.constant 0 : i32
        %parallel_loop3A_108 = vector.broadcast %parallel_loop3A_107 : i32 to vector<16xi32>
        %parallel_loop3A_109 = arith.cmpi slt, %parallel_loop3A_99, %parallel_loop3A_108 : vector<16xi32>
        %parallel_loop3A_110 = arith.extui %parallel_loop3A_109 : vector<16xi1> to vector<16xi32>
        %parallel_loop3A_111 = arith.subi %parallel_loop3A_106, %parallel_loop3A_110 : vector<16xi32>
        %parallel_loop3A_112 = arith.constant 0 : i32
        %parallel_loop3A_113 = arith.cmpi sgt, %parallel_loop3A_100, %parallel_loop3A_112 : i32
        %parallel_loop3A_114 = arith.extui %parallel_loop3A_113 : i1 to i32
        %parallel_loop3A_115 = arith.constant 0 : i32
        %parallel_loop3A_116 = arith.cmpi slt, %parallel_loop3A_100, %parallel_loop3A_115 : i32
        %parallel_loop3A_117 = arith.extui %parallel_loop3A_116 : i1 to i32
        %parallel_loop3A_118 = arith.subi %parallel_loop3A_114, %parallel_loop3A_117 : i32
        %parallel_loop3A_119 = vector.broadcast %parallel_loop3A_118 : i32 to vector<16xi32>
        %parallel_loop3A_120 = arith.cmpi ne, %parallel_loop3A_111, %parallel_loop3A_119 : vector<16xi32>
        %parallel_loop3A_121 = vector.broadcast %parallel_loop3A_100 : i32 to vector<16xi32>
        %parallel_loop3A_122 = arith.remsi %parallel_loop3A_99, %parallel_loop3A_121 : vector<16xi32>
        %parallel_loop3A_123 = arith.constant 0 : i32
        %parallel_loop3A_124 = vector.broadcast %parallel_loop3A_123 : i32 to vector<16xi32>
        %parallel_loop3A_125 = arith.cmpi ne, %parallel_loop3A_122, %parallel_loop3A_124 : vector<16xi32>
        %parallel_loop3A_126 = arith.andi %parallel_loop3A_120, %parallel_loop3A_125 : vector<16xi1>
        %parallel_loop3A_127 = arith.constant 1 : i32
        %parallel_loop3A_128 = vector.broadcast %parallel_loop3A_127 : i32 to vector<16xi32>
        %parallel_loop3A_129 = arith.subi %parallel_loop3A_102, %parallel_loop3A_128 : vector<16xi32>
        %parallel_loop3A_130 = arith.select %parallel_loop3A_126, %parallel_loop3A_129, %parallel_loop3A_102 : vector<16xi1>, vector<16xi32>
        %parallel_loop3A_131 = arith.constant 8 : i32
        %parallel_loop3A_132 = arith.divsi %parallel_loop3A_68, %parallel_loop3A_131 : i32
        %parallel_loop3A_133 = arith.constant 0 : i32
        %parallel_loop3A_134 = arith.cmpi sgt, %parallel_loop3A_68, %parallel_loop3A_133 : i32
        %parallel_loop3A_135 = arith.extui %parallel_loop3A_134 : i1 to i32
        %parallel_loop3A_136 = arith.constant 0 : i32
        %parallel_loop3A_137 = arith.cmpi slt, %parallel_loop3A_68, %parallel_loop3A_136 : i32
        %parallel_loop3A_138 = arith.extui %parallel_loop3A_137 : i1 to i32
        %parallel_loop3A_139 = arith.subi %parallel_loop3A_135, %parallel_loop3A_138 : i32
        %parallel_loop3A_140 = arith.constant 0 : i32
        %parallel_loop3A_141 = arith.cmpi sgt, %parallel_loop3A_131, %parallel_loop3A_140 : i32
        %parallel_loop3A_142 = arith.extui %parallel_loop3A_141 : i1 to i32
        %parallel_loop3A_143 = arith.constant 0 : i32
        %parallel_loop3A_144 = arith.cmpi slt, %parallel_loop3A_131, %parallel_loop3A_143 : i32
        %parallel_loop3A_145 = arith.extui %parallel_loop3A_144 : i1 to i32
        %parallel_loop3A_146 = arith.subi %parallel_loop3A_142, %parallel_loop3A_145 : i32
        %parallel_loop3A_147 = arith.cmpi ne, %parallel_loop3A_139, %parallel_loop3A_146 : i32
        %parallel_loop3A_148 = arith.remsi %parallel_loop3A_68, %parallel_loop3A_131 : i32
        %parallel_loop3A_149 = arith.constant 0 : i32
        %parallel_loop3A_150 = arith.cmpi ne, %parallel_loop3A_148, %parallel_loop3A_149 : i32
        %parallel_loop3A_151 = arith.andi %parallel_loop3A_147, %parallel_loop3A_150 : i1
        %parallel_loop3A_152 = arith.constant 1 : i32
        %parallel_loop3A_153 = arith.subi %parallel_loop3A_132, %parallel_loop3A_152 : i32
        %parallel_loop3A_154 = arith.select %parallel_loop3A_151, %parallel_loop3A_153, %parallel_loop3A_132 : i32
        %parallel_loop3A_155 = vector.broadcast %parallel_loop3A_154 : i32 to vector<16xi32>
        %parallel_loop3A_156 = arith.cmpi eq, %parallel_loop3A_130, %parallel_loop3A_155 : vector<16xi32>
        %parallel_loop3A_157 = vector.broadcast %parallel_loop3A_68 : i32 to vector<16xi32>
        %parallel_loop3A_158 = arith.cmpi ne, %parallel_loop3A_99, %parallel_loop3A_157 : vector<16xi32>
        %parallel_loop3A_159 = arith.andi %parallel_loop3A_156, %parallel_loop3A_158 : vector<16xi1>
        %parallel_loop3A_160 = arith.constant 0.000000e+00 : f32
        %parallel_loop3A_161 = vector.broadcast %parallel_loop3A_160 : f32 to vector<16xf32>
        %parallel_loop3A_162 = arith.select %parallel_loop3A_159, %parallel_loop3A_97, %parallel_loop3A_161 : vector<16xi1>, vector<16xf32>
        %parallel_loop3A_163 = arith.constant true
        %parallel_loop3A_164 = vector.broadcast %parallel_loop3A_163 : i1 to vector<16xi1>
        %parallel_loop3A_165 = tpu.scan <max>, %parallel_loop3A_162 masked %parallel_loop3A_164 : vector<16xf32>, vector<16xi1> -> vector<16xf32>
        %parallel_loop3A_166 = vector.extract %parallel_loop3A_165[15] : f32 from vector<16xf32>
        %parallel_loop3A_167 = arith.constant 0x7F800000 : f32
        %parallel_loop3A_168 = vector.broadcast %parallel_loop3A_167 : f32 to vector<16xf32>
        %parallel_loop3A_169 = arith.select %parallel_loop3A_159, %parallel_loop3A_168, %parallel_loop3A_97 : vector<16xi1>, vector<16xf32>
        %parallel_loop3A_170 = arith.index_cast %parallel_loop3A_66 : i32 to index
        %parallel_loop3A_171 = arith.index_cast %parallel_loop3A_94 : i32 to index
        %parallel_loop3A_172 = tpu.vector_load %arg4[%parallel_loop3A_170, %parallel_loop3A_171] {strides = array<i32>} : memref<8x4096xf32, #tpu.memory_space<vmem>>, vector<16xf32>,
        tpu.vector_store %arg4[%parallel_loop3A_170, %parallel_loop3A_171], %parallel_loop3A_169 {strides = array<i32>} : memref<8x4096xf32, #tpu.memory_space<vmem>>, vector<16xf32>,
        %parallel_loop3A_173 = arith.constant 0x7F800000 : f32
        %parallel_loop3A_174 = vector.broadcast %parallel_loop3A_173 : f32 to vector<16xf32>
        %parallel_loop3A_175 = arith.constant 0x7F800000 : f32
        %parallel_loop3A_176 = vector.broadcast %parallel_loop3A_175 : f32 to vector<16xf32>
        %parallel_loop3A_177 = arith.constant 0x7F800000 : f32
        %parallel_loop3A_178 = vector.broadcast %parallel_loop3A_177 : f32 to vector<16xf32>
        %parallel_loop3A_179 = arith.constant 0x7F800000 : f32
        %parallel_loop3A_180 = vector.broadcast %parallel_loop3A_179 : f32 to vector<16xf32>
        %parallel_loop3A_181 = arith.constant 0x7F800000 : f32
        %parallel_loop3A_182 = vector.broadcast %parallel_loop3A_181 : f32 to vector<16xf32>
        %parallel_loop3A_183 = arith.constant 0x7F800000 : f32
        %parallel_loop3A_184 = vector.broadcast %parallel_loop3A_183 : f32 to vector<16xf32>
        %parallel_loop3A_185 = arith.constant 0x7F800000 : f32
        %parallel_loop3A_186 = vector.broadcast %parallel_loop3A_185 : f32 to vector<16xf32>
        %parallel_loop3A_187 = arith.constant 0x7F800000 : f32
        %parallel_loop3A_188 = vector.broadcast %parallel_loop3A_187 : f32 to vector<16xf32>
        %parallel_loop3A_189 = arith.constant 0 : i32
        %parallel_loop3A_190 = arith.constant 4096 : i32
        %parallel_loop3A_191 = arith.constant 256 : i32
        %parallel_loop3A_192:8 = scf.for %parallel_loop3A_228 = %parallel_loop3A_189 to %parallel_loop3A_190 step %parallel_loop3A_191 iter_args(%parallel_loop3A_229 = %parallel_loop3A_174, %parallel_loop3A_230 = %parallel_loop3A_176, %parallel_loop3A_231 = %parallel_loop3A_178, %parallel_loop3A_232 = %parallel_loop3A_180, %parallel_loop3A_233 = %parallel_loop3A_182, %parallel_loop3A_234 = %parallel_loop3A_184, %parallel_loop3A_235 = %parallel_loop3A_186, %parallel_loop3A_236 = %parallel_loop3A_188) -> (vector<16xf32>, vector<16xf32>, vector<16xf32>, vector<16xf32>, vector<16xf32>, vector<16xf32>, vector<16xf32>, vector<16xf32>)  : i32 {
          %parallel_loop3A_237 = arith.constant 0 : i32
          %parallel_loop3A_238 = arith.addi %parallel_loop3A_228, %parallel_loop3A_237 : i32
          %parallel_loop3A_239 = arith.index_cast %parallel_loop3A_66 : i32 to index
          %parallel_loop3A_240 = arith.index_cast %parallel_loop3A_238 : i32 to index
          %parallel_loop3A_241 = tpu.vector_load %arg4[%parallel_loop3A_239, %parallel_loop3A_240] {strides = array<i32>} : memref<8x4096xf32, #tpu.memory_space<vmem>>, vector<16xf32>,
          %parallel_loop3A_242 = arith.constant 16 : i32
          %parallel_loop3A_243 = arith.addi %parallel_loop3A_228, %parallel_loop3A_242 : i32
          %parallel_loop3A_244 = arith.index_cast %parallel_loop3A_66 : i32 to index
          %parallel_loop3A_245 = arith.index_cast %parallel_loop3A_243 : i32 to index
          %parallel_loop3A_246 = tpu.vector_load %arg4[%parallel_loop3A_244, %parallel_loop3A_245] {strides = array<i32>} : memref<8x4096xf32, #tpu.memory_space<vmem>>, vector<16xf32>,
          %parallel_loop3A_247 = arith.minimumf %parallel_loop3A_241, %parallel_loop3A_246 : vector<16xf32>
          %parallel_loop3A_248 = arith.maximumf %parallel_loop3A_241, %parallel_loop3A_246 : vector<16xf32>
          %parallel_loop3A_249 = arith.maximumf %parallel_loop3A_229, %parallel_loop3A_247 : vector<16xf32>
          %parallel_loop3A_250 = arith.minimumf %parallel_loop3A_230, %parallel_loop3A_248 : vector<16xf32>
          %parallel_loop3A_251 = arith.minimumf %parallel_loop3A_249, %parallel_loop3A_250 : vector<16xf32>
          %parallel_loop3A_252 = arith.minimumf %parallel_loop3A_229, %parallel_loop3A_247 : vector<16xf32>
          %parallel_loop3A_253 = arith.constant 32 : i32
          %parallel_loop3A_254 = arith.addi %parallel_loop3A_228, %parallel_loop3A_253 : i32
          %parallel_loop3A_255 = arith.index_cast %parallel_loop3A_66 : i32 to index
          %parallel_loop3A_256 = arith.index_cast %parallel_loop3A_254 : i32 to index
          %parallel_loop3A_257 = tpu.vector_load %arg4[%parallel_loop3A_255, %parallel_loop3A_256] {strides = array<i32>} : memref<8x4096xf32, #tpu.memory_space<vmem>>, vector<16xf32>,
          %parallel_loop3A_258 = arith.constant 48 : i32
          %parallel_loop3A_259 = arith.addi %parallel_loop3A_228, %parallel_loop3A_258 : i32
          %parallel_loop3A_260 = arith.index_cast %parallel_loop3A_66 : i32 to index
          %parallel_loop3A_261 = arith.index_cast %parallel_loop3A_259 : i32 to index
          %parallel_loop3A_262 = tpu.vector_load %arg4[%parallel_loop3A_260, %parallel_loop3A_261] {strides = array<i32>} : memref<8x4096xf32, #tpu.memory_space<vmem>>, vector<16xf32>,
          %parallel_loop3A_263 = arith.minimumf %parallel_loop3A_257, %parallel_loop3A_262 : vector<16xf32>
          %parallel_loop3A_264 = arith.maximumf %parallel_loop3A_257, %parallel_loop3A_262 : vector<16xf32>
          %parallel_loop3A_265 = arith.maximumf %parallel_loop3A_231, %parallel_loop3A_263 : vector<16xf32>
          %parallel_loop3A_266 = arith.minimumf %parallel_loop3A_232, %parallel_loop3A_264 : vector<16xf32>
          %parallel_loop3A_267 = arith.minimumf %parallel_loop3A_265, %parallel_loop3A_266 : vector<16xf32>
          %parallel_loop3A_268 = arith.minimumf %parallel_loop3A_231, %parallel_loop3A_263 : vector<16xf32>
          %parallel_loop3A_269 = arith.constant 64 : i32
          %parallel_loop3A_270 = arith.addi %parallel_loop3A_228, %parallel_loop3A_269 : i32
          %parallel_loop3A_271 = arith.index_cast %parallel_loop3A_66 : i32 to index
          %parallel_loop3A_272 = arith.index_cast %parallel_loop3A_270 : i32 to index
          %parallel_loop3A_273 = tpu.vector_load %arg4[%parallel_loop3A_271, %parallel_loop3A_272] {strides = array<i32>} : memref<8x4096xf32, #tpu.memory_space<vmem>>, vector<16xf32>,
          %parallel_loop3A_274 = arith.constant 80 : i32
          %parallel_loop3A_275 = arith.addi %parallel_loop3A_228, %parallel_loop3A_274 : i32
          %parallel_loop3A_276 = arith.index_cast %parallel_loop3A_66 : i32 to index
          %parallel_loop3A_277 = arith.index_cast %parallel_loop3A_275 : i32 to index
          %parallel_loop3A_278 = tpu.vector_load %arg4[%parallel_loop3A_276, %parallel_loop3A_277] {strides = array<i32>} : memref<8x4096xf32, #tpu.memory_space<vmem>>, vector<16xf32>,
          %parallel_loop3A_279 = arith.minimumf %parallel_loop3A_273, %parallel_loop3A_278 : vector<16xf32>
          %parallel_loop3A_280 = arith.maximumf %parallel_loop3A_273, %parallel_loop3A_278 : vector<16xf32>
          %parallel_loop3A_281 = arith.maximumf %parallel_loop3A_233, %parallel_loop3A_279 : vector<16xf32>
          %parallel_loop3A_282 = arith.minimumf %parallel_loop3A_234, %parallel_loop3A_280 : vector<16xf32>
          %parallel_loop3A_283 = arith.minimumf %parallel_loop3A_281, %parallel_loop3A_282 : vector<16xf32>
          %parallel_loop3A_284 = arith.minimumf %parallel_loop3A_233, %parallel_loop3A_279 : vector<16xf32>
          %parallel_loop3A_285 = arith.constant 96 : i32
          %parallel_loop3A_286 = arith.addi %parallel_loop3A_228, %parallel_loop3A_285 : i32
          %parallel_loop3A_287 = arith.index_cast %parallel_loop3A_66 : i32 to index
          %parallel_loop3A_288 = arith.index_cast %parallel_loop3A_286 : i32 to index
          %parallel_loop3A_289 = tpu.vector_load %arg4[%parallel_loop3A_287, %parallel_loop3A_288] {strides = array<i32>} : memref<8x4096xf32, #tpu.memory_space<vmem>>, vector<16xf32>,
          %parallel_loop3A_290 = arith.constant 112 : i32
          %parallel_loop3A_291 = arith.addi %parallel_loop3A_228, %parallel_loop3A_290 : i32
          %parallel_loop3A_292 = arith.index_cast %parallel_loop3A_66 : i32 to index
          %parallel_loop3A_293 = arith.index_cast %parallel_loop3A_291 : i32 to index
          %parallel_loop3A_294 = tpu.vector_load %arg4[%parallel_loop3A_292, %parallel_loop3A_293] {strides = array<i32>} : memref<8x4096xf32, #tpu.memory_space<vmem>>, vector<16xf32>,
          %parallel_loop3A_295 = arith.minimumf %parallel_loop3A_289, %parallel_loop3A_294 : vector<16xf32>
          %parallel_loop3A_296 = arith.maximumf %parallel_loop3A_289, %parallel_loop3A_294 : vector<16xf32>
          %parallel_loop3A_297 = arith.maximumf %parallel_loop3A_235, %parallel_loop3A_295 : vector<16xf32>
          %parallel_loop3A_298 = arith.minimumf %parallel_loop3A_236, %parallel_loop3A_296 : vector<16xf32>
          %parallel_loop3A_299 = arith.minimumf %parallel_loop3A_297, %parallel_loop3A_298 : vector<16xf32>
          %parallel_loop3A_300 = arith.minimumf %parallel_loop3A_235, %parallel_loop3A_295 : vector<16xf32>
          %parallel_loop3A_301 = arith.constant 128 : i32
          %parallel_loop3A_302 = arith.addi %parallel_loop3A_228, %parallel_loop3A_301 : i32
          %parallel_loop3A_303 = arith.index_cast %parallel_loop3A_66 : i32 to index
          %parallel_loop3A_304 = arith.index_cast %parallel_loop3A_302 : i32 to index
          %parallel_loop3A_305 = tpu.vector_load %arg4[%parallel_loop3A_303, %parallel_loop3A_304] {strides = array<i32>} : memref<8x4096xf32, #tpu.memory_space<vmem>>, vector<16xf32>,
          %parallel_loop3A_306 = arith.constant 144 : i32
          %parallel_loop3A_307 = arith.addi %parallel_loop3A_228, %parallel_loop3A_306 : i32
          %parallel_loop3A_308 = arith.index_cast %parallel_loop3A_66 : i32 to index
          %parallel_loop3A_309 = arith.index_cast %parallel_loop3A_307 : i32 to index
          %parallel_loop3A_310 = tpu.vector_load %arg4[%parallel_loop3A_308, %parallel_loop3A_309] {strides = array<i32>} : memref<8x4096xf32, #tpu.memory_space<vmem>>, vector<16xf32>,
          %parallel_loop3A_311 = arith.minimumf %parallel_loop3A_305, %parallel_loop3A_310 : vector<16xf32>
          %parallel_loop3A_312 = arith.maximumf %parallel_loop3A_305, %parallel_loop3A_310 : vector<16xf32>
          %parallel_loop3A_313 = arith.maximumf %parallel_loop3A_252, %parallel_loop3A_311 : vector<16xf32>
          %parallel_loop3A_314 = arith.minimumf %parallel_loop3A_251, %parallel_loop3A_312 : vector<16xf32>
          %parallel_loop3A_315 = arith.minimumf %parallel_loop3A_313, %parallel_loop3A_314 : vector<16xf32>
          %parallel_loop3A_316 = arith.minimumf %parallel_loop3A_252, %parallel_loop3A_311 : vector<16xf32>
          %parallel_loop3A_317 = arith.constant 160 : i32
          %parallel_loop3A_318 = arith.addi %parallel_loop3A_228, %parallel_loop3A_317 : i32
          %parallel_loop3A_319 = arith.index_cast %parallel_loop3A_66 : i32 to index
          %parallel_loop3A_320 = arith.index_cast %parallel_loop3A_318 : i32 to index
          %parallel_loop3A_321 = tpu.vector_load %arg4[%parallel_loop3A_319, %parallel_loop3A_320] {strides = array<i32>} : memref<8x4096xf32, #tpu.memory_space<vmem>>, vector<16xf32>,
          %parallel_loop3A_322 = arith.constant 176 : i32
          %parallel_loop3A_323 = arith.addi %parallel_loop3A_228, %parallel_loop3A_322 : i32
          %parallel_loop3A_324 = arith.index_cast %parallel_loop3A_66 : i32 to index
          %parallel_loop3A_325 = arith.index_cast %parallel_loop3A_323 : i32 to index
          %parallel_loop3A_326 = tpu.vector_load %arg4[%parallel_loop3A_324, %parallel_loop3A_325] {strides = array<i32>} : memref<8x4096xf32, #tpu.memory_space<vmem>>, vector<16xf32>,
          %parallel_loop3A_327 = arith.minimumf %parallel_loop3A_321, %parallel_loop3A_326 : vector<16xf32>
          %parallel_loop3A_328 = arith.maximumf %parallel_loop3A_321, %parallel_loop3A_326 : vector<16xf32>
          %parallel_loop3A_329 = arith.maximumf %parallel_loop3A_268, %parallel_loop3A_327 : vector<16xf32>
          %parallel_loop3A_330 = arith.minimumf %parallel_loop3A_267, %parallel_loop3A_328 : vector<16xf32>
          %parallel_loop3A_331 = arith.minimumf %parallel_loop3A_329, %parallel_loop3A_330 : vector<16xf32>
          %parallel_loop3A_332 = arith.minimumf %parallel_loop3A_268, %parallel_loop3A_327 : vector<16xf32>
          %parallel_loop3A_333 = arith.constant 192 : i32
          %parallel_loop3A_334 = arith.addi %parallel_loop3A_228, %parallel_loop3A_333 : i32
          %parallel_loop3A_335 = arith.index_cast %parallel_loop3A_66 : i32 to index
          %parallel_loop3A_336 = arith.index_cast %parallel_loop3A_334 : i32 to index
          %parallel_loop3A_337 = tpu.vector_load %arg4[%parallel_loop3A_335, %parallel_loop3A_336] {strides = array<i32>} : memref<8x4096xf32, #tpu.memory_space<vmem>>, vector<16xf32>,
          %parallel_loop3A_338 = arith.constant 208 : i32
          %parallel_loop3A_339 = arith.addi %parallel_loop3A_228, %parallel_loop3A_338 : i32
          %parallel_loop3A_340 = arith.index_cast %parallel_loop3A_66 : i32 to index
          %parallel_loop3A_341 = arith.index_cast %parallel_loop3A_339 : i32 to index
          %parallel_loop3A_342 = tpu.vector_load %arg4[%parallel_loop3A_340, %parallel_loop3A_341] {strides = array<i32>} : memref<8x4096xf32, #tpu.memory_space<vmem>>, vector<16xf32>,
          %parallel_loop3A_343 = arith.minimumf %parallel_loop3A_337, %parallel_loop3A_342 : vector<16xf32>
          %parallel_loop3A_344 = arith.maximumf %parallel_loop3A_337, %parallel_loop3A_342 : vector<16xf32>
          %parallel_loop3A_345 = arith.maximumf %parallel_loop3A_284, %parallel_loop3A_343 : vector<16xf32>
          %parallel_loop3A_346 = arith.minimumf %parallel_loop3A_283, %parallel_loop3A_344 : vector<16xf32>
          %parallel_loop3A_347 = arith.minimumf %parallel_loop3A_345, %parallel_loop3A_346 : vector<16xf32>
          %parallel_loop3A_348 = arith.minimumf %parallel_loop3A_284, %parallel_loop3A_343 : vector<16xf32>
          %parallel_loop3A_349 = arith.constant 224 : i32
          %parallel_loop3A_350 = arith.addi %parallel_loop3A_228, %parallel_loop3A_349 : i32
          %parallel_loop3A_351 = arith.index_cast %parallel_loop3A_66 : i32 to index
          %parallel_loop3A_352 = arith.index_cast %parallel_loop3A_350 : i32 to index
          %parallel_loop3A_353 = tpu.vector_load %arg4[%parallel_loop3A_351, %parallel_loop3A_352] {strides = array<i32>} : memref<8x4096xf32, #tpu.memory_space<vmem>>, vector<16xf32>,
          %parallel_loop3A_354 = arith.constant 240 : i32
          %parallel_loop3A_355 = arith.addi %parallel_loop3A_228, %parallel_loop3A_354 : i32
          %parallel_loop3A_356 = arith.index_cast %parallel_loop3A_66 : i32 to index
          %parallel_loop3A_357 = arith.index_cast %parallel_loop3A_355 : i32 to index
          %parallel_loop3A_358 = tpu.vector_load %arg4[%parallel_loop3A_356, %parallel_loop3A_357] {strides = array<i32>} : memref<8x4096xf32, #tpu.memory_space<vmem>>, vector<16xf32>,
          %parallel_loop3A_359 = arith.minimumf %parallel_loop3A_353, %parallel_loop3A_358 : vector<16xf32>
          %parallel_loop3A_360 = arith.maximumf %parallel_loop3A_353, %parallel_loop3A_358 : vector<16xf32>
          %parallel_loop3A_361 = arith.maximumf %parallel_loop3A_300, %parallel_loop3A_359 : vector<16xf32>
          %parallel_loop3A_362 = arith.minimumf %parallel_loop3A_299, %parallel_loop3A_360 : vector<16xf32>
          %parallel_loop3A_363 = arith.minimumf %parallel_loop3A_361, %parallel_loop3A_362 : vector<16xf32>
          %parallel_loop3A_364 = arith.minimumf %parallel_loop3A_300, %parallel_loop3A_359 : vector<16xf32>
          scf.yield %parallel_loop3A_316, %parallel_loop3A_315, %parallel_loop3A_332, %parallel_loop3A_331, %parallel_loop3A_348, %parallel_loop3A_347, %parallel_loop3A_364, %parallel_loop3A_363 : vector<16xf32>, vector<16xf32>, vector<16xf32>, vector<16xf32>, vector<16xf32>, vector<16xf32>, vector<16xf32>, vector<16xf32>
        } {sc.loop_unroll_factor = 1 : i64, sc.parallel_access}
        %parallel_loop3A_193 = arith.minimumf %parallel_loop3A_192#0, %parallel_loop3A_192#2 : vector<16xf32>
        %parallel_loop3A_194 = arith.maximumf %parallel_loop3A_192#0, %parallel_loop3A_192#2 : vector<16xf32>
        %parallel_loop3A_195 = arith.minimumf %parallel_loop3A_192#1, %parallel_loop3A_192#3 : vector<16xf32>
        %parallel_loop3A_196 = arith.minimumf %parallel_loop3A_194, %parallel_loop3A_195 : vector<16xf32>
        %parallel_loop3A_197 = arith.minimumf %parallel_loop3A_192#4, %parallel_loop3A_192#6 : vector<16xf32>
        %parallel_loop3A_198 = arith.maximumf %parallel_loop3A_192#4, %parallel_loop3A_192#6 : vector<16xf32>
        %parallel_loop3A_199 = arith.minimumf %parallel_loop3A_192#5, %parallel_loop3A_192#7 : vector<16xf32>
        %parallel_loop3A_200 = arith.minimumf %parallel_loop3A_198, %parallel_loop3A_199 : vector<16xf32>
        %parallel_loop3A_201 = arith.minimumf %parallel_loop3A_193, %parallel_loop3A_197 : vector<16xf32>
        %parallel_loop3A_202 = arith.maximumf %parallel_loop3A_193, %parallel_loop3A_197 : vector<16xf32>
        %parallel_loop3A_203 = arith.minimumf %parallel_loop3A_196, %parallel_loop3A_200 : vector<16xf32>
        %parallel_loop3A_204 = arith.minimumf %parallel_loop3A_202, %parallel_loop3A_203 : vector<16xf32>
        %parallel_loop3A_205 = arith.constant true
        %parallel_loop3A_206 = vector.broadcast %parallel_loop3A_205 : i1 to vector<16xi1>
        %parallel_loop3A_207 = tpu.scan <min>, %parallel_loop3A_201 masked %parallel_loop3A_206 : vector<16xf32>, vector<16xi1> -> vector<16xf32>
        %parallel_loop3A_208 = vector.extract %parallel_loop3A_207[15] : f32 from vector<16xf32>
        %parallel_loop3A_209 = vector.broadcast %parallel_loop3A_208 : f32 to vector<16xf32>
        %parallel_loop3A_210 = arith.cmpf oeq, %parallel_loop3A_201, %parallel_loop3A_209 : vector<16xf32>
        %parallel_loop3A_211 = tpu.all_reduce %parallel_loop3A_210 {dim = 0 : i64, kind = #tpu.reduction_kind<find_first_set>} : vector<16xi1> -> vector<16xi32>
        %parallel_loop3A_212 = arith.cmpi eq, %iota3A, %parallel_loop3A_211 : vector<16xi32>
        %parallel_loop3A_213 = arith.select %parallel_loop3A_212, %parallel_loop3A_204, %parallel_loop3A_201 : vector<16xi1>, vector<16xf32>
        %parallel_loop3A_214 = arith.constant true
        %parallel_loop3A_215 = vector.broadcast %parallel_loop3A_214 : i1 to vector<16xi1>
        %parallel_loop3A_216 = tpu.scan <min>, %parallel_loop3A_213 masked %parallel_loop3A_215 : vector<16xf32>, vector<16xi1> -> vector<16xf32>
        %parallel_loop3A_217 = vector.extract %parallel_loop3A_216[15] : f32 from vector<16xf32>
        %parallel_loop3A_218 = vector.broadcast %parallel_loop3A_217 : f32 to vector<16xf32>
        %parallel_loop3A_219 = vector.broadcast %parallel_loop3A_166 : f32 to vector<16xf32>
        %parallel_loop3A_220 = arith.subf %parallel_loop3A_219, %parallel_loop3A_218 : vector<16xf32>
        %parallel_loop3A_221 = arith.constant 3.000000e-01 : f32
        %parallel_loop3A_222 = vector.broadcast %parallel_loop3A_221 : f32 to vector<16xf32>
        %parallel_loop3A_223 = arith.addf %parallel_loop3A_220, %parallel_loop3A_222 : vector<16xf32>
        %parallel_loop3A_224 = arith.constant 0.000000e+00 : f32
        %parallel_loop3A_225 = vector.broadcast %parallel_loop3A_224 : f32 to vector<16xf32>
        %parallel_loop3A_226 = arith.maximumf %parallel_loop3A_223, %parallel_loop3A_225 : vector<16xf32>
        %parallel_loop3A_227 = arith.addf %parallel_loop3A_67, %parallel_loop3A_226 : vector<16xf32>
        scf.yield %parallel_loop3A_227 : vector<16xf32>
      } {sc.loop_unroll_factor = 1 : i64, sc.parallel_access}
      %add3A_39 = arith.constant 2 : i32
      %add3A_40 = arith.addi %add3A_26, %add3A_39 : i32
      %lt3A = arith.constant 8 : i32
      %lt3A_41 = arith.cmpi slt, %add3A_40, %lt3A : i32
      %convert_element_type3A = arith.extui %lt3A_41 : i1 to i32
      %cond3A = arith.constant 0 : i32
      %cond3A_42 = arith.cmpi ne, %convert_element_type3A, %cond3A : i32
      scf.if %cond3A_42 {
        %mul3A_66 = arith.constant 8 : i32
        %mul3A_67 = arith.muli %add3A_40, %mul3A_66 : i32
        %add3A_68 = arith.addi %mul3A_2, %mul3A_67 : i32
        %dma_start3A_69 = arith.constant 0 : i32
        %dma_start3A_70 = tpu.memref_slice %arg2[%add3A_68, %dma_start3A_69] : memref<4096x4096xf32, #tpu.memory_space<hbm>> -> memref<8x4096xf32, #tpu.memory_space<hbm>>
        %dma_start3A_71 = arith.constant 0 : i32
        %dma_start3A_72 = tpu.memref_slice %arg2[%add3A_68, %dma_start3A_71] : memref<4096x4096xf32, #tpu.memory_space<hbm>> -> memref<8x4096xf32, #tpu.memory_space<hbm>>
        tpu.enqueue_dma source(%dma_start3A_72 : memref<8x4096xf32, #tpu.memory_space<hbm>>) target(%arg4 : memref<8x4096xf32, #tpu.memory_space<vmem>>) target_semaphore(%arg7 : memref<!tpu.dma_semaphore, #tpu.memory_space<semaphore_mem>>)
      } else {
      }
      %add3A_43 = arith.constant 1 : i32
      %add3A_44 = arith.addi %mul3A_24, %add3A_43 : i32
      %mul3A_45 = arith.constant 8 : i32
      %mul3A_46 = arith.muli %add3A_44, %mul3A_45 : i32
      %add3A_47 = arith.addi %mul3A_2, %mul3A_46 : i32
      %dma_wait3A_48 = arith.constant 0 : i32
      %dma_wait3A_49 = tpu.memref_slice %arg2[%add3A_47, %dma_wait3A_48] : memref<4096x4096xf32, #tpu.memory_space<hbm>> -> memref<8x4096xf32, #tpu.memory_space<hbm>>
      %dma_wait3A_50 = arith.constant 0 : i32
      %dma_wait3A_51 = tpu.memref_slice %arg2[%add3A_47, %dma_wait3A_50] : memref<4096x4096xf32, #tpu.memory_space<hbm>> -> memref<8x4096xf32, #tpu.memory_space<hbm>>
      tpu.wait_dma2 semaphore(%arg8 : memref<!tpu.dma_semaphore, #tpu.memory_space<semaphore_mem>>) src(%dma_wait3A_51 : memref<8x4096xf32, #tpu.memory_space<hbm>>) dst(%arg5 : memref<8x4096xf32, #tpu.memory_space<vmem>>)
      %mul3A_52 = arith.constant 8 : i32
      %mul3A_53 = arith.muli %add3A_44, %mul3A_52 : i32
      %add3A_54 = arith.addi %mul3A_2, %mul3A_53 : i32
      %parallel_loop3A_55 = arith.constant 0 : i32
      %parallel_loop3A_56 = arith.constant 8 : i32
      %parallel_loop3A_57 = arith.constant 1 : i32
      %parallel_loop3A_58 = scf.for %parallel_loop3A_66 = %parallel_loop3A_55 to %parallel_loop3A_56 step %parallel_loop3A_57 iter_args(%parallel_loop3A_67 = %parallel_loop3A_38) -> (vector<16xf32>)  : i32 {
        %parallel_loop3A_68 = arith.addi %add3A_54, %parallel_loop3A_66 : i32
        %parallel_loop3A_69 = arith.constant 16 : i32
        %parallel_loop3A_70 = arith.divsi %parallel_loop3A_68, %parallel_loop3A_69 : i32
        %parallel_loop3A_71 = arith.constant 0 : i32
        %parallel_loop3A_72 = arith.cmpi sgt, %parallel_loop3A_68, %parallel_loop3A_71 : i32
        %parallel_loop3A_73 = arith.extui %parallel_loop3A_72 : i1 to i32
        %parallel_loop3A_74 = arith.constant 0 : i32
        %parallel_loop3A_75 = arith.cmpi slt, %parallel_loop3A_68, %parallel_loop3A_74 : i32
        %parallel_loop3A_76 = arith.extui %parallel_loop3A_75 : i1 to i32
        %parallel_loop3A_77 = arith.subi %parallel_loop3A_73, %parallel_loop3A_76 : i32
        %parallel_loop3A_78 = arith.constant 0 : i32
        %parallel_loop3A_79 = arith.cmpi sgt, %parallel_loop3A_69, %parallel_loop3A_78 : i32
        %parallel_loop3A_80 = arith.extui %parallel_loop3A_79 : i1 to i32
        %parallel_loop3A_81 = arith.constant 0 : i32
        %parallel_loop3A_82 = arith.cmpi slt, %parallel_loop3A_69, %parallel_loop3A_81 : i32
        %parallel_loop3A_83 = arith.extui %parallel_loop3A_82 : i1 to i32
        %parallel_loop3A_84 = arith.subi %parallel_loop3A_80, %parallel_loop3A_83 : i32
        %parallel_loop3A_85 = arith.cmpi ne, %parallel_loop3A_77, %parallel_loop3A_84 : i32
        %parallel_loop3A_86 = arith.remsi %parallel_loop3A_68, %parallel_loop3A_69 : i32
        %parallel_loop3A_87 = arith.constant 0 : i32
        %parallel_loop3A_88 = arith.cmpi ne, %parallel_loop3A_86, %parallel_loop3A_87 : i32
        %parallel_loop3A_89 = arith.andi %parallel_loop3A_85, %parallel_loop3A_88 : i1
        %parallel_loop3A_90 = arith.constant 1 : i32
        %parallel_loop3A_91 = arith.subi %parallel_loop3A_70, %parallel_loop3A_90 : i32
        %parallel_loop3A_92 = arith.select %parallel_loop3A_89, %parallel_loop3A_91, %parallel_loop3A_70 : i32
        %parallel_loop3A_93 = arith.constant 16 : i32
        %parallel_loop3A_94 = arith.muli %parallel_loop3A_92, %parallel_loop3A_93 : i32
        %parallel_loop3A_95 = arith.index_cast %parallel_loop3A_66 : i32 to index
        %parallel_loop3A_96 = arith.index_cast %parallel_loop3A_94 : i32 to index
        %parallel_loop3A_97 = tpu.vector_load %arg5[%parallel_loop3A_95, %parallel_loop3A_96] {strides = array<i32>} : memref<8x4096xf32, #tpu.memory_space<vmem>>, vector<16xf32>,
        %parallel_loop3A_98 = vector.broadcast %parallel_loop3A_94 : i32 to vector<16xi32>
        %parallel_loop3A_99 = arith.addi %parallel_loop3A_98, %iota3A : vector<16xi32>
        %parallel_loop3A_100 = arith.constant 8 : i32
        %parallel_loop3A_101 = vector.broadcast %parallel_loop3A_100 : i32 to vector<16xi32>
        %parallel_loop3A_102 = arith.divsi %parallel_loop3A_99, %parallel_loop3A_101 : vector<16xi32>
        %parallel_loop3A_103 = arith.constant 0 : i32
        %parallel_loop3A_104 = vector.broadcast %parallel_loop3A_103 : i32 to vector<16xi32>
        %parallel_loop3A_105 = arith.cmpi sgt, %parallel_loop3A_99, %parallel_loop3A_104 : vector<16xi32>
        %parallel_loop3A_106 = arith.extui %parallel_loop3A_105 : vector<16xi1> to vector<16xi32>
        %parallel_loop3A_107 = arith.constant 0 : i32
        %parallel_loop3A_108 = vector.broadcast %parallel_loop3A_107 : i32 to vector<16xi32>
        %parallel_loop3A_109 = arith.cmpi slt, %parallel_loop3A_99, %parallel_loop3A_108 : vector<16xi32>
        %parallel_loop3A_110 = arith.extui %parallel_loop3A_109 : vector<16xi1> to vector<16xi32>
        %parallel_loop3A_111 = arith.subi %parallel_loop3A_106, %parallel_loop3A_110 : vector<16xi32>
        %parallel_loop3A_112 = arith.constant 0 : i32
        %parallel_loop3A_113 = arith.cmpi sgt, %parallel_loop3A_100, %parallel_loop3A_112 : i32
        %parallel_loop3A_114 = arith.extui %parallel_loop3A_113 : i1 to i32
        %parallel_loop3A_115 = arith.constant 0 : i32
        %parallel_loop3A_116 = arith.cmpi slt, %parallel_loop3A_100, %parallel_loop3A_115 : i32
        %parallel_loop3A_117 = arith.extui %parallel_loop3A_116 : i1 to i32
        %parallel_loop3A_118 = arith.subi %parallel_loop3A_114, %parallel_loop3A_117 : i32
        %parallel_loop3A_119 = vector.broadcast %parallel_loop3A_118 : i32 to vector<16xi32>
        %parallel_loop3A_120 = arith.cmpi ne, %parallel_loop3A_111, %parallel_loop3A_119 : vector<16xi32>
        %parallel_loop3A_121 = vector.broadcast %parallel_loop3A_100 : i32 to vector<16xi32>
        %parallel_loop3A_122 = arith.remsi %parallel_loop3A_99, %parallel_loop3A_121 : vector<16xi32>
        %parallel_loop3A_123 = arith.constant 0 : i32
        %parallel_loop3A_124 = vector.broadcast %parallel_loop3A_123 : i32 to vector<16xi32>
        %parallel_loop3A_125 = arith.cmpi ne, %parallel_loop3A_122, %parallel_loop3A_124 : vector<16xi32>
        %parallel_loop3A_126 = arith.andi %parallel_loop3A_120, %parallel_loop3A_125 : vector<16xi1>
        %parallel_loop3A_127 = arith.constant 1 : i32
        %parallel_loop3A_128 = vector.broadcast %parallel_loop3A_127 : i32 to vector<16xi32>
        %parallel_loop3A_129 = arith.subi %parallel_loop3A_102, %parallel_loop3A_128 : vector<16xi32>
        %parallel_loop3A_130 = arith.select %parallel_loop3A_126, %parallel_loop3A_129, %parallel_loop3A_102 : vector<16xi1>, vector<16xi32>
        %parallel_loop3A_131 = arith.constant 8 : i32
        %parallel_loop3A_132 = arith.divsi %parallel_loop3A_68, %parallel_loop3A_131 : i32
        %parallel_loop3A_133 = arith.constant 0 : i32
        %parallel_loop3A_134 = arith.cmpi sgt, %parallel_loop3A_68, %parallel_loop3A_133 : i32
        %parallel_loop3A_135 = arith.extui %parallel_loop3A_134 : i1 to i32
        %parallel_loop3A_136 = arith.constant 0 : i32
        %parallel_loop3A_137 = arith.cmpi slt, %parallel_loop3A_68, %parallel_loop3A_136 : i32
        %parallel_loop3A_138 = arith.extui %parallel_loop3A_137 : i1 to i32
        %parallel_loop3A_139 = arith.subi %parallel_loop3A_135, %parallel_loop3A_138 : i32
        %parallel_loop3A_140 = arith.constant 0 : i32
        %parallel_loop3A_141 = arith.cmpi sgt, %parallel_loop3A_131, %parallel_loop3A_140 : i32
        %parallel_loop3A_142 = arith.extui %parallel_loop3A_141 : i1 to i32
        %parallel_loop3A_143 = arith.constant 0 : i32
        %parallel_loop3A_144 = arith.cmpi slt, %parallel_loop3A_131, %parallel_loop3A_143 : i32
        %parallel_loop3A_145 = arith.extui %parallel_loop3A_144 : i1 to i32
        %parallel_loop3A_146 = arith.subi %parallel_loop3A_142, %parallel_loop3A_145 : i32
        %parallel_loop3A_147 = arith.cmpi ne, %parallel_loop3A_139, %parallel_loop3A_146 : i32
        %parallel_loop3A_148 = arith.remsi %parallel_loop3A_68, %parallel_loop3A_131 : i32
        %parallel_loop3A_149 = arith.constant 0 : i32
        %parallel_loop3A_150 = arith.cmpi ne, %parallel_loop3A_148, %parallel_loop3A_149 : i32
        %parallel_loop3A_151 = arith.andi %parallel_loop3A_147, %parallel_loop3A_150 : i1
        %parallel_loop3A_152 = arith.constant 1 : i32
        %parallel_loop3A_153 = arith.subi %parallel_loop3A_132, %parallel_loop3A_152 : i32
        %parallel_loop3A_154 = arith.select %parallel_loop3A_151, %parallel_loop3A_153, %parallel_loop3A_132 : i32
        %parallel_loop3A_155 = vector.broadcast %parallel_loop3A_154 : i32 to vector<16xi32>
        %parallel_loop3A_156 = arith.cmpi eq, %parallel_loop3A_130, %parallel_loop3A_155 : vector<16xi32>
        %parallel_loop3A_157 = vector.broadcast %parallel_loop3A_68 : i32 to vector<16xi32>
        %parallel_loop3A_158 = arith.cmpi ne, %parallel_loop3A_99, %parallel_loop3A_157 : vector<16xi32>
        %parallel_loop3A_159 = arith.andi %parallel_loop3A_156, %parallel_loop3A_158 : vector<16xi1>
        %parallel_loop3A_160 = arith.constant 0.000000e+00 : f32
        %parallel_loop3A_161 = vector.broadcast %parallel_loop3A_160 : f32 to vector<16xf32>
        %parallel_loop3A_162 = arith.select %parallel_loop3A_159, %parallel_loop3A_97, %parallel_loop3A_161 : vector<16xi1>, vector<16xf32>
        %parallel_loop3A_163 = arith.constant true
        %parallel_loop3A_164 = vector.broadcast %parallel_loop3A_163 : i1 to vector<16xi1>
        %parallel_loop3A_165 = tpu.scan <max>, %parallel_loop3A_162 masked %parallel_loop3A_164 : vector<16xf32>, vector<16xi1> -> vector<16xf32>
        %parallel_loop3A_166 = vector.extract %parallel_loop3A_165[15] : f32 from vector<16xf32>
        %parallel_loop3A_167 = arith.constant 0x7F800000 : f32
        %parallel_loop3A_168 = vector.broadcast %parallel_loop3A_167 : f32 to vector<16xf32>
        %parallel_loop3A_169 = arith.select %parallel_loop3A_159, %parallel_loop3A_168, %parallel_loop3A_97 : vector<16xi1>, vector<16xf32>
        %parallel_loop3A_170 = arith.index_cast %parallel_loop3A_66 : i32 to index
        %parallel_loop3A_171 = arith.index_cast %parallel_loop3A_94 : i32 to index
        %parallel_loop3A_172 = tpu.vector_load %arg5[%parallel_loop3A_170, %parallel_loop3A_171] {strides = array<i32>} : memref<8x4096xf32, #tpu.memory_space<vmem>>, vector<16xf32>,
        tpu.vector_store %arg5[%parallel_loop3A_170, %parallel_loop3A_171], %parallel_loop3A_169 {strides = array<i32>} : memref<8x4096xf32, #tpu.memory_space<vmem>>, vector<16xf32>,
        %parallel_loop3A_173 = arith.constant 0x7F800000 : f32
        %parallel_loop3A_174 = vector.broadcast %parallel_loop3A_173 : f32 to vector<16xf32>
        %parallel_loop3A_175 = arith.constant 0x7F800000 : f32
        %parallel_loop3A_176 = vector.broadcast %parallel_loop3A_175 : f32 to vector<16xf32>
        %parallel_loop3A_177 = arith.constant 0x7F800000 : f32
        %parallel_loop3A_178 = vector.broadcast %parallel_loop3A_177 : f32 to vector<16xf32>
        %parallel_loop3A_179 = arith.constant 0x7F800000 : f32
        %parallel_loop3A_180 = vector.broadcast %parallel_loop3A_179 : f32 to vector<16xf32>
        %parallel_loop3A_181 = arith.constant 0x7F800000 : f32
        %parallel_loop3A_182 = vector.broadcast %parallel_loop3A_181 : f32 to vector<16xf32>
        %parallel_loop3A_183 = arith.constant 0x7F800000 : f32
        %parallel_loop3A_184 = vector.broadcast %parallel_loop3A_183 : f32 to vector<16xf32>
        %parallel_loop3A_185 = arith.constant 0x7F800000 : f32
        %parallel_loop3A_186 = vector.broadcast %parallel_loop3A_185 : f32 to vector<16xf32>
        %parallel_loop3A_187 = arith.constant 0x7F800000 : f32
        %parallel_loop3A_188 = vector.broadcast %parallel_loop3A_187 : f32 to vector<16xf32>
        %parallel_loop3A_189 = arith.constant 0 : i32
        %parallel_loop3A_190 = arith.constant 4096 : i32
        %parallel_loop3A_191 = arith.constant 256 : i32
        %parallel_loop3A_192:8 = scf.for %parallel_loop3A_228 = %parallel_loop3A_189 to %parallel_loop3A_190 step %parallel_loop3A_191 iter_args(%parallel_loop3A_229 = %parallel_loop3A_174, %parallel_loop3A_230 = %parallel_loop3A_176, %parallel_loop3A_231 = %parallel_loop3A_178, %parallel_loop3A_232 = %parallel_loop3A_180, %parallel_loop3A_233 = %parallel_loop3A_182, %parallel_loop3A_234 = %parallel_loop3A_184, %parallel_loop3A_235 = %parallel_loop3A_186, %parallel_loop3A_236 = %parallel_loop3A_188) -> (vector<16xf32>, vector<16xf32>, vector<16xf32>, vector<16xf32>, vector<16xf32>, vector<16xf32>, vector<16xf32>, vector<16xf32>)  : i32 {
          %parallel_loop3A_237 = arith.constant 0 : i32
          %parallel_loop3A_238 = arith.addi %parallel_loop3A_228, %parallel_loop3A_237 : i32
          %parallel_loop3A_239 = arith.index_cast %parallel_loop3A_66 : i32 to index
          %parallel_loop3A_240 = arith.index_cast %parallel_loop3A_238 : i32 to index
          %parallel_loop3A_241 = tpu.vector_load %arg5[%parallel_loop3A_239, %parallel_loop3A_240] {strides = array<i32>} : memref<8x4096xf32, #tpu.memory_space<vmem>>, vector<16xf32>,
          %parallel_loop3A_242 = arith.constant 16 : i32
          %parallel_loop3A_243 = arith.addi %parallel_loop3A_228, %parallel_loop3A_242 : i32
          %parallel_loop3A_244 = arith.index_cast %parallel_loop3A_66 : i32 to index
          %parallel_loop3A_245 = arith.index_cast %parallel_loop3A_243 : i32 to index
          %parallel_loop3A_246 = tpu.vector_load %arg5[%parallel_loop3A_244, %parallel_loop3A_245] {strides = array<i32>} : memref<8x4096xf32, #tpu.memory_space<vmem>>, vector<16xf32>,
          %parallel_loop3A_247 = arith.minimumf %parallel_loop3A_241, %parallel_loop3A_246 : vector<16xf32>
          %parallel_loop3A_248 = arith.maximumf %parallel_loop3A_241, %parallel_loop3A_246 : vector<16xf32>
          %parallel_loop3A_249 = arith.maximumf %parallel_loop3A_229, %parallel_loop3A_247 : vector<16xf32>
          %parallel_loop3A_250 = arith.minimumf %parallel_loop3A_230, %parallel_loop3A_248 : vector<16xf32>
          %parallel_loop3A_251 = arith.minimumf %parallel_loop3A_249, %parallel_loop3A_250 : vector<16xf32>
          %parallel_loop3A_252 = arith.minimumf %parallel_loop3A_229, %parallel_loop3A_247 : vector<16xf32>
          %parallel_loop3A_253 = arith.constant 32 : i32
          %parallel_loop3A_254 = arith.addi %parallel_loop3A_228, %parallel_loop3A_253 : i32
          %parallel_loop3A_255 = arith.index_cast %parallel_loop3A_66 : i32 to index
          %parallel_loop3A_256 = arith.index_cast %parallel_loop3A_254 : i32 to index
          %parallel_loop3A_257 = tpu.vector_load %arg5[%parallel_loop3A_255, %parallel_loop3A_256] {strides = array<i32>} : memref<8x4096xf32, #tpu.memory_space<vmem>>, vector<16xf32>,
          %parallel_loop3A_258 = arith.constant 48 : i32
          %parallel_loop3A_259 = arith.addi %parallel_loop3A_228, %parallel_loop3A_258 : i32
          %parallel_loop3A_260 = arith.index_cast %parallel_loop3A_66 : i32 to index
          %parallel_loop3A_261 = arith.index_cast %parallel_loop3A_259 : i32 to index
          %parallel_loop3A_262 = tpu.vector_load %arg5[%parallel_loop3A_260, %parallel_loop3A_261] {strides = array<i32>} : memref<8x4096xf32, #tpu.memory_space<vmem>>, vector<16xf32>,
          %parallel_loop3A_263 = arith.minimumf %parallel_loop3A_257, %parallel_loop3A_262 : vector<16xf32>
          %parallel_loop3A_264 = arith.maximumf %parallel_loop3A_257, %parallel_loop3A_262 : vector<16xf32>
          %parallel_loop3A_265 = arith.maximumf %parallel_loop3A_231, %parallel_loop3A_263 : vector<16xf32>
          %parallel_loop3A_266 = arith.minimumf %parallel_loop3A_232, %parallel_loop3A_264 : vector<16xf32>
          %parallel_loop3A_267 = arith.minimumf %parallel_loop3A_265, %parallel_loop3A_266 : vector<16xf32>
          %parallel_loop3A_268 = arith.minimumf %parallel_loop3A_231, %parallel_loop3A_263 : vector<16xf32>
          %parallel_loop3A_269 = arith.constant 64 : i32
          %parallel_loop3A_270 = arith.addi %parallel_loop3A_228, %parallel_loop3A_269 : i32
          %parallel_loop3A_271 = arith.index_cast %parallel_loop3A_66 : i32 to index
          %parallel_loop3A_272 = arith.index_cast %parallel_loop3A_270 : i32 to index
          %parallel_loop3A_273 = tpu.vector_load %arg5[%parallel_loop3A_271, %parallel_loop3A_272] {strides = array<i32>} : memref<8x4096xf32, #tpu.memory_space<vmem>>, vector<16xf32>,
          %parallel_loop3A_274 = arith.constant 80 : i32
          %parallel_loop3A_275 = arith.addi %parallel_loop3A_228, %parallel_loop3A_274 : i32
          %parallel_loop3A_276 = arith.index_cast %parallel_loop3A_66 : i32 to index
          %parallel_loop3A_277 = arith.index_cast %parallel_loop3A_275 : i32 to index
          %parallel_loop3A_278 = tpu.vector_load %arg5[%parallel_loop3A_276, %parallel_loop3A_277] {strides = array<i32>} : memref<8x4096xf32, #tpu.memory_space<vmem>>, vector<16xf32>,
          %parallel_loop3A_279 = arith.minimumf %parallel_loop3A_273, %parallel_loop3A_278 : vector<16xf32>
          %parallel_loop3A_280 = arith.maximumf %parallel_loop3A_273, %parallel_loop3A_278 : vector<16xf32>
          %parallel_loop3A_281 = arith.maximumf %parallel_loop3A_233, %parallel_loop3A_279 : vector<16xf32>
          %parallel_loop3A_282 = arith.minimumf %parallel_loop3A_234, %parallel_loop3A_280 : vector<16xf32>
          %parallel_loop3A_283 = arith.minimumf %parallel_loop3A_281, %parallel_loop3A_282 : vector<16xf32>
          %parallel_loop3A_284 = arith.minimumf %parallel_loop3A_233, %parallel_loop3A_279 : vector<16xf32>
          %parallel_loop3A_285 = arith.constant 96 : i32
          %parallel_loop3A_286 = arith.addi %parallel_loop3A_228, %parallel_loop3A_285 : i32
          %parallel_loop3A_287 = arith.index_cast %parallel_loop3A_66 : i32 to index
          %parallel_loop3A_288 = arith.index_cast %parallel_loop3A_286 : i32 to index
          %parallel_loop3A_289 = tpu.vector_load %arg5[%parallel_loop3A_287, %parallel_loop3A_288] {strides = array<i32>} : memref<8x4096xf32, #tpu.memory_space<vmem>>, vector<16xf32>,
          %parallel_loop3A_290 = arith.constant 112 : i32
          %parallel_loop3A_291 = arith.addi %parallel_loop3A_228, %parallel_loop3A_290 : i32
          %parallel_loop3A_292 = arith.index_cast %parallel_loop3A_66 : i32 to index
          %parallel_loop3A_293 = arith.index_cast %parallel_loop3A_291 : i32 to index
          %parallel_loop3A_294 = tpu.vector_load %arg5[%parallel_loop3A_292, %parallel_loop3A_293] {strides = array<i32>} : memref<8x4096xf32, #tpu.memory_space<vmem>>, vector<16xf32>,
          %parallel_loop3A_295 = arith.minimumf %parallel_loop3A_289, %parallel_loop3A_294 : vector<16xf32>
          %parallel_loop3A_296 = arith.maximumf %parallel_loop3A_289, %parallel_loop3A_294 : vector<16xf32>
          %parallel_loop3A_297 = arith.maximumf %parallel_loop3A_235, %parallel_loop3A_295 : vector<16xf32>
          %parallel_loop3A_298 = arith.minimumf %parallel_loop3A_236, %parallel_loop3A_296 : vector<16xf32>
          %parallel_loop3A_299 = arith.minimumf %parallel_loop3A_297, %parallel_loop3A_298 : vector<16xf32>
          %parallel_loop3A_300 = arith.minimumf %parallel_loop3A_235, %parallel_loop3A_295 : vector<16xf32>
          %parallel_loop3A_301 = arith.constant 128 : i32
          %parallel_loop3A_302 = arith.addi %parallel_loop3A_228, %parallel_loop3A_301 : i32
          %parallel_loop3A_303 = arith.index_cast %parallel_loop3A_66 : i32 to index
          %parallel_loop3A_304 = arith.index_cast %parallel_loop3A_302 : i32 to index
          %parallel_loop3A_305 = tpu.vector_load %arg5[%parallel_loop3A_303, %parallel_loop3A_304] {strides = array<i32>} : memref<8x4096xf32, #tpu.memory_space<vmem>>, vector<16xf32>,
          %parallel_loop3A_306 = arith.constant 144 : i32
          %parallel_loop3A_307 = arith.addi %parallel_loop3A_228, %parallel_loop3A_306 : i32
          %parallel_loop3A_308 = arith.index_cast %parallel_loop3A_66 : i32 to index
          %parallel_loop3A_309 = arith.index_cast %parallel_loop3A_307 : i32 to index
          %parallel_loop3A_310 = tpu.vector_load %arg5[%parallel_loop3A_308, %parallel_loop3A_309] {strides = array<i32>} : memref<8x4096xf32, #tpu.memory_space<vmem>>, vector<16xf32>,
          %parallel_loop3A_311 = arith.minimumf %parallel_loop3A_305, %parallel_loop3A_310 : vector<16xf32>
          %parallel_loop3A_312 = arith.maximumf %parallel_loop3A_305, %parallel_loop3A_310 : vector<16xf32>
          %parallel_loop3A_313 = arith.maximumf %parallel_loop3A_252, %parallel_loop3A_311 : vector<16xf32>
          %parallel_loop3A_314 = arith.minimumf %parallel_loop3A_251, %parallel_loop3A_312 : vector<16xf32>
          %parallel_loop3A_315 = arith.minimumf %parallel_loop3A_313, %parallel_loop3A_314 : vector<16xf32>
          %parallel_loop3A_316 = arith.minimumf %parallel_loop3A_252, %parallel_loop3A_311 : vector<16xf32>
          %parallel_loop3A_317 = arith.constant 160 : i32
          %parallel_loop3A_318 = arith.addi %parallel_loop3A_228, %parallel_loop3A_317 : i32
          %parallel_loop3A_319 = arith.index_cast %parallel_loop3A_66 : i32 to index
          %parallel_loop3A_320 = arith.index_cast %parallel_loop3A_318 : i32 to index
          %parallel_loop3A_321 = tpu.vector_load %arg5[%parallel_loop3A_319, %parallel_loop3A_320] {strides = array<i32>} : memref<8x4096xf32, #tpu.memory_space<vmem>>, vector<16xf32>,
          %parallel_loop3A_322 = arith.constant 176 : i32
          %parallel_loop3A_323 = arith.addi %parallel_loop3A_228, %parallel_loop3A_322 : i32
          %parallel_loop3A_324 = arith.index_cast %parallel_loop3A_66 : i32 to index
          %parallel_loop3A_325 = arith.index_cast %parallel_loop3A_323 : i32 to index
          %parallel_loop3A_326 = tpu.vector_load %arg5[%parallel_loop3A_324, %parallel_loop3A_325] {strides = array<i32>} : memref<8x4096xf32, #tpu.memory_space<vmem>>, vector<16xf32>,
          %parallel_loop3A_327 = arith.minimumf %parallel_loop3A_321, %parallel_loop3A_326 : vector<16xf32>
          %parallel_loop3A_328 = arith.maximumf %parallel_loop3A_321, %parallel_loop3A_326 : vector<16xf32>
          %parallel_loop3A_329 = arith.maximumf %parallel_loop3A_268, %parallel_loop3A_327 : vector<16xf32>
          %parallel_loop3A_330 = arith.minimumf %parallel_loop3A_267, %parallel_loop3A_328 : vector<16xf32>
          %parallel_loop3A_331 = arith.minimumf %parallel_loop3A_329, %parallel_loop3A_330 : vector<16xf32>
          %parallel_loop3A_332 = arith.minimumf %parallel_loop3A_268, %parallel_loop3A_327 : vector<16xf32>
          %parallel_loop3A_333 = arith.constant 192 : i32
          %parallel_loop3A_334 = arith.addi %parallel_loop3A_228, %parallel_loop3A_333 : i32
          %parallel_loop3A_335 = arith.index_cast %parallel_loop3A_66 : i32 to index
          %parallel_loop3A_336 = arith.index_cast %parallel_loop3A_334 : i32 to index
          %parallel_loop3A_337 = tpu.vector_load %arg5[%parallel_loop3A_335, %parallel_loop3A_336] {strides = array<i32>} : memref<8x4096xf32, #tpu.memory_space<vmem>>, vector<16xf32>,
          %parallel_loop3A_338 = arith.constant 208 : i32
          %parallel_loop3A_339 = arith.addi %parallel_loop3A_228, %parallel_loop3A_338 : i32
          %parallel_loop3A_340 = arith.index_cast %parallel_loop3A_66 : i32 to index
          %parallel_loop3A_341 = arith.index_cast %parallel_loop3A_339 : i32 to index
          %parallel_loop3A_342 = tpu.vector_load %arg5[%parallel_loop3A_340, %parallel_loop3A_341] {strides = array<i32>} : memref<8x4096xf32, #tpu.memory_space<vmem>>, vector<16xf32>,
          %parallel_loop3A_343 = arith.minimumf %parallel_loop3A_337, %parallel_loop3A_342 : vector<16xf32>
          %parallel_loop3A_344 = arith.maximumf %parallel_loop3A_337, %parallel_loop3A_342 : vector<16xf32>
          %parallel_loop3A_345 = arith.maximumf %parallel_loop3A_284, %parallel_loop3A_343 : vector<16xf32>
          %parallel_loop3A_346 = arith.minimumf %parallel_loop3A_283, %parallel_loop3A_344 : vector<16xf32>
          %parallel_loop3A_347 = arith.minimumf %parallel_loop3A_345, %parallel_loop3A_346 : vector<16xf32>
          %parallel_loop3A_348 = arith.minimumf %parallel_loop3A_284, %parallel_loop3A_343 : vector<16xf32>
          %parallel_loop3A_349 = arith.constant 224 : i32
          %parallel_loop3A_350 = arith.addi %parallel_loop3A_228, %parallel_loop3A_349 : i32
          %parallel_loop3A_351 = arith.index_cast %parallel_loop3A_66 : i32 to index
          %parallel_loop3A_352 = arith.index_cast %parallel_loop3A_350 : i32 to index
          %parallel_loop3A_353 = tpu.vector_load %arg5[%parallel_loop3A_351, %parallel_loop3A_352] {strides = array<i32>} : memref<8x4096xf32, #tpu.memory_space<vmem>>, vector<16xf32>,
          %parallel_loop3A_354 = arith.constant 240 : i32
          %parallel_loop3A_355 = arith.addi %parallel_loop3A_228, %parallel_loop3A_354 : i32
          %parallel_loop3A_356 = arith.index_cast %parallel_loop3A_66 : i32 to index
          %parallel_loop3A_357 = arith.index_cast %parallel_loop3A_355 : i32 to index
          %parallel_loop3A_358 = tpu.vector_load %arg5[%parallel_loop3A_356, %parallel_loop3A_357] {strides = array<i32>} : memref<8x4096xf32, #tpu.memory_space<vmem>>, vector<16xf32>,
          %parallel_loop3A_359 = arith.minimumf %parallel_loop3A_353, %parallel_loop3A_358 : vector<16xf32>
          %parallel_loop3A_360 = arith.maximumf %parallel_loop3A_353, %parallel_loop3A_358 : vector<16xf32>
          %parallel_loop3A_361 = arith.maximumf %parallel_loop3A_300, %parallel_loop3A_359 : vector<16xf32>
          %parallel_loop3A_362 = arith.minimumf %parallel_loop3A_299, %parallel_loop3A_360 : vector<16xf32>
          %parallel_loop3A_363 = arith.minimumf %parallel_loop3A_361, %parallel_loop3A_362 : vector<16xf32>
          %parallel_loop3A_364 = arith.minimumf %parallel_loop3A_300, %parallel_loop3A_359 : vector<16xf32>
          scf.yield %parallel_loop3A_316, %parallel_loop3A_315, %parallel_loop3A_332, %parallel_loop3A_331, %parallel_loop3A_348, %parallel_loop3A_347, %parallel_loop3A_364, %parallel_loop3A_363 : vector<16xf32>, vector<16xf32>, vector<16xf32>, vector<16xf32>, vector<16xf32>, vector<16xf32>, vector<16xf32>, vector<16xf32>
        } {sc.loop_unroll_factor = 1 : i64, sc.parallel_access}
        %parallel_loop3A_193 = arith.minimumf %parallel_loop3A_192#0, %parallel_loop3A_192#2 : vector<16xf32>
        %parallel_loop3A_194 = arith.maximumf %parallel_loop3A_192#0, %parallel_loop3A_192#2 : vector<16xf32>
        %parallel_loop3A_195 = arith.minimumf %parallel_loop3A_192#1, %parallel_loop3A_192#3 : vector<16xf32>
        %parallel_loop3A_196 = arith.minimumf %parallel_loop3A_194, %parallel_loop3A_195 : vector<16xf32>
        %parallel_loop3A_197 = arith.minimumf %parallel_loop3A_192#4, %parallel_loop3A_192#6 : vector<16xf32>
        %parallel_loop3A_198 = arith.maximumf %parallel_loop3A_192#4, %parallel_loop3A_192#6 : vector<16xf32>
        %parallel_loop3A_199 = arith.minimumf %parallel_loop3A_192#5, %parallel_loop3A_192#7 : vector<16xf32>
        %parallel_loop3A_200 = arith.minimumf %parallel_loop3A_198, %parallel_loop3A_199 : vector<16xf32>
        %parallel_loop3A_201 = arith.minimumf %parallel_loop3A_193, %parallel_loop3A_197 : vector<16xf32>
        %parallel_loop3A_202 = arith.maximumf %parallel_loop3A_193, %parallel_loop3A_197 : vector<16xf32>
        %parallel_loop3A_203 = arith.minimumf %parallel_loop3A_196, %parallel_loop3A_200 : vector<16xf32>
        %parallel_loop3A_204 = arith.minimumf %parallel_loop3A_202, %parallel_loop3A_203 : vector<16xf32>
        %parallel_loop3A_205 = arith.constant true
        %parallel_loop3A_206 = vector.broadcast %parallel_loop3A_205 : i1 to vector<16xi1>
        %parallel_loop3A_207 = tpu.scan <min>, %parallel_loop3A_201 masked %parallel_loop3A_206 : vector<16xf32>, vector<16xi1> -> vector<16xf32>
        %parallel_loop3A_208 = vector.extract %parallel_loop3A_207[15] : f32 from vector<16xf32>
        %parallel_loop3A_209 = vector.broadcast %parallel_loop3A_208 : f32 to vector<16xf32>
        %parallel_loop3A_210 = arith.cmpf oeq, %parallel_loop3A_201, %parallel_loop3A_209 : vector<16xf32>
        %parallel_loop3A_211 = tpu.all_reduce %parallel_loop3A_210 {dim = 0 : i64, kind = #tpu.reduction_kind<find_first_set>} : vector<16xi1> -> vector<16xi32>
        %parallel_loop3A_212 = arith.cmpi eq, %iota3A, %parallel_loop3A_211 : vector<16xi32>
        %parallel_loop3A_213 = arith.select %parallel_loop3A_212, %parallel_loop3A_204, %parallel_loop3A_201 : vector<16xi1>, vector<16xf32>
        %parallel_loop3A_214 = arith.constant true
        %parallel_loop3A_215 = vector.broadcast %parallel_loop3A_214 : i1 to vector<16xi1>
        %parallel_loop3A_216 = tpu.scan <min>, %parallel_loop3A_213 masked %parallel_loop3A_215 : vector<16xf32>, vector<16xi1> -> vector<16xf32>
        %parallel_loop3A_217 = vector.extract %parallel_loop3A_216[15] : f32 from vector<16xf32>
        %parallel_loop3A_218 = vector.broadcast %parallel_loop3A_217 : f32 to vector<16xf32>
        %parallel_loop3A_219 = vector.broadcast %parallel_loop3A_166 : f32 to vector<16xf32>
        %parallel_loop3A_220 = arith.subf %parallel_loop3A_219, %parallel_loop3A_218 : vector<16xf32>
        %parallel_loop3A_221 = arith.constant 3.000000e-01 : f32
        %parallel_loop3A_222 = vector.broadcast %parallel_loop3A_221 : f32 to vector<16xf32>
        %parallel_loop3A_223 = arith.addf %parallel_loop3A_220, %parallel_loop3A_222 : vector<16xf32>
        %parallel_loop3A_224 = arith.constant 0.000000e+00 : f32
        %parallel_loop3A_225 = vector.broadcast %parallel_loop3A_224 : f32 to vector<16xf32>
        %parallel_loop3A_226 = arith.maximumf %parallel_loop3A_223, %parallel_loop3A_225 : vector<16xf32>
        %parallel_loop3A_227 = arith.addf %parallel_loop3A_67, %parallel_loop3A_226 : vector<16xf32>
        scf.yield %parallel_loop3A_227 : vector<16xf32>
      } {sc.loop_unroll_factor = 1 : i64, sc.parallel_access}
      %add3A_59 = arith.constant 2 : i32
      %add3A_60 = arith.addi %add3A_44, %add3A_59 : i32
      %lt3A_61 = arith.constant 8 : i32
      %lt3A_62 = arith.cmpi slt, %add3A_60, %lt3A_61 : i32
      %convert_element_type3A_63 = arith.extui %lt3A_62 : i1 to i32
      %cond3A_64 = arith.constant 0 : i32
      %cond3A_65 = arith.cmpi ne, %convert_element_type3A_63, %cond3A_64 : i32
      scf.if %cond3A_65 {
        %mul3A_66 = arith.constant 8 : i32
        %mul3A_67 = arith.muli %add3A_60, %mul3A_66 : i32
        %add3A_68 = arith.addi %mul3A_2, %mul3A_67 : i32
        %dma_start3A_69 = arith.constant 0 : i32
        %dma_start3A_70 = tpu.memref_slice %arg2[%add3A_68, %dma_start3A_69] : memref<4096x4096xf32, #tpu.memory_space<hbm>> -> memref<8x4096xf32, #tpu.memory_space<hbm>>
        %dma_start3A_71 = arith.constant 0 : i32
        %dma_start3A_72 = tpu.memref_slice %arg2[%add3A_68, %dma_start3A_71] : memref<4096x4096xf32, #tpu.memory_space<hbm>> -> memref<8x4096xf32, #tpu.memory_space<hbm>>
        tpu.enqueue_dma source(%dma_start3A_72 : memref<8x4096xf32, #tpu.memory_space<hbm>>) target(%arg5 : memref<8x4096xf32, #tpu.memory_space<vmem>>) target_semaphore(%arg8 : memref<!tpu.dma_semaphore, #tpu.memory_space<semaphore_mem>>)
      } else {
      }
      scf.yield %parallel_loop3A_58 : vector<16xf32>
    }
    %scan3A_19 = arith.constant 4 : i32
    %swap3A = arith.constant 0 : index
    %swap3A_20 = tpu.vector_load %arg6[%swap3A] {strides = array<i32>} : memref<16xf32, #tpu.memory_space<vmem>>, vector<16xf32>,
    tpu.vector_store %arg6[%swap3A], %scan3A_18 {strides = array<i32>} : memref<16xf32, #tpu.memory_space<vmem>>, vector<16xf32>,
    "tpu.region"() ({
      %run_scoped3A = tpu.sem_alloc : memref<!tpu.dma_semaphore, #tpu.memory_space<semaphore_mem>>
      %dma_start3A_21 = arith.constant 0 : i32
      %dma_start3A_22 = tpu.memref_slice %arg3[%add3A, %dma_start3A_21] : memref<32x16xf32, #tpu.memory_space<hbm>> -> memref<1x16xf32, #tpu.memory_space<hbm>>
      %dma_start3A_23 = tpu.memref_squeeze %dma_start3A_22 : memref<1x16xf32, #tpu.memory_space<hbm>> -> memref<16xf32, #tpu.memory_space<hbm>>
      %dma_start3A_24 = arith.constant 0 : i32
      %dma_start3A_25 = tpu.memref_slice %arg3[%add3A, %dma_start3A_24] : memref<32x16xf32, #tpu.memory_space<hbm>> -> memref<1x16xf32, #tpu.memory_space<hbm>>
      %dma_start3A_26 = tpu.memref_squeeze %dma_start3A_25 : memref<1x16xf32, #tpu.memory_space<hbm>> -> memref<16xf32, #tpu.memory_space<hbm>>
      tpu.enqueue_dma source(%arg6 : memref<16xf32, #tpu.memory_space<vmem>>) target(%dma_start3A_26 : memref<16xf32, #tpu.memory_space<hbm>>) target_semaphore(%run_scoped3A : memref<!tpu.dma_semaphore, #tpu.memory_space<semaphore_mem>>)
      %dma_wait3A = arith.constant 0 : i32
      %dma_wait3A_27 = tpu.memref_slice %arg3[%add3A, %dma_wait3A] : memref<32x16xf32, #tpu.memory_space<hbm>> -> memref<1x16xf32, #tpu.memory_space<hbm>>
      %dma_wait3A_28 = tpu.memref_squeeze %dma_wait3A_27 : memref<1x16xf32, #tpu.memory_space<hbm>> -> memref<16xf32, #tpu.memory_space<hbm>>
      %dma_wait3A_29 = arith.constant 0 : i32
      %dma_wait3A_30 = tpu.memref_slice %arg3[%add3A, %dma_wait3A_29] : memref<32x16xf32, #tpu.memory_space<hbm>> -> memref<1x16xf32, #tpu.memory_space<hbm>>
      %dma_wait3A_31 = tpu.memref_squeeze %dma_wait3A_30 : memref<1x16xf32, #tpu.memory_space<hbm>> -> memref<16xf32, #tpu.memory_space<hbm>>
      tpu.wait_dma2 semaphore(%run_scoped3A : memref<!tpu.dma_semaphore, #tpu.memory_space<semaphore_mem>>) src(%arg6 : memref<16xf32, #tpu.memory_space<vmem>>) dst(%dma_wait3A_31 : memref<16xf32, #tpu.memory_space<hbm>>)
      tpu.yield
    }) : () -> ()
    return
  }
}

module attributes {stable_mosaic.version = 14 : i64} {
  func.func @_tc_kernel(%arg0: i32, %arg1: memref<512x4096xf32, #tpu.memory_space<vmem>>, %arg2: memref<1x1x1xf32, #tpu.memory_space<smem>>) attributes {dimension_semantics = [#tpu.dimension_semantics<arbitrary>], iteration_bounds = array<i64: 4>, scalar_prefetch = 0 : i64, scratch_operands = 0 : i64, tpu.core_type = #tpu.core_type<tc>, window_params = [{transform_indices = @transform_0, window_bounds = array<i64: 512, 4096>}, {transform_indices = @transform_1, window_bounds = array<i64: 1, 1, 1>}]} {
    %mul3A = arith.constant 512 : i32
    %mul3A_0 = arith.muli %arg0, %mul3A : i32
    %add3A = arith.constant 2048 : i32
    %add3A_1 = arith.addi %add3A, %mul3A_0 : i32
    %add3A_2 = arith.constant 0 : i32
    %add3A_3 = arith.addi %add3A_1, %add3A_2 : i32
    %jit3A = arith.constant 128 : i32
    %div3A = arith.divsi %add3A_3, %jit3A : i32
    %sign3A = arith.constant 0 : i32
    %sign3A_4 = arith.cmpi sgt, %add3A_3, %sign3A : i32
    %sign3A_5 = arith.extui %sign3A_4 : i1 to i32
    %sign3A_6 = arith.constant 0 : i32
    %sign3A_7 = arith.cmpi slt, %add3A_3, %sign3A_6 : i32
    %sign3A_8 = arith.extui %sign3A_7 : i1 to i32
    %sign3A_9 = arith.subi %sign3A_5, %sign3A_8 : i32
    %sign3A_10 = arith.constant 0 : i32
    %sign3A_11 = arith.cmpi sgt, %jit3A, %sign3A_10 : i32
    %sign3A_12 = arith.extui %sign3A_11 : i1 to i32
    %sign3A_13 = arith.constant 0 : i32
    %sign3A_14 = arith.cmpi slt, %jit3A, %sign3A_13 : i32
    %sign3A_15 = arith.extui %sign3A_14 : i1 to i32
    %sign3A_16 = arith.subi %sign3A_12, %sign3A_15 : i32
    %ne3A = arith.cmpi ne, %sign3A_9, %sign3A_16 : i32
    %rem3A = arith.remsi %add3A_3, %jit3A : i32
    %ne3A_17 = arith.constant 0 : i32
    %ne3A_18 = arith.cmpi ne, %rem3A, %ne3A_17 : i32
    %and3A = arith.andi %ne3A, %ne3A_18 : i1
    %sub3A = arith.constant 1 : i32
    %sub3A_19 = arith.subi %div3A, %sub3A : i32
    %select_n3A = arith.select %and3A, %sub3A_19, %div3A : i32
    %add3A_20 = arith.constant 0 : i32
    %add3A_21 = arith.addi %add3A_1, %add3A_20 : i32
    %iota3A = tpu.iota {dimensions = array<i32: 0>} : vector<64x128xi32>
    %add3A_22 = vector.broadcast %add3A_21 : i32 to vector<64x128xi32>
    %add3A_23 = arith.addi %add3A_22, %iota3A : vector<64x128xi32>
    %iota3A_24 = tpu.iota {dimensions = array<i32: 1>} : vector<64x128xi32>
    %add3A_25 = vector.broadcast %add3A_3 : i32 to vector<64x128xi32>
    %add3A_26 = arith.addi %add3A_25, %iota3A_24 : vector<64x128xi32>
    %jit3A_27 = arith.constant 8 : i32
    %div3A_28 = vector.broadcast %jit3A_27 : i32 to vector<64x128xi32>
    %div3A_29 = arith.divsi %add3A_26, %div3A_28 : vector<64x128xi32>
    %sign3A_30 = arith.constant 0 : i32
    %sign3A_31 = vector.broadcast %sign3A_30 : i32 to vector<64x128xi32>
    %sign3A_32 = arith.cmpi sgt, %add3A_26, %sign3A_31 : vector<64x128xi32>
    %sign3A_33 = arith.extui %sign3A_32 : vector<64x128xi1> to vector<64x128xi32>
    %sign3A_34 = arith.constant 0 : i32
    %sign3A_35 = vector.broadcast %sign3A_34 : i32 to vector<64x128xi32>
    %sign3A_36 = arith.cmpi slt, %add3A_26, %sign3A_35 : vector<64x128xi32>
    %sign3A_37 = arith.extui %sign3A_36 : vector<64x128xi1> to vector<64x128xi32>
    %sign3A_38 = arith.subi %sign3A_33, %sign3A_37 : vector<64x128xi32>
    %sign3A_39 = arith.constant 0 : i32
    %sign3A_40 = arith.cmpi sgt, %jit3A_27, %sign3A_39 : i32
    %sign3A_41 = arith.extui %sign3A_40 : i1 to i32
    %sign3A_42 = arith.constant 0 : i32
    %sign3A_43 = arith.cmpi slt, %jit3A_27, %sign3A_42 : i32
    %sign3A_44 = arith.extui %sign3A_43 : i1 to i32
    %sign3A_45 = arith.subi %sign3A_41, %sign3A_44 : i32
    %ne3A_46 = vector.broadcast %sign3A_45 : i32 to vector<64x128xi32>
    %ne3A_47 = arith.cmpi ne, %sign3A_38, %ne3A_46 : vector<64x128xi32>
    %rem3A_48 = vector.broadcast %jit3A_27 : i32 to vector<64x128xi32>
    %rem3A_49 = arith.remsi %add3A_26, %rem3A_48 : vector<64x128xi32>
    %ne3A_50 = arith.constant 0 : i32
    %ne3A_51 = vector.broadcast %ne3A_50 : i32 to vector<64x128xi32>
    %ne3A_52 = arith.cmpi ne, %rem3A_49, %ne3A_51 : vector<64x128xi32>
    %and3A_53 = arith.andi %ne3A_47, %ne3A_52 : vector<64x128xi1>
    %sub3A_54 = arith.constant 1 : i32
    %sub3A_55 = vector.broadcast %sub3A_54 : i32 to vector<64x128xi32>
    %sub3A_56 = arith.subi %div3A_29, %sub3A_55 : vector<64x128xi32>
    %select_n3A_57 = arith.select %and3A_53, %sub3A_56, %div3A_29 : vector<64x128xi1>, vector<64x128xi32>
    %jit3A_58 = arith.constant 8 : i32
    %div3A_59 = vector.broadcast %jit3A_58 : i32 to vector<64x128xi32>
    %div3A_60 = arith.divsi %add3A_23, %div3A_59 : vector<64x128xi32>
    %sign3A_61 = arith.constant 0 : i32
    %sign3A_62 = vector.broadcast %sign3A_61 : i32 to vector<64x128xi32>
    %sign3A_63 = arith.cmpi sgt, %add3A_23, %sign3A_62 : vector<64x128xi32>
    %sign3A_64 = arith.extui %sign3A_63 : vector<64x128xi1> to vector<64x128xi32>
    %sign3A_65 = arith.constant 0 : i32
    %sign3A_66 = vector.broadcast %sign3A_65 : i32 to vector<64x128xi32>
    %sign3A_67 = arith.cmpi slt, %add3A_23, %sign3A_66 : vector<64x128xi32>
    %sign3A_68 = arith.extui %sign3A_67 : vector<64x128xi1> to vector<64x128xi32>
    %sign3A_69 = arith.subi %sign3A_64, %sign3A_68 : vector<64x128xi32>
    %sign3A_70 = arith.constant 0 : i32
    %sign3A_71 = arith.cmpi sgt, %jit3A_58, %sign3A_70 : i32
    %sign3A_72 = arith.extui %sign3A_71 : i1 to i32
    %sign3A_73 = arith.constant 0 : i32
    %sign3A_74 = arith.cmpi slt, %jit3A_58, %sign3A_73 : i32
    %sign3A_75 = arith.extui %sign3A_74 : i1 to i32
    %sign3A_76 = arith.subi %sign3A_72, %sign3A_75 : i32
    %ne3A_77 = vector.broadcast %sign3A_76 : i32 to vector<64x128xi32>
    %ne3A_78 = arith.cmpi ne, %sign3A_69, %ne3A_77 : vector<64x128xi32>
    %rem3A_79 = vector.broadcast %jit3A_58 : i32 to vector<64x128xi32>
    %rem3A_80 = arith.remsi %add3A_23, %rem3A_79 : vector<64x128xi32>
    %ne3A_81 = arith.constant 0 : i32
    %ne3A_82 = vector.broadcast %ne3A_81 : i32 to vector<64x128xi32>
    %ne3A_83 = arith.cmpi ne, %rem3A_80, %ne3A_82 : vector<64x128xi32>
    %and3A_84 = arith.andi %ne3A_78, %ne3A_83 : vector<64x128xi1>
    %sub3A_85 = arith.constant 1 : i32
    %sub3A_86 = vector.broadcast %sub3A_85 : i32 to vector<64x128xi32>
    %sub3A_87 = arith.subi %div3A_60, %sub3A_86 : vector<64x128xi32>
    %select_n3A_88 = arith.select %and3A_84, %sub3A_87, %div3A_60 : vector<64x128xi1>, vector<64x128xi32>
    %eq3A = arith.cmpi eq, %select_n3A_57, %select_n3A_88 : vector<64x128xi32>
    %ne3A_89 = arith.cmpi ne, %add3A_26, %add3A_23 : vector<64x128xi32>
    %and3A_90 = arith.andi %eq3A, %ne3A_89 : vector<64x128xi1>
    %get3A = arith.constant 0 : index
    %get3A_91 = arith.index_cast %add3A_3 : i32 to index
    %get3A_92 = vector.load %arg1[%get3A, %get3A_91] : memref<512x4096xf32, #tpu.memory_space<vmem>>, vector<64x128xf32>
    %jit3A_93 = arith.constant 0.000000e+00 : f32
    %broadcast_in_dim3A = vector.broadcast %jit3A_93 : f32 to vector<64x128xf32>
    %select_n3A_94 = arith.select %and3A_90, %get3A_92, %broadcast_in_dim3A : vector<64x128xi1>, vector<64x128xf32>
    %reduce_max3A = arith.constant dense<0xFF800000> : vector<64xf32>
    %reduce_max3A_95 = vector.multi_reduction <maximumf>, %select_n3A_94, %reduce_max3A [1] : vector<64x128xf32> to vector<64xf32>
    %broadcast_in_dim3A_96 = vector.shape_cast %reduce_max3A_95 : vector<64xf32> to vector<64x1xf32>
    %jit3A_97 = arith.constant 0x7F800000 : f32
    %broadcast_in_dim3A_98 = vector.broadcast %jit3A_97 : f32 to vector<64x128xf32>
    %select_n3A_99 = arith.select %and3A_90, %broadcast_in_dim3A_98, %get3A_92 : vector<64x128xi1>, vector<64x128xf32>
    %broadcast_in_dim3A_100 = arith.constant 0x7F800000 : f32
    %broadcast_in_dim3A_101 = vector.broadcast %broadcast_in_dim3A_100 : f32 to vector<64x128xf32>
    %broadcast_in_dim3A_102 = arith.constant 0x7F800000 : f32
    %broadcast_in_dim3A_103 = vector.broadcast %broadcast_in_dim3A_102 : f32 to vector<64x128xf32>
    %get3A_104 = arith.constant 0 : index
    %get3A_105 = arith.constant 0 : index
    %get3A_106 = vector.load %arg1[%get3A_104, %get3A_105] : memref<512x4096xf32, #tpu.memory_space<vmem>>, vector<64x128xf32>
    %eq3A_107 = arith.constant 0 : i32
    %eq3A_108 = arith.cmpi eq, %select_n3A, %eq3A_107 : i32
    %select_n3A_109 = arith.select %eq3A_108, %broadcast_in_dim3A_103, %get3A_106 : vector<64x128xf32>
    %max3A = arith.maximumf %select_n3A_99, %select_n3A_109 : vector<64x128xf32>
    %min3A = arith.minimumf %broadcast_in_dim3A_101, %max3A : vector<64x128xf32>
    %min3A_110 = arith.minimumf %select_n3A_99, %select_n3A_109 : vector<64x128xf32>
    %get3A_111 = arith.constant 0 : index
    %get3A_112 = arith.constant 128 : index
    %get3A_113 = vector.load %arg1[%get3A_111, %get3A_112] : memref<512x4096xf32, #tpu.memory_space<vmem>>, vector<64x128xf32>
    %eq3A_114 = arith.constant 1 : i32
    %eq3A_115 = arith.cmpi eq, %select_n3A, %eq3A_114 : i32
    %select_n3A_116 = arith.select %eq3A_115, %broadcast_in_dim3A_103, %get3A_113 : vector<64x128xf32>
    %max3A_117 = arith.maximumf %min3A_110, %select_n3A_116 : vector<64x128xf32>
    %min3A_118 = arith.minimumf %min3A, %max3A_117 : vector<64x128xf32>
    %min3A_119 = arith.minimumf %min3A_110, %select_n3A_116 : vector<64x128xf32>
    %get3A_120 = arith.constant 0 : index
    %get3A_121 = arith.constant 256 : index
    %get3A_122 = vector.load %arg1[%get3A_120, %get3A_121] : memref<512x4096xf32, #tpu.memory_space<vmem>>, vector<64x128xf32>
    %eq3A_123 = arith.constant 2 : i32
    %eq3A_124 = arith.cmpi eq, %select_n3A, %eq3A_123 : i32
    %select_n3A_125 = arith.select %eq3A_124, %broadcast_in_dim3A_103, %get3A_122 : vector<64x128xf32>
    %max3A_126 = arith.maximumf %min3A_119, %select_n3A_125 : vector<64x128xf32>
    %min3A_127 = arith.minimumf %min3A_118, %max3A_126 : vector<64x128xf32>
    %min3A_128 = arith.minimumf %min3A_119, %select_n3A_125 : vector<64x128xf32>
    %get3A_129 = arith.constant 0 : index
    %get3A_130 = arith.constant 384 : index
    %get3A_131 = vector.load %arg1[%get3A_129, %get3A_130] : memref<512x4096xf32, #tpu.memory_space<vmem>>, vector<64x128xf32>
    %eq3A_132 = arith.constant 3 : i32
    %eq3A_133 = arith.cmpi eq, %select_n3A, %eq3A_132 : i32
    %select_n3A_134 = arith.select %eq3A_133, %broadcast_in_dim3A_103, %get3A_131 : vector<64x128xf32>
    %max3A_135 = arith.maximumf %min3A_128, %select_n3A_134 : vector<64x128xf32>
    %min3A_136 = arith.minimumf %min3A_127, %max3A_135 : vector<64x128xf32>
    %min3A_137 = arith.minimumf %min3A_128, %select_n3A_134 : vector<64x128xf32>
    %get3A_138 = arith.constant 0 : index
    %get3A_139 = arith.constant 512 : index
    %get3A_140 = vector.load %arg1[%get3A_138, %get3A_139] : memref<512x4096xf32, #tpu.memory_space<vmem>>, vector<64x128xf32>
    %eq3A_141 = arith.constant 4 : i32
    %eq3A_142 = arith.cmpi eq, %select_n3A, %eq3A_141 : i32
    %select_n3A_143 = arith.select %eq3A_142, %broadcast_in_dim3A_103, %get3A_140 : vector<64x128xf32>
    %max3A_144 = arith.maximumf %min3A_137, %select_n3A_143 : vector<64x128xf32>
    %min3A_145 = arith.minimumf %min3A_136, %max3A_144 : vector<64x128xf32>
    %min3A_146 = arith.minimumf %min3A_137, %select_n3A_143 : vector<64x128xf32>
    %get3A_147 = arith.constant 0 : index
    %get3A_148 = arith.constant 640 : index
    %get3A_149 = vector.load %arg1[%get3A_147, %get3A_148] : memref<512x4096xf32, #tpu.memory_space<vmem>>, vector<64x128xf32>
    %eq3A_150 = arith.constant 5 : i32
    %eq3A_151 = arith.cmpi eq, %select_n3A, %eq3A_150 : i32
    %select_n3A_152 = arith.select %eq3A_151, %broadcast_in_dim3A_103, %get3A_149 : vector<64x128xf32>
    %max3A_153 = arith.maximumf %min3A_146, %select_n3A_152 : vector<64x128xf32>
    %min3A_154 = arith.minimumf %min3A_145, %max3A_153 : vector<64x128xf32>
    %min3A_155 = arith.minimumf %min3A_146, %select_n3A_152 : vector<64x128xf32>
    %get3A_156 = arith.constant 0 : index
    %get3A_157 = arith.constant 768 : index
    %get3A_158 = vector.load %arg1[%get3A_156, %get3A_157] : memref<512x4096xf32, #tpu.memory_space<vmem>>, vector<64x128xf32>
    %eq3A_159 = arith.constant 6 : i32
    %eq3A_160 = arith.cmpi eq, %select_n3A, %eq3A_159 : i32
    %select_n3A_161 = arith.select %eq3A_160, %broadcast_in_dim3A_103, %get3A_158 : vector<64x128xf32>
    %max3A_162 = arith.maximumf %min3A_155, %select_n3A_161 : vector<64x128xf32>
    %min3A_163 = arith.minimumf %min3A_154, %max3A_162 : vector<64x128xf32>
    %min3A_164 = arith.minimumf %min3A_155, %select_n3A_161 : vector<64x128xf32>
    %get3A_165 = arith.constant 0 : index
    %get3A_166 = arith.constant 896 : index
    %get3A_167 = vector.load %arg1[%get3A_165, %get3A_166] : memref<512x4096xf32, #tpu.memory_space<vmem>>, vector<64x128xf32>
    %eq3A_168 = arith.constant 7 : i32
    %eq3A_169 = arith.cmpi eq, %select_n3A, %eq3A_168 : i32
    %select_n3A_170 = arith.select %eq3A_169, %broadcast_in_dim3A_103, %get3A_167 : vector<64x128xf32>
    %max3A_171 = arith.maximumf %min3A_164, %select_n3A_170 : vector<64x128xf32>
    %min3A_172 = arith.minimumf %min3A_163, %max3A_171 : vector<64x128xf32>
    %min3A_173 = arith.minimumf %min3A_164, %select_n3A_170 : vector<64x128xf32>
    %get3A_174 = arith.constant 0 : index
    %get3A_175 = arith.constant 1024 : index
    %get3A_176 = vector.load %arg1[%get3A_174, %get3A_175] : memref<512x4096xf32, #tpu.memory_space<vmem>>, vector<64x128xf32>
    %eq3A_177 = arith.constant 8 : i32
    %eq3A_178 = arith.cmpi eq, %select_n3A, %eq3A_177 : i32
    %select_n3A_179 = arith.select %eq3A_178, %broadcast_in_dim3A_103, %get3A_176 : vector<64x128xf32>
    %max3A_180 = arith.maximumf %min3A_173, %select_n3A_179 : vector<64x128xf32>
    %min3A_181 = arith.minimumf %min3A_172, %max3A_180 : vector<64x128xf32>
    %min3A_182 = arith.minimumf %min3A_173, %select_n3A_179 : vector<64x128xf32>
    %get3A_183 = arith.constant 0 : index
    %get3A_184 = arith.constant 1152 : index
    %get3A_185 = vector.load %arg1[%get3A_183, %get3A_184] : memref<512x4096xf32, #tpu.memory_space<vmem>>, vector<64x128xf32>
    %eq3A_186 = arith.constant 9 : i32
    %eq3A_187 = arith.cmpi eq, %select_n3A, %eq3A_186 : i32
    %select_n3A_188 = arith.select %eq3A_187, %broadcast_in_dim3A_103, %get3A_185 : vector<64x128xf32>
    %max3A_189 = arith.maximumf %min3A_182, %select_n3A_188 : vector<64x128xf32>
    %min3A_190 = arith.minimumf %min3A_181, %max3A_189 : vector<64x128xf32>
    %min3A_191 = arith.minimumf %min3A_182, %select_n3A_188 : vector<64x128xf32>
    %get3A_192 = arith.constant 0 : index
    %get3A_193 = arith.constant 1280 : index
    %get3A_194 = vector.load %arg1[%get3A_192, %get3A_193] : memref<512x4096xf32, #tpu.memory_space<vmem>>, vector<64x128xf32>
    %eq3A_195 = arith.constant 10 : i32
    %eq3A_196 = arith.cmpi eq, %select_n3A, %eq3A_195 : i32
    %select_n3A_197 = arith.select %eq3A_196, %broadcast_in_dim3A_103, %get3A_194 : vector<64x128xf32>
    %max3A_198 = arith.maximumf %min3A_191, %select_n3A_197 : vector<64x128xf32>
    %min3A_199 = arith.minimumf %min3A_190, %max3A_198 : vector<64x128xf32>
    %min3A_200 = arith.minimumf %min3A_191, %select_n3A_197 : vector<64x128xf32>
    %get3A_201 = arith.constant 0 : index
    %get3A_202 = arith.constant 1408 : index
    %get3A_203 = vector.load %arg1[%get3A_201, %get3A_202] : memref<512x4096xf32, #tpu.memory_space<vmem>>, vector<64x128xf32>
    %eq3A_204 = arith.constant 11 : i32
    %eq3A_205 = arith.cmpi eq, %select_n3A, %eq3A_204 : i32
    %select_n3A_206 = arith.select %eq3A_205, %broadcast_in_dim3A_103, %get3A_203 : vector<64x128xf32>
    %max3A_207 = arith.maximumf %min3A_200, %select_n3A_206 : vector<64x128xf32>
    %min3A_208 = arith.minimumf %min3A_199, %max3A_207 : vector<64x128xf32>
    %min3A_209 = arith.minimumf %min3A_200, %select_n3A_206 : vector<64x128xf32>
    %get3A_210 = arith.constant 0 : index
    %get3A_211 = arith.constant 1536 : index
    %get3A_212 = vector.load %arg1[%get3A_210, %get3A_211] : memref<512x4096xf32, #tpu.memory_space<vmem>>, vector<64x128xf32>
    %eq3A_213 = arith.constant 12 : i32
    %eq3A_214 = arith.cmpi eq, %select_n3A, %eq3A_213 : i32
    %select_n3A_215 = arith.select %eq3A_214, %broadcast_in_dim3A_103, %get3A_212 : vector<64x128xf32>
    %max3A_216 = arith.maximumf %min3A_209, %select_n3A_215 : vector<64x128xf32>
    %min3A_217 = arith.minimumf %min3A_208, %max3A_216 : vector<64x128xf32>
    %min3A_218 = arith.minimumf %min3A_209, %select_n3A_215 : vector<64x128xf32>
    %get3A_219 = arith.constant 0 : index
    %get3A_220 = arith.constant 1664 : index
    %get3A_221 = vector.load %arg1[%get3A_219, %get3A_220] : memref<512x4096xf32, #tpu.memory_space<vmem>>, vector<64x128xf32>
    %eq3A_222 = arith.constant 13 : i32
    %eq3A_223 = arith.cmpi eq, %select_n3A, %eq3A_222 : i32
    %select_n3A_224 = arith.select %eq3A_223, %broadcast_in_dim3A_103, %get3A_221 : vector<64x128xf32>
    %max3A_225 = arith.maximumf %min3A_218, %select_n3A_224 : vector<64x128xf32>
    %min3A_226 = arith.minimumf %min3A_217, %max3A_225 : vector<64x128xf32>
    %min3A_227 = arith.minimumf %min3A_218, %select_n3A_224 : vector<64x128xf32>
    %get3A_228 = arith.constant 0 : index
    %get3A_229 = arith.constant 1792 : index
    %get3A_230 = vector.load %arg1[%get3A_228, %get3A_229] : memref<512x4096xf32, #tpu.memory_space<vmem>>, vector<64x128xf32>
    %eq3A_231 = arith.constant 14 : i32
    %eq3A_232 = arith.cmpi eq, %select_n3A, %eq3A_231 : i32
    %select_n3A_233 = arith.select %eq3A_232, %broadcast_in_dim3A_103, %get3A_230 : vector<64x128xf32>
    %max3A_234 = arith.maximumf %min3A_227, %select_n3A_233 : vector<64x128xf32>
    %min3A_235 = arith.minimumf %min3A_226, %max3A_234 : vector<64x128xf32>
    %min3A_236 = arith.minimumf %min3A_227, %select_n3A_233 : vector<64x128xf32>
    %get3A_237 = arith.constant 0 : index
    %get3A_238 = arith.constant 1920 : index
    %get3A_239 = vector.load %arg1[%get3A_237, %get3A_238] : memref<512x4096xf32, #tpu.memory_space<vmem>>, vector<64x128xf32>
    %eq3A_240 = arith.constant 15 : i32
    %eq3A_241 = arith.cmpi eq, %select_n3A, %eq3A_240 : i32
    %select_n3A_242 = arith.select %eq3A_241, %broadcast_in_dim3A_103, %get3A_239 : vector<64x128xf32>
    %max3A_243 = arith.maximumf %min3A_236, %select_n3A_242 : vector<64x128xf32>
    %min3A_244 = arith.minimumf %min3A_235, %max3A_243 : vector<64x128xf32>
    %min3A_245 = arith.minimumf %min3A_236, %select_n3A_242 : vector<64x128xf32>
    %get3A_246 = arith.constant 0 : index
    %get3A_247 = arith.constant 2048 : index
    %get3A_248 = vector.load %arg1[%get3A_246, %get3A_247] : memref<512x4096xf32, #tpu.memory_space<vmem>>, vector<64x128xf32>
    %eq3A_249 = arith.constant 16 : i32
    %eq3A_250 = arith.cmpi eq, %select_n3A, %eq3A_249 : i32
    %select_n3A_251 = arith.select %eq3A_250, %broadcast_in_dim3A_103, %get3A_248 : vector<64x128xf32>
    %max3A_252 = arith.maximumf %min3A_245, %select_n3A_251 : vector<64x128xf32>
    %min3A_253 = arith.minimumf %min3A_244, %max3A_252 : vector<64x128xf32>
    %min3A_254 = arith.minimumf %min3A_245, %select_n3A_251 : vector<64x128xf32>
    %get3A_255 = arith.constant 0 : index
    %get3A_256 = arith.constant 2176 : index
    %get3A_257 = vector.load %arg1[%get3A_255, %get3A_256] : memref<512x4096xf32, #tpu.memory_space<vmem>>, vector<64x128xf32>
    %eq3A_258 = arith.constant 17 : i32
    %eq3A_259 = arith.cmpi eq, %select_n3A, %eq3A_258 : i32
    %select_n3A_260 = arith.select %eq3A_259, %broadcast_in_dim3A_103, %get3A_257 : vector<64x128xf32>
    %max3A_261 = arith.maximumf %min3A_254, %select_n3A_260 : vector<64x128xf32>
    %min3A_262 = arith.minimumf %min3A_253, %max3A_261 : vector<64x128xf32>
    %min3A_263 = arith.minimumf %min3A_254, %select_n3A_260 : vector<64x128xf32>
    %get3A_264 = arith.constant 0 : index
    %get3A_265 = arith.constant 2304 : index
    %get3A_266 = vector.load %arg1[%get3A_264, %get3A_265] : memref<512x4096xf32, #tpu.memory_space<vmem>>, vector<64x128xf32>
    %eq3A_267 = arith.constant 18 : i32
    %eq3A_268 = arith.cmpi eq, %select_n3A, %eq3A_267 : i32
    %select_n3A_269 = arith.select %eq3A_268, %broadcast_in_dim3A_103, %get3A_266 : vector<64x128xf32>
    %max3A_270 = arith.maximumf %min3A_263, %select_n3A_269 : vector<64x128xf32>
    %min3A_271 = arith.minimumf %min3A_262, %max3A_270 : vector<64x128xf32>
    %min3A_272 = arith.minimumf %min3A_263, %select_n3A_269 : vector<64x128xf32>
    %get3A_273 = arith.constant 0 : index
    %get3A_274 = arith.constant 2432 : index
    %get3A_275 = vector.load %arg1[%get3A_273, %get3A_274] : memref<512x4096xf32, #tpu.memory_space<vmem>>, vector<64x128xf32>
    %eq3A_276 = arith.constant 19 : i32
    %eq3A_277 = arith.cmpi eq, %select_n3A, %eq3A_276 : i32
    %select_n3A_278 = arith.select %eq3A_277, %broadcast_in_dim3A_103, %get3A_275 : vector<64x128xf32>
    %max3A_279 = arith.maximumf %min3A_272, %select_n3A_278 : vector<64x128xf32>
    %min3A_280 = arith.minimumf %min3A_271, %max3A_279 : vector<64x128xf32>
    %min3A_281 = arith.minimumf %min3A_272, %select_n3A_278 : vector<64x128xf32>
    %get3A_282 = arith.constant 0 : index
    %get3A_283 = arith.constant 2560 : index
    %get3A_284 = vector.load %arg1[%get3A_282, %get3A_283] : memref<512x4096xf32, #tpu.memory_space<vmem>>, vector<64x128xf32>
    %eq3A_285 = arith.constant 20 : i32
    %eq3A_286 = arith.cmpi eq, %select_n3A, %eq3A_285 : i32
    %select_n3A_287 = arith.select %eq3A_286, %broadcast_in_dim3A_103, %get3A_284 : vector<64x128xf32>
    %max3A_288 = arith.maximumf %min3A_281, %select_n3A_287 : vector<64x128xf32>
    %min3A_289 = arith.minimumf %min3A_280, %max3A_288 : vector<64x128xf32>
    %min3A_290 = arith.minimumf %min3A_281, %select_n3A_287 : vector<64x128xf32>
    %get3A_291 = arith.constant 0 : index
    %get3A_292 = arith.constant 2688 : index
    %get3A_293 = vector.load %arg1[%get3A_291, %get3A_292] : memref<512x4096xf32, #tpu.memory_space<vmem>>, vector<64x128xf32>
    %eq3A_294 = arith.constant 21 : i32
    %eq3A_295 = arith.cmpi eq, %select_n3A, %eq3A_294 : i32
    %select_n3A_296 = arith.select %eq3A_295, %broadcast_in_dim3A_103, %get3A_293 : vector<64x128xf32>
    %max3A_297 = arith.maximumf %min3A_290, %select_n3A_296 : vector<64x128xf32>
    %min3A_298 = arith.minimumf %min3A_289, %max3A_297 : vector<64x128xf32>
    %min3A_299 = arith.minimumf %min3A_290, %select_n3A_296 : vector<64x128xf32>
    %get3A_300 = arith.constant 0 : index
    %get3A_301 = arith.constant 2816 : index
    %get3A_302 = vector.load %arg1[%get3A_300, %get3A_301] : memref<512x4096xf32, #tpu.memory_space<vmem>>, vector<64x128xf32>
    %eq3A_303 = arith.constant 22 : i32
    %eq3A_304 = arith.cmpi eq, %select_n3A, %eq3A_303 : i32
    %select_n3A_305 = arith.select %eq3A_304, %broadcast_in_dim3A_103, %get3A_302 : vector<64x128xf32>
    %max3A_306 = arith.maximumf %min3A_299, %select_n3A_305 : vector<64x128xf32>
    %min3A_307 = arith.minimumf %min3A_298, %max3A_306 : vector<64x128xf32>
    %min3A_308 = arith.minimumf %min3A_299, %select_n3A_305 : vector<64x128xf32>
    %get3A_309 = arith.constant 0 : index
    %get3A_310 = arith.constant 2944 : index
    %get3A_311 = vector.load %arg1[%get3A_309, %get3A_310] : memref<512x4096xf32, #tpu.memory_space<vmem>>, vector<64x128xf32>
    %eq3A_312 = arith.constant 23 : i32
    %eq3A_313 = arith.cmpi eq, %select_n3A, %eq3A_312 : i32
    %select_n3A_314 = arith.select %eq3A_313, %broadcast_in_dim3A_103, %get3A_311 : vector<64x128xf32>
    %max3A_315 = arith.maximumf %min3A_308, %select_n3A_314 : vector<64x128xf32>
    %min3A_316 = arith.minimumf %min3A_307, %max3A_315 : vector<64x128xf32>
    %min3A_317 = arith.minimumf %min3A_308, %select_n3A_314 : vector<64x128xf32>
    %get3A_318 = arith.constant 0 : index
    %get3A_319 = arith.constant 3072 : index
    %get3A_320 = vector.load %arg1[%get3A_318, %get3A_319] : memref<512x4096xf32, #tpu.memory_space<vmem>>, vector<64x128xf32>
    %eq3A_321 = arith.constant 24 : i32
    %eq3A_322 = arith.cmpi eq, %select_n3A, %eq3A_321 : i32
    %select_n3A_323 = arith.select %eq3A_322, %broadcast_in_dim3A_103, %get3A_320 : vector<64x128xf32>
    %max3A_324 = arith.maximumf %min3A_317, %select_n3A_323 : vector<64x128xf32>
    %min3A_325 = arith.minimumf %min3A_316, %max3A_324 : vector<64x128xf32>
    %min3A_326 = arith.minimumf %min3A_317, %select_n3A_323 : vector<64x128xf32>
    %get3A_327 = arith.constant 0 : index
    %get3A_328 = arith.constant 3200 : index
    %get3A_329 = vector.load %arg1[%get3A_327, %get3A_328] : memref<512x4096xf32, #tpu.memory_space<vmem>>, vector<64x128xf32>
    %eq3A_330 = arith.constant 25 : i32
    %eq3A_331 = arith.cmpi eq, %select_n3A, %eq3A_330 : i32
    %select_n3A_332 = arith.select %eq3A_331, %broadcast_in_dim3A_103, %get3A_329 : vector<64x128xf32>
    %max3A_333 = arith.maximumf %min3A_326, %select_n3A_332 : vector<64x128xf32>
    %min3A_334 = arith.minimumf %min3A_325, %max3A_333 : vector<64x128xf32>
    %min3A_335 = arith.minimumf %min3A_326, %select_n3A_332 : vector<64x128xf32>
    %get3A_336 = arith.constant 0 : index
    %get3A_337 = arith.constant 3328 : index
    %get3A_338 = vector.load %arg1[%get3A_336, %get3A_337] : memref<512x4096xf32, #tpu.memory_space<vmem>>, vector<64x128xf32>
    %eq3A_339 = arith.constant 26 : i32
    %eq3A_340 = arith.cmpi eq, %select_n3A, %eq3A_339 : i32
    %select_n3A_341 = arith.select %eq3A_340, %broadcast_in_dim3A_103, %get3A_338 : vector<64x128xf32>
    %max3A_342 = arith.maximumf %min3A_335, %select_n3A_341 : vector<64x128xf32>
    %min3A_343 = arith.minimumf %min3A_334, %max3A_342 : vector<64x128xf32>
    %min3A_344 = arith.minimumf %min3A_335, %select_n3A_341 : vector<64x128xf32>
    %get3A_345 = arith.constant 0 : index
    %get3A_346 = arith.constant 3456 : index
    %get3A_347 = vector.load %arg1[%get3A_345, %get3A_346] : memref<512x4096xf32, #tpu.memory_space<vmem>>, vector<64x128xf32>
    %eq3A_348 = arith.constant 27 : i32
    %eq3A_349 = arith.cmpi eq, %select_n3A, %eq3A_348 : i32
    %select_n3A_350 = arith.select %eq3A_349, %broadcast_in_dim3A_103, %get3A_347 : vector<64x128xf32>
    %max3A_351 = arith.maximumf %min3A_344, %select_n3A_350 : vector<64x128xf32>
    %min3A_352 = arith.minimumf %min3A_343, %max3A_351 : vector<64x128xf32>
    %min3A_353 = arith.minimumf %min3A_344, %select_n3A_350 : vector<64x128xf32>
    %get3A_354 = arith.constant 0 : index
    %get3A_355 = arith.constant 3584 : index
    %get3A_356 = vector.load %arg1[%get3A_354, %get3A_355] : memref<512x4096xf32, #tpu.memory_space<vmem>>, vector<64x128xf32>
    %eq3A_357 = arith.constant 28 : i32
    %eq3A_358 = arith.cmpi eq, %select_n3A, %eq3A_357 : i32
    %select_n3A_359 = arith.select %eq3A_358, %broadcast_in_dim3A_103, %get3A_356 : vector<64x128xf32>
    %max3A_360 = arith.maximumf %min3A_353, %select_n3A_359 : vector<64x128xf32>
    %min3A_361 = arith.minimumf %min3A_352, %max3A_360 : vector<64x128xf32>
    %min3A_362 = arith.minimumf %min3A_353, %select_n3A_359 : vector<64x128xf32>
    %get3A_363 = arith.constant 0 : index
    %get3A_364 = arith.constant 3712 : index
    %get3A_365 = vector.load %arg1[%get3A_363, %get3A_364] : memref<512x4096xf32, #tpu.memory_space<vmem>>, vector<64x128xf32>
    %eq3A_366 = arith.constant 29 : i32
    %eq3A_367 = arith.cmpi eq, %select_n3A, %eq3A_366 : i32
    %select_n3A_368 = arith.select %eq3A_367, %broadcast_in_dim3A_103, %get3A_365 : vector<64x128xf32>
    %max3A_369 = arith.maximumf %min3A_362, %select_n3A_368 : vector<64x128xf32>
    %min3A_370 = arith.minimumf %min3A_361, %max3A_369 : vector<64x128xf32>
    %min3A_371 = arith.minimumf %min3A_362, %select_n3A_368 : vector<64x128xf32>
    %get3A_372 = arith.constant 0 : index
    %get3A_373 = arith.constant 3840 : index
    %get3A_374 = vector.load %arg1[%get3A_372, %get3A_373] : memref<512x4096xf32, #tpu.memory_space<vmem>>, vector<64x128xf32>
    %eq3A_375 = arith.constant 30 : i32
    %eq3A_376 = arith.cmpi eq, %select_n3A, %eq3A_375 : i32
    %select_n3A_377 = arith.select %eq3A_376, %broadcast_in_dim3A_103, %get3A_374 : vector<64x128xf32>
    %max3A_378 = arith.maximumf %min3A_371, %select_n3A_377 : vector<64x128xf32>
    %min3A_379 = arith.minimumf %min3A_370, %max3A_378 : vector<64x128xf32>
    %min3A_380 = arith.minimumf %min3A_371, %select_n3A_377 : vector<64x128xf32>
    %get3A_381 = arith.constant 0 : index
    %get3A_382 = arith.constant 3968 : index
    %get3A_383 = vector.load %arg1[%get3A_381, %get3A_382] : memref<512x4096xf32, #tpu.memory_space<vmem>>, vector<64x128xf32>
    %eq3A_384 = arith.constant 31 : i32
    %eq3A_385 = arith.cmpi eq, %select_n3A, %eq3A_384 : i32
    %select_n3A_386 = arith.select %eq3A_385, %broadcast_in_dim3A_103, %get3A_383 : vector<64x128xf32>
    %max3A_387 = arith.maximumf %min3A_380, %select_n3A_386 : vector<64x128xf32>
    %min3A_388 = arith.minimumf %min3A_379, %max3A_387 : vector<64x128xf32>
    %min3A_389 = arith.minimumf %min3A_380, %select_n3A_386 : vector<64x128xf32>
    %reduce_min3A = arith.constant dense<0x7F800000> : vector<64xf32>
    %reduce_min3A_390 = vector.multi_reduction <minimumf>, %min3A_389, %reduce_min3A [1] : vector<64x128xf32> to vector<64xf32>
    %broadcast_in_dim3A_391 = vector.shape_cast %reduce_min3A_390 : vector<64xf32> to vector<64x1xf32>
    %eq3A_392 = vector.broadcast %broadcast_in_dim3A_391 : vector<64x1xf32> to vector<64x128xf32>
    %eq3A_393 = arith.cmpf oeq, %min3A_389, %eq3A_392 : vector<64x128xf32>
    %convert_element_type3A = arith.extui %eq3A_393 : vector<64x128xi1> to vector<64x128xi32>
    %convert_element_type3A_394 = arith.sitofp %convert_element_type3A : vector<64x128xi32> to vector<64x128xf32>
    %reduce_sum3A = arith.constant dense<0.000000e+00> : vector<64xf32>
    %reduce_sum3A_395 = vector.multi_reduction <add>, %convert_element_type3A_394, %reduce_sum3A [1] : vector<64x128xf32> to vector<64xf32>
    %broadcast_in_dim3A_396 = vector.shape_cast %reduce_sum3A_395 : vector<64xf32> to vector<64x1xf32>
    %jit3A_397 = arith.constant 0x7F800000 : f32
    %broadcast_in_dim3A_398 = vector.broadcast %jit3A_397 : f32 to vector<64x128xf32>
    %select_n3A_399 = arith.select %eq3A_393, %broadcast_in_dim3A_398, %min3A_389 : vector<64x128xi1>, vector<64x128xf32>
    %reduce_min3A_400 = arith.constant dense<0x7F800000> : vector<64xf32>
    %reduce_min3A_401 = vector.multi_reduction <minimumf>, %select_n3A_399, %reduce_min3A_400 [1] : vector<64x128xf32> to vector<64xf32>
    %broadcast_in_dim3A_402 = vector.shape_cast %reduce_min3A_401 : vector<64xf32> to vector<64x1xf32>
    %jit3A_403 = arith.constant 0x7F800000 : f32
    %broadcast_in_dim3A_404 = vector.broadcast %jit3A_403 : f32 to vector<64x128xf32>
    %select_n3A_405 = arith.select %eq3A_393, %min3A_388, %broadcast_in_dim3A_404 : vector<64x128xi1>, vector<64x128xf32>
    %reduce_min3A_406 = arith.constant dense<0x7F800000> : vector<64xf32>
    %reduce_min3A_407 = vector.multi_reduction <minimumf>, %select_n3A_405, %reduce_min3A_406 [1] : vector<64x128xf32> to vector<64xf32>
    %broadcast_in_dim3A_408 = vector.shape_cast %reduce_min3A_407 : vector<64xf32> to vector<64x1xf32>
    %ge3A = arith.constant 2.000000e+00 : f32
    %ge3A_409 = vector.broadcast %ge3A : f32 to vector<64x1xf32>
    %ge3A_410 = arith.cmpf oge, %broadcast_in_dim3A_396, %ge3A_409 : vector<64x1xf32>
    %min3A_411 = arith.minimumf %broadcast_in_dim3A_402, %broadcast_in_dim3A_408 : vector<64x1xf32>
    %select_n3A_412 = arith.select %ge3A_410, %broadcast_in_dim3A_391, %min3A_411 : vector<64x1xi1>, vector<64x1xf32>
    %sub3A_413 = arith.subf %broadcast_in_dim3A_96, %select_n3A_412 : vector<64x1xf32>
    %add3A_414 = arith.constant 3.000000e-01 : f32
    %add3A_415 = vector.broadcast %add3A_414 : f32 to vector<64x1xf32>
    %add3A_416 = arith.addf %sub3A_413, %add3A_415 : vector<64x1xf32>
    %max3A_417 = arith.constant 0.000000e+00 : f32
    %max3A_418 = vector.broadcast %max3A_417 : f32 to vector<64x1xf32>
    %max3A_419 = arith.maximumf %add3A_416, %max3A_418 : vector<64x1xf32>
    %reduce_sum3A_420 = vector.shape_cast %max3A_419 : vector<64x1xf32> to vector<1x64x1xf32>
    %reduce_sum3A_421 = arith.constant dense<0.000000e+00> : vector<1xf32>
    %reduce_sum3A_422 = vector.multi_reduction <add>, %reduce_sum3A_420, %reduce_sum3A_421 [1, 2] : vector<1x64x1xf32> to vector<1xf32>
    %reduce_sum3A_423 = vector.shape_cast %reduce_sum3A_422 : vector<1xf32> to vector<1x1x1xf32>
    %reduce_sum3A_424 = vector.extract %reduce_sum3A_423[0, 0, 0] : f32 from vector<1x1x1xf32>
    %add3A_425 = arith.constant 0.000000e+00 : f32
    %add3A_426 = arith.addf %add3A_425, %reduce_sum3A_424 : f32
    %add3A_427 = arith.constant 0 : i32
    %add3A_428 = arith.addi %add3A_1, %add3A_427 : i32
    %jit3A_429 = arith.constant 128 : i32
    %div3A_430 = arith.divsi %add3A_428, %jit3A_429 : i32
    %sign3A_431 = arith.constant 0 : i32
    %sign3A_432 = arith.cmpi sgt, %add3A_428, %sign3A_431 : i32
    %sign3A_433 = arith.extui %sign3A_432 : i1 to i32
    %sign3A_434 = arith.constant 0 : i32
    %sign3A_435 = arith.cmpi slt, %add3A_428, %sign3A_434 : i32
    %sign3A_436 = arith.extui %sign3A_435 : i1 to i32
    %sign3A_437 = arith.subi %sign3A_433, %sign3A_436 : i32
    %sign3A_438 = arith.constant 0 : i32
    %sign3A_439 = arith.cmpi sgt, %jit3A_429, %sign3A_438 : i32
    %sign3A_440 = arith.extui %sign3A_439 : i1 to i32
    %sign3A_441 = arith.constant 0 : i32
    %sign3A_442 = arith.cmpi slt, %jit3A_429, %sign3A_441 : i32
    %sign3A_443 = arith.extui %sign3A_442 : i1 to i32
    %sign3A_444 = arith.subi %sign3A_440, %sign3A_443 : i32
    %ne3A_445 = arith.cmpi ne, %sign3A_437, %sign3A_444 : i32
    %rem3A_446 = arith.remsi %add3A_428, %jit3A_429 : i32
    %ne3A_447 = arith.constant 0 : i32
    %ne3A_448 = arith.cmpi ne, %rem3A_446, %ne3A_447 : i32
    %and3A_449 = arith.andi %ne3A_445, %ne3A_448 : i1
    %sub3A_450 = arith.constant 1 : i32
    %sub3A_451 = arith.subi %div3A_430, %sub3A_450 : i32
    %select_n3A_452 = arith.select %and3A_449, %sub3A_451, %div3A_430 : i32
    %add3A_453 = arith.constant 64 : i32
    %add3A_454 = arith.addi %add3A_1, %add3A_453 : i32
    %iota3A_455 = tpu.iota {dimensions = array<i32: 0>} : vector<64x128xi32>
    %add3A_456 = vector.broadcast %add3A_454 : i32 to vector<64x128xi32>
    %add3A_457 = arith.addi %add3A_456, %iota3A_455 : vector<64x128xi32>
    %iota3A_458 = tpu.iota {dimensions = array<i32: 1>} : vector<64x128xi32>
    %add3A_459 = vector.broadcast %add3A_428 : i32 to vector<64x128xi32>
    %add3A_460 = arith.addi %add3A_459, %iota3A_458 : vector<64x128xi32>
    %jit3A_461 = arith.constant 8 : i32
    %div3A_462 = vector.broadcast %jit3A_461 : i32 to vector<64x128xi32>
    %div3A_463 = arith.divsi %add3A_460, %div3A_462 : vector<64x128xi32>
    %sign3A_464 = arith.constant 0 : i32
    %sign3A_465 = vector.broadcast %sign3A_464 : i32 to vector<64x128xi32>
    %sign3A_466 = arith.cmpi sgt, %add3A_460, %sign3A_465 : vector<64x128xi32>
    %sign3A_467 = arith.extui %sign3A_466 : vector<64x128xi1> to vector<64x128xi32>
    %sign3A_468 = arith.constant 0 : i32
    %sign3A_469 = vector.broadcast %sign3A_468 : i32 to vector<64x128xi32>
    %sign3A_470 = arith.cmpi slt, %add3A_460, %sign3A_469 : vector<64x128xi32>
    %sign3A_471 = arith.extui %sign3A_470 : vector<64x128xi1> to vector<64x128xi32>
    %sign3A_472 = arith.subi %sign3A_467, %sign3A_471 : vector<64x128xi32>
    %sign3A_473 = arith.constant 0 : i32
    %sign3A_474 = arith.cmpi sgt, %jit3A_461, %sign3A_473 : i32
    %sign3A_475 = arith.extui %sign3A_474 : i1 to i32
    %sign3A_476 = arith.constant 0 : i32
    %sign3A_477 = arith.cmpi slt, %jit3A_461, %sign3A_476 : i32
    %sign3A_478 = arith.extui %sign3A_477 : i1 to i32
    %sign3A_479 = arith.subi %sign3A_475, %sign3A_478 : i32
    %ne3A_480 = vector.broadcast %sign3A_479 : i32 to vector<64x128xi32>
    %ne3A_481 = arith.cmpi ne, %sign3A_472, %ne3A_480 : vector<64x128xi32>
    %rem3A_482 = vector.broadcast %jit3A_461 : i32 to vector<64x128xi32>
    %rem3A_483 = arith.remsi %add3A_460, %rem3A_482 : vector<64x128xi32>
    %ne3A_484 = arith.constant 0 : i32
    %ne3A_485 = vector.broadcast %ne3A_484 : i32 to vector<64x128xi32>
    %ne3A_486 = arith.cmpi ne, %rem3A_483, %ne3A_485 : vector<64x128xi32>
    %and3A_487 = arith.andi %ne3A_481, %ne3A_486 : vector<64x128xi1>
    %sub3A_488 = arith.constant 1 : i32
    %sub3A_489 = vector.broadcast %sub3A_488 : i32 to vector<64x128xi32>
    %sub3A_490 = arith.subi %div3A_463, %sub3A_489 : vector<64x128xi32>
    %select_n3A_491 = arith.select %and3A_487, %sub3A_490, %div3A_463 : vector<64x128xi1>, vector<64x128xi32>
    %jit3A_492 = arith.constant 8 : i32
    %div3A_493 = vector.broadcast %jit3A_492 : i32 to vector<64x128xi32>
    %div3A_494 = arith.divsi %add3A_457, %div3A_493 : vector<64x128xi32>
    %sign3A_495 = arith.constant 0 : i32
    %sign3A_496 = vector.broadcast %sign3A_495 : i32 to vector<64x128xi32>
    %sign3A_497 = arith.cmpi sgt, %add3A_457, %sign3A_496 : vector<64x128xi32>
    %sign3A_498 = arith.extui %sign3A_497 : vector<64x128xi1> to vector<64x128xi32>
    %sign3A_499 = arith.constant 0 : i32
    %sign3A_500 = vector.broadcast %sign3A_499 : i32 to vector<64x128xi32>
    %sign3A_501 = arith.cmpi slt, %add3A_457, %sign3A_500 : vector<64x128xi32>
    %sign3A_502 = arith.extui %sign3A_501 : vector<64x128xi1> to vector<64x128xi32>
    %sign3A_503 = arith.subi %sign3A_498, %sign3A_502 : vector<64x128xi32>
    %sign3A_504 = arith.constant 0 : i32
    %sign3A_505 = arith.cmpi sgt, %jit3A_492, %sign3A_504 : i32
    %sign3A_506 = arith.extui %sign3A_505 : i1 to i32
    %sign3A_507 = arith.constant 0 : i32
    %sign3A_508 = arith.cmpi slt, %jit3A_492, %sign3A_507 : i32
    %sign3A_509 = arith.extui %sign3A_508 : i1 to i32
    %sign3A_510 = arith.subi %sign3A_506, %sign3A_509 : i32
    %ne3A_511 = vector.broadcast %sign3A_510 : i32 to vector<64x128xi32>
    %ne3A_512 = arith.cmpi ne, %sign3A_503, %ne3A_511 : vector<64x128xi32>
    %rem3A_513 = vector.broadcast %jit3A_492 : i32 to vector<64x128xi32>
    %rem3A_514 = arith.remsi %add3A_457, %rem3A_513 : vector<64x128xi32>
    %ne3A_515 = arith.constant 0 : i32
    %ne3A_516 = vector.broadcast %ne3A_515 : i32 to vector<64x128xi32>
    %ne3A_517 = arith.cmpi ne, %rem3A_514, %ne3A_516 : vector<64x128xi32>
    %and3A_518 = arith.andi %ne3A_512, %ne3A_517 : vector<64x128xi1>
    %sub3A_519 = arith.constant 1 : i32
    %sub3A_520 = vector.broadcast %sub3A_519 : i32 to vector<64x128xi32>
    %sub3A_521 = arith.subi %div3A_494, %sub3A_520 : vector<64x128xi32>
    %select_n3A_522 = arith.select %and3A_518, %sub3A_521, %div3A_494 : vector<64x128xi1>, vector<64x128xi32>
    %eq3A_523 = arith.cmpi eq, %select_n3A_491, %select_n3A_522 : vector<64x128xi32>
    %ne3A_524 = arith.cmpi ne, %add3A_460, %add3A_457 : vector<64x128xi32>
    %and3A_525 = arith.andi %eq3A_523, %ne3A_524 : vector<64x128xi1>
    %get3A_526 = arith.constant 64 : index
    %get3A_527 = arith.index_cast %add3A_428 : i32 to index
    %get3A_528 = vector.load %arg1[%get3A_526, %get3A_527] : memref<512x4096xf32, #tpu.memory_space<vmem>>, vector<64x128xf32>
    %jit3A_529 = arith.constant 0.000000e+00 : f32
    %broadcast_in_dim3A_530 = vector.broadcast %jit3A_529 : f32 to vector<64x128xf32>
    %select_n3A_531 = arith.select %and3A_525, %get3A_528, %broadcast_in_dim3A_530 : vector<64x128xi1>, vector<64x128xf32>
    %reduce_max3A_532 = arith.constant dense<0xFF800000> : vector<64xf32>
    %reduce_max3A_533 = vector.multi_reduction <maximumf>, %select_n3A_531, %reduce_max3A_532 [1] : vector<64x128xf32> to vector<64xf32>
    %broadcast_in_dim3A_534 = vector.shape_cast %reduce_max3A_533 : vector<64xf32> to vector<64x1xf32>
    %jit3A_535 = arith.constant 0x7F800000 : f32
    %broadcast_in_dim3A_536 = vector.broadcast %jit3A_535 : f32 to vector<64x128xf32>
    %select_n3A_537 = arith.select %and3A_525, %broadcast_in_dim3A_536, %get3A_528 : vector<64x128xi1>, vector<64x128xf32>
    %broadcast_in_dim3A_538 = arith.constant 0x7F800000 : f32
    %broadcast_in_dim3A_539 = vector.broadcast %broadcast_in_dim3A_538 : f32 to vector<64x128xf32>
    %broadcast_in_dim3A_540 = arith.constant 0x7F800000 : f32
    %broadcast_in_dim3A_541 = vector.broadcast %broadcast_in_dim3A_540 : f32 to vector<64x128xf32>
    %get3A_542 = arith.constant 64 : index
    %get3A_543 = arith.constant 0 : index
    %get3A_544 = vector.load %arg1[%get3A_542, %get3A_543] : memref<512x4096xf32, #tpu.memory_space<vmem>>, vector<64x128xf32>
    %eq3A_545 = arith.constant 0 : i32
    %eq3A_546 = arith.cmpi eq, %select_n3A_452, %eq3A_545 : i32
    %select_n3A_547 = arith.select %eq3A_546, %broadcast_in_dim3A_541, %get3A_544 : vector<64x128xf32>
    %max3A_548 = arith.maximumf %select_n3A_537, %select_n3A_547 : vector<64x128xf32>
    %min3A_549 = arith.minimumf %broadcast_in_dim3A_539, %max3A_548 : vector<64x128xf32>
    %min3A_550 = arith.minimumf %select_n3A_537, %select_n3A_547 : vector<64x128xf32>
    %get3A_551 = arith.constant 64 : index
    %get3A_552 = arith.constant 128 : index
    %get3A_553 = vector.load %arg1[%get3A_551, %get3A_552] : memref<512x4096xf32, #tpu.memory_space<vmem>>, vector<64x128xf32>
    %eq3A_554 = arith.constant 1 : i32
    %eq3A_555 = arith.cmpi eq, %select_n3A_452, %eq3A_554 : i32
    %select_n3A_556 = arith.select %eq3A_555, %broadcast_in_dim3A_541, %get3A_553 : vector<64x128xf32>
    %max3A_557 = arith.maximumf %min3A_550, %select_n3A_556 : vector<64x128xf32>
    %min3A_558 = arith.minimumf %min3A_549, %max3A_557 : vector<64x128xf32>
    %min3A_559 = arith.minimumf %min3A_550, %select_n3A_556 : vector<64x128xf32>
    %get3A_560 = arith.constant 64 : index
    %get3A_561 = arith.constant 256 : index
    %get3A_562 = vector.load %arg1[%get3A_560, %get3A_561] : memref<512x4096xf32, #tpu.memory_space<vmem>>, vector<64x128xf32>
    %eq3A_563 = arith.constant 2 : i32
    %eq3A_564 = arith.cmpi eq, %select_n3A_452, %eq3A_563 : i32
    %select_n3A_565 = arith.select %eq3A_564, %broadcast_in_dim3A_541, %get3A_562 : vector<64x128xf32>
    %max3A_566 = arith.maximumf %min3A_559, %select_n3A_565 : vector<64x128xf32>
    %min3A_567 = arith.minimumf %min3A_558, %max3A_566 : vector<64x128xf32>
    %min3A_568 = arith.minimumf %min3A_559, %select_n3A_565 : vector<64x128xf32>
    %get3A_569 = arith.constant 64 : index
    %get3A_570 = arith.constant 384 : index
    %get3A_571 = vector.load %arg1[%get3A_569, %get3A_570] : memref<512x4096xf32, #tpu.memory_space<vmem>>, vector<64x128xf32>
    %eq3A_572 = arith.constant 3 : i32
    %eq3A_573 = arith.cmpi eq, %select_n3A_452, %eq3A_572 : i32
    %select_n3A_574 = arith.select %eq3A_573, %broadcast_in_dim3A_541, %get3A_571 : vector<64x128xf32>
    %max3A_575 = arith.maximumf %min3A_568, %select_n3A_574 : vector<64x128xf32>
    %min3A_576 = arith.minimumf %min3A_567, %max3A_575 : vector<64x128xf32>
    %min3A_577 = arith.minimumf %min3A_568, %select_n3A_574 : vector<64x128xf32>
    %get3A_578 = arith.constant 64 : index
    %get3A_579 = arith.constant 512 : index
    %get3A_580 = vector.load %arg1[%get3A_578, %get3A_579] : memref<512x4096xf32, #tpu.memory_space<vmem>>, vector<64x128xf32>
    %eq3A_581 = arith.constant 4 : i32
    %eq3A_582 = arith.cmpi eq, %select_n3A_452, %eq3A_581 : i32
    %select_n3A_583 = arith.select %eq3A_582, %broadcast_in_dim3A_541, %get3A_580 : vector<64x128xf32>
    %max3A_584 = arith.maximumf %min3A_577, %select_n3A_583 : vector<64x128xf32>
    %min3A_585 = arith.minimumf %min3A_576, %max3A_584 : vector<64x128xf32>
    %min3A_586 = arith.minimumf %min3A_577, %select_n3A_583 : vector<64x128xf32>
    %get3A_587 = arith.constant 64 : index
    %get3A_588 = arith.constant 640 : index
    %get3A_589 = vector.load %arg1[%get3A_587, %get3A_588] : memref<512x4096xf32, #tpu.memory_space<vmem>>, vector<64x128xf32>
    %eq3A_590 = arith.constant 5 : i32
    %eq3A_591 = arith.cmpi eq, %select_n3A_452, %eq3A_590 : i32
    %select_n3A_592 = arith.select %eq3A_591, %broadcast_in_dim3A_541, %get3A_589 : vector<64x128xf32>
    %max3A_593 = arith.maximumf %min3A_586, %select_n3A_592 : vector<64x128xf32>
    %min3A_594 = arith.minimumf %min3A_585, %max3A_593 : vector<64x128xf32>
    %min3A_595 = arith.minimumf %min3A_586, %select_n3A_592 : vector<64x128xf32>
    %get3A_596 = arith.constant 64 : index
    %get3A_597 = arith.constant 768 : index
    %get3A_598 = vector.load %arg1[%get3A_596, %get3A_597] : memref<512x4096xf32, #tpu.memory_space<vmem>>, vector<64x128xf32>
    %eq3A_599 = arith.constant 6 : i32
    %eq3A_600 = arith.cmpi eq, %select_n3A_452, %eq3A_599 : i32
    %select_n3A_601 = arith.select %eq3A_600, %broadcast_in_dim3A_541, %get3A_598 : vector<64x128xf32>
    %max3A_602 = arith.maximumf %min3A_595, %select_n3A_601 : vector<64x128xf32>
    %min3A_603 = arith.minimumf %min3A_594, %max3A_602 : vector<64x128xf32>
    %min3A_604 = arith.minimumf %min3A_595, %select_n3A_601 : vector<64x128xf32>
    %get3A_605 = arith.constant 64 : index
    %get3A_606 = arith.constant 896 : index
    %get3A_607 = vector.load %arg1[%get3A_605, %get3A_606] : memref<512x4096xf32, #tpu.memory_space<vmem>>, vector<64x128xf32>
    %eq3A_608 = arith.constant 7 : i32
    %eq3A_609 = arith.cmpi eq, %select_n3A_452, %eq3A_608 : i32
    %select_n3A_610 = arith.select %eq3A_609, %broadcast_in_dim3A_541, %get3A_607 : vector<64x128xf32>
    %max3A_611 = arith.maximumf %min3A_604, %select_n3A_610 : vector<64x128xf32>
    %min3A_612 = arith.minimumf %min3A_603, %max3A_611 : vector<64x128xf32>
    %min3A_613 = arith.minimumf %min3A_604, %select_n3A_610 : vector<64x128xf32>
    %get3A_614 = arith.constant 64 : index
    %get3A_615 = arith.constant 1024 : index
    %get3A_616 = vector.load %arg1[%get3A_614, %get3A_615] : memref<512x4096xf32, #tpu.memory_space<vmem>>, vector<64x128xf32>
    %eq3A_617 = arith.constant 8 : i32
    %eq3A_618 = arith.cmpi eq, %select_n3A_452, %eq3A_617 : i32
    %select_n3A_619 = arith.select %eq3A_618, %broadcast_in_dim3A_541, %get3A_616 : vector<64x128xf32>
    %max3A_620 = arith.maximumf %min3A_613, %select_n3A_619 : vector<64x128xf32>
    %min3A_621 = arith.minimumf %min3A_612, %max3A_620 : vector<64x128xf32>
    %min3A_622 = arith.minimumf %min3A_613, %select_n3A_619 : vector<64x128xf32>
    %get3A_623 = arith.constant 64 : index
    %get3A_624 = arith.constant 1152 : index
    %get3A_625 = vector.load %arg1[%get3A_623, %get3A_624] : memref<512x4096xf32, #tpu.memory_space<vmem>>, vector<64x128xf32>
    %eq3A_626 = arith.constant 9 : i32
    %eq3A_627 = arith.cmpi eq, %select_n3A_452, %eq3A_626 : i32
    %select_n3A_628 = arith.select %eq3A_627, %broadcast_in_dim3A_541, %get3A_625 : vector<64x128xf32>
    %max3A_629 = arith.maximumf %min3A_622, %select_n3A_628 : vector<64x128xf32>
    %min3A_630 = arith.minimumf %min3A_621, %max3A_629 : vector<64x128xf32>
    %min3A_631 = arith.minimumf %min3A_622, %select_n3A_628 : vector<64x128xf32>
    %get3A_632 = arith.constant 64 : index
    %get3A_633 = arith.constant 1280 : index
    %get3A_634 = vector.load %arg1[%get3A_632, %get3A_633] : memref<512x4096xf32, #tpu.memory_space<vmem>>, vector<64x128xf32>
    %eq3A_635 = arith.constant 10 : i32
    %eq3A_636 = arith.cmpi eq, %select_n3A_452, %eq3A_635 : i32
    %select_n3A_637 = arith.select %eq3A_636, %broadcast_in_dim3A_541, %get3A_634 : vector<64x128xf32>
    %max3A_638 = arith.maximumf %min3A_631, %select_n3A_637 : vector<64x128xf32>
    %min3A_639 = arith.minimumf %min3A_630, %max3A_638 : vector<64x128xf32>
    %min3A_640 = arith.minimumf %min3A_631, %select_n3A_637 : vector<64x128xf32>
    %get3A_641 = arith.constant 64 : index
    %get3A_642 = arith.constant 1408 : index
    %get3A_643 = vector.load %arg1[%get3A_641, %get3A_642] : memref<512x4096xf32, #tpu.memory_space<vmem>>, vector<64x128xf32>
    %eq3A_644 = arith.constant 11 : i32
    %eq3A_645 = arith.cmpi eq, %select_n3A_452, %eq3A_644 : i32
    %select_n3A_646 = arith.select %eq3A_645, %broadcast_in_dim3A_541, %get3A_643 : vector<64x128xf32>
    %max3A_647 = arith.maximumf %min3A_640, %select_n3A_646 : vector<64x128xf32>
    %min3A_648 = arith.minimumf %min3A_639, %max3A_647 : vector<64x128xf32>
    %min3A_649 = arith.minimumf %min3A_640, %select_n3A_646 : vector<64x128xf32>
    %get3A_650 = arith.constant 64 : index
    %get3A_651 = arith.constant 1536 : index
    %get3A_652 = vector.load %arg1[%get3A_650, %get3A_651] : memref<512x4096xf32, #tpu.memory_space<vmem>>, vector<64x128xf32>
    %eq3A_653 = arith.constant 12 : i32
    %eq3A_654 = arith.cmpi eq, %select_n3A_452, %eq3A_653 : i32
    %select_n3A_655 = arith.select %eq3A_654, %broadcast_in_dim3A_541, %get3A_652 : vector<64x128xf32>
    %max3A_656 = arith.maximumf %min3A_649, %select_n3A_655 : vector<64x128xf32>
    %min3A_657 = arith.minimumf %min3A_648, %max3A_656 : vector<64x128xf32>
    %min3A_658 = arith.minimumf %min3A_649, %select_n3A_655 : vector<64x128xf32>
    %get3A_659 = arith.constant 64 : index
    %get3A_660 = arith.constant 1664 : index
    %get3A_661 = vector.load %arg1[%get3A_659, %get3A_660] : memref<512x4096xf32, #tpu.memory_space<vmem>>, vector<64x128xf32>
    %eq3A_662 = arith.constant 13 : i32
    %eq3A_663 = arith.cmpi eq, %select_n3A_452, %eq3A_662 : i32
    %select_n3A_664 = arith.select %eq3A_663, %broadcast_in_dim3A_541, %get3A_661 : vector<64x128xf32>
    %max3A_665 = arith.maximumf %min3A_658, %select_n3A_664 : vector<64x128xf32>
    %min3A_666 = arith.minimumf %min3A_657, %max3A_665 : vector<64x128xf32>
    %min3A_667 = arith.minimumf %min3A_658, %select_n3A_664 : vector<64x128xf32>
    %get3A_668 = arith.constant 64 : index
    %get3A_669 = arith.constant 1792 : index
    %get3A_670 = vector.load %arg1[%get3A_668, %get3A_669] : memref<512x4096xf32, #tpu.memory_space<vmem>>, vector<64x128xf32>
    %eq3A_671 = arith.constant 14 : i32
    %eq3A_672 = arith.cmpi eq, %select_n3A_452, %eq3A_671 : i32
    %select_n3A_673 = arith.select %eq3A_672, %broadcast_in_dim3A_541, %get3A_670 : vector<64x128xf32>
    %max3A_674 = arith.maximumf %min3A_667, %select_n3A_673 : vector<64x128xf32>
    %min3A_675 = arith.minimumf %min3A_666, %max3A_674 : vector<64x128xf32>
    %min3A_676 = arith.minimumf %min3A_667, %select_n3A_673 : vector<64x128xf32>
    %get3A_677 = arith.constant 64 : index
    %get3A_678 = arith.constant 1920 : index
    %get3A_679 = vector.load %arg1[%get3A_677, %get3A_678] : memref<512x4096xf32, #tpu.memory_space<vmem>>, vector<64x128xf32>
    %eq3A_680 = arith.constant 15 : i32
    %eq3A_681 = arith.cmpi eq, %select_n3A_452, %eq3A_680 : i32
    %select_n3A_682 = arith.select %eq3A_681, %broadcast_in_dim3A_541, %get3A_679 : vector<64x128xf32>
    %max3A_683 = arith.maximumf %min3A_676, %select_n3A_682 : vector<64x128xf32>
    %min3A_684 = arith.minimumf %min3A_675, %max3A_683 : vector<64x128xf32>
    %min3A_685 = arith.minimumf %min3A_676, %select_n3A_682 : vector<64x128xf32>
    %get3A_686 = arith.constant 64 : index
    %get3A_687 = arith.constant 2048 : index
    %get3A_688 = vector.load %arg1[%get3A_686, %get3A_687] : memref<512x4096xf32, #tpu.memory_space<vmem>>, vector<64x128xf32>
    %eq3A_689 = arith.constant 16 : i32
    %eq3A_690 = arith.cmpi eq, %select_n3A_452, %eq3A_689 : i32
    %select_n3A_691 = arith.select %eq3A_690, %broadcast_in_dim3A_541, %get3A_688 : vector<64x128xf32>
    %max3A_692 = arith.maximumf %min3A_685, %select_n3A_691 : vector<64x128xf32>
    %min3A_693 = arith.minimumf %min3A_684, %max3A_692 : vector<64x128xf32>
    %min3A_694 = arith.minimumf %min3A_685, %select_n3A_691 : vector<64x128xf32>
    %get3A_695 = arith.constant 64 : index
    %get3A_696 = arith.constant 2176 : index
    %get3A_697 = vector.load %arg1[%get3A_695, %get3A_696] : memref<512x4096xf32, #tpu.memory_space<vmem>>, vector<64x128xf32>
    %eq3A_698 = arith.constant 17 : i32
    %eq3A_699 = arith.cmpi eq, %select_n3A_452, %eq3A_698 : i32
    %select_n3A_700 = arith.select %eq3A_699, %broadcast_in_dim3A_541, %get3A_697 : vector<64x128xf32>
    %max3A_701 = arith.maximumf %min3A_694, %select_n3A_700 : vector<64x128xf32>
    %min3A_702 = arith.minimumf %min3A_693, %max3A_701 : vector<64x128xf32>
    %min3A_703 = arith.minimumf %min3A_694, %select_n3A_700 : vector<64x128xf32>
    %get3A_704 = arith.constant 64 : index
    %get3A_705 = arith.constant 2304 : index
    %get3A_706 = vector.load %arg1[%get3A_704, %get3A_705] : memref<512x4096xf32, #tpu.memory_space<vmem>>, vector<64x128xf32>
    %eq3A_707 = arith.constant 18 : i32
    %eq3A_708 = arith.cmpi eq, %select_n3A_452, %eq3A_707 : i32
    %select_n3A_709 = arith.select %eq3A_708, %broadcast_in_dim3A_541, %get3A_706 : vector<64x128xf32>
    %max3A_710 = arith.maximumf %min3A_703, %select_n3A_709 : vector<64x128xf32>
    %min3A_711 = arith.minimumf %min3A_702, %max3A_710 : vector<64x128xf32>
    %min3A_712 = arith.minimumf %min3A_703, %select_n3A_709 : vector<64x128xf32>
    %get3A_713 = arith.constant 64 : index
    %get3A_714 = arith.constant 2432 : index
    %get3A_715 = vector.load %arg1[%get3A_713, %get3A_714] : memref<512x4096xf32, #tpu.memory_space<vmem>>, vector<64x128xf32>
    %eq3A_716 = arith.constant 19 : i32
    %eq3A_717 = arith.cmpi eq, %select_n3A_452, %eq3A_716 : i32
    %select_n3A_718 = arith.select %eq3A_717, %broadcast_in_dim3A_541, %get3A_715 : vector<64x128xf32>
    %max3A_719 = arith.maximumf %min3A_712, %select_n3A_718 : vector<64x128xf32>
    %min3A_720 = arith.minimumf %min3A_711, %max3A_719 : vector<64x128xf32>
    %min3A_721 = arith.minimumf %min3A_712, %select_n3A_718 : vector<64x128xf32>
    %get3A_722 = arith.constant 64 : index
    %get3A_723 = arith.constant 2560 : index
    %get3A_724 = vector.load %arg1[%get3A_722, %get3A_723] : memref<512x4096xf32, #tpu.memory_space<vmem>>, vector<64x128xf32>
    %eq3A_725 = arith.constant 20 : i32
    %eq3A_726 = arith.cmpi eq, %select_n3A_452, %eq3A_725 : i32
    %select_n3A_727 = arith.select %eq3A_726, %broadcast_in_dim3A_541, %get3A_724 : vector<64x128xf32>
    %max3A_728 = arith.maximumf %min3A_721, %select_n3A_727 : vector<64x128xf32>
    %min3A_729 = arith.minimumf %min3A_720, %max3A_728 : vector<64x128xf32>
    %min3A_730 = arith.minimumf %min3A_721, %select_n3A_727 : vector<64x128xf32>
    %get3A_731 = arith.constant 64 : index
    %get3A_732 = arith.constant 2688 : index
    %get3A_733 = vector.load %arg1[%get3A_731, %get3A_732] : memref<512x4096xf32, #tpu.memory_space<vmem>>, vector<64x128xf32>
    %eq3A_734 = arith.constant 21 : i32
    %eq3A_735 = arith.cmpi eq, %select_n3A_452, %eq3A_734 : i32
    %select_n3A_736 = arith.select %eq3A_735, %broadcast_in_dim3A_541, %get3A_733 : vector<64x128xf32>
    %max3A_737 = arith.maximumf %min3A_730, %select_n3A_736 : vector<64x128xf32>
    %min3A_738 = arith.minimumf %min3A_729, %max3A_737 : vector<64x128xf32>
    %min3A_739 = arith.minimumf %min3A_730, %select_n3A_736 : vector<64x128xf32>
    %get3A_740 = arith.constant 64 : index
    %get3A_741 = arith.constant 2816 : index
    %get3A_742 = vector.load %arg1[%get3A_740, %get3A_741] : memref<512x4096xf32, #tpu.memory_space<vmem>>, vector<64x128xf32>
    %eq3A_743 = arith.constant 22 : i32
    %eq3A_744 = arith.cmpi eq, %select_n3A_452, %eq3A_743 : i32
    %select_n3A_745 = arith.select %eq3A_744, %broadcast_in_dim3A_541, %get3A_742 : vector<64x128xf32>
    %max3A_746 = arith.maximumf %min3A_739, %select_n3A_745 : vector<64x128xf32>
    %min3A_747 = arith.minimumf %min3A_738, %max3A_746 : vector<64x128xf32>
    %min3A_748 = arith.minimumf %min3A_739, %select_n3A_745 : vector<64x128xf32>
    %get3A_749 = arith.constant 64 : index
    %get3A_750 = arith.constant 2944 : index
    %get3A_751 = vector.load %arg1[%get3A_749, %get3A_750] : memref<512x4096xf32, #tpu.memory_space<vmem>>, vector<64x128xf32>
    %eq3A_752 = arith.constant 23 : i32
    %eq3A_753 = arith.cmpi eq, %select_n3A_452, %eq3A_752 : i32
    %select_n3A_754 = arith.select %eq3A_753, %broadcast_in_dim3A_541, %get3A_751 : vector<64x128xf32>
    %max3A_755 = arith.maximumf %min3A_748, %select_n3A_754 : vector<64x128xf32>
    %min3A_756 = arith.minimumf %min3A_747, %max3A_755 : vector<64x128xf32>
    %min3A_757 = arith.minimumf %min3A_748, %select_n3A_754 : vector<64x128xf32>
    %get3A_758 = arith.constant 64 : index
    %get3A_759 = arith.constant 3072 : index
    %get3A_760 = vector.load %arg1[%get3A_758, %get3A_759] : memref<512x4096xf32, #tpu.memory_space<vmem>>, vector<64x128xf32>
    %eq3A_761 = arith.constant 24 : i32
    %eq3A_762 = arith.cmpi eq, %select_n3A_452, %eq3A_761 : i32
    %select_n3A_763 = arith.select %eq3A_762, %broadcast_in_dim3A_541, %get3A_760 : vector<64x128xf32>
    %max3A_764 = arith.maximumf %min3A_757, %select_n3A_763 : vector<64x128xf32>
    %min3A_765 = arith.minimumf %min3A_756, %max3A_764 : vector<64x128xf32>
    %min3A_766 = arith.minimumf %min3A_757, %select_n3A_763 : vector<64x128xf32>
    %get3A_767 = arith.constant 64 : index
    %get3A_768 = arith.constant 3200 : index
    %get3A_769 = vector.load %arg1[%get3A_767, %get3A_768] : memref<512x4096xf32, #tpu.memory_space<vmem>>, vector<64x128xf32>
    %eq3A_770 = arith.constant 25 : i32
    %eq3A_771 = arith.cmpi eq, %select_n3A_452, %eq3A_770 : i32
    %select_n3A_772 = arith.select %eq3A_771, %broadcast_in_dim3A_541, %get3A_769 : vector<64x128xf32>
    %max3A_773 = arith.maximumf %min3A_766, %select_n3A_772 : vector<64x128xf32>
    %min3A_774 = arith.minimumf %min3A_765, %max3A_773 : vector<64x128xf32>
    %min3A_775 = arith.minimumf %min3A_766, %select_n3A_772 : vector<64x128xf32>
    %get3A_776 = arith.constant 64 : index
    %get3A_777 = arith.constant 3328 : index
    %get3A_778 = vector.load %arg1[%get3A_776, %get3A_777] : memref<512x4096xf32, #tpu.memory_space<vmem>>, vector<64x128xf32>
    %eq3A_779 = arith.constant 26 : i32
    %eq3A_780 = arith.cmpi eq, %select_n3A_452, %eq3A_779 : i32
    %select_n3A_781 = arith.select %eq3A_780, %broadcast_in_dim3A_541, %get3A_778 : vector<64x128xf32>
    %max3A_782 = arith.maximumf %min3A_775, %select_n3A_781 : vector<64x128xf32>
    %min3A_783 = arith.minimumf %min3A_774, %max3A_782 : vector<64x128xf32>
    %min3A_784 = arith.minimumf %min3A_775, %select_n3A_781 : vector<64x128xf32>
    %get3A_785 = arith.constant 64 : index
    %get3A_786 = arith.constant 3456 : index
    %get3A_787 = vector.load %arg1[%get3A_785, %get3A_786] : memref<512x4096xf32, #tpu.memory_space<vmem>>, vector<64x128xf32>
    %eq3A_788 = arith.constant 27 : i32
    %eq3A_789 = arith.cmpi eq, %select_n3A_452, %eq3A_788 : i32
    %select_n3A_790 = arith.select %eq3A_789, %broadcast_in_dim3A_541, %get3A_787 : vector<64x128xf32>
    %max3A_791 = arith.maximumf %min3A_784, %select_n3A_790 : vector<64x128xf32>
    %min3A_792 = arith.minimumf %min3A_783, %max3A_791 : vector<64x128xf32>
    %min3A_793 = arith.minimumf %min3A_784, %select_n3A_790 : vector<64x128xf32>
    %get3A_794 = arith.constant 64 : index
    %get3A_795 = arith.constant 3584 : index
    %get3A_796 = vector.load %arg1[%get3A_794, %get3A_795] : memref<512x4096xf32, #tpu.memory_space<vmem>>, vector<64x128xf32>
    %eq3A_797 = arith.constant 28 : i32
    %eq3A_798 = arith.cmpi eq, %select_n3A_452, %eq3A_797 : i32
    %select_n3A_799 = arith.select %eq3A_798, %broadcast_in_dim3A_541, %get3A_796 : vector<64x128xf32>
    %max3A_800 = arith.maximumf %min3A_793, %select_n3A_799 : vector<64x128xf32>
    %min3A_801 = arith.minimumf %min3A_792, %max3A_800 : vector<64x128xf32>
    %min3A_802 = arith.minimumf %min3A_793, %select_n3A_799 : vector<64x128xf32>
    %get3A_803 = arith.constant 64 : index
    %get3A_804 = arith.constant 3712 : index
    %get3A_805 = vector.load %arg1[%get3A_803, %get3A_804] : memref<512x4096xf32, #tpu.memory_space<vmem>>, vector<64x128xf32>
    %eq3A_806 = arith.constant 29 : i32
    %eq3A_807 = arith.cmpi eq, %select_n3A_452, %eq3A_806 : i32
    %select_n3A_808 = arith.select %eq3A_807, %broadcast_in_dim3A_541, %get3A_805 : vector<64x128xf32>
    %max3A_809 = arith.maximumf %min3A_802, %select_n3A_808 : vector<64x128xf32>
    %min3A_810 = arith.minimumf %min3A_801, %max3A_809 : vector<64x128xf32>
    %min3A_811 = arith.minimumf %min3A_802, %select_n3A_808 : vector<64x128xf32>
    %get3A_812 = arith.constant 64 : index
    %get3A_813 = arith.constant 3840 : index
    %get3A_814 = vector.load %arg1[%get3A_812, %get3A_813] : memref<512x4096xf32, #tpu.memory_space<vmem>>, vector<64x128xf32>
    %eq3A_815 = arith.constant 30 : i32
    %eq3A_816 = arith.cmpi eq, %select_n3A_452, %eq3A_815 : i32
    %select_n3A_817 = arith.select %eq3A_816, %broadcast_in_dim3A_541, %get3A_814 : vector<64x128xf32>
    %max3A_818 = arith.maximumf %min3A_811, %select_n3A_817 : vector<64x128xf32>
    %min3A_819 = arith.minimumf %min3A_810, %max3A_818 : vector<64x128xf32>
    %min3A_820 = arith.minimumf %min3A_811, %select_n3A_817 : vector<64x128xf32>
    %get3A_821 = arith.constant 64 : index
    %get3A_822 = arith.constant 3968 : index
    %get3A_823 = vector.load %arg1[%get3A_821, %get3A_822] : memref<512x4096xf32, #tpu.memory_space<vmem>>, vector<64x128xf32>
    %eq3A_824 = arith.constant 31 : i32
    %eq3A_825 = arith.cmpi eq, %select_n3A_452, %eq3A_824 : i32
    %select_n3A_826 = arith.select %eq3A_825, %broadcast_in_dim3A_541, %get3A_823 : vector<64x128xf32>
    %max3A_827 = arith.maximumf %min3A_820, %select_n3A_826 : vector<64x128xf32>
    %min3A_828 = arith.minimumf %min3A_819, %max3A_827 : vector<64x128xf32>
    %min3A_829 = arith.minimumf %min3A_820, %select_n3A_826 : vector<64x128xf32>
    %reduce_min3A_830 = arith.constant dense<0x7F800000> : vector<64xf32>
    %reduce_min3A_831 = vector.multi_reduction <minimumf>, %min3A_829, %reduce_min3A_830 [1] : vector<64x128xf32> to vector<64xf32>
    %broadcast_in_dim3A_832 = vector.shape_cast %reduce_min3A_831 : vector<64xf32> to vector<64x1xf32>
    %eq3A_833 = vector.broadcast %broadcast_in_dim3A_832 : vector<64x1xf32> to vector<64x128xf32>
    %eq3A_834 = arith.cmpf oeq, %min3A_829, %eq3A_833 : vector<64x128xf32>
    %convert_element_type3A_835 = arith.extui %eq3A_834 : vector<64x128xi1> to vector<64x128xi32>
    %convert_element_type3A_836 = arith.sitofp %convert_element_type3A_835 : vector<64x128xi32> to vector<64x128xf32>
    %reduce_sum3A_837 = arith.constant dense<0.000000e+00> : vector<64xf32>
    %reduce_sum3A_838 = vector.multi_reduction <add>, %convert_element_type3A_836, %reduce_sum3A_837 [1] : vector<64x128xf32> to vector<64xf32>
    %broadcast_in_dim3A_839 = vector.shape_cast %reduce_sum3A_838 : vector<64xf32> to vector<64x1xf32>
    %jit3A_840 = arith.constant 0x7F800000 : f32
    %broadcast_in_dim3A_841 = vector.broadcast %jit3A_840 : f32 to vector<64x128xf32>
    %select_n3A_842 = arith.select %eq3A_834, %broadcast_in_dim3A_841, %min3A_829 : vector<64x128xi1>, vector<64x128xf32>
    %reduce_min3A_843 = arith.constant dense<0x7F800000> : vector<64xf32>
    %reduce_min3A_844 = vector.multi_reduction <minimumf>, %select_n3A_842, %reduce_min3A_843 [1] : vector<64x128xf32> to vector<64xf32>
    %broadcast_in_dim3A_845 = vector.shape_cast %reduce_min3A_844 : vector<64xf32> to vector<64x1xf32>
    %jit3A_846 = arith.constant 0x7F800000 : f32
    %broadcast_in_dim3A_847 = vector.broadcast %jit3A_846 : f32 to vector<64x128xf32>
    %select_n3A_848 = arith.select %eq3A_834, %min3A_828, %broadcast_in_dim3A_847 : vector<64x128xi1>, vector<64x128xf32>
    %reduce_min3A_849 = arith.constant dense<0x7F800000> : vector<64xf32>
    %reduce_min3A_850 = vector.multi_reduction <minimumf>, %select_n3A_848, %reduce_min3A_849 [1] : vector<64x128xf32> to vector<64xf32>
    %broadcast_in_dim3A_851 = vector.shape_cast %reduce_min3A_850 : vector<64xf32> to vector<64x1xf32>
    %ge3A_852 = arith.constant 2.000000e+00 : f32
    %ge3A_853 = vector.broadcast %ge3A_852 : f32 to vector<64x1xf32>
    %ge3A_854 = arith.cmpf oge, %broadcast_in_dim3A_839, %ge3A_853 : vector<64x1xf32>
    %min3A_855 = arith.minimumf %broadcast_in_dim3A_845, %broadcast_in_dim3A_851 : vector<64x1xf32>
    %select_n3A_856 = arith.select %ge3A_854, %broadcast_in_dim3A_832, %min3A_855 : vector<64x1xi1>, vector<64x1xf32>
    %sub3A_857 = arith.subf %broadcast_in_dim3A_534, %select_n3A_856 : vector<64x1xf32>
    %add3A_858 = arith.constant 3.000000e-01 : f32
    %add3A_859 = vector.broadcast %add3A_858 : f32 to vector<64x1xf32>
    %add3A_860 = arith.addf %sub3A_857, %add3A_859 : vector<64x1xf32>
    %max3A_861 = arith.constant 0.000000e+00 : f32
    %max3A_862 = vector.broadcast %max3A_861 : f32 to vector<64x1xf32>
    %max3A_863 = arith.maximumf %add3A_860, %max3A_862 : vector<64x1xf32>
    %reduce_sum3A_864 = vector.shape_cast %max3A_863 : vector<64x1xf32> to vector<1x64x1xf32>
    %reduce_sum3A_865 = arith.constant dense<0.000000e+00> : vector<1xf32>
    %reduce_sum3A_866 = vector.multi_reduction <add>, %reduce_sum3A_864, %reduce_sum3A_865 [1, 2] : vector<1x64x1xf32> to vector<1xf32>
    %reduce_sum3A_867 = vector.shape_cast %reduce_sum3A_866 : vector<1xf32> to vector<1x1x1xf32>
    %reduce_sum3A_868 = vector.extract %reduce_sum3A_867[0, 0, 0] : f32 from vector<1x1x1xf32>
    %add3A_869 = arith.addf %add3A_426, %reduce_sum3A_868 : f32
    %add3A_870 = arith.constant 128 : i32
    %add3A_871 = arith.addi %add3A_1, %add3A_870 : i32
    %jit3A_872 = arith.constant 128 : i32
    %div3A_873 = arith.divsi %add3A_871, %jit3A_872 : i32
    %sign3A_874 = arith.constant 0 : i32
    %sign3A_875 = arith.cmpi sgt, %add3A_871, %sign3A_874 : i32
    %sign3A_876 = arith.extui %sign3A_875 : i1 to i32
    %sign3A_877 = arith.constant 0 : i32
    %sign3A_878 = arith.cmpi slt, %add3A_871, %sign3A_877 : i32
    %sign3A_879 = arith.extui %sign3A_878 : i1 to i32
    %sign3A_880 = arith.subi %sign3A_876, %sign3A_879 : i32
    %sign3A_881 = arith.constant 0 : i32
    %sign3A_882 = arith.cmpi sgt, %jit3A_872, %sign3A_881 : i32
    %sign3A_883 = arith.extui %sign3A_882 : i1 to i32
    %sign3A_884 = arith.constant 0 : i32
    %sign3A_885 = arith.cmpi slt, %jit3A_872, %sign3A_884 : i32
    %sign3A_886 = arith.extui %sign3A_885 : i1 to i32
    %sign3A_887 = arith.subi %sign3A_883, %sign3A_886 : i32
    %ne3A_888 = arith.cmpi ne, %sign3A_880, %sign3A_887 : i32
    %rem3A_889 = arith.remsi %add3A_871, %jit3A_872 : i32
    %ne3A_890 = arith.constant 0 : i32
    %ne3A_891 = arith.cmpi ne, %rem3A_889, %ne3A_890 : i32
    %and3A_892 = arith.andi %ne3A_888, %ne3A_891 : i1
    %sub3A_893 = arith.constant 1 : i32
    %sub3A_894 = arith.subi %div3A_873, %sub3A_893 : i32
    %select_n3A_895 = arith.select %and3A_892, %sub3A_894, %div3A_873 : i32
    %add3A_896 = arith.constant 128 : i32
    %add3A_897 = arith.addi %add3A_1, %add3A_896 : i32
    %iota3A_898 = tpu.iota {dimensions = array<i32: 0>} : vector<64x128xi32>
    %add3A_899 = vector.broadcast %add3A_897 : i32 to vector<64x128xi32>
    %add3A_900 = arith.addi %add3A_899, %iota3A_898 : vector<64x128xi32>
    %iota3A_901 = tpu.iota {dimensions = array<i32: 1>} : vector<64x128xi32>
    %add3A_902 = vector.broadcast %add3A_871 : i32 to vector<64x128xi32>
    %add3A_903 = arith.addi %add3A_902, %iota3A_901 : vector<64x128xi32>
    %jit3A_904 = arith.constant 8 : i32
    %div3A_905 = vector.broadcast %jit3A_904 : i32 to vector<64x128xi32>
    %div3A_906 = arith.divsi %add3A_903, %div3A_905 : vector<64x128xi32>
    %sign3A_907 = arith.constant 0 : i32
    %sign3A_908 = vector.broadcast %sign3A_907 : i32 to vector<64x128xi32>
    %sign3A_909 = arith.cmpi sgt, %add3A_903, %sign3A_908 : vector<64x128xi32>
    %sign3A_910 = arith.extui %sign3A_909 : vector<64x128xi1> to vector<64x128xi32>
    %sign3A_911 = arith.constant 0 : i32
    %sign3A_912 = vector.broadcast %sign3A_911 : i32 to vector<64x128xi32>
    %sign3A_913 = arith.cmpi slt, %add3A_903, %sign3A_912 : vector<64x128xi32>
    %sign3A_914 = arith.extui %sign3A_913 : vector<64x128xi1> to vector<64x128xi32>
    %sign3A_915 = arith.subi %sign3A_910, %sign3A_914 : vector<64x128xi32>
    %sign3A_916 = arith.constant 0 : i32
    %sign3A_917 = arith.cmpi sgt, %jit3A_904, %sign3A_916 : i32
    %sign3A_918 = arith.extui %sign3A_917 : i1 to i32
    %sign3A_919 = arith.constant 0 : i32
    %sign3A_920 = arith.cmpi slt, %jit3A_904, %sign3A_919 : i32
    %sign3A_921 = arith.extui %sign3A_920 : i1 to i32
    %sign3A_922 = arith.subi %sign3A_918, %sign3A_921 : i32
    %ne3A_923 = vector.broadcast %sign3A_922 : i32 to vector<64x128xi32>
    %ne3A_924 = arith.cmpi ne, %sign3A_915, %ne3A_923 : vector<64x128xi32>
    %rem3A_925 = vector.broadcast %jit3A_904 : i32 to vector<64x128xi32>
    %rem3A_926 = arith.remsi %add3A_903, %rem3A_925 : vector<64x128xi32>
    %ne3A_927 = arith.constant 0 : i32
    %ne3A_928 = vector.broadcast %ne3A_927 : i32 to vector<64x128xi32>
    %ne3A_929 = arith.cmpi ne, %rem3A_926, %ne3A_928 : vector<64x128xi32>
    %and3A_930 = arith.andi %ne3A_924, %ne3A_929 : vector<64x128xi1>
    %sub3A_931 = arith.constant 1 : i32
    %sub3A_932 = vector.broadcast %sub3A_931 : i32 to vector<64x128xi32>
    %sub3A_933 = arith.subi %div3A_906, %sub3A_932 : vector<64x128xi32>
    %select_n3A_934 = arith.select %and3A_930, %sub3A_933, %div3A_906 : vector<64x128xi1>, vector<64x128xi32>
    %jit3A_935 = arith.constant 8 : i32
    %div3A_936 = vector.broadcast %jit3A_935 : i32 to vector<64x128xi32>
    %div3A_937 = arith.divsi %add3A_900, %div3A_936 : vector<64x128xi32>
    %sign3A_938 = arith.constant 0 : i32
    %sign3A_939 = vector.broadcast %sign3A_938 : i32 to vector<64x128xi32>
    %sign3A_940 = arith.cmpi sgt, %add3A_900, %sign3A_939 : vector<64x128xi32>
    %sign3A_941 = arith.extui %sign3A_940 : vector<64x128xi1> to vector<64x128xi32>
    %sign3A_942 = arith.constant 0 : i32
    %sign3A_943 = vector.broadcast %sign3A_942 : i32 to vector<64x128xi32>
    %sign3A_944 = arith.cmpi slt, %add3A_900, %sign3A_943 : vector<64x128xi32>
    %sign3A_945 = arith.extui %sign3A_944 : vector<64x128xi1> to vector<64x128xi32>
    %sign3A_946 = arith.subi %sign3A_941, %sign3A_945 : vector<64x128xi32>
    %sign3A_947 = arith.constant 0 : i32
    %sign3A_948 = arith.cmpi sgt, %jit3A_935, %sign3A_947 : i32
    %sign3A_949 = arith.extui %sign3A_948 : i1 to i32
    %sign3A_950 = arith.constant 0 : i32
    %sign3A_951 = arith.cmpi slt, %jit3A_935, %sign3A_950 : i32
    %sign3A_952 = arith.extui %sign3A_951 : i1 to i32
    %sign3A_953 = arith.subi %sign3A_949, %sign3A_952 : i32
    %ne3A_954 = vector.broadcast %sign3A_953 : i32 to vector<64x128xi32>
    %ne3A_955 = arith.cmpi ne, %sign3A_946, %ne3A_954 : vector<64x128xi32>
    %rem3A_956 = vector.broadcast %jit3A_935 : i32 to vector<64x128xi32>
    %rem3A_957 = arith.remsi %add3A_900, %rem3A_956 : vector<64x128xi32>
    %ne3A_958 = arith.constant 0 : i32
    %ne3A_959 = vector.broadcast %ne3A_958 : i32 to vector<64x128xi32>
    %ne3A_960 = arith.cmpi ne, %rem3A_957, %ne3A_959 : vector<64x128xi32>
    %and3A_961 = arith.andi %ne3A_955, %ne3A_960 : vector<64x128xi1>
    %sub3A_962 = arith.constant 1 : i32
    %sub3A_963 = vector.broadcast %sub3A_962 : i32 to vector<64x128xi32>
    %sub3A_964 = arith.subi %div3A_937, %sub3A_963 : vector<64x128xi32>
    %select_n3A_965 = arith.select %and3A_961, %sub3A_964, %div3A_937 : vector<64x128xi1>, vector<64x128xi32>
    %eq3A_966 = arith.cmpi eq, %select_n3A_934, %select_n3A_965 : vector<64x128xi32>
    %ne3A_967 = arith.cmpi ne, %add3A_903, %add3A_900 : vector<64x128xi32>
    %and3A_968 = arith.andi %eq3A_966, %ne3A_967 : vector<64x128xi1>
    %get3A_969 = arith.constant 128 : index
    %get3A_970 = arith.index_cast %add3A_871 : i32 to index
    %get3A_971 = vector.load %arg1[%get3A_969, %get3A_970] : memref<512x4096xf32, #tpu.memory_space<vmem>>, vector<64x128xf32>
    %jit3A_972 = arith.constant 0.000000e+00 : f32
    %broadcast_in_dim3A_973 = vector.broadcast %jit3A_972 : f32 to vector<64x128xf32>
    %select_n3A_974 = arith.select %and3A_968, %get3A_971, %broadcast_in_dim3A_973 : vector<64x128xi1>, vector<64x128xf32>
    %reduce_max3A_975 = arith.constant dense<0xFF800000> : vector<64xf32>
    %reduce_max3A_976 = vector.multi_reduction <maximumf>, %select_n3A_974, %reduce_max3A_975 [1] : vector<64x128xf32> to vector<64xf32>
    %broadcast_in_dim3A_977 = vector.shape_cast %reduce_max3A_976 : vector<64xf32> to vector<64x1xf32>
    %jit3A_978 = arith.constant 0x7F800000 : f32
    %broadcast_in_dim3A_979 = vector.broadcast %jit3A_978 : f32 to vector<64x128xf32>
    %select_n3A_980 = arith.select %and3A_968, %broadcast_in_dim3A_979, %get3A_971 : vector<64x128xi1>, vector<64x128xf32>
    %broadcast_in_dim3A_981 = arith.constant 0x7F800000 : f32
    %broadcast_in_dim3A_982 = vector.broadcast %broadcast_in_dim3A_981 : f32 to vector<64x128xf32>
    %broadcast_in_dim3A_983 = arith.constant 0x7F800000 : f32
    %broadcast_in_dim3A_984 = vector.broadcast %broadcast_in_dim3A_983 : f32 to vector<64x128xf32>
    %get3A_985 = arith.constant 128 : index
    %get3A_986 = arith.constant 0 : index
    %get3A_987 = vector.load %arg1[%get3A_985, %get3A_986] : memref<512x4096xf32, #tpu.memory_space<vmem>>, vector<64x128xf32>
    %eq3A_988 = arith.constant 0 : i32
    %eq3A_989 = arith.cmpi eq, %select_n3A_895, %eq3A_988 : i32
    %select_n3A_990 = arith.select %eq3A_989, %broadcast_in_dim3A_984, %get3A_987 : vector<64x128xf32>
    %max3A_991 = arith.maximumf %select_n3A_980, %select_n3A_990 : vector<64x128xf32>
    %min3A_992 = arith.minimumf %broadcast_in_dim3A_982, %max3A_991 : vector<64x128xf32>
    %min3A_993 = arith.minimumf %select_n3A_980, %select_n3A_990 : vector<64x128xf32>
    %get3A_994 = arith.constant 128 : index
    %get3A_995 = arith.constant 128 : index
    %get3A_996 = vector.load %arg1[%get3A_994, %get3A_995] : memref<512x4096xf32, #tpu.memory_space<vmem>>, vector<64x128xf32>
    %eq3A_997 = arith.constant 1 : i32
    %eq3A_998 = arith.cmpi eq, %select_n3A_895, %eq3A_997 : i32
    %select_n3A_999 = arith.select %eq3A_998, %broadcast_in_dim3A_984, %get3A_996 : vector<64x128xf32>
    %max3A_1000 = arith.maximumf %min3A_993, %select_n3A_999 : vector<64x128xf32>
    %min3A_1001 = arith.minimumf %min3A_992, %max3A_1000 : vector<64x128xf32>
    %min3A_1002 = arith.minimumf %min3A_993, %select_n3A_999 : vector<64x128xf32>
    %get3A_1003 = arith.constant 128 : index
    %get3A_1004 = arith.constant 256 : index
    %get3A_1005 = vector.load %arg1[%get3A_1003, %get3A_1004] : memref<512x4096xf32, #tpu.memory_space<vmem>>, vector<64x128xf32>
    %eq3A_1006 = arith.constant 2 : i32
    %eq3A_1007 = arith.cmpi eq, %select_n3A_895, %eq3A_1006 : i32
    %select_n3A_1008 = arith.select %eq3A_1007, %broadcast_in_dim3A_984, %get3A_1005 : vector<64x128xf32>
    %max3A_1009 = arith.maximumf %min3A_1002, %select_n3A_1008 : vector<64x128xf32>
    %min3A_1010 = arith.minimumf %min3A_1001, %max3A_1009 : vector<64x128xf32>
    %min3A_1011 = arith.minimumf %min3A_1002, %select_n3A_1008 : vector<64x128xf32>
    %get3A_1012 = arith.constant 128 : index
    %get3A_1013 = arith.constant 384 : index
    %get3A_1014 = vector.load %arg1[%get3A_1012, %get3A_1013] : memref<512x4096xf32, #tpu.memory_space<vmem>>, vector<64x128xf32>
    %eq3A_1015 = arith.constant 3 : i32
    %eq3A_1016 = arith.cmpi eq, %select_n3A_895, %eq3A_1015 : i32
    %select_n3A_1017 = arith.select %eq3A_1016, %broadcast_in_dim3A_984, %get3A_1014 : vector<64x128xf32>
    %max3A_1018 = arith.maximumf %min3A_1011, %select_n3A_1017 : vector<64x128xf32>
    %min3A_1019 = arith.minimumf %min3A_1010, %max3A_1018 : vector<64x128xf32>
    %min3A_1020 = arith.minimumf %min3A_1011, %select_n3A_1017 : vector<64x128xf32>
    %get3A_1021 = arith.constant 128 : index
    %get3A_1022 = arith.constant 512 : index
    %get3A_1023 = vector.load %arg1[%get3A_1021, %get3A_1022] : memref<512x4096xf32, #tpu.memory_space<vmem>>, vector<64x128xf32>
    %eq3A_1024 = arith.constant 4 : i32
    %eq3A_1025 = arith.cmpi eq, %select_n3A_895, %eq3A_1024 : i32
    %select_n3A_1026 = arith.select %eq3A_1025, %broadcast_in_dim3A_984, %get3A_1023 : vector<64x128xf32>
    %max3A_1027 = arith.maximumf %min3A_1020, %select_n3A_1026 : vector<64x128xf32>
    %min3A_1028 = arith.minimumf %min3A_1019, %max3A_1027 : vector<64x128xf32>
    %min3A_1029 = arith.minimumf %min3A_1020, %select_n3A_1026 : vector<64x128xf32>
    %get3A_1030 = arith.constant 128 : index
    %get3A_1031 = arith.constant 640 : index
    %get3A_1032 = vector.load %arg1[%get3A_1030, %get3A_1031] : memref<512x4096xf32, #tpu.memory_space<vmem>>, vector<64x128xf32>
    %eq3A_1033 = arith.constant 5 : i32
    %eq3A_1034 = arith.cmpi eq, %select_n3A_895, %eq3A_1033 : i32
    %select_n3A_1035 = arith.select %eq3A_1034, %broadcast_in_dim3A_984, %get3A_1032 : vector<64x128xf32>
    %max3A_1036 = arith.maximumf %min3A_1029, %select_n3A_1035 : vector<64x128xf32>
    %min3A_1037 = arith.minimumf %min3A_1028, %max3A_1036 : vector<64x128xf32>
    %min3A_1038 = arith.minimumf %min3A_1029, %select_n3A_1035 : vector<64x128xf32>
    %get3A_1039 = arith.constant 128 : index
    %get3A_1040 = arith.constant 768 : index
    %get3A_1041 = vector.load %arg1[%get3A_1039, %get3A_1040] : memref<512x4096xf32, #tpu.memory_space<vmem>>, vector<64x128xf32>
    %eq3A_1042 = arith.constant 6 : i32
    %eq3A_1043 = arith.cmpi eq, %select_n3A_895, %eq3A_1042 : i32
    %select_n3A_1044 = arith.select %eq3A_1043, %broadcast_in_dim3A_984, %get3A_1041 : vector<64x128xf32>
    %max3A_1045 = arith.maximumf %min3A_1038, %select_n3A_1044 : vector<64x128xf32>
    %min3A_1046 = arith.minimumf %min3A_1037, %max3A_1045 : vector<64x128xf32>
    %min3A_1047 = arith.minimumf %min3A_1038, %select_n3A_1044 : vector<64x128xf32>
    %get3A_1048 = arith.constant 128 : index
    %get3A_1049 = arith.constant 896 : index
    %get3A_1050 = vector.load %arg1[%get3A_1048, %get3A_1049] : memref<512x4096xf32, #tpu.memory_space<vmem>>, vector<64x128xf32>
    %eq3A_1051 = arith.constant 7 : i32
    %eq3A_1052 = arith.cmpi eq, %select_n3A_895, %eq3A_1051 : i32
    %select_n3A_1053 = arith.select %eq3A_1052, %broadcast_in_dim3A_984, %get3A_1050 : vector<64x128xf32>
    %max3A_1054 = arith.maximumf %min3A_1047, %select_n3A_1053 : vector<64x128xf32>
    %min3A_1055 = arith.minimumf %min3A_1046, %max3A_1054 : vector<64x128xf32>
    %min3A_1056 = arith.minimumf %min3A_1047, %select_n3A_1053 : vector<64x128xf32>
    %get3A_1057 = arith.constant 128 : index
    %get3A_1058 = arith.constant 1024 : index
    %get3A_1059 = vector.load %arg1[%get3A_1057, %get3A_1058] : memref<512x4096xf32, #tpu.memory_space<vmem>>, vector<64x128xf32>
    %eq3A_1060 = arith.constant 8 : i32
    %eq3A_1061 = arith.cmpi eq, %select_n3A_895, %eq3A_1060 : i32
    %select_n3A_1062 = arith.select %eq3A_1061, %broadcast_in_dim3A_984, %get3A_1059 : vector<64x128xf32>
    %max3A_1063 = arith.maximumf %min3A_1056, %select_n3A_1062 : vector<64x128xf32>
    %min3A_1064 = arith.minimumf %min3A_1055, %max3A_1063 : vector<64x128xf32>
    %min3A_1065 = arith.minimumf %min3A_1056, %select_n3A_1062 : vector<64x128xf32>
    %get3A_1066 = arith.constant 128 : index
    %get3A_1067 = arith.constant 1152 : index
    %get3A_1068 = vector.load %arg1[%get3A_1066, %get3A_1067] : memref<512x4096xf32, #tpu.memory_space<vmem>>, vector<64x128xf32>
    %eq3A_1069 = arith.constant 9 : i32
    %eq3A_1070 = arith.cmpi eq, %select_n3A_895, %eq3A_1069 : i32
    %select_n3A_1071 = arith.select %eq3A_1070, %broadcast_in_dim3A_984, %get3A_1068 : vector<64x128xf32>
    %max3A_1072 = arith.maximumf %min3A_1065, %select_n3A_1071 : vector<64x128xf32>
    %min3A_1073 = arith.minimumf %min3A_1064, %max3A_1072 : vector<64x128xf32>
    %min3A_1074 = arith.minimumf %min3A_1065, %select_n3A_1071 : vector<64x128xf32>
    %get3A_1075 = arith.constant 128 : index
    %get3A_1076 = arith.constant 1280 : index
    %get3A_1077 = vector.load %arg1[%get3A_1075, %get3A_1076] : memref<512x4096xf32, #tpu.memory_space<vmem>>, vector<64x128xf32>
    %eq3A_1078 = arith.constant 10 : i32
    %eq3A_1079 = arith.cmpi eq, %select_n3A_895, %eq3A_1078 : i32
    %select_n3A_1080 = arith.select %eq3A_1079, %broadcast_in_dim3A_984, %get3A_1077 : vector<64x128xf32>
    %max3A_1081 = arith.maximumf %min3A_1074, %select_n3A_1080 : vector<64x128xf32>
    %min3A_1082 = arith.minimumf %min3A_1073, %max3A_1081 : vector<64x128xf32>
    %min3A_1083 = arith.minimumf %min3A_1074, %select_n3A_1080 : vector<64x128xf32>
    %get3A_1084 = arith.constant 128 : index
    %get3A_1085 = arith.constant 1408 : index
    %get3A_1086 = vector.load %arg1[%get3A_1084, %get3A_1085] : memref<512x4096xf32, #tpu.memory_space<vmem>>, vector<64x128xf32>
    %eq3A_1087 = arith.constant 11 : i32
    %eq3A_1088 = arith.cmpi eq, %select_n3A_895, %eq3A_1087 : i32
    %select_n3A_1089 = arith.select %eq3A_1088, %broadcast_in_dim3A_984, %get3A_1086 : vector<64x128xf32>
    %max3A_1090 = arith.maximumf %min3A_1083, %select_n3A_1089 : vector<64x128xf32>
    %min3A_1091 = arith.minimumf %min3A_1082, %max3A_1090 : vector<64x128xf32>
    %min3A_1092 = arith.minimumf %min3A_1083, %select_n3A_1089 : vector<64x128xf32>
    %get3A_1093 = arith.constant 128 : index
    %get3A_1094 = arith.constant 1536 : index
    %get3A_1095 = vector.load %arg1[%get3A_1093, %get3A_1094] : memref<512x4096xf32, #tpu.memory_space<vmem>>, vector<64x128xf32>
    %eq3A_1096 = arith.constant 12 : i32
    %eq3A_1097 = arith.cmpi eq, %select_n3A_895, %eq3A_1096 : i32
    %select_n3A_1098 = arith.select %eq3A_1097, %broadcast_in_dim3A_984, %get3A_1095 : vector<64x128xf32>
    %max3A_1099 = arith.maximumf %min3A_1092, %select_n3A_1098 : vector<64x128xf32>
    %min3A_1100 = arith.minimumf %min3A_1091, %max3A_1099 : vector<64x128xf32>
    %min3A_1101 = arith.minimumf %min3A_1092, %select_n3A_1098 : vector<64x128xf32>
    %get3A_1102 = arith.constant 128 : index
    %get3A_1103 = arith.constant 1664 : index
    %get3A_1104 = vector.load %arg1[%get3A_1102, %get3A_1103] : memref<512x4096xf32, #tpu.memory_space<vmem>>, vector<64x128xf32>
    %eq3A_1105 = arith.constant 13 : i32
    %eq3A_1106 = arith.cmpi eq, %select_n3A_895, %eq3A_1105 : i32
    %select_n3A_1107 = arith.select %eq3A_1106, %broadcast_in_dim3A_984, %get3A_1104 : vector<64x128xf32>
    %max3A_1108 = arith.maximumf %min3A_1101, %select_n3A_1107 : vector<64x128xf32>
    %min3A_1109 = arith.minimumf %min3A_1100, %max3A_1108 : vector<64x128xf32>
    %min3A_1110 = arith.minimumf %min3A_1101, %select_n3A_1107 : vector<64x128xf32>
    %get3A_1111 = arith.constant 128 : index
    %get3A_1112 = arith.constant 1792 : index
    %get3A_1113 = vector.load %arg1[%get3A_1111, %get3A_1112] : memref<512x4096xf32, #tpu.memory_space<vmem>>, vector<64x128xf32>
    %eq3A_1114 = arith.constant 14 : i32
    %eq3A_1115 = arith.cmpi eq, %select_n3A_895, %eq3A_1114 : i32
    %select_n3A_1116 = arith.select %eq3A_1115, %broadcast_in_dim3A_984, %get3A_1113 : vector<64x128xf32>
    %max3A_1117 = arith.maximumf %min3A_1110, %select_n3A_1116 : vector<64x128xf32>
    %min3A_1118 = arith.minimumf %min3A_1109, %max3A_1117 : vector<64x128xf32>
    %min3A_1119 = arith.minimumf %min3A_1110, %select_n3A_1116 : vector<64x128xf32>
    %get3A_1120 = arith.constant 128 : index
    %get3A_1121 = arith.constant 1920 : index
    %get3A_1122 = vector.load %arg1[%get3A_1120, %get3A_1121] : memref<512x4096xf32, #tpu.memory_space<vmem>>, vector<64x128xf32>
    %eq3A_1123 = arith.constant 15 : i32
    %eq3A_1124 = arith.cmpi eq, %select_n3A_895, %eq3A_1123 : i32
    %select_n3A_1125 = arith.select %eq3A_1124, %broadcast_in_dim3A_984, %get3A_1122 : vector<64x128xf32>
    %max3A_1126 = arith.maximumf %min3A_1119, %select_n3A_1125 : vector<64x128xf32>
    %min3A_1127 = arith.minimumf %min3A_1118, %max3A_1126 : vector<64x128xf32>
    %min3A_1128 = arith.minimumf %min3A_1119, %select_n3A_1125 : vector<64x128xf32>
    %get3A_1129 = arith.constant 128 : index
    %get3A_1130 = arith.constant 2048 : index
    %get3A_1131 = vector.load %arg1[%get3A_1129, %get3A_1130] : memref<512x4096xf32, #tpu.memory_space<vmem>>, vector<64x128xf32>
    %eq3A_1132 = arith.constant 16 : i32
    %eq3A_1133 = arith.cmpi eq, %select_n3A_895, %eq3A_1132 : i32
    %select_n3A_1134 = arith.select %eq3A_1133, %broadcast_in_dim3A_984, %get3A_1131 : vector<64x128xf32>
    %max3A_1135 = arith.maximumf %min3A_1128, %select_n3A_1134 : vector<64x128xf32>
    %min3A_1136 = arith.minimumf %min3A_1127, %max3A_1135 : vector<64x128xf32>
    %min3A_1137 = arith.minimumf %min3A_1128, %select_n3A_1134 : vector<64x128xf32>
    %get3A_1138 = arith.constant 128 : index
    %get3A_1139 = arith.constant 2176 : index
    %get3A_1140 = vector.load %arg1[%get3A_1138, %get3A_1139] : memref<512x4096xf32, #tpu.memory_space<vmem>>, vector<64x128xf32>
    %eq3A_1141 = arith.constant 17 : i32
    %eq3A_1142 = arith.cmpi eq, %select_n3A_895, %eq3A_1141 : i32
    %select_n3A_1143 = arith.select %eq3A_1142, %broadcast_in_dim3A_984, %get3A_1140 : vector<64x128xf32>
    %max3A_1144 = arith.maximumf %min3A_1137, %select_n3A_1143 : vector<64x128xf32>
    %min3A_1145 = arith.minimumf %min3A_1136, %max3A_1144 : vector<64x128xf32>
    %min3A_1146 = arith.minimumf %min3A_1137, %select_n3A_1143 : vector<64x128xf32>
    %get3A_1147 = arith.constant 128 : index
    %get3A_1148 = arith.constant 2304 : index
    %get3A_1149 = vector.load %arg1[%get3A_1147, %get3A_1148] : memref<512x4096xf32, #tpu.memory_space<vmem>>, vector<64x128xf32>
    %eq3A_1150 = arith.constant 18 : i32
    %eq3A_1151 = arith.cmpi eq, %select_n3A_895, %eq3A_1150 : i32
    %select_n3A_1152 = arith.select %eq3A_1151, %broadcast_in_dim3A_984, %get3A_1149 : vector<64x128xf32>
    %max3A_1153 = arith.maximumf %min3A_1146, %select_n3A_1152 : vector<64x128xf32>
    %min3A_1154 = arith.minimumf %min3A_1145, %max3A_1153 : vector<64x128xf32>
    %min3A_1155 = arith.minimumf %min3A_1146, %select_n3A_1152 : vector<64x128xf32>
    %get3A_1156 = arith.constant 128 : index
    %get3A_1157 = arith.constant 2432 : index
    %get3A_1158 = vector.load %arg1[%get3A_1156, %get3A_1157] : memref<512x4096xf32, #tpu.memory_space<vmem>>, vector<64x128xf32>
    %eq3A_1159 = arith.constant 19 : i32
    %eq3A_1160 = arith.cmpi eq, %select_n3A_895, %eq3A_1159 : i32
    %select_n3A_1161 = arith.select %eq3A_1160, %broadcast_in_dim3A_984, %get3A_1158 : vector<64x128xf32>
    %max3A_1162 = arith.maximumf %min3A_1155, %select_n3A_1161 : vector<64x128xf32>
    %min3A_1163 = arith.minimumf %min3A_1154, %max3A_1162 : vector<64x128xf32>
    %min3A_1164 = arith.minimumf %min3A_1155, %select_n3A_1161 : vector<64x128xf32>
    %get3A_1165 = arith.constant 128 : index
    %get3A_1166 = arith.constant 2560 : index
    %get3A_1167 = vector.load %arg1[%get3A_1165, %get3A_1166] : memref<512x4096xf32, #tpu.memory_space<vmem>>, vector<64x128xf32>
    %eq3A_1168 = arith.constant 20 : i32
    %eq3A_1169 = arith.cmpi eq, %select_n3A_895, %eq3A_1168 : i32
    %select_n3A_1170 = arith.select %eq3A_1169, %broadcast_in_dim3A_984, %get3A_1167 : vector<64x128xf32>
    %max3A_1171 = arith.maximumf %min3A_1164, %select_n3A_1170 : vector<64x128xf32>
    %min3A_1172 = arith.minimumf %min3A_1163, %max3A_1171 : vector<64x128xf32>
    %min3A_1173 = arith.minimumf %min3A_1164, %select_n3A_1170 : vector<64x128xf32>
    %get3A_1174 = arith.constant 128 : index
    %get3A_1175 = arith.constant 2688 : index
    %get3A_1176 = vector.load %arg1[%get3A_1174, %get3A_1175] : memref<512x4096xf32, #tpu.memory_space<vmem>>, vector<64x128xf32>
    %eq3A_1177 = arith.constant 21 : i32
    %eq3A_1178 = arith.cmpi eq, %select_n3A_895, %eq3A_1177 : i32
    %select_n3A_1179 = arith.select %eq3A_1178, %broadcast_in_dim3A_984, %get3A_1176 : vector<64x128xf32>
    %max3A_1180 = arith.maximumf %min3A_1173, %select_n3A_1179 : vector<64x128xf32>
    %min3A_1181 = arith.minimumf %min3A_1172, %max3A_1180 : vector<64x128xf32>
    %min3A_1182 = arith.minimumf %min3A_1173, %select_n3A_1179 : vector<64x128xf32>
    %get3A_1183 = arith.constant 128 : index
    %get3A_1184 = arith.constant 2816 : index
    %get3A_1185 = vector.load %arg1[%get3A_1183, %get3A_1184] : memref<512x4096xf32, #tpu.memory_space<vmem>>, vector<64x128xf32>
    %eq3A_1186 = arith.constant 22 : i32
    %eq3A_1187 = arith.cmpi eq, %select_n3A_895, %eq3A_1186 : i32
    %select_n3A_1188 = arith.select %eq3A_1187, %broadcast_in_dim3A_984, %get3A_1185 : vector<64x128xf32>
    %max3A_1189 = arith.maximumf %min3A_1182, %select_n3A_1188 : vector<64x128xf32>
    %min3A_1190 = arith.minimumf %min3A_1181, %max3A_1189 : vector<64x128xf32>
    %min3A_1191 = arith.minimumf %min3A_1182, %select_n3A_1188 : vector<64x128xf32>
    %get3A_1192 = arith.constant 128 : index
    %get3A_1193 = arith.constant 2944 : index
    %get3A_1194 = vector.load %arg1[%get3A_1192, %get3A_1193] : memref<512x4096xf32, #tpu.memory_space<vmem>>, vector<64x128xf32>
    %eq3A_1195 = arith.constant 23 : i32
    %eq3A_1196 = arith.cmpi eq, %select_n3A_895, %eq3A_1195 : i32
    %select_n3A_1197 = arith.select %eq3A_1196, %broadcast_in_dim3A_984, %get3A_1194 : vector<64x128xf32>
    %max3A_1198 = arith.maximumf %min3A_1191, %select_n3A_1197 : vector<64x128xf32>
    %min3A_1199 = arith.minimumf %min3A_1190, %max3A_1198 : vector<64x128xf32>
    %min3A_1200 = arith.minimumf %min3A_1191, %select_n3A_1197 : vector<64x128xf32>
    %get3A_1201 = arith.constant 128 : index
    %get3A_1202 = arith.constant 3072 : index
    %get3A_1203 = vector.load %arg1[%get3A_1201, %get3A_1202] : memref<512x4096xf32, #tpu.memory_space<vmem>>, vector<64x128xf32>
    %eq3A_1204 = arith.constant 24 : i32
    %eq3A_1205 = arith.cmpi eq, %select_n3A_895, %eq3A_1204 : i32
    %select_n3A_1206 = arith.select %eq3A_1205, %broadcast_in_dim3A_984, %get3A_1203 : vector<64x128xf32>
    %max3A_1207 = arith.maximumf %min3A_1200, %select_n3A_1206 : vector<64x128xf32>
    %min3A_1208 = arith.minimumf %min3A_1199, %max3A_1207 : vector<64x128xf32>
    %min3A_1209 = arith.minimumf %min3A_1200, %select_n3A_1206 : vector<64x128xf32>
    %get3A_1210 = arith.constant 128 : index
    %get3A_1211 = arith.constant 3200 : index
    %get3A_1212 = vector.load %arg1[%get3A_1210, %get3A_1211] : memref<512x4096xf32, #tpu.memory_space<vmem>>, vector<64x128xf32>
    %eq3A_1213 = arith.constant 25 : i32
    %eq3A_1214 = arith.cmpi eq, %select_n3A_895, %eq3A_1213 : i32
    %select_n3A_1215 = arith.select %eq3A_1214, %broadcast_in_dim3A_984, %get3A_1212 : vector<64x128xf32>
    %max3A_1216 = arith.maximumf %min3A_1209, %select_n3A_1215 : vector<64x128xf32>
    %min3A_1217 = arith.minimumf %min3A_1208, %max3A_1216 : vector<64x128xf32>
    %min3A_1218 = arith.minimumf %min3A_1209, %select_n3A_1215 : vector<64x128xf32>
    %get3A_1219 = arith.constant 128 : index
    %get3A_1220 = arith.constant 3328 : index
    %get3A_1221 = vector.load %arg1[%get3A_1219, %get3A_1220] : memref<512x4096xf32, #tpu.memory_space<vmem>>, vector<64x128xf32>
    %eq3A_1222 = arith.constant 26 : i32
    %eq3A_1223 = arith.cmpi eq, %select_n3A_895, %eq3A_1222 : i32
    %select_n3A_1224 = arith.select %eq3A_1223, %broadcast_in_dim3A_984, %get3A_1221 : vector<64x128xf32>
    %max3A_1225 = arith.maximumf %min3A_1218, %select_n3A_1224 : vector<64x128xf32>
    %min3A_1226 = arith.minimumf %min3A_1217, %max3A_1225 : vector<64x128xf32>
    %min3A_1227 = arith.minimumf %min3A_1218, %select_n3A_1224 : vector<64x128xf32>
    %get3A_1228 = arith.constant 128 : index
    %get3A_1229 = arith.constant 3456 : index
    %get3A_1230 = vector.load %arg1[%get3A_1228, %get3A_1229] : memref<512x4096xf32, #tpu.memory_space<vmem>>, vector<64x128xf32>
    %eq3A_1231 = arith.constant 27 : i32
    %eq3A_1232 = arith.cmpi eq, %select_n3A_895, %eq3A_1231 : i32
    %select_n3A_1233 = arith.select %eq3A_1232, %broadcast_in_dim3A_984, %get3A_1230 : vector<64x128xf32>
    %max3A_1234 = arith.maximumf %min3A_1227, %select_n3A_1233 : vector<64x128xf32>
    %min3A_1235 = arith.minimumf %min3A_1226, %max3A_1234 : vector<64x128xf32>
    %min3A_1236 = arith.minimumf %min3A_1227, %select_n3A_1233 : vector<64x128xf32>
    %get3A_1237 = arith.constant 128 : index
    %get3A_1238 = arith.constant 3584 : index
    %get3A_1239 = vector.load %arg1[%get3A_1237, %get3A_1238] : memref<512x4096xf32, #tpu.memory_space<vmem>>, vector<64x128xf32>
    %eq3A_1240 = arith.constant 28 : i32
    %eq3A_1241 = arith.cmpi eq, %select_n3A_895, %eq3A_1240 : i32
    %select_n3A_1242 = arith.select %eq3A_1241, %broadcast_in_dim3A_984, %get3A_1239 : vector<64x128xf32>
    %max3A_1243 = arith.maximumf %min3A_1236, %select_n3A_1242 : vector<64x128xf32>
    %min3A_1244 = arith.minimumf %min3A_1235, %max3A_1243 : vector<64x128xf32>
    %min3A_1245 = arith.minimumf %min3A_1236, %select_n3A_1242 : vector<64x128xf32>
    %get3A_1246 = arith.constant 128 : index
    %get3A_1247 = arith.constant 3712 : index
    %get3A_1248 = vector.load %arg1[%get3A_1246, %get3A_1247] : memref<512x4096xf32, #tpu.memory_space<vmem>>, vector<64x128xf32>
    %eq3A_1249 = arith.constant 29 : i32
    %eq3A_1250 = arith.cmpi eq, %select_n3A_895, %eq3A_1249 : i32
    %select_n3A_1251 = arith.select %eq3A_1250, %broadcast_in_dim3A_984, %get3A_1248 : vector<64x128xf32>
    %max3A_1252 = arith.maximumf %min3A_1245, %select_n3A_1251 : vector<64x128xf32>
    %min3A_1253 = arith.minimumf %min3A_1244, %max3A_1252 : vector<64x128xf32>
    %min3A_1254 = arith.minimumf %min3A_1245, %select_n3A_1251 : vector<64x128xf32>
    %get3A_1255 = arith.constant 128 : index
    %get3A_1256 = arith.constant 3840 : index
    %get3A_1257 = vector.load %arg1[%get3A_1255, %get3A_1256] : memref<512x4096xf32, #tpu.memory_space<vmem>>, vector<64x128xf32>
    %eq3A_1258 = arith.constant 30 : i32
    %eq3A_1259 = arith.cmpi eq, %select_n3A_895, %eq3A_1258 : i32
    %select_n3A_1260 = arith.select %eq3A_1259, %broadcast_in_dim3A_984, %get3A_1257 : vector<64x128xf32>
    %max3A_1261 = arith.maximumf %min3A_1254, %select_n3A_1260 : vector<64x128xf32>
    %min3A_1262 = arith.minimumf %min3A_1253, %max3A_1261 : vector<64x128xf32>
    %min3A_1263 = arith.minimumf %min3A_1254, %select_n3A_1260 : vector<64x128xf32>
    %get3A_1264 = arith.constant 128 : index
    %get3A_1265 = arith.constant 3968 : index
    %get3A_1266 = vector.load %arg1[%get3A_1264, %get3A_1265] : memref<512x4096xf32, #tpu.memory_space<vmem>>, vector<64x128xf32>
    %eq3A_1267 = arith.constant 31 : i32
    %eq3A_1268 = arith.cmpi eq, %select_n3A_895, %eq3A_1267 : i32
    %select_n3A_1269 = arith.select %eq3A_1268, %broadcast_in_dim3A_984, %get3A_1266 : vector<64x128xf32>
    %max3A_1270 = arith.maximumf %min3A_1263, %select_n3A_1269 : vector<64x128xf32>
    %min3A_1271 = arith.minimumf %min3A_1262, %max3A_1270 : vector<64x128xf32>
    %min3A_1272 = arith.minimumf %min3A_1263, %select_n3A_1269 : vector<64x128xf32>
    %reduce_min3A_1273 = arith.constant dense<0x7F800000> : vector<64xf32>
    %reduce_min3A_1274 = vector.multi_reduction <minimumf>, %min3A_1272, %reduce_min3A_1273 [1] : vector<64x128xf32> to vector<64xf32>
    %broadcast_in_dim3A_1275 = vector.shape_cast %reduce_min3A_1274 : vector<64xf32> to vector<64x1xf32>
    %eq3A_1276 = vector.broadcast %broadcast_in_dim3A_1275 : vector<64x1xf32> to vector<64x128xf32>
    %eq3A_1277 = arith.cmpf oeq, %min3A_1272, %eq3A_1276 : vector<64x128xf32>
    %convert_element_type3A_1278 = arith.extui %eq3A_1277 : vector<64x128xi1> to vector<64x128xi32>
    %convert_element_type3A_1279 = arith.sitofp %convert_element_type3A_1278 : vector<64x128xi32> to vector<64x128xf32>
    %reduce_sum3A_1280 = arith.constant dense<0.000000e+00> : vector<64xf32>
    %reduce_sum3A_1281 = vector.multi_reduction <add>, %convert_element_type3A_1279, %reduce_sum3A_1280 [1] : vector<64x128xf32> to vector<64xf32>
    %broadcast_in_dim3A_1282 = vector.shape_cast %reduce_sum3A_1281 : vector<64xf32> to vector<64x1xf32>
    %jit3A_1283 = arith.constant 0x7F800000 : f32
    %broadcast_in_dim3A_1284 = vector.broadcast %jit3A_1283 : f32 to vector<64x128xf32>
    %select_n3A_1285 = arith.select %eq3A_1277, %broadcast_in_dim3A_1284, %min3A_1272 : vector<64x128xi1>, vector<64x128xf32>
    %reduce_min3A_1286 = arith.constant dense<0x7F800000> : vector<64xf32>
    %reduce_min3A_1287 = vector.multi_reduction <minimumf>, %select_n3A_1285, %reduce_min3A_1286 [1] : vector<64x128xf32> to vector<64xf32>
    %broadcast_in_dim3A_1288 = vector.shape_cast %reduce_min3A_1287 : vector<64xf32> to vector<64x1xf32>
    %jit3A_1289 = arith.constant 0x7F800000 : f32
    %broadcast_in_dim3A_1290 = vector.broadcast %jit3A_1289 : f32 to vector<64x128xf32>
    %select_n3A_1291 = arith.select %eq3A_1277, %min3A_1271, %broadcast_in_dim3A_1290 : vector<64x128xi1>, vector<64x128xf32>
    %reduce_min3A_1292 = arith.constant dense<0x7F800000> : vector<64xf32>
    %reduce_min3A_1293 = vector.multi_reduction <minimumf>, %select_n3A_1291, %reduce_min3A_1292 [1] : vector<64x128xf32> to vector<64xf32>
    %broadcast_in_dim3A_1294 = vector.shape_cast %reduce_min3A_1293 : vector<64xf32> to vector<64x1xf32>
    %ge3A_1295 = arith.constant 2.000000e+00 : f32
    %ge3A_1296 = vector.broadcast %ge3A_1295 : f32 to vector<64x1xf32>
    %ge3A_1297 = arith.cmpf oge, %broadcast_in_dim3A_1282, %ge3A_1296 : vector<64x1xf32>
    %min3A_1298 = arith.minimumf %broadcast_in_dim3A_1288, %broadcast_in_dim3A_1294 : vector<64x1xf32>
    %select_n3A_1299 = arith.select %ge3A_1297, %broadcast_in_dim3A_1275, %min3A_1298 : vector<64x1xi1>, vector<64x1xf32>
    %sub3A_1300 = arith.subf %broadcast_in_dim3A_977, %select_n3A_1299 : vector<64x1xf32>
    %add3A_1301 = arith.constant 3.000000e-01 : f32
    %add3A_1302 = vector.broadcast %add3A_1301 : f32 to vector<64x1xf32>
    %add3A_1303 = arith.addf %sub3A_1300, %add3A_1302 : vector<64x1xf32>
    %max3A_1304 = arith.constant 0.000000e+00 : f32
    %max3A_1305 = vector.broadcast %max3A_1304 : f32 to vector<64x1xf32>
    %max3A_1306 = arith.maximumf %add3A_1303, %max3A_1305 : vector<64x1xf32>
    %reduce_sum3A_1307 = vector.shape_cast %max3A_1306 : vector<64x1xf32> to vector<1x64x1xf32>
    %reduce_sum3A_1308 = arith.constant dense<0.000000e+00> : vector<1xf32>
    %reduce_sum3A_1309 = vector.multi_reduction <add>, %reduce_sum3A_1307, %reduce_sum3A_1308 [1, 2] : vector<1x64x1xf32> to vector<1xf32>
    %reduce_sum3A_1310 = vector.shape_cast %reduce_sum3A_1309 : vector<1xf32> to vector<1x1x1xf32>
    %reduce_sum3A_1311 = vector.extract %reduce_sum3A_1310[0, 0, 0] : f32 from vector<1x1x1xf32>
    %add3A_1312 = arith.addf %add3A_869, %reduce_sum3A_1311 : f32
    %add3A_1313 = arith.constant 128 : i32
    %add3A_1314 = arith.addi %add3A_1, %add3A_1313 : i32
    %jit3A_1315 = arith.constant 128 : i32
    %div3A_1316 = arith.divsi %add3A_1314, %jit3A_1315 : i32
    %sign3A_1317 = arith.constant 0 : i32
    %sign3A_1318 = arith.cmpi sgt, %add3A_1314, %sign3A_1317 : i32
    %sign3A_1319 = arith.extui %sign3A_1318 : i1 to i32
    %sign3A_1320 = arith.constant 0 : i32
    %sign3A_1321 = arith.cmpi slt, %add3A_1314, %sign3A_1320 : i32
    %sign3A_1322 = arith.extui %sign3A_1321 : i1 to i32
    %sign3A_1323 = arith.subi %sign3A_1319, %sign3A_1322 : i32
    %sign3A_1324 = arith.constant 0 : i32
    %sign3A_1325 = arith.cmpi sgt, %jit3A_1315, %sign3A_1324 : i32
    %sign3A_1326 = arith.extui %sign3A_1325 : i1 to i32
    %sign3A_1327 = arith.constant 0 : i32
    %sign3A_1328 = arith.cmpi slt, %jit3A_1315, %sign3A_1327 : i32
    %sign3A_1329 = arith.extui %sign3A_1328 : i1 to i32
    %sign3A_1330 = arith.subi %sign3A_1326, %sign3A_1329 : i32
    %ne3A_1331 = arith.cmpi ne, %sign3A_1323, %sign3A_1330 : i32
    %rem3A_1332 = arith.remsi %add3A_1314, %jit3A_1315 : i32
    %ne3A_1333 = arith.constant 0 : i32
    %ne3A_1334 = arith.cmpi ne, %rem3A_1332, %ne3A_1333 : i32
    %and3A_1335 = arith.andi %ne3A_1331, %ne3A_1334 : i1
    %sub3A_1336 = arith.constant 1 : i32
    %sub3A_1337 = arith.subi %div3A_1316, %sub3A_1336 : i32
    %select_n3A_1338 = arith.select %and3A_1335, %sub3A_1337, %div3A_1316 : i32
    %add3A_1339 = arith.constant 192 : i32
    %add3A_1340 = arith.addi %add3A_1, %add3A_1339 : i32
    %iota3A_1341 = tpu.iota {dimensions = array<i32: 0>} : vector<64x128xi32>
    %add3A_1342 = vector.broadcast %add3A_1340 : i32 to vector<64x128xi32>
    %add3A_1343 = arith.addi %add3A_1342, %iota3A_1341 : vector<64x128xi32>
    %iota3A_1344 = tpu.iota {dimensions = array<i32: 1>} : vector<64x128xi32>
    %add3A_1345 = vector.broadcast %add3A_1314 : i32 to vector<64x128xi32>
    %add3A_1346 = arith.addi %add3A_1345, %iota3A_1344 : vector<64x128xi32>
    %jit3A_1347 = arith.constant 8 : i32
    %div3A_1348 = vector.broadcast %jit3A_1347 : i32 to vector<64x128xi32>
    %div3A_1349 = arith.divsi %add3A_1346, %div3A_1348 : vector<64x128xi32>
    %sign3A_1350 = arith.constant 0 : i32
    %sign3A_1351 = vector.broadcast %sign3A_1350 : i32 to vector<64x128xi32>
    %sign3A_1352 = arith.cmpi sgt, %add3A_1346, %sign3A_1351 : vector<64x128xi32>
    %sign3A_1353 = arith.extui %sign3A_1352 : vector<64x128xi1> to vector<64x128xi32>
    %sign3A_1354 = arith.constant 0 : i32
    %sign3A_1355 = vector.broadcast %sign3A_1354 : i32 to vector<64x128xi32>
    %sign3A_1356 = arith.cmpi slt, %add3A_1346, %sign3A_1355 : vector<64x128xi32>
    %sign3A_1357 = arith.extui %sign3A_1356 : vector<64x128xi1> to vector<64x128xi32>
    %sign3A_1358 = arith.subi %sign3A_1353, %sign3A_1357 : vector<64x128xi32>
    %sign3A_1359 = arith.constant 0 : i32
    %sign3A_1360 = arith.cmpi sgt, %jit3A_1347, %sign3A_1359 : i32
    %sign3A_1361 = arith.extui %sign3A_1360 : i1 to i32
    %sign3A_1362 = arith.constant 0 : i32
    %sign3A_1363 = arith.cmpi slt, %jit3A_1347, %sign3A_1362 : i32
    %sign3A_1364 = arith.extui %sign3A_1363 : i1 to i32
    %sign3A_1365 = arith.subi %sign3A_1361, %sign3A_1364 : i32
    %ne3A_1366 = vector.broadcast %sign3A_1365 : i32 to vector<64x128xi32>
    %ne3A_1367 = arith.cmpi ne, %sign3A_1358, %ne3A_1366 : vector<64x128xi32>
    %rem3A_1368 = vector.broadcast %jit3A_1347 : i32 to vector<64x128xi32>
    %rem3A_1369 = arith.remsi %add3A_1346, %rem3A_1368 : vector<64x128xi32>
    %ne3A_1370 = arith.constant 0 : i32
    %ne3A_1371 = vector.broadcast %ne3A_1370 : i32 to vector<64x128xi32>
    %ne3A_1372 = arith.cmpi ne, %rem3A_1369, %ne3A_1371 : vector<64x128xi32>
    %and3A_1373 = arith.andi %ne3A_1367, %ne3A_1372 : vector<64x128xi1>
    %sub3A_1374 = arith.constant 1 : i32
    %sub3A_1375 = vector.broadcast %sub3A_1374 : i32 to vector<64x128xi32>
    %sub3A_1376 = arith.subi %div3A_1349, %sub3A_1375 : vector<64x128xi32>
    %select_n3A_1377 = arith.select %and3A_1373, %sub3A_1376, %div3A_1349 : vector<64x128xi1>, vector<64x128xi32>
    %jit3A_1378 = arith.constant 8 : i32
    %div3A_1379 = vector.broadcast %jit3A_1378 : i32 to vector<64x128xi32>
    %div3A_1380 = arith.divsi %add3A_1343, %div3A_1379 : vector<64x128xi32>
    %sign3A_1381 = arith.constant 0 : i32
    %sign3A_1382 = vector.broadcast %sign3A_1381 : i32 to vector<64x128xi32>
    %sign3A_1383 = arith.cmpi sgt, %add3A_1343, %sign3A_1382 : vector<64x128xi32>
    %sign3A_1384 = arith.extui %sign3A_1383 : vector<64x128xi1> to vector<64x128xi32>
    %sign3A_1385 = arith.constant 0 : i32
    %sign3A_1386 = vector.broadcast %sign3A_1385 : i32 to vector<64x128xi32>
    %sign3A_1387 = arith.cmpi slt, %add3A_1343, %sign3A_1386 : vector<64x128xi32>
    %sign3A_1388 = arith.extui %sign3A_1387 : vector<64x128xi1> to vector<64x128xi32>
    %sign3A_1389 = arith.subi %sign3A_1384, %sign3A_1388 : vector<64x128xi32>
    %sign3A_1390 = arith.constant 0 : i32
    %sign3A_1391 = arith.cmpi sgt, %jit3A_1378, %sign3A_1390 : i32
    %sign3A_1392 = arith.extui %sign3A_1391 : i1 to i32
    %sign3A_1393 = arith.constant 0 : i32
    %sign3A_1394 = arith.cmpi slt, %jit3A_1378, %sign3A_1393 : i32
    %sign3A_1395 = arith.extui %sign3A_1394 : i1 to i32
    %sign3A_1396 = arith.subi %sign3A_1392, %sign3A_1395 : i32
    %ne3A_1397 = vector.broadcast %sign3A_1396 : i32 to vector<64x128xi32>
    %ne3A_1398 = arith.cmpi ne, %sign3A_1389, %ne3A_1397 : vector<64x128xi32>
    %rem3A_1399 = vector.broadcast %jit3A_1378 : i32 to vector<64x128xi32>
    %rem3A_1400 = arith.remsi %add3A_1343, %rem3A_1399 : vector<64x128xi32>
    %ne3A_1401 = arith.constant 0 : i32
    %ne3A_1402 = vector.broadcast %ne3A_1401 : i32 to vector<64x128xi32>
    %ne3A_1403 = arith.cmpi ne, %rem3A_1400, %ne3A_1402 : vector<64x128xi32>
    %and3A_1404 = arith.andi %ne3A_1398, %ne3A_1403 : vector<64x128xi1>
    %sub3A_1405 = arith.constant 1 : i32
    %sub3A_1406 = vector.broadcast %sub3A_1405 : i32 to vector<64x128xi32>
    %sub3A_1407 = arith.subi %div3A_1380, %sub3A_1406 : vector<64x128xi32>
    %select_n3A_1408 = arith.select %and3A_1404, %sub3A_1407, %div3A_1380 : vector<64x128xi1>, vector<64x128xi32>
    %eq3A_1409 = arith.cmpi eq, %select_n3A_1377, %select_n3A_1408 : vector<64x128xi32>
    %ne3A_1410 = arith.cmpi ne, %add3A_1346, %add3A_1343 : vector<64x128xi32>
    %and3A_1411 = arith.andi %eq3A_1409, %ne3A_1410 : vector<64x128xi1>
    %get3A_1412 = arith.constant 192 : index
    %get3A_1413 = arith.index_cast %add3A_1314 : i32 to index
    %get3A_1414 = vector.load %arg1[%get3A_1412, %get3A_1413] : memref<512x4096xf32, #tpu.memory_space<vmem>>, vector<64x128xf32>
    %jit3A_1415 = arith.constant 0.000000e+00 : f32
    %broadcast_in_dim3A_1416 = vector.broadcast %jit3A_1415 : f32 to vector<64x128xf32>
    %select_n3A_1417 = arith.select %and3A_1411, %get3A_1414, %broadcast_in_dim3A_1416 : vector<64x128xi1>, vector<64x128xf32>
    %reduce_max3A_1418 = arith.constant dense<0xFF800000> : vector<64xf32>
    %reduce_max3A_1419 = vector.multi_reduction <maximumf>, %select_n3A_1417, %reduce_max3A_1418 [1] : vector<64x128xf32> to vector<64xf32>
    %broadcast_in_dim3A_1420 = vector.shape_cast %reduce_max3A_1419 : vector<64xf32> to vector<64x1xf32>
    %jit3A_1421 = arith.constant 0x7F800000 : f32
    %broadcast_in_dim3A_1422 = vector.broadcast %jit3A_1421 : f32 to vector<64x128xf32>
    %select_n3A_1423 = arith.select %and3A_1411, %broadcast_in_dim3A_1422, %get3A_1414 : vector<64x128xi1>, vector<64x128xf32>
    %broadcast_in_dim3A_1424 = arith.constant 0x7F800000 : f32
    %broadcast_in_dim3A_1425 = vector.broadcast %broadcast_in_dim3A_1424 : f32 to vector<64x128xf32>
    %broadcast_in_dim3A_1426 = arith.constant 0x7F800000 : f32
    %broadcast_in_dim3A_1427 = vector.broadcast %broadcast_in_dim3A_1426 : f32 to vector<64x128xf32>
    %get3A_1428 = arith.constant 192 : index
    %get3A_1429 = arith.constant 0 : index
    %get3A_1430 = vector.load %arg1[%get3A_1428, %get3A_1429] : memref<512x4096xf32, #tpu.memory_space<vmem>>, vector<64x128xf32>
    %eq3A_1431 = arith.constant 0 : i32
    %eq3A_1432 = arith.cmpi eq, %select_n3A_1338, %eq3A_1431 : i32
    %select_n3A_1433 = arith.select %eq3A_1432, %broadcast_in_dim3A_1427, %get3A_1430 : vector<64x128xf32>
    %max3A_1434 = arith.maximumf %select_n3A_1423, %select_n3A_1433 : vector<64x128xf32>
    %min3A_1435 = arith.minimumf %broadcast_in_dim3A_1425, %max3A_1434 : vector<64x128xf32>
    %min3A_1436 = arith.minimumf %select_n3A_1423, %select_n3A_1433 : vector<64x128xf32>
    %get3A_1437 = arith.constant 192 : index
    %get3A_1438 = arith.constant 128 : index
    %get3A_1439 = vector.load %arg1[%get3A_1437, %get3A_1438] : memref<512x4096xf32, #tpu.memory_space<vmem>>, vector<64x128xf32>
    %eq3A_1440 = arith.constant 1 : i32
    %eq3A_1441 = arith.cmpi eq, %select_n3A_1338, %eq3A_1440 : i32
    %select_n3A_1442 = arith.select %eq3A_1441, %broadcast_in_dim3A_1427, %get3A_1439 : vector<64x128xf32>
    %max3A_1443 = arith.maximumf %min3A_1436, %select_n3A_1442 : vector<64x128xf32>
    %min3A_1444 = arith.minimumf %min3A_1435, %max3A_1443 : vector<64x128xf32>
    %min3A_1445 = arith.minimumf %min3A_1436, %select_n3A_1442 : vector<64x128xf32>
    %get3A_1446 = arith.constant 192 : index
    %get3A_1447 = arith.constant 256 : index
    %get3A_1448 = vector.load %arg1[%get3A_1446, %get3A_1447] : memref<512x4096xf32, #tpu.memory_space<vmem>>, vector<64x128xf32>
    %eq3A_1449 = arith.constant 2 : i32
    %eq3A_1450 = arith.cmpi eq, %select_n3A_1338, %eq3A_1449 : i32
    %select_n3A_1451 = arith.select %eq3A_1450, %broadcast_in_dim3A_1427, %get3A_1448 : vector<64x128xf32>
    %max3A_1452 = arith.maximumf %min3A_1445, %select_n3A_1451 : vector<64x128xf32>
    %min3A_1453 = arith.minimumf %min3A_1444, %max3A_1452 : vector<64x128xf32>
    %min3A_1454 = arith.minimumf %min3A_1445, %select_n3A_1451 : vector<64x128xf32>
    %get3A_1455 = arith.constant 192 : index
    %get3A_1456 = arith.constant 384 : index
    %get3A_1457 = vector.load %arg1[%get3A_1455, %get3A_1456] : memref<512x4096xf32, #tpu.memory_space<vmem>>, vector<64x128xf32>
    %eq3A_1458 = arith.constant 3 : i32
    %eq3A_1459 = arith.cmpi eq, %select_n3A_1338, %eq3A_1458 : i32
    %select_n3A_1460 = arith.select %eq3A_1459, %broadcast_in_dim3A_1427, %get3A_1457 : vector<64x128xf32>
    %max3A_1461 = arith.maximumf %min3A_1454, %select_n3A_1460 : vector<64x128xf32>
    %min3A_1462 = arith.minimumf %min3A_1453, %max3A_1461 : vector<64x128xf32>
    %min3A_1463 = arith.minimumf %min3A_1454, %select_n3A_1460 : vector<64x128xf32>
    %get3A_1464 = arith.constant 192 : index
    %get3A_1465 = arith.constant 512 : index
    %get3A_1466 = vector.load %arg1[%get3A_1464, %get3A_1465] : memref<512x4096xf32, #tpu.memory_space<vmem>>, vector<64x128xf32>
    %eq3A_1467 = arith.constant 4 : i32
    %eq3A_1468 = arith.cmpi eq, %select_n3A_1338, %eq3A_1467 : i32
    %select_n3A_1469 = arith.select %eq3A_1468, %broadcast_in_dim3A_1427, %get3A_1466 : vector<64x128xf32>
    %max3A_1470 = arith.maximumf %min3A_1463, %select_n3A_1469 : vector<64x128xf32>
    %min3A_1471 = arith.minimumf %min3A_1462, %max3A_1470 : vector<64x128xf32>
    %min3A_1472 = arith.minimumf %min3A_1463, %select_n3A_1469 : vector<64x128xf32>
    %get3A_1473 = arith.constant 192 : index
    %get3A_1474 = arith.constant 640 : index
    %get3A_1475 = vector.load %arg1[%get3A_1473, %get3A_1474] : memref<512x4096xf32, #tpu.memory_space<vmem>>, vector<64x128xf32>
    %eq3A_1476 = arith.constant 5 : i32
    %eq3A_1477 = arith.cmpi eq, %select_n3A_1338, %eq3A_1476 : i32
    %select_n3A_1478 = arith.select %eq3A_1477, %broadcast_in_dim3A_1427, %get3A_1475 : vector<64x128xf32>
    %max3A_1479 = arith.maximumf %min3A_1472, %select_n3A_1478 : vector<64x128xf32>
    %min3A_1480 = arith.minimumf %min3A_1471, %max3A_1479 : vector<64x128xf32>
    %min3A_1481 = arith.minimumf %min3A_1472, %select_n3A_1478 : vector<64x128xf32>
    %get3A_1482 = arith.constant 192 : index
    %get3A_1483 = arith.constant 768 : index
    %get3A_1484 = vector.load %arg1[%get3A_1482, %get3A_1483] : memref<512x4096xf32, #tpu.memory_space<vmem>>, vector<64x128xf32>
    %eq3A_1485 = arith.constant 6 : i32
    %eq3A_1486 = arith.cmpi eq, %select_n3A_1338, %eq3A_1485 : i32
    %select_n3A_1487 = arith.select %eq3A_1486, %broadcast_in_dim3A_1427, %get3A_1484 : vector<64x128xf32>
    %max3A_1488 = arith.maximumf %min3A_1481, %select_n3A_1487 : vector<64x128xf32>
    %min3A_1489 = arith.minimumf %min3A_1480, %max3A_1488 : vector<64x128xf32>
    %min3A_1490 = arith.minimumf %min3A_1481, %select_n3A_1487 : vector<64x128xf32>
    %get3A_1491 = arith.constant 192 : index
    %get3A_1492 = arith.constant 896 : index
    %get3A_1493 = vector.load %arg1[%get3A_1491, %get3A_1492] : memref<512x4096xf32, #tpu.memory_space<vmem>>, vector<64x128xf32>
    %eq3A_1494 = arith.constant 7 : i32
    %eq3A_1495 = arith.cmpi eq, %select_n3A_1338, %eq3A_1494 : i32
    %select_n3A_1496 = arith.select %eq3A_1495, %broadcast_in_dim3A_1427, %get3A_1493 : vector<64x128xf32>
    %max3A_1497 = arith.maximumf %min3A_1490, %select_n3A_1496 : vector<64x128xf32>
    %min3A_1498 = arith.minimumf %min3A_1489, %max3A_1497 : vector<64x128xf32>
    %min3A_1499 = arith.minimumf %min3A_1490, %select_n3A_1496 : vector<64x128xf32>
    %get3A_1500 = arith.constant 192 : index
    %get3A_1501 = arith.constant 1024 : index
    %get3A_1502 = vector.load %arg1[%get3A_1500, %get3A_1501] : memref<512x4096xf32, #tpu.memory_space<vmem>>, vector<64x128xf32>
    %eq3A_1503 = arith.constant 8 : i32
    %eq3A_1504 = arith.cmpi eq, %select_n3A_1338, %eq3A_1503 : i32
    %select_n3A_1505 = arith.select %eq3A_1504, %broadcast_in_dim3A_1427, %get3A_1502 : vector<64x128xf32>
    %max3A_1506 = arith.maximumf %min3A_1499, %select_n3A_1505 : vector<64x128xf32>
    %min3A_1507 = arith.minimumf %min3A_1498, %max3A_1506 : vector<64x128xf32>
    %min3A_1508 = arith.minimumf %min3A_1499, %select_n3A_1505 : vector<64x128xf32>
    %get3A_1509 = arith.constant 192 : index
    %get3A_1510 = arith.constant 1152 : index
    %get3A_1511 = vector.load %arg1[%get3A_1509, %get3A_1510] : memref<512x4096xf32, #tpu.memory_space<vmem>>, vector<64x128xf32>
    %eq3A_1512 = arith.constant 9 : i32
    %eq3A_1513 = arith.cmpi eq, %select_n3A_1338, %eq3A_1512 : i32
    %select_n3A_1514 = arith.select %eq3A_1513, %broadcast_in_dim3A_1427, %get3A_1511 : vector<64x128xf32>
    %max3A_1515 = arith.maximumf %min3A_1508, %select_n3A_1514 : vector<64x128xf32>
    %min3A_1516 = arith.minimumf %min3A_1507, %max3A_1515 : vector<64x128xf32>
    %min3A_1517 = arith.minimumf %min3A_1508, %select_n3A_1514 : vector<64x128xf32>
    %get3A_1518 = arith.constant 192 : index
    %get3A_1519 = arith.constant 1280 : index
    %get3A_1520 = vector.load %arg1[%get3A_1518, %get3A_1519] : memref<512x4096xf32, #tpu.memory_space<vmem>>, vector<64x128xf32>
    %eq3A_1521 = arith.constant 10 : i32
    %eq3A_1522 = arith.cmpi eq, %select_n3A_1338, %eq3A_1521 : i32
    %select_n3A_1523 = arith.select %eq3A_1522, %broadcast_in_dim3A_1427, %get3A_1520 : vector<64x128xf32>
    %max3A_1524 = arith.maximumf %min3A_1517, %select_n3A_1523 : vector<64x128xf32>
    %min3A_1525 = arith.minimumf %min3A_1516, %max3A_1524 : vector<64x128xf32>
    %min3A_1526 = arith.minimumf %min3A_1517, %select_n3A_1523 : vector<64x128xf32>
    %get3A_1527 = arith.constant 192 : index
    %get3A_1528 = arith.constant 1408 : index
    %get3A_1529 = vector.load %arg1[%get3A_1527, %get3A_1528] : memref<512x4096xf32, #tpu.memory_space<vmem>>, vector<64x128xf32>
    %eq3A_1530 = arith.constant 11 : i32
    %eq3A_1531 = arith.cmpi eq, %select_n3A_1338, %eq3A_1530 : i32
    %select_n3A_1532 = arith.select %eq3A_1531, %broadcast_in_dim3A_1427, %get3A_1529 : vector<64x128xf32>
    %max3A_1533 = arith.maximumf %min3A_1526, %select_n3A_1532 : vector<64x128xf32>
    %min3A_1534 = arith.minimumf %min3A_1525, %max3A_1533 : vector<64x128xf32>
    %min3A_1535 = arith.minimumf %min3A_1526, %select_n3A_1532 : vector<64x128xf32>
    %get3A_1536 = arith.constant 192 : index
    %get3A_1537 = arith.constant 1536 : index
    %get3A_1538 = vector.load %arg1[%get3A_1536, %get3A_1537] : memref<512x4096xf32, #tpu.memory_space<vmem>>, vector<64x128xf32>
    %eq3A_1539 = arith.constant 12 : i32
    %eq3A_1540 = arith.cmpi eq, %select_n3A_1338, %eq3A_1539 : i32
    %select_n3A_1541 = arith.select %eq3A_1540, %broadcast_in_dim3A_1427, %get3A_1538 : vector<64x128xf32>
    %max3A_1542 = arith.maximumf %min3A_1535, %select_n3A_1541 : vector<64x128xf32>
    %min3A_1543 = arith.minimumf %min3A_1534, %max3A_1542 : vector<64x128xf32>
    %min3A_1544 = arith.minimumf %min3A_1535, %select_n3A_1541 : vector<64x128xf32>
    %get3A_1545 = arith.constant 192 : index
    %get3A_1546 = arith.constant 1664 : index
    %get3A_1547 = vector.load %arg1[%get3A_1545, %get3A_1546] : memref<512x4096xf32, #tpu.memory_space<vmem>>, vector<64x128xf32>
    %eq3A_1548 = arith.constant 13 : i32
    %eq3A_1549 = arith.cmpi eq, %select_n3A_1338, %eq3A_1548 : i32
    %select_n3A_1550 = arith.select %eq3A_1549, %broadcast_in_dim3A_1427, %get3A_1547 : vector<64x128xf32>
    %max3A_1551 = arith.maximumf %min3A_1544, %select_n3A_1550 : vector<64x128xf32>
    %min3A_1552 = arith.minimumf %min3A_1543, %max3A_1551 : vector<64x128xf32>
    %min3A_1553 = arith.minimumf %min3A_1544, %select_n3A_1550 : vector<64x128xf32>
    %get3A_1554 = arith.constant 192 : index
    %get3A_1555 = arith.constant 1792 : index
    %get3A_1556 = vector.load %arg1[%get3A_1554, %get3A_1555] : memref<512x4096xf32, #tpu.memory_space<vmem>>, vector<64x128xf32>
    %eq3A_1557 = arith.constant 14 : i32
    %eq3A_1558 = arith.cmpi eq, %select_n3A_1338, %eq3A_1557 : i32
    %select_n3A_1559 = arith.select %eq3A_1558, %broadcast_in_dim3A_1427, %get3A_1556 : vector<64x128xf32>
    %max3A_1560 = arith.maximumf %min3A_1553, %select_n3A_1559 : vector<64x128xf32>
    %min3A_1561 = arith.minimumf %min3A_1552, %max3A_1560 : vector<64x128xf32>
    %min3A_1562 = arith.minimumf %min3A_1553, %select_n3A_1559 : vector<64x128xf32>
    %get3A_1563 = arith.constant 192 : index
    %get3A_1564 = arith.constant 1920 : index
    %get3A_1565 = vector.load %arg1[%get3A_1563, %get3A_1564] : memref<512x4096xf32, #tpu.memory_space<vmem>>, vector<64x128xf32>
    %eq3A_1566 = arith.constant 15 : i32
    %eq3A_1567 = arith.cmpi eq, %select_n3A_1338, %eq3A_1566 : i32
    %select_n3A_1568 = arith.select %eq3A_1567, %broadcast_in_dim3A_1427, %get3A_1565 : vector<64x128xf32>
    %max3A_1569 = arith.maximumf %min3A_1562, %select_n3A_1568 : vector<64x128xf32>
    %min3A_1570 = arith.minimumf %min3A_1561, %max3A_1569 : vector<64x128xf32>
    %min3A_1571 = arith.minimumf %min3A_1562, %select_n3A_1568 : vector<64x128xf32>
    %get3A_1572 = arith.constant 192 : index
    %get3A_1573 = arith.constant 2048 : index
    %get3A_1574 = vector.load %arg1[%get3A_1572, %get3A_1573] : memref<512x4096xf32, #tpu.memory_space<vmem>>, vector<64x128xf32>
    %eq3A_1575 = arith.constant 16 : i32
    %eq3A_1576 = arith.cmpi eq, %select_n3A_1338, %eq3A_1575 : i32
    %select_n3A_1577 = arith.select %eq3A_1576, %broadcast_in_dim3A_1427, %get3A_1574 : vector<64x128xf32>
    %max3A_1578 = arith.maximumf %min3A_1571, %select_n3A_1577 : vector<64x128xf32>
    %min3A_1579 = arith.minimumf %min3A_1570, %max3A_1578 : vector<64x128xf32>
    %min3A_1580 = arith.minimumf %min3A_1571, %select_n3A_1577 : vector<64x128xf32>
    %get3A_1581 = arith.constant 192 : index
    %get3A_1582 = arith.constant 2176 : index
    %get3A_1583 = vector.load %arg1[%get3A_1581, %get3A_1582] : memref<512x4096xf32, #tpu.memory_space<vmem>>, vector<64x128xf32>
    %eq3A_1584 = arith.constant 17 : i32
    %eq3A_1585 = arith.cmpi eq, %select_n3A_1338, %eq3A_1584 : i32
    %select_n3A_1586 = arith.select %eq3A_1585, %broadcast_in_dim3A_1427, %get3A_1583 : vector<64x128xf32>
    %max3A_1587 = arith.maximumf %min3A_1580, %select_n3A_1586 : vector<64x128xf32>
    %min3A_1588 = arith.minimumf %min3A_1579, %max3A_1587 : vector<64x128xf32>
    %min3A_1589 = arith.minimumf %min3A_1580, %select_n3A_1586 : vector<64x128xf32>
    %get3A_1590 = arith.constant 192 : index
    %get3A_1591 = arith.constant 2304 : index
    %get3A_1592 = vector.load %arg1[%get3A_1590, %get3A_1591] : memref<512x4096xf32, #tpu.memory_space<vmem>>, vector<64x128xf32>
    %eq3A_1593 = arith.constant 18 : i32
    %eq3A_1594 = arith.cmpi eq, %select_n3A_1338, %eq3A_1593 : i32
    %select_n3A_1595 = arith.select %eq3A_1594, %broadcast_in_dim3A_1427, %get3A_1592 : vector<64x128xf32>
    %max3A_1596 = arith.maximumf %min3A_1589, %select_n3A_1595 : vector<64x128xf32>
    %min3A_1597 = arith.minimumf %min3A_1588, %max3A_1596 : vector<64x128xf32>
    %min3A_1598 = arith.minimumf %min3A_1589, %select_n3A_1595 : vector<64x128xf32>
    %get3A_1599 = arith.constant 192 : index
    %get3A_1600 = arith.constant 2432 : index
    %get3A_1601 = vector.load %arg1[%get3A_1599, %get3A_1600] : memref<512x4096xf32, #tpu.memory_space<vmem>>, vector<64x128xf32>
    %eq3A_1602 = arith.constant 19 : i32
    %eq3A_1603 = arith.cmpi eq, %select_n3A_1338, %eq3A_1602 : i32
    %select_n3A_1604 = arith.select %eq3A_1603, %broadcast_in_dim3A_1427, %get3A_1601 : vector<64x128xf32>
    %max3A_1605 = arith.maximumf %min3A_1598, %select_n3A_1604 : vector<64x128xf32>
    %min3A_1606 = arith.minimumf %min3A_1597, %max3A_1605 : vector<64x128xf32>
    %min3A_1607 = arith.minimumf %min3A_1598, %select_n3A_1604 : vector<64x128xf32>
    %get3A_1608 = arith.constant 192 : index
    %get3A_1609 = arith.constant 2560 : index
    %get3A_1610 = vector.load %arg1[%get3A_1608, %get3A_1609] : memref<512x4096xf32, #tpu.memory_space<vmem>>, vector<64x128xf32>
    %eq3A_1611 = arith.constant 20 : i32
    %eq3A_1612 = arith.cmpi eq, %select_n3A_1338, %eq3A_1611 : i32
    %select_n3A_1613 = arith.select %eq3A_1612, %broadcast_in_dim3A_1427, %get3A_1610 : vector<64x128xf32>
    %max3A_1614 = arith.maximumf %min3A_1607, %select_n3A_1613 : vector<64x128xf32>
    %min3A_1615 = arith.minimumf %min3A_1606, %max3A_1614 : vector<64x128xf32>
    %min3A_1616 = arith.minimumf %min3A_1607, %select_n3A_1613 : vector<64x128xf32>
    %get3A_1617 = arith.constant 192 : index
    %get3A_1618 = arith.constant 2688 : index
    %get3A_1619 = vector.load %arg1[%get3A_1617, %get3A_1618] : memref<512x4096xf32, #tpu.memory_space<vmem>>, vector<64x128xf32>
    %eq3A_1620 = arith.constant 21 : i32
    %eq3A_1621 = arith.cmpi eq, %select_n3A_1338, %eq3A_1620 : i32
    %select_n3A_1622 = arith.select %eq3A_1621, %broadcast_in_dim3A_1427, %get3A_1619 : vector<64x128xf32>
    %max3A_1623 = arith.maximumf %min3A_1616, %select_n3A_1622 : vector<64x128xf32>
    %min3A_1624 = arith.minimumf %min3A_1615, %max3A_1623 : vector<64x128xf32>
    %min3A_1625 = arith.minimumf %min3A_1616, %select_n3A_1622 : vector<64x128xf32>
    %get3A_1626 = arith.constant 192 : index
    %get3A_1627 = arith.constant 2816 : index
    %get3A_1628 = vector.load %arg1[%get3A_1626, %get3A_1627] : memref<512x4096xf32, #tpu.memory_space<vmem>>, vector<64x128xf32>
    %eq3A_1629 = arith.constant 22 : i32
    %eq3A_1630 = arith.cmpi eq, %select_n3A_1338, %eq3A_1629 : i32
    %select_n3A_1631 = arith.select %eq3A_1630, %broadcast_in_dim3A_1427, %get3A_1628 : vector<64x128xf32>
    %max3A_1632 = arith.maximumf %min3A_1625, %select_n3A_1631 : vector<64x128xf32>
    %min3A_1633 = arith.minimumf %min3A_1624, %max3A_1632 : vector<64x128xf32>
    %min3A_1634 = arith.minimumf %min3A_1625, %select_n3A_1631 : vector<64x128xf32>
    %get3A_1635 = arith.constant 192 : index
    %get3A_1636 = arith.constant 2944 : index
    %get3A_1637 = vector.load %arg1[%get3A_1635, %get3A_1636] : memref<512x4096xf32, #tpu.memory_space<vmem>>, vector<64x128xf32>
    %eq3A_1638 = arith.constant 23 : i32
    %eq3A_1639 = arith.cmpi eq, %select_n3A_1338, %eq3A_1638 : i32
    %select_n3A_1640 = arith.select %eq3A_1639, %broadcast_in_dim3A_1427, %get3A_1637 : vector<64x128xf32>
    %max3A_1641 = arith.maximumf %min3A_1634, %select_n3A_1640 : vector<64x128xf32>
    %min3A_1642 = arith.minimumf %min3A_1633, %max3A_1641 : vector<64x128xf32>
    %min3A_1643 = arith.minimumf %min3A_1634, %select_n3A_1640 : vector<64x128xf32>
    %get3A_1644 = arith.constant 192 : index
    %get3A_1645 = arith.constant 3072 : index
    %get3A_1646 = vector.load %arg1[%get3A_1644, %get3A_1645] : memref<512x4096xf32, #tpu.memory_space<vmem>>, vector<64x128xf32>
    %eq3A_1647 = arith.constant 24 : i32
    %eq3A_1648 = arith.cmpi eq, %select_n3A_1338, %eq3A_1647 : i32
    %select_n3A_1649 = arith.select %eq3A_1648, %broadcast_in_dim3A_1427, %get3A_1646 : vector<64x128xf32>
    %max3A_1650 = arith.maximumf %min3A_1643, %select_n3A_1649 : vector<64x128xf32>
    %min3A_1651 = arith.minimumf %min3A_1642, %max3A_1650 : vector<64x128xf32>
    %min3A_1652 = arith.minimumf %min3A_1643, %select_n3A_1649 : vector<64x128xf32>
    %get3A_1653 = arith.constant 192 : index
    %get3A_1654 = arith.constant 3200 : index
    %get3A_1655 = vector.load %arg1[%get3A_1653, %get3A_1654] : memref<512x4096xf32, #tpu.memory_space<vmem>>, vector<64x128xf32>
    %eq3A_1656 = arith.constant 25 : i32
    %eq3A_1657 = arith.cmpi eq, %select_n3A_1338, %eq3A_1656 : i32
    %select_n3A_1658 = arith.select %eq3A_1657, %broadcast_in_dim3A_1427, %get3A_1655 : vector<64x128xf32>
    %max3A_1659 = arith.maximumf %min3A_1652, %select_n3A_1658 : vector<64x128xf32>
    %min3A_1660 = arith.minimumf %min3A_1651, %max3A_1659 : vector<64x128xf32>
    %min3A_1661 = arith.minimumf %min3A_1652, %select_n3A_1658 : vector<64x128xf32>
    %get3A_1662 = arith.constant 192 : index
    %get3A_1663 = arith.constant 3328 : index
    %get3A_1664 = vector.load %arg1[%get3A_1662, %get3A_1663] : memref<512x4096xf32, #tpu.memory_space<vmem>>, vector<64x128xf32>
    %eq3A_1665 = arith.constant 26 : i32
    %eq3A_1666 = arith.cmpi eq, %select_n3A_1338, %eq3A_1665 : i32
    %select_n3A_1667 = arith.select %eq3A_1666, %broadcast_in_dim3A_1427, %get3A_1664 : vector<64x128xf32>
    %max3A_1668 = arith.maximumf %min3A_1661, %select_n3A_1667 : vector<64x128xf32>
    %min3A_1669 = arith.minimumf %min3A_1660, %max3A_1668 : vector<64x128xf32>
    %min3A_1670 = arith.minimumf %min3A_1661, %select_n3A_1667 : vector<64x128xf32>
    %get3A_1671 = arith.constant 192 : index
    %get3A_1672 = arith.constant 3456 : index
    %get3A_1673 = vector.load %arg1[%get3A_1671, %get3A_1672] : memref<512x4096xf32, #tpu.memory_space<vmem>>, vector<64x128xf32>
    %eq3A_1674 = arith.constant 27 : i32
    %eq3A_1675 = arith.cmpi eq, %select_n3A_1338, %eq3A_1674 : i32
    %select_n3A_1676 = arith.select %eq3A_1675, %broadcast_in_dim3A_1427, %get3A_1673 : vector<64x128xf32>
    %max3A_1677 = arith.maximumf %min3A_1670, %select_n3A_1676 : vector<64x128xf32>
    %min3A_1678 = arith.minimumf %min3A_1669, %max3A_1677 : vector<64x128xf32>
    %min3A_1679 = arith.minimumf %min3A_1670, %select_n3A_1676 : vector<64x128xf32>
    %get3A_1680 = arith.constant 192 : index
    %get3A_1681 = arith.constant 3584 : index
    %get3A_1682 = vector.load %arg1[%get3A_1680, %get3A_1681] : memref<512x4096xf32, #tpu.memory_space<vmem>>, vector<64x128xf32>
    %eq3A_1683 = arith.constant 28 : i32
    %eq3A_1684 = arith.cmpi eq, %select_n3A_1338, %eq3A_1683 : i32
    %select_n3A_1685 = arith.select %eq3A_1684, %broadcast_in_dim3A_1427, %get3A_1682 : vector<64x128xf32>
    %max3A_1686 = arith.maximumf %min3A_1679, %select_n3A_1685 : vector<64x128xf32>
    %min3A_1687 = arith.minimumf %min3A_1678, %max3A_1686 : vector<64x128xf32>
    %min3A_1688 = arith.minimumf %min3A_1679, %select_n3A_1685 : vector<64x128xf32>
    %get3A_1689 = arith.constant 192 : index
    %get3A_1690 = arith.constant 3712 : index
    %get3A_1691 = vector.load %arg1[%get3A_1689, %get3A_1690] : memref<512x4096xf32, #tpu.memory_space<vmem>>, vector<64x128xf32>
    %eq3A_1692 = arith.constant 29 : i32
    %eq3A_1693 = arith.cmpi eq, %select_n3A_1338, %eq3A_1692 : i32
    %select_n3A_1694 = arith.select %eq3A_1693, %broadcast_in_dim3A_1427, %get3A_1691 : vector<64x128xf32>
    %max3A_1695 = arith.maximumf %min3A_1688, %select_n3A_1694 : vector<64x128xf32>
    %min3A_1696 = arith.minimumf %min3A_1687, %max3A_1695 : vector<64x128xf32>
    %min3A_1697 = arith.minimumf %min3A_1688, %select_n3A_1694 : vector<64x128xf32>
    %get3A_1698 = arith.constant 192 : index
    %get3A_1699 = arith.constant 3840 : index
    %get3A_1700 = vector.load %arg1[%get3A_1698, %get3A_1699] : memref<512x4096xf32, #tpu.memory_space<vmem>>, vector<64x128xf32>
    %eq3A_1701 = arith.constant 30 : i32
    %eq3A_1702 = arith.cmpi eq, %select_n3A_1338, %eq3A_1701 : i32
    %select_n3A_1703 = arith.select %eq3A_1702, %broadcast_in_dim3A_1427, %get3A_1700 : vector<64x128xf32>
    %max3A_1704 = arith.maximumf %min3A_1697, %select_n3A_1703 : vector<64x128xf32>
    %min3A_1705 = arith.minimumf %min3A_1696, %max3A_1704 : vector<64x128xf32>
    %min3A_1706 = arith.minimumf %min3A_1697, %select_n3A_1703 : vector<64x128xf32>
    %get3A_1707 = arith.constant 192 : index
    %get3A_1708 = arith.constant 3968 : index
    %get3A_1709 = vector.load %arg1[%get3A_1707, %get3A_1708] : memref<512x4096xf32, #tpu.memory_space<vmem>>, vector<64x128xf32>
    %eq3A_1710 = arith.constant 31 : i32
    %eq3A_1711 = arith.cmpi eq, %select_n3A_1338, %eq3A_1710 : i32
    %select_n3A_1712 = arith.select %eq3A_1711, %broadcast_in_dim3A_1427, %get3A_1709 : vector<64x128xf32>
    %max3A_1713 = arith.maximumf %min3A_1706, %select_n3A_1712 : vector<64x128xf32>
    %min3A_1714 = arith.minimumf %min3A_1705, %max3A_1713 : vector<64x128xf32>
    %min3A_1715 = arith.minimumf %min3A_1706, %select_n3A_1712 : vector<64x128xf32>
    %reduce_min3A_1716 = arith.constant dense<0x7F800000> : vector<64xf32>
    %reduce_min3A_1717 = vector.multi_reduction <minimumf>, %min3A_1715, %reduce_min3A_1716 [1] : vector<64x128xf32> to vector<64xf32>
    %broadcast_in_dim3A_1718 = vector.shape_cast %reduce_min3A_1717 : vector<64xf32> to vector<64x1xf32>
    %eq3A_1719 = vector.broadcast %broadcast_in_dim3A_1718 : vector<64x1xf32> to vector<64x128xf32>
    %eq3A_1720 = arith.cmpf oeq, %min3A_1715, %eq3A_1719 : vector<64x128xf32>
    %convert_element_type3A_1721 = arith.extui %eq3A_1720 : vector<64x128xi1> to vector<64x128xi32>
    %convert_element_type3A_1722 = arith.sitofp %convert_element_type3A_1721 : vector<64x128xi32> to vector<64x128xf32>
    %reduce_sum3A_1723 = arith.constant dense<0.000000e+00> : vector<64xf32>
    %reduce_sum3A_1724 = vector.multi_reduction <add>, %convert_element_type3A_1722, %reduce_sum3A_1723 [1] : vector<64x128xf32> to vector<64xf32>
    %broadcast_in_dim3A_1725 = vector.shape_cast %reduce_sum3A_1724 : vector<64xf32> to vector<64x1xf32>
    %jit3A_1726 = arith.constant 0x7F800000 : f32
    %broadcast_in_dim3A_1727 = vector.broadcast %jit3A_1726 : f32 to vector<64x128xf32>
    %select_n3A_1728 = arith.select %eq3A_1720, %broadcast_in_dim3A_1727, %min3A_1715 : vector<64x128xi1>, vector<64x128xf32>
    %reduce_min3A_1729 = arith.constant dense<0x7F800000> : vector<64xf32>
    %reduce_min3A_1730 = vector.multi_reduction <minimumf>, %select_n3A_1728, %reduce_min3A_1729 [1] : vector<64x128xf32> to vector<64xf32>
    %broadcast_in_dim3A_1731 = vector.shape_cast %reduce_min3A_1730 : vector<64xf32> to vector<64x1xf32>
    %jit3A_1732 = arith.constant 0x7F800000 : f32
    %broadcast_in_dim3A_1733 = vector.broadcast %jit3A_1732 : f32 to vector<64x128xf32>
    %select_n3A_1734 = arith.select %eq3A_1720, %min3A_1714, %broadcast_in_dim3A_1733 : vector<64x128xi1>, vector<64x128xf32>
    %reduce_min3A_1735 = arith.constant dense<0x7F800000> : vector<64xf32>
    %reduce_min3A_1736 = vector.multi_reduction <minimumf>, %select_n3A_1734, %reduce_min3A_1735 [1] : vector<64x128xf32> to vector<64xf32>
    %broadcast_in_dim3A_1737 = vector.shape_cast %reduce_min3A_1736 : vector<64xf32> to vector<64x1xf32>
    %ge3A_1738 = arith.constant 2.000000e+00 : f32
    %ge3A_1739 = vector.broadcast %ge3A_1738 : f32 to vector<64x1xf32>
    %ge3A_1740 = arith.cmpf oge, %broadcast_in_dim3A_1725, %ge3A_1739 : vector<64x1xf32>
    %min3A_1741 = arith.minimumf %broadcast_in_dim3A_1731, %broadcast_in_dim3A_1737 : vector<64x1xf32>
    %select_n3A_1742 = arith.select %ge3A_1740, %broadcast_in_dim3A_1718, %min3A_1741 : vector<64x1xi1>, vector<64x1xf32>
    %sub3A_1743 = arith.subf %broadcast_in_dim3A_1420, %select_n3A_1742 : vector<64x1xf32>
    %add3A_1744 = arith.constant 3.000000e-01 : f32
    %add3A_1745 = vector.broadcast %add3A_1744 : f32 to vector<64x1xf32>
    %add3A_1746 = arith.addf %sub3A_1743, %add3A_1745 : vector<64x1xf32>
    %max3A_1747 = arith.constant 0.000000e+00 : f32
    %max3A_1748 = vector.broadcast %max3A_1747 : f32 to vector<64x1xf32>
    %max3A_1749 = arith.maximumf %add3A_1746, %max3A_1748 : vector<64x1xf32>
    %reduce_sum3A_1750 = vector.shape_cast %max3A_1749 : vector<64x1xf32> to vector<1x64x1xf32>
    %reduce_sum3A_1751 = arith.constant dense<0.000000e+00> : vector<1xf32>
    %reduce_sum3A_1752 = vector.multi_reduction <add>, %reduce_sum3A_1750, %reduce_sum3A_1751 [1, 2] : vector<1x64x1xf32> to vector<1xf32>
    %reduce_sum3A_1753 = vector.shape_cast %reduce_sum3A_1752 : vector<1xf32> to vector<1x1x1xf32>
    %reduce_sum3A_1754 = vector.extract %reduce_sum3A_1753[0, 0, 0] : f32 from vector<1x1x1xf32>
    %add3A_1755 = arith.addf %add3A_1312, %reduce_sum3A_1754 : f32
    %add3A_1756 = arith.constant 256 : i32
    %add3A_1757 = arith.addi %add3A_1, %add3A_1756 : i32
    %jit3A_1758 = arith.constant 128 : i32
    %div3A_1759 = arith.divsi %add3A_1757, %jit3A_1758 : i32
    %sign3A_1760 = arith.constant 0 : i32
    %sign3A_1761 = arith.cmpi sgt, %add3A_1757, %sign3A_1760 : i32
    %sign3A_1762 = arith.extui %sign3A_1761 : i1 to i32
    %sign3A_1763 = arith.constant 0 : i32
    %sign3A_1764 = arith.cmpi slt, %add3A_1757, %sign3A_1763 : i32
    %sign3A_1765 = arith.extui %sign3A_1764 : i1 to i32
    %sign3A_1766 = arith.subi %sign3A_1762, %sign3A_1765 : i32
    %sign3A_1767 = arith.constant 0 : i32
    %sign3A_1768 = arith.cmpi sgt, %jit3A_1758, %sign3A_1767 : i32
    %sign3A_1769 = arith.extui %sign3A_1768 : i1 to i32
    %sign3A_1770 = arith.constant 0 : i32
    %sign3A_1771 = arith.cmpi slt, %jit3A_1758, %sign3A_1770 : i32
    %sign3A_1772 = arith.extui %sign3A_1771 : i1 to i32
    %sign3A_1773 = arith.subi %sign3A_1769, %sign3A_1772 : i32
    %ne3A_1774 = arith.cmpi ne, %sign3A_1766, %sign3A_1773 : i32
    %rem3A_1775 = arith.remsi %add3A_1757, %jit3A_1758 : i32
    %ne3A_1776 = arith.constant 0 : i32
    %ne3A_1777 = arith.cmpi ne, %rem3A_1775, %ne3A_1776 : i32
    %and3A_1778 = arith.andi %ne3A_1774, %ne3A_1777 : i1
    %sub3A_1779 = arith.constant 1 : i32
    %sub3A_1780 = arith.subi %div3A_1759, %sub3A_1779 : i32
    %select_n3A_1781 = arith.select %and3A_1778, %sub3A_1780, %div3A_1759 : i32
    %add3A_1782 = arith.constant 256 : i32
    %add3A_1783 = arith.addi %add3A_1, %add3A_1782 : i32
    %iota3A_1784 = tpu.iota {dimensions = array<i32: 0>} : vector<64x128xi32>
    %add3A_1785 = vector.broadcast %add3A_1783 : i32 to vector<64x128xi32>
    %add3A_1786 = arith.addi %add3A_1785, %iota3A_1784 : vector<64x128xi32>
    %iota3A_1787 = tpu.iota {dimensions = array<i32: 1>} : vector<64x128xi32>
    %add3A_1788 = vector.broadcast %add3A_1757 : i32 to vector<64x128xi32>
    %add3A_1789 = arith.addi %add3A_1788, %iota3A_1787 : vector<64x128xi32>
    %jit3A_1790 = arith.constant 8 : i32
    %div3A_1791 = vector.broadcast %jit3A_1790 : i32 to vector<64x128xi32>
    %div3A_1792 = arith.divsi %add3A_1789, %div3A_1791 : vector<64x128xi32>
    %sign3A_1793 = arith.constant 0 : i32
    %sign3A_1794 = vector.broadcast %sign3A_1793 : i32 to vector<64x128xi32>
    %sign3A_1795 = arith.cmpi sgt, %add3A_1789, %sign3A_1794 : vector<64x128xi32>
    %sign3A_1796 = arith.extui %sign3A_1795 : vector<64x128xi1> to vector<64x128xi32>
    %sign3A_1797 = arith.constant 0 : i32
    %sign3A_1798 = vector.broadcast %sign3A_1797 : i32 to vector<64x128xi32>
    %sign3A_1799 = arith.cmpi slt, %add3A_1789, %sign3A_1798 : vector<64x128xi32>
    %sign3A_1800 = arith.extui %sign3A_1799 : vector<64x128xi1> to vector<64x128xi32>
    %sign3A_1801 = arith.subi %sign3A_1796, %sign3A_1800 : vector<64x128xi32>
    %sign3A_1802 = arith.constant 0 : i32
    %sign3A_1803 = arith.cmpi sgt, %jit3A_1790, %sign3A_1802 : i32
    %sign3A_1804 = arith.extui %sign3A_1803 : i1 to i32
    %sign3A_1805 = arith.constant 0 : i32
    %sign3A_1806 = arith.cmpi slt, %jit3A_1790, %sign3A_1805 : i32
    %sign3A_1807 = arith.extui %sign3A_1806 : i1 to i32
    %sign3A_1808 = arith.subi %sign3A_1804, %sign3A_1807 : i32
    %ne3A_1809 = vector.broadcast %sign3A_1808 : i32 to vector<64x128xi32>
    %ne3A_1810 = arith.cmpi ne, %sign3A_1801, %ne3A_1809 : vector<64x128xi32>
    %rem3A_1811 = vector.broadcast %jit3A_1790 : i32 to vector<64x128xi32>
    %rem3A_1812 = arith.remsi %add3A_1789, %rem3A_1811 : vector<64x128xi32>
    %ne3A_1813 = arith.constant 0 : i32
    %ne3A_1814 = vector.broadcast %ne3A_1813 : i32 to vector<64x128xi32>
    %ne3A_1815 = arith.cmpi ne, %rem3A_1812, %ne3A_1814 : vector<64x128xi32>
    %and3A_1816 = arith.andi %ne3A_1810, %ne3A_1815 : vector<64x128xi1>
    %sub3A_1817 = arith.constant 1 : i32
    %sub3A_1818 = vector.broadcast %sub3A_1817 : i32 to vector<64x128xi32>
    %sub3A_1819 = arith.subi %div3A_1792, %sub3A_1818 : vector<64x128xi32>
    %select_n3A_1820 = arith.select %and3A_1816, %sub3A_1819, %div3A_1792 : vector<64x128xi1>, vector<64x128xi32>
    %jit3A_1821 = arith.constant 8 : i32
    %div3A_1822 = vector.broadcast %jit3A_1821 : i32 to vector<64x128xi32>
    %div3A_1823 = arith.divsi %add3A_1786, %div3A_1822 : vector<64x128xi32>
    %sign3A_1824 = arith.constant 0 : i32
    %sign3A_1825 = vector.broadcast %sign3A_1824 : i32 to vector<64x128xi32>
    %sign3A_1826 = arith.cmpi sgt, %add3A_1786, %sign3A_1825 : vector<64x128xi32>
    %sign3A_1827 = arith.extui %sign3A_1826 : vector<64x128xi1> to vector<64x128xi32>
    %sign3A_1828 = arith.constant 0 : i32
    %sign3A_1829 = vector.broadcast %sign3A_1828 : i32 to vector<64x128xi32>
    %sign3A_1830 = arith.cmpi slt, %add3A_1786, %sign3A_1829 : vector<64x128xi32>
    %sign3A_1831 = arith.extui %sign3A_1830 : vector<64x128xi1> to vector<64x128xi32>
    %sign3A_1832 = arith.subi %sign3A_1827, %sign3A_1831 : vector<64x128xi32>
    %sign3A_1833 = arith.constant 0 : i32
    %sign3A_1834 = arith.cmpi sgt, %jit3A_1821, %sign3A_1833 : i32
    %sign3A_1835 = arith.extui %sign3A_1834 : i1 to i32
    %sign3A_1836 = arith.constant 0 : i32
    %sign3A_1837 = arith.cmpi slt, %jit3A_1821, %sign3A_1836 : i32
    %sign3A_1838 = arith.extui %sign3A_1837 : i1 to i32
    %sign3A_1839 = arith.subi %sign3A_1835, %sign3A_1838 : i32
    %ne3A_1840 = vector.broadcast %sign3A_1839 : i32 to vector<64x128xi32>
    %ne3A_1841 = arith.cmpi ne, %sign3A_1832, %ne3A_1840 : vector<64x128xi32>
    %rem3A_1842 = vector.broadcast %jit3A_1821 : i32 to vector<64x128xi32>
    %rem3A_1843 = arith.remsi %add3A_1786, %rem3A_1842 : vector<64x128xi32>
    %ne3A_1844 = arith.constant 0 : i32
    %ne3A_1845 = vector.broadcast %ne3A_1844 : i32 to vector<64x128xi32>
    %ne3A_1846 = arith.cmpi ne, %rem3A_1843, %ne3A_1845 : vector<64x128xi32>
    %and3A_1847 = arith.andi %ne3A_1841, %ne3A_1846 : vector<64x128xi1>
    %sub3A_1848 = arith.constant 1 : i32
    %sub3A_1849 = vector.broadcast %sub3A_1848 : i32 to vector<64x128xi32>
    %sub3A_1850 = arith.subi %div3A_1823, %sub3A_1849 : vector<64x128xi32>
    %select_n3A_1851 = arith.select %and3A_1847, %sub3A_1850, %div3A_1823 : vector<64x128xi1>, vector<64x128xi32>
    %eq3A_1852 = arith.cmpi eq, %select_n3A_1820, %select_n3A_1851 : vector<64x128xi32>
    %ne3A_1853 = arith.cmpi ne, %add3A_1789, %add3A_1786 : vector<64x128xi32>
    %and3A_1854 = arith.andi %eq3A_1852, %ne3A_1853 : vector<64x128xi1>
    %get3A_1855 = arith.constant 256 : index
    %get3A_1856 = arith.index_cast %add3A_1757 : i32 to index
    %get3A_1857 = vector.load %arg1[%get3A_1855, %get3A_1856] : memref<512x4096xf32, #tpu.memory_space<vmem>>, vector<64x128xf32>
    %jit3A_1858 = arith.constant 0.000000e+00 : f32
    %broadcast_in_dim3A_1859 = vector.broadcast %jit3A_1858 : f32 to vector<64x128xf32>
    %select_n3A_1860 = arith.select %and3A_1854, %get3A_1857, %broadcast_in_dim3A_1859 : vector<64x128xi1>, vector<64x128xf32>
    %reduce_max3A_1861 = arith.constant dense<0xFF800000> : vector<64xf32>
    %reduce_max3A_1862 = vector.multi_reduction <maximumf>, %select_n3A_1860, %reduce_max3A_1861 [1] : vector<64x128xf32> to vector<64xf32>
    %broadcast_in_dim3A_1863 = vector.shape_cast %reduce_max3A_1862 : vector<64xf32> to vector<64x1xf32>
    %jit3A_1864 = arith.constant 0x7F800000 : f32
    %broadcast_in_dim3A_1865 = vector.broadcast %jit3A_1864 : f32 to vector<64x128xf32>
    %select_n3A_1866 = arith.select %and3A_1854, %broadcast_in_dim3A_1865, %get3A_1857 : vector<64x128xi1>, vector<64x128xf32>
    %broadcast_in_dim3A_1867 = arith.constant 0x7F800000 : f32
    %broadcast_in_dim3A_1868 = vector.broadcast %broadcast_in_dim3A_1867 : f32 to vector<64x128xf32>
    %broadcast_in_dim3A_1869 = arith.constant 0x7F800000 : f32
    %broadcast_in_dim3A_1870 = vector.broadcast %broadcast_in_dim3A_1869 : f32 to vector<64x128xf32>
    %get3A_1871 = arith.constant 256 : index
    %get3A_1872 = arith.constant 0 : index
    %get3A_1873 = vector.load %arg1[%get3A_1871, %get3A_1872] : memref<512x4096xf32, #tpu.memory_space<vmem>>, vector<64x128xf32>
    %eq3A_1874 = arith.constant 0 : i32
    %eq3A_1875 = arith.cmpi eq, %select_n3A_1781, %eq3A_1874 : i32
    %select_n3A_1876 = arith.select %eq3A_1875, %broadcast_in_dim3A_1870, %get3A_1873 : vector<64x128xf32>
    %max3A_1877 = arith.maximumf %select_n3A_1866, %select_n3A_1876 : vector<64x128xf32>
    %min3A_1878 = arith.minimumf %broadcast_in_dim3A_1868, %max3A_1877 : vector<64x128xf32>
    %min3A_1879 = arith.minimumf %select_n3A_1866, %select_n3A_1876 : vector<64x128xf32>
    %get3A_1880 = arith.constant 256 : index
    %get3A_1881 = arith.constant 128 : index
    %get3A_1882 = vector.load %arg1[%get3A_1880, %get3A_1881] : memref<512x4096xf32, #tpu.memory_space<vmem>>, vector<64x128xf32>
    %eq3A_1883 = arith.constant 1 : i32
    %eq3A_1884 = arith.cmpi eq, %select_n3A_1781, %eq3A_1883 : i32
    %select_n3A_1885 = arith.select %eq3A_1884, %broadcast_in_dim3A_1870, %get3A_1882 : vector<64x128xf32>
    %max3A_1886 = arith.maximumf %min3A_1879, %select_n3A_1885 : vector<64x128xf32>
    %min3A_1887 = arith.minimumf %min3A_1878, %max3A_1886 : vector<64x128xf32>
    %min3A_1888 = arith.minimumf %min3A_1879, %select_n3A_1885 : vector<64x128xf32>
    %get3A_1889 = arith.constant 256 : index
    %get3A_1890 = arith.constant 256 : index
    %get3A_1891 = vector.load %arg1[%get3A_1889, %get3A_1890] : memref<512x4096xf32, #tpu.memory_space<vmem>>, vector<64x128xf32>
    %eq3A_1892 = arith.constant 2 : i32
    %eq3A_1893 = arith.cmpi eq, %select_n3A_1781, %eq3A_1892 : i32
    %select_n3A_1894 = arith.select %eq3A_1893, %broadcast_in_dim3A_1870, %get3A_1891 : vector<64x128xf32>
    %max3A_1895 = arith.maximumf %min3A_1888, %select_n3A_1894 : vector<64x128xf32>
    %min3A_1896 = arith.minimumf %min3A_1887, %max3A_1895 : vector<64x128xf32>
    %min3A_1897 = arith.minimumf %min3A_1888, %select_n3A_1894 : vector<64x128xf32>
    %get3A_1898 = arith.constant 256 : index
    %get3A_1899 = arith.constant 384 : index
    %get3A_1900 = vector.load %arg1[%get3A_1898, %get3A_1899] : memref<512x4096xf32, #tpu.memory_space<vmem>>, vector<64x128xf32>
    %eq3A_1901 = arith.constant 3 : i32
    %eq3A_1902 = arith.cmpi eq, %select_n3A_1781, %eq3A_1901 : i32
    %select_n3A_1903 = arith.select %eq3A_1902, %broadcast_in_dim3A_1870, %get3A_1900 : vector<64x128xf32>
    %max3A_1904 = arith.maximumf %min3A_1897, %select_n3A_1903 : vector<64x128xf32>
    %min3A_1905 = arith.minimumf %min3A_1896, %max3A_1904 : vector<64x128xf32>
    %min3A_1906 = arith.minimumf %min3A_1897, %select_n3A_1903 : vector<64x128xf32>
    %get3A_1907 = arith.constant 256 : index
    %get3A_1908 = arith.constant 512 : index
    %get3A_1909 = vector.load %arg1[%get3A_1907, %get3A_1908] : memref<512x4096xf32, #tpu.memory_space<vmem>>, vector<64x128xf32>
    %eq3A_1910 = arith.constant 4 : i32
    %eq3A_1911 = arith.cmpi eq, %select_n3A_1781, %eq3A_1910 : i32
    %select_n3A_1912 = arith.select %eq3A_1911, %broadcast_in_dim3A_1870, %get3A_1909 : vector<64x128xf32>
    %max3A_1913 = arith.maximumf %min3A_1906, %select_n3A_1912 : vector<64x128xf32>
    %min3A_1914 = arith.minimumf %min3A_1905, %max3A_1913 : vector<64x128xf32>
    %min3A_1915 = arith.minimumf %min3A_1906, %select_n3A_1912 : vector<64x128xf32>
    %get3A_1916 = arith.constant 256 : index
    %get3A_1917 = arith.constant 640 : index
    %get3A_1918 = vector.load %arg1[%get3A_1916, %get3A_1917] : memref<512x4096xf32, #tpu.memory_space<vmem>>, vector<64x128xf32>
    %eq3A_1919 = arith.constant 5 : i32
    %eq3A_1920 = arith.cmpi eq, %select_n3A_1781, %eq3A_1919 : i32
    %select_n3A_1921 = arith.select %eq3A_1920, %broadcast_in_dim3A_1870, %get3A_1918 : vector<64x128xf32>
    %max3A_1922 = arith.maximumf %min3A_1915, %select_n3A_1921 : vector<64x128xf32>
    %min3A_1923 = arith.minimumf %min3A_1914, %max3A_1922 : vector<64x128xf32>
    %min3A_1924 = arith.minimumf %min3A_1915, %select_n3A_1921 : vector<64x128xf32>
    %get3A_1925 = arith.constant 256 : index
    %get3A_1926 = arith.constant 768 : index
    %get3A_1927 = vector.load %arg1[%get3A_1925, %get3A_1926] : memref<512x4096xf32, #tpu.memory_space<vmem>>, vector<64x128xf32>
    %eq3A_1928 = arith.constant 6 : i32
    %eq3A_1929 = arith.cmpi eq, %select_n3A_1781, %eq3A_1928 : i32
    %select_n3A_1930 = arith.select %eq3A_1929, %broadcast_in_dim3A_1870, %get3A_1927 : vector<64x128xf32>
    %max3A_1931 = arith.maximumf %min3A_1924, %select_n3A_1930 : vector<64x128xf32>
    %min3A_1932 = arith.minimumf %min3A_1923, %max3A_1931 : vector<64x128xf32>
    %min3A_1933 = arith.minimumf %min3A_1924, %select_n3A_1930 : vector<64x128xf32>
    %get3A_1934 = arith.constant 256 : index
    %get3A_1935 = arith.constant 896 : index
    %get3A_1936 = vector.load %arg1[%get3A_1934, %get3A_1935] : memref<512x4096xf32, #tpu.memory_space<vmem>>, vector<64x128xf32>
    %eq3A_1937 = arith.constant 7 : i32
    %eq3A_1938 = arith.cmpi eq, %select_n3A_1781, %eq3A_1937 : i32
    %select_n3A_1939 = arith.select %eq3A_1938, %broadcast_in_dim3A_1870, %get3A_1936 : vector<64x128xf32>
    %max3A_1940 = arith.maximumf %min3A_1933, %select_n3A_1939 : vector<64x128xf32>
    %min3A_1941 = arith.minimumf %min3A_1932, %max3A_1940 : vector<64x128xf32>
    %min3A_1942 = arith.minimumf %min3A_1933, %select_n3A_1939 : vector<64x128xf32>
    %get3A_1943 = arith.constant 256 : index
    %get3A_1944 = arith.constant 1024 : index
    %get3A_1945 = vector.load %arg1[%get3A_1943, %get3A_1944] : memref<512x4096xf32, #tpu.memory_space<vmem>>, vector<64x128xf32>
    %eq3A_1946 = arith.constant 8 : i32
    %eq3A_1947 = arith.cmpi eq, %select_n3A_1781, %eq3A_1946 : i32
    %select_n3A_1948 = arith.select %eq3A_1947, %broadcast_in_dim3A_1870, %get3A_1945 : vector<64x128xf32>
    %max3A_1949 = arith.maximumf %min3A_1942, %select_n3A_1948 : vector<64x128xf32>
    %min3A_1950 = arith.minimumf %min3A_1941, %max3A_1949 : vector<64x128xf32>
    %min3A_1951 = arith.minimumf %min3A_1942, %select_n3A_1948 : vector<64x128xf32>
    %get3A_1952 = arith.constant 256 : index
    %get3A_1953 = arith.constant 1152 : index
    %get3A_1954 = vector.load %arg1[%get3A_1952, %get3A_1953] : memref<512x4096xf32, #tpu.memory_space<vmem>>, vector<64x128xf32>
    %eq3A_1955 = arith.constant 9 : i32
    %eq3A_1956 = arith.cmpi eq, %select_n3A_1781, %eq3A_1955 : i32
    %select_n3A_1957 = arith.select %eq3A_1956, %broadcast_in_dim3A_1870, %get3A_1954 : vector<64x128xf32>
    %max3A_1958 = arith.maximumf %min3A_1951, %select_n3A_1957 : vector<64x128xf32>
    %min3A_1959 = arith.minimumf %min3A_1950, %max3A_1958 : vector<64x128xf32>
    %min3A_1960 = arith.minimumf %min3A_1951, %select_n3A_1957 : vector<64x128xf32>
    %get3A_1961 = arith.constant 256 : index
    %get3A_1962 = arith.constant 1280 : index
    %get3A_1963 = vector.load %arg1[%get3A_1961, %get3A_1962] : memref<512x4096xf32, #tpu.memory_space<vmem>>, vector<64x128xf32>
    %eq3A_1964 = arith.constant 10 : i32
    %eq3A_1965 = arith.cmpi eq, %select_n3A_1781, %eq3A_1964 : i32
    %select_n3A_1966 = arith.select %eq3A_1965, %broadcast_in_dim3A_1870, %get3A_1963 : vector<64x128xf32>
    %max3A_1967 = arith.maximumf %min3A_1960, %select_n3A_1966 : vector<64x128xf32>
    %min3A_1968 = arith.minimumf %min3A_1959, %max3A_1967 : vector<64x128xf32>
    %min3A_1969 = arith.minimumf %min3A_1960, %select_n3A_1966 : vector<64x128xf32>
    %get3A_1970 = arith.constant 256 : index
    %get3A_1971 = arith.constant 1408 : index
    %get3A_1972 = vector.load %arg1[%get3A_1970, %get3A_1971] : memref<512x4096xf32, #tpu.memory_space<vmem>>, vector<64x128xf32>
    %eq3A_1973 = arith.constant 11 : i32
    %eq3A_1974 = arith.cmpi eq, %select_n3A_1781, %eq3A_1973 : i32
    %select_n3A_1975 = arith.select %eq3A_1974, %broadcast_in_dim3A_1870, %get3A_1972 : vector<64x128xf32>
    %max3A_1976 = arith.maximumf %min3A_1969, %select_n3A_1975 : vector<64x128xf32>
    %min3A_1977 = arith.minimumf %min3A_1968, %max3A_1976 : vector<64x128xf32>
    %min3A_1978 = arith.minimumf %min3A_1969, %select_n3A_1975 : vector<64x128xf32>
    %get3A_1979 = arith.constant 256 : index
    %get3A_1980 = arith.constant 1536 : index
    %get3A_1981 = vector.load %arg1[%get3A_1979, %get3A_1980] : memref<512x4096xf32, #tpu.memory_space<vmem>>, vector<64x128xf32>
    %eq3A_1982 = arith.constant 12 : i32
    %eq3A_1983 = arith.cmpi eq, %select_n3A_1781, %eq3A_1982 : i32
    %select_n3A_1984 = arith.select %eq3A_1983, %broadcast_in_dim3A_1870, %get3A_1981 : vector<64x128xf32>
    %max3A_1985 = arith.maximumf %min3A_1978, %select_n3A_1984 : vector<64x128xf32>
    %min3A_1986 = arith.minimumf %min3A_1977, %max3A_1985 : vector<64x128xf32>
    %min3A_1987 = arith.minimumf %min3A_1978, %select_n3A_1984 : vector<64x128xf32>
    %get3A_1988 = arith.constant 256 : index
    %get3A_1989 = arith.constant 1664 : index
    %get3A_1990 = vector.load %arg1[%get3A_1988, %get3A_1989] : memref<512x4096xf32, #tpu.memory_space<vmem>>, vector<64x128xf32>
    %eq3A_1991 = arith.constant 13 : i32
    %eq3A_1992 = arith.cmpi eq, %select_n3A_1781, %eq3A_1991 : i32
    %select_n3A_1993 = arith.select %eq3A_1992, %broadcast_in_dim3A_1870, %get3A_1990 : vector<64x128xf32>
    %max3A_1994 = arith.maximumf %min3A_1987, %select_n3A_1993 : vector<64x128xf32>
    %min3A_1995 = arith.minimumf %min3A_1986, %max3A_1994 : vector<64x128xf32>
    %min3A_1996 = arith.minimumf %min3A_1987, %select_n3A_1993 : vector<64x128xf32>
    %get3A_1997 = arith.constant 256 : index
    %get3A_1998 = arith.constant 1792 : index
    %get3A_1999 = vector.load %arg1[%get3A_1997, %get3A_1998] : memref<512x4096xf32, #tpu.memory_space<vmem>>, vector<64x128xf32>
    %eq3A_2000 = arith.constant 14 : i32
    %eq3A_2001 = arith.cmpi eq, %select_n3A_1781, %eq3A_2000 : i32
    %select_n3A_2002 = arith.select %eq3A_2001, %broadcast_in_dim3A_1870, %get3A_1999 : vector<64x128xf32>
    %max3A_2003 = arith.maximumf %min3A_1996, %select_n3A_2002 : vector<64x128xf32>
    %min3A_2004 = arith.minimumf %min3A_1995, %max3A_2003 : vector<64x128xf32>
    %min3A_2005 = arith.minimumf %min3A_1996, %select_n3A_2002 : vector<64x128xf32>
    %get3A_2006 = arith.constant 256 : index
    %get3A_2007 = arith.constant 1920 : index
    %get3A_2008 = vector.load %arg1[%get3A_2006, %get3A_2007] : memref<512x4096xf32, #tpu.memory_space<vmem>>, vector<64x128xf32>
    %eq3A_2009 = arith.constant 15 : i32
    %eq3A_2010 = arith.cmpi eq, %select_n3A_1781, %eq3A_2009 : i32
    %select_n3A_2011 = arith.select %eq3A_2010, %broadcast_in_dim3A_1870, %get3A_2008 : vector<64x128xf32>
    %max3A_2012 = arith.maximumf %min3A_2005, %select_n3A_2011 : vector<64x128xf32>
    %min3A_2013 = arith.minimumf %min3A_2004, %max3A_2012 : vector<64x128xf32>
    %min3A_2014 = arith.minimumf %min3A_2005, %select_n3A_2011 : vector<64x128xf32>
    %get3A_2015 = arith.constant 256 : index
    %get3A_2016 = arith.constant 2048 : index
    %get3A_2017 = vector.load %arg1[%get3A_2015, %get3A_2016] : memref<512x4096xf32, #tpu.memory_space<vmem>>, vector<64x128xf32>
    %eq3A_2018 = arith.constant 16 : i32
    %eq3A_2019 = arith.cmpi eq, %select_n3A_1781, %eq3A_2018 : i32
    %select_n3A_2020 = arith.select %eq3A_2019, %broadcast_in_dim3A_1870, %get3A_2017 : vector<64x128xf32>
    %max3A_2021 = arith.maximumf %min3A_2014, %select_n3A_2020 : vector<64x128xf32>
    %min3A_2022 = arith.minimumf %min3A_2013, %max3A_2021 : vector<64x128xf32>
    %min3A_2023 = arith.minimumf %min3A_2014, %select_n3A_2020 : vector<64x128xf32>
    %get3A_2024 = arith.constant 256 : index
    %get3A_2025 = arith.constant 2176 : index
    %get3A_2026 = vector.load %arg1[%get3A_2024, %get3A_2025] : memref<512x4096xf32, #tpu.memory_space<vmem>>, vector<64x128xf32>
    %eq3A_2027 = arith.constant 17 : i32
    %eq3A_2028 = arith.cmpi eq, %select_n3A_1781, %eq3A_2027 : i32
    %select_n3A_2029 = arith.select %eq3A_2028, %broadcast_in_dim3A_1870, %get3A_2026 : vector<64x128xf32>
    %max3A_2030 = arith.maximumf %min3A_2023, %select_n3A_2029 : vector<64x128xf32>
    %min3A_2031 = arith.minimumf %min3A_2022, %max3A_2030 : vector<64x128xf32>
    %min3A_2032 = arith.minimumf %min3A_2023, %select_n3A_2029 : vector<64x128xf32>
    %get3A_2033 = arith.constant 256 : index
    %get3A_2034 = arith.constant 2304 : index
    %get3A_2035 = vector.load %arg1[%get3A_2033, %get3A_2034] : memref<512x4096xf32, #tpu.memory_space<vmem>>, vector<64x128xf32>
    %eq3A_2036 = arith.constant 18 : i32
    %eq3A_2037 = arith.cmpi eq, %select_n3A_1781, %eq3A_2036 : i32
    %select_n3A_2038 = arith.select %eq3A_2037, %broadcast_in_dim3A_1870, %get3A_2035 : vector<64x128xf32>
    %max3A_2039 = arith.maximumf %min3A_2032, %select_n3A_2038 : vector<64x128xf32>
    %min3A_2040 = arith.minimumf %min3A_2031, %max3A_2039 : vector<64x128xf32>
    %min3A_2041 = arith.minimumf %min3A_2032, %select_n3A_2038 : vector<64x128xf32>
    %get3A_2042 = arith.constant 256 : index
    %get3A_2043 = arith.constant 2432 : index
    %get3A_2044 = vector.load %arg1[%get3A_2042, %get3A_2043] : memref<512x4096xf32, #tpu.memory_space<vmem>>, vector<64x128xf32>
    %eq3A_2045 = arith.constant 19 : i32
    %eq3A_2046 = arith.cmpi eq, %select_n3A_1781, %eq3A_2045 : i32
    %select_n3A_2047 = arith.select %eq3A_2046, %broadcast_in_dim3A_1870, %get3A_2044 : vector<64x128xf32>
    %max3A_2048 = arith.maximumf %min3A_2041, %select_n3A_2047 : vector<64x128xf32>
    %min3A_2049 = arith.minimumf %min3A_2040, %max3A_2048 : vector<64x128xf32>
    %min3A_2050 = arith.minimumf %min3A_2041, %select_n3A_2047 : vector<64x128xf32>
    %get3A_2051 = arith.constant 256 : index
    %get3A_2052 = arith.constant 2560 : index
    %get3A_2053 = vector.load %arg1[%get3A_2051, %get3A_2052] : memref<512x4096xf32, #tpu.memory_space<vmem>>, vector<64x128xf32>
    %eq3A_2054 = arith.constant 20 : i32
    %eq3A_2055 = arith.cmpi eq, %select_n3A_1781, %eq3A_2054 : i32
    %select_n3A_2056 = arith.select %eq3A_2055, %broadcast_in_dim3A_1870, %get3A_2053 : vector<64x128xf32>
    %max3A_2057 = arith.maximumf %min3A_2050, %select_n3A_2056 : vector<64x128xf32>
    %min3A_2058 = arith.minimumf %min3A_2049, %max3A_2057 : vector<64x128xf32>
    %min3A_2059 = arith.minimumf %min3A_2050, %select_n3A_2056 : vector<64x128xf32>
    %get3A_2060 = arith.constant 256 : index
    %get3A_2061 = arith.constant 2688 : index
    %get3A_2062 = vector.load %arg1[%get3A_2060, %get3A_2061] : memref<512x4096xf32, #tpu.memory_space<vmem>>, vector<64x128xf32>
    %eq3A_2063 = arith.constant 21 : i32
    %eq3A_2064 = arith.cmpi eq, %select_n3A_1781, %eq3A_2063 : i32
    %select_n3A_2065 = arith.select %eq3A_2064, %broadcast_in_dim3A_1870, %get3A_2062 : vector<64x128xf32>
    %max3A_2066 = arith.maximumf %min3A_2059, %select_n3A_2065 : vector<64x128xf32>
    %min3A_2067 = arith.minimumf %min3A_2058, %max3A_2066 : vector<64x128xf32>
    %min3A_2068 = arith.minimumf %min3A_2059, %select_n3A_2065 : vector<64x128xf32>
    %get3A_2069 = arith.constant 256 : index
    %get3A_2070 = arith.constant 2816 : index
    %get3A_2071 = vector.load %arg1[%get3A_2069, %get3A_2070] : memref<512x4096xf32, #tpu.memory_space<vmem>>, vector<64x128xf32>
    %eq3A_2072 = arith.constant 22 : i32
    %eq3A_2073 = arith.cmpi eq, %select_n3A_1781, %eq3A_2072 : i32
    %select_n3A_2074 = arith.select %eq3A_2073, %broadcast_in_dim3A_1870, %get3A_2071 : vector<64x128xf32>
    %max3A_2075 = arith.maximumf %min3A_2068, %select_n3A_2074 : vector<64x128xf32>
    %min3A_2076 = arith.minimumf %min3A_2067, %max3A_2075 : vector<64x128xf32>
    %min3A_2077 = arith.minimumf %min3A_2068, %select_n3A_2074 : vector<64x128xf32>
    %get3A_2078 = arith.constant 256 : index
    %get3A_2079 = arith.constant 2944 : index
    %get3A_2080 = vector.load %arg1[%get3A_2078, %get3A_2079] : memref<512x4096xf32, #tpu.memory_space<vmem>>, vector<64x128xf32>
    %eq3A_2081 = arith.constant 23 : i32
    %eq3A_2082 = arith.cmpi eq, %select_n3A_1781, %eq3A_2081 : i32
    %select_n3A_2083 = arith.select %eq3A_2082, %broadcast_in_dim3A_1870, %get3A_2080 : vector<64x128xf32>
    %max3A_2084 = arith.maximumf %min3A_2077, %select_n3A_2083 : vector<64x128xf32>
    %min3A_2085 = arith.minimumf %min3A_2076, %max3A_2084 : vector<64x128xf32>
    %min3A_2086 = arith.minimumf %min3A_2077, %select_n3A_2083 : vector<64x128xf32>
    %get3A_2087 = arith.constant 256 : index
    %get3A_2088 = arith.constant 3072 : index
    %get3A_2089 = vector.load %arg1[%get3A_2087, %get3A_2088] : memref<512x4096xf32, #tpu.memory_space<vmem>>, vector<64x128xf32>
    %eq3A_2090 = arith.constant 24 : i32
    %eq3A_2091 = arith.cmpi eq, %select_n3A_1781, %eq3A_2090 : i32
    %select_n3A_2092 = arith.select %eq3A_2091, %broadcast_in_dim3A_1870, %get3A_2089 : vector<64x128xf32>
    %max3A_2093 = arith.maximumf %min3A_2086, %select_n3A_2092 : vector<64x128xf32>
    %min3A_2094 = arith.minimumf %min3A_2085, %max3A_2093 : vector<64x128xf32>
    %min3A_2095 = arith.minimumf %min3A_2086, %select_n3A_2092 : vector<64x128xf32>
    %get3A_2096 = arith.constant 256 : index
    %get3A_2097 = arith.constant 3200 : index
    %get3A_2098 = vector.load %arg1[%get3A_2096, %get3A_2097] : memref<512x4096xf32, #tpu.memory_space<vmem>>, vector<64x128xf32>
    %eq3A_2099 = arith.constant 25 : i32
    %eq3A_2100 = arith.cmpi eq, %select_n3A_1781, %eq3A_2099 : i32
    %select_n3A_2101 = arith.select %eq3A_2100, %broadcast_in_dim3A_1870, %get3A_2098 : vector<64x128xf32>
    %max3A_2102 = arith.maximumf %min3A_2095, %select_n3A_2101 : vector<64x128xf32>
    %min3A_2103 = arith.minimumf %min3A_2094, %max3A_2102 : vector<64x128xf32>
    %min3A_2104 = arith.minimumf %min3A_2095, %select_n3A_2101 : vector<64x128xf32>
    %get3A_2105 = arith.constant 256 : index
    %get3A_2106 = arith.constant 3328 : index
    %get3A_2107 = vector.load %arg1[%get3A_2105, %get3A_2106] : memref<512x4096xf32, #tpu.memory_space<vmem>>, vector<64x128xf32>
    %eq3A_2108 = arith.constant 26 : i32
    %eq3A_2109 = arith.cmpi eq, %select_n3A_1781, %eq3A_2108 : i32
    %select_n3A_2110 = arith.select %eq3A_2109, %broadcast_in_dim3A_1870, %get3A_2107 : vector<64x128xf32>
    %max3A_2111 = arith.maximumf %min3A_2104, %select_n3A_2110 : vector<64x128xf32>
    %min3A_2112 = arith.minimumf %min3A_2103, %max3A_2111 : vector<64x128xf32>
    %min3A_2113 = arith.minimumf %min3A_2104, %select_n3A_2110 : vector<64x128xf32>
    %get3A_2114 = arith.constant 256 : index
    %get3A_2115 = arith.constant 3456 : index
    %get3A_2116 = vector.load %arg1[%get3A_2114, %get3A_2115] : memref<512x4096xf32, #tpu.memory_space<vmem>>, vector<64x128xf32>
    %eq3A_2117 = arith.constant 27 : i32
    %eq3A_2118 = arith.cmpi eq, %select_n3A_1781, %eq3A_2117 : i32
    %select_n3A_2119 = arith.select %eq3A_2118, %broadcast_in_dim3A_1870, %get3A_2116 : vector<64x128xf32>
    %max3A_2120 = arith.maximumf %min3A_2113, %select_n3A_2119 : vector<64x128xf32>
    %min3A_2121 = arith.minimumf %min3A_2112, %max3A_2120 : vector<64x128xf32>
    %min3A_2122 = arith.minimumf %min3A_2113, %select_n3A_2119 : vector<64x128xf32>
    %get3A_2123 = arith.constant 256 : index
    %get3A_2124 = arith.constant 3584 : index
    %get3A_2125 = vector.load %arg1[%get3A_2123, %get3A_2124] : memref<512x4096xf32, #tpu.memory_space<vmem>>, vector<64x128xf32>
    %eq3A_2126 = arith.constant 28 : i32
    %eq3A_2127 = arith.cmpi eq, %select_n3A_1781, %eq3A_2126 : i32
    %select_n3A_2128 = arith.select %eq3A_2127, %broadcast_in_dim3A_1870, %get3A_2125 : vector<64x128xf32>
    %max3A_2129 = arith.maximumf %min3A_2122, %select_n3A_2128 : vector<64x128xf32>
    %min3A_2130 = arith.minimumf %min3A_2121, %max3A_2129 : vector<64x128xf32>
    %min3A_2131 = arith.minimumf %min3A_2122, %select_n3A_2128 : vector<64x128xf32>
    %get3A_2132 = arith.constant 256 : index
    %get3A_2133 = arith.constant 3712 : index
    %get3A_2134 = vector.load %arg1[%get3A_2132, %get3A_2133] : memref<512x4096xf32, #tpu.memory_space<vmem>>, vector<64x128xf32>
    %eq3A_2135 = arith.constant 29 : i32
    %eq3A_2136 = arith.cmpi eq, %select_n3A_1781, %eq3A_2135 : i32
    %select_n3A_2137 = arith.select %eq3A_2136, %broadcast_in_dim3A_1870, %get3A_2134 : vector<64x128xf32>
    %max3A_2138 = arith.maximumf %min3A_2131, %select_n3A_2137 : vector<64x128xf32>
    %min3A_2139 = arith.minimumf %min3A_2130, %max3A_2138 : vector<64x128xf32>
    %min3A_2140 = arith.minimumf %min3A_2131, %select_n3A_2137 : vector<64x128xf32>
    %get3A_2141 = arith.constant 256 : index
    %get3A_2142 = arith.constant 3840 : index
    %get3A_2143 = vector.load %arg1[%get3A_2141, %get3A_2142] : memref<512x4096xf32, #tpu.memory_space<vmem>>, vector<64x128xf32>
    %eq3A_2144 = arith.constant 30 : i32
    %eq3A_2145 = arith.cmpi eq, %select_n3A_1781, %eq3A_2144 : i32
    %select_n3A_2146 = arith.select %eq3A_2145, %broadcast_in_dim3A_1870, %get3A_2143 : vector<64x128xf32>
    %max3A_2147 = arith.maximumf %min3A_2140, %select_n3A_2146 : vector<64x128xf32>
    %min3A_2148 = arith.minimumf %min3A_2139, %max3A_2147 : vector<64x128xf32>
    %min3A_2149 = arith.minimumf %min3A_2140, %select_n3A_2146 : vector<64x128xf32>
    %get3A_2150 = arith.constant 256 : index
    %get3A_2151 = arith.constant 3968 : index
    %get3A_2152 = vector.load %arg1[%get3A_2150, %get3A_2151] : memref<512x4096xf32, #tpu.memory_space<vmem>>, vector<64x128xf32>
    %eq3A_2153 = arith.constant 31 : i32
    %eq3A_2154 = arith.cmpi eq, %select_n3A_1781, %eq3A_2153 : i32
    %select_n3A_2155 = arith.select %eq3A_2154, %broadcast_in_dim3A_1870, %get3A_2152 : vector<64x128xf32>
    %max3A_2156 = arith.maximumf %min3A_2149, %select_n3A_2155 : vector<64x128xf32>
    %min3A_2157 = arith.minimumf %min3A_2148, %max3A_2156 : vector<64x128xf32>
    %min3A_2158 = arith.minimumf %min3A_2149, %select_n3A_2155 : vector<64x128xf32>
    %reduce_min3A_2159 = arith.constant dense<0x7F800000> : vector<64xf32>
    %reduce_min3A_2160 = vector.multi_reduction <minimumf>, %min3A_2158, %reduce_min3A_2159 [1] : vector<64x128xf32> to vector<64xf32>
    %broadcast_in_dim3A_2161 = vector.shape_cast %reduce_min3A_2160 : vector<64xf32> to vector<64x1xf32>
    %eq3A_2162 = vector.broadcast %broadcast_in_dim3A_2161 : vector<64x1xf32> to vector<64x128xf32>
    %eq3A_2163 = arith.cmpf oeq, %min3A_2158, %eq3A_2162 : vector<64x128xf32>
    %convert_element_type3A_2164 = arith.extui %eq3A_2163 : vector<64x128xi1> to vector<64x128xi32>
    %convert_element_type3A_2165 = arith.sitofp %convert_element_type3A_2164 : vector<64x128xi32> to vector<64x128xf32>
    %reduce_sum3A_2166 = arith.constant dense<0.000000e+00> : vector<64xf32>
    %reduce_sum3A_2167 = vector.multi_reduction <add>, %convert_element_type3A_2165, %reduce_sum3A_2166 [1] : vector<64x128xf32> to vector<64xf32>
    %broadcast_in_dim3A_2168 = vector.shape_cast %reduce_sum3A_2167 : vector<64xf32> to vector<64x1xf32>
    %jit3A_2169 = arith.constant 0x7F800000 : f32
    %broadcast_in_dim3A_2170 = vector.broadcast %jit3A_2169 : f32 to vector<64x128xf32>
    %select_n3A_2171 = arith.select %eq3A_2163, %broadcast_in_dim3A_2170, %min3A_2158 : vector<64x128xi1>, vector<64x128xf32>
    %reduce_min3A_2172 = arith.constant dense<0x7F800000> : vector<64xf32>
    %reduce_min3A_2173 = vector.multi_reduction <minimumf>, %select_n3A_2171, %reduce_min3A_2172 [1] : vector<64x128xf32> to vector<64xf32>
    %broadcast_in_dim3A_2174 = vector.shape_cast %reduce_min3A_2173 : vector<64xf32> to vector<64x1xf32>
    %jit3A_2175 = arith.constant 0x7F800000 : f32
    %broadcast_in_dim3A_2176 = vector.broadcast %jit3A_2175 : f32 to vector<64x128xf32>
    %select_n3A_2177 = arith.select %eq3A_2163, %min3A_2157, %broadcast_in_dim3A_2176 : vector<64x128xi1>, vector<64x128xf32>
    %reduce_min3A_2178 = arith.constant dense<0x7F800000> : vector<64xf32>
    %reduce_min3A_2179 = vector.multi_reduction <minimumf>, %select_n3A_2177, %reduce_min3A_2178 [1] : vector<64x128xf32> to vector<64xf32>
    %broadcast_in_dim3A_2180 = vector.shape_cast %reduce_min3A_2179 : vector<64xf32> to vector<64x1xf32>
    %ge3A_2181 = arith.constant 2.000000e+00 : f32
    %ge3A_2182 = vector.broadcast %ge3A_2181 : f32 to vector<64x1xf32>
    %ge3A_2183 = arith.cmpf oge, %broadcast_in_dim3A_2168, %ge3A_2182 : vector<64x1xf32>
    %min3A_2184 = arith.minimumf %broadcast_in_dim3A_2174, %broadcast_in_dim3A_2180 : vector<64x1xf32>
    %select_n3A_2185 = arith.select %ge3A_2183, %broadcast_in_dim3A_2161, %min3A_2184 : vector<64x1xi1>, vector<64x1xf32>
    %sub3A_2186 = arith.subf %broadcast_in_dim3A_1863, %select_n3A_2185 : vector<64x1xf32>
    %add3A_2187 = arith.constant 3.000000e-01 : f32
    %add3A_2188 = vector.broadcast %add3A_2187 : f32 to vector<64x1xf32>
    %add3A_2189 = arith.addf %sub3A_2186, %add3A_2188 : vector<64x1xf32>
    %max3A_2190 = arith.constant 0.000000e+00 : f32
    %max3A_2191 = vector.broadcast %max3A_2190 : f32 to vector<64x1xf32>
    %max3A_2192 = arith.maximumf %add3A_2189, %max3A_2191 : vector<64x1xf32>
    %reduce_sum3A_2193 = vector.shape_cast %max3A_2192 : vector<64x1xf32> to vector<1x64x1xf32>
    %reduce_sum3A_2194 = arith.constant dense<0.000000e+00> : vector<1xf32>
    %reduce_sum3A_2195 = vector.multi_reduction <add>, %reduce_sum3A_2193, %reduce_sum3A_2194 [1, 2] : vector<1x64x1xf32> to vector<1xf32>
    %reduce_sum3A_2196 = vector.shape_cast %reduce_sum3A_2195 : vector<1xf32> to vector<1x1x1xf32>
    %reduce_sum3A_2197 = vector.extract %reduce_sum3A_2196[0, 0, 0] : f32 from vector<1x1x1xf32>
    %add3A_2198 = arith.addf %add3A_1755, %reduce_sum3A_2197 : f32
    %add3A_2199 = arith.constant 256 : i32
    %add3A_2200 = arith.addi %add3A_1, %add3A_2199 : i32
    %jit3A_2201 = arith.constant 128 : i32
    %div3A_2202 = arith.divsi %add3A_2200, %jit3A_2201 : i32
    %sign3A_2203 = arith.constant 0 : i32
    %sign3A_2204 = arith.cmpi sgt, %add3A_2200, %sign3A_2203 : i32
    %sign3A_2205 = arith.extui %sign3A_2204 : i1 to i32
    %sign3A_2206 = arith.constant 0 : i32
    %sign3A_2207 = arith.cmpi slt, %add3A_2200, %sign3A_2206 : i32
    %sign3A_2208 = arith.extui %sign3A_2207 : i1 to i32
    %sign3A_2209 = arith.subi %sign3A_2205, %sign3A_2208 : i32
    %sign3A_2210 = arith.constant 0 : i32
    %sign3A_2211 = arith.cmpi sgt, %jit3A_2201, %sign3A_2210 : i32
    %sign3A_2212 = arith.extui %sign3A_2211 : i1 to i32
    %sign3A_2213 = arith.constant 0 : i32
    %sign3A_2214 = arith.cmpi slt, %jit3A_2201, %sign3A_2213 : i32
    %sign3A_2215 = arith.extui %sign3A_2214 : i1 to i32
    %sign3A_2216 = arith.subi %sign3A_2212, %sign3A_2215 : i32
    %ne3A_2217 = arith.cmpi ne, %sign3A_2209, %sign3A_2216 : i32
    %rem3A_2218 = arith.remsi %add3A_2200, %jit3A_2201 : i32
    %ne3A_2219 = arith.constant 0 : i32
    %ne3A_2220 = arith.cmpi ne, %rem3A_2218, %ne3A_2219 : i32
    %and3A_2221 = arith.andi %ne3A_2217, %ne3A_2220 : i1
    %sub3A_2222 = arith.constant 1 : i32
    %sub3A_2223 = arith.subi %div3A_2202, %sub3A_2222 : i32
    %select_n3A_2224 = arith.select %and3A_2221, %sub3A_2223, %div3A_2202 : i32
    %add3A_2225 = arith.constant 320 : i32
    %add3A_2226 = arith.addi %add3A_1, %add3A_2225 : i32
    %iota3A_2227 = tpu.iota {dimensions = array<i32: 0>} : vector<64x128xi32>
    %add3A_2228 = vector.broadcast %add3A_2226 : i32 to vector<64x128xi32>
    %add3A_2229 = arith.addi %add3A_2228, %iota3A_2227 : vector<64x128xi32>
    %iota3A_2230 = tpu.iota {dimensions = array<i32: 1>} : vector<64x128xi32>
    %add3A_2231 = vector.broadcast %add3A_2200 : i32 to vector<64x128xi32>
    %add3A_2232 = arith.addi %add3A_2231, %iota3A_2230 : vector<64x128xi32>
    %jit3A_2233 = arith.constant 8 : i32
    %div3A_2234 = vector.broadcast %jit3A_2233 : i32 to vector<64x128xi32>
    %div3A_2235 = arith.divsi %add3A_2232, %div3A_2234 : vector<64x128xi32>
    %sign3A_2236 = arith.constant 0 : i32
    %sign3A_2237 = vector.broadcast %sign3A_2236 : i32 to vector<64x128xi32>
    %sign3A_2238 = arith.cmpi sgt, %add3A_2232, %sign3A_2237 : vector<64x128xi32>
    %sign3A_2239 = arith.extui %sign3A_2238 : vector<64x128xi1> to vector<64x128xi32>
    %sign3A_2240 = arith.constant 0 : i32
    %sign3A_2241 = vector.broadcast %sign3A_2240 : i32 to vector<64x128xi32>
    %sign3A_2242 = arith.cmpi slt, %add3A_2232, %sign3A_2241 : vector<64x128xi32>
    %sign3A_2243 = arith.extui %sign3A_2242 : vector<64x128xi1> to vector<64x128xi32>
    %sign3A_2244 = arith.subi %sign3A_2239, %sign3A_2243 : vector<64x128xi32>
    %sign3A_2245 = arith.constant 0 : i32
    %sign3A_2246 = arith.cmpi sgt, %jit3A_2233, %sign3A_2245 : i32
    %sign3A_2247 = arith.extui %sign3A_2246 : i1 to i32
    %sign3A_2248 = arith.constant 0 : i32
    %sign3A_2249 = arith.cmpi slt, %jit3A_2233, %sign3A_2248 : i32
    %sign3A_2250 = arith.extui %sign3A_2249 : i1 to i32
    %sign3A_2251 = arith.subi %sign3A_2247, %sign3A_2250 : i32
    %ne3A_2252 = vector.broadcast %sign3A_2251 : i32 to vector<64x128xi32>
    %ne3A_2253 = arith.cmpi ne, %sign3A_2244, %ne3A_2252 : vector<64x128xi32>
    %rem3A_2254 = vector.broadcast %jit3A_2233 : i32 to vector<64x128xi32>
    %rem3A_2255 = arith.remsi %add3A_2232, %rem3A_2254 : vector<64x128xi32>
    %ne3A_2256 = arith.constant 0 : i32
    %ne3A_2257 = vector.broadcast %ne3A_2256 : i32 to vector<64x128xi32>
    %ne3A_2258 = arith.cmpi ne, %rem3A_2255, %ne3A_2257 : vector<64x128xi32>
    %and3A_2259 = arith.andi %ne3A_2253, %ne3A_2258 : vector<64x128xi1>
    %sub3A_2260 = arith.constant 1 : i32
    %sub3A_2261 = vector.broadcast %sub3A_2260 : i32 to vector<64x128xi32>
    %sub3A_2262 = arith.subi %div3A_2235, %sub3A_2261 : vector<64x128xi32>
    %select_n3A_2263 = arith.select %and3A_2259, %sub3A_2262, %div3A_2235 : vector<64x128xi1>, vector<64x128xi32>
    %jit3A_2264 = arith.constant 8 : i32
    %div3A_2265 = vector.broadcast %jit3A_2264 : i32 to vector<64x128xi32>
    %div3A_2266 = arith.divsi %add3A_2229, %div3A_2265 : vector<64x128xi32>
    %sign3A_2267 = arith.constant 0 : i32
    %sign3A_2268 = vector.broadcast %sign3A_2267 : i32 to vector<64x128xi32>
    %sign3A_2269 = arith.cmpi sgt, %add3A_2229, %sign3A_2268 : vector<64x128xi32>
    %sign3A_2270 = arith.extui %sign3A_2269 : vector<64x128xi1> to vector<64x128xi32>
    %sign3A_2271 = arith.constant 0 : i32
    %sign3A_2272 = vector.broadcast %sign3A_2271 : i32 to vector<64x128xi32>
    %sign3A_2273 = arith.cmpi slt, %add3A_2229, %sign3A_2272 : vector<64x128xi32>
    %sign3A_2274 = arith.extui %sign3A_2273 : vector<64x128xi1> to vector<64x128xi32>
    %sign3A_2275 = arith.subi %sign3A_2270, %sign3A_2274 : vector<64x128xi32>
    %sign3A_2276 = arith.constant 0 : i32
    %sign3A_2277 = arith.cmpi sgt, %jit3A_2264, %sign3A_2276 : i32
    %sign3A_2278 = arith.extui %sign3A_2277 : i1 to i32
    %sign3A_2279 = arith.constant 0 : i32
    %sign3A_2280 = arith.cmpi slt, %jit3A_2264, %sign3A_2279 : i32
    %sign3A_2281 = arith.extui %sign3A_2280 : i1 to i32
    %sign3A_2282 = arith.subi %sign3A_2278, %sign3A_2281 : i32
    %ne3A_2283 = vector.broadcast %sign3A_2282 : i32 to vector<64x128xi32>
    %ne3A_2284 = arith.cmpi ne, %sign3A_2275, %ne3A_2283 : vector<64x128xi32>
    %rem3A_2285 = vector.broadcast %jit3A_2264 : i32 to vector<64x128xi32>
    %rem3A_2286 = arith.remsi %add3A_2229, %rem3A_2285 : vector<64x128xi32>
    %ne3A_2287 = arith.constant 0 : i32
    %ne3A_2288 = vector.broadcast %ne3A_2287 : i32 to vector<64x128xi32>
    %ne3A_2289 = arith.cmpi ne, %rem3A_2286, %ne3A_2288 : vector<64x128xi32>
    %and3A_2290 = arith.andi %ne3A_2284, %ne3A_2289 : vector<64x128xi1>
    %sub3A_2291 = arith.constant 1 : i32
    %sub3A_2292 = vector.broadcast %sub3A_2291 : i32 to vector<64x128xi32>
    %sub3A_2293 = arith.subi %div3A_2266, %sub3A_2292 : vector<64x128xi32>
    %select_n3A_2294 = arith.select %and3A_2290, %sub3A_2293, %div3A_2266 : vector<64x128xi1>, vector<64x128xi32>
    %eq3A_2295 = arith.cmpi eq, %select_n3A_2263, %select_n3A_2294 : vector<64x128xi32>
    %ne3A_2296 = arith.cmpi ne, %add3A_2232, %add3A_2229 : vector<64x128xi32>
    %and3A_2297 = arith.andi %eq3A_2295, %ne3A_2296 : vector<64x128xi1>
    %get3A_2298 = arith.constant 320 : index
    %get3A_2299 = arith.index_cast %add3A_2200 : i32 to index
    %get3A_2300 = vector.load %arg1[%get3A_2298, %get3A_2299] : memref<512x4096xf32, #tpu.memory_space<vmem>>, vector<64x128xf32>
    %jit3A_2301 = arith.constant 0.000000e+00 : f32
    %broadcast_in_dim3A_2302 = vector.broadcast %jit3A_2301 : f32 to vector<64x128xf32>
    %select_n3A_2303 = arith.select %and3A_2297, %get3A_2300, %broadcast_in_dim3A_2302 : vector<64x128xi1>, vector<64x128xf32>
    %reduce_max3A_2304 = arith.constant dense<0xFF800000> : vector<64xf32>
    %reduce_max3A_2305 = vector.multi_reduction <maximumf>, %select_n3A_2303, %reduce_max3A_2304 [1] : vector<64x128xf32> to vector<64xf32>
    %broadcast_in_dim3A_2306 = vector.shape_cast %reduce_max3A_2305 : vector<64xf32> to vector<64x1xf32>
    %jit3A_2307 = arith.constant 0x7F800000 : f32
    %broadcast_in_dim3A_2308 = vector.broadcast %jit3A_2307 : f32 to vector<64x128xf32>
    %select_n3A_2309 = arith.select %and3A_2297, %broadcast_in_dim3A_2308, %get3A_2300 : vector<64x128xi1>, vector<64x128xf32>
    %broadcast_in_dim3A_2310 = arith.constant 0x7F800000 : f32
    %broadcast_in_dim3A_2311 = vector.broadcast %broadcast_in_dim3A_2310 : f32 to vector<64x128xf32>
    %broadcast_in_dim3A_2312 = arith.constant 0x7F800000 : f32
    %broadcast_in_dim3A_2313 = vector.broadcast %broadcast_in_dim3A_2312 : f32 to vector<64x128xf32>
    %get3A_2314 = arith.constant 320 : index
    %get3A_2315 = arith.constant 0 : index
    %get3A_2316 = vector.load %arg1[%get3A_2314, %get3A_2315] : memref<512x4096xf32, #tpu.memory_space<vmem>>, vector<64x128xf32>
    %eq3A_2317 = arith.constant 0 : i32
    %eq3A_2318 = arith.cmpi eq, %select_n3A_2224, %eq3A_2317 : i32
    %select_n3A_2319 = arith.select %eq3A_2318, %broadcast_in_dim3A_2313, %get3A_2316 : vector<64x128xf32>
    %max3A_2320 = arith.maximumf %select_n3A_2309, %select_n3A_2319 : vector<64x128xf32>
    %min3A_2321 = arith.minimumf %broadcast_in_dim3A_2311, %max3A_2320 : vector<64x128xf32>
    %min3A_2322 = arith.minimumf %select_n3A_2309, %select_n3A_2319 : vector<64x128xf32>
    %get3A_2323 = arith.constant 320 : index
    %get3A_2324 = arith.constant 128 : index
    %get3A_2325 = vector.load %arg1[%get3A_2323, %get3A_2324] : memref<512x4096xf32, #tpu.memory_space<vmem>>, vector<64x128xf32>
    %eq3A_2326 = arith.constant 1 : i32
    %eq3A_2327 = arith.cmpi eq, %select_n3A_2224, %eq3A_2326 : i32
    %select_n3A_2328 = arith.select %eq3A_2327, %broadcast_in_dim3A_2313, %get3A_2325 : vector<64x128xf32>
    %max3A_2329 = arith.maximumf %min3A_2322, %select_n3A_2328 : vector<64x128xf32>
    %min3A_2330 = arith.minimumf %min3A_2321, %max3A_2329 : vector<64x128xf32>
    %min3A_2331 = arith.minimumf %min3A_2322, %select_n3A_2328 : vector<64x128xf32>
    %get3A_2332 = arith.constant 320 : index
    %get3A_2333 = arith.constant 256 : index
    %get3A_2334 = vector.load %arg1[%get3A_2332, %get3A_2333] : memref<512x4096xf32, #tpu.memory_space<vmem>>, vector<64x128xf32>
    %eq3A_2335 = arith.constant 2 : i32
    %eq3A_2336 = arith.cmpi eq, %select_n3A_2224, %eq3A_2335 : i32
    %select_n3A_2337 = arith.select %eq3A_2336, %broadcast_in_dim3A_2313, %get3A_2334 : vector<64x128xf32>
    %max3A_2338 = arith.maximumf %min3A_2331, %select_n3A_2337 : vector<64x128xf32>
    %min3A_2339 = arith.minimumf %min3A_2330, %max3A_2338 : vector<64x128xf32>
    %min3A_2340 = arith.minimumf %min3A_2331, %select_n3A_2337 : vector<64x128xf32>
    %get3A_2341 = arith.constant 320 : index
    %get3A_2342 = arith.constant 384 : index
    %get3A_2343 = vector.load %arg1[%get3A_2341, %get3A_2342] : memref<512x4096xf32, #tpu.memory_space<vmem>>, vector<64x128xf32>
    %eq3A_2344 = arith.constant 3 : i32
    %eq3A_2345 = arith.cmpi eq, %select_n3A_2224, %eq3A_2344 : i32
    %select_n3A_2346 = arith.select %eq3A_2345, %broadcast_in_dim3A_2313, %get3A_2343 : vector<64x128xf32>
    %max3A_2347 = arith.maximumf %min3A_2340, %select_n3A_2346 : vector<64x128xf32>
    %min3A_2348 = arith.minimumf %min3A_2339, %max3A_2347 : vector<64x128xf32>
    %min3A_2349 = arith.minimumf %min3A_2340, %select_n3A_2346 : vector<64x128xf32>
    %get3A_2350 = arith.constant 320 : index
    %get3A_2351 = arith.constant 512 : index
    %get3A_2352 = vector.load %arg1[%get3A_2350, %get3A_2351] : memref<512x4096xf32, #tpu.memory_space<vmem>>, vector<64x128xf32>
    %eq3A_2353 = arith.constant 4 : i32
    %eq3A_2354 = arith.cmpi eq, %select_n3A_2224, %eq3A_2353 : i32
    %select_n3A_2355 = arith.select %eq3A_2354, %broadcast_in_dim3A_2313, %get3A_2352 : vector<64x128xf32>
    %max3A_2356 = arith.maximumf %min3A_2349, %select_n3A_2355 : vector<64x128xf32>
    %min3A_2357 = arith.minimumf %min3A_2348, %max3A_2356 : vector<64x128xf32>
    %min3A_2358 = arith.minimumf %min3A_2349, %select_n3A_2355 : vector<64x128xf32>
    %get3A_2359 = arith.constant 320 : index
    %get3A_2360 = arith.constant 640 : index
    %get3A_2361 = vector.load %arg1[%get3A_2359, %get3A_2360] : memref<512x4096xf32, #tpu.memory_space<vmem>>, vector<64x128xf32>
    %eq3A_2362 = arith.constant 5 : i32
    %eq3A_2363 = arith.cmpi eq, %select_n3A_2224, %eq3A_2362 : i32
    %select_n3A_2364 = arith.select %eq3A_2363, %broadcast_in_dim3A_2313, %get3A_2361 : vector<64x128xf32>
    %max3A_2365 = arith.maximumf %min3A_2358, %select_n3A_2364 : vector<64x128xf32>
    %min3A_2366 = arith.minimumf %min3A_2357, %max3A_2365 : vector<64x128xf32>
    %min3A_2367 = arith.minimumf %min3A_2358, %select_n3A_2364 : vector<64x128xf32>
    %get3A_2368 = arith.constant 320 : index
    %get3A_2369 = arith.constant 768 : index
    %get3A_2370 = vector.load %arg1[%get3A_2368, %get3A_2369] : memref<512x4096xf32, #tpu.memory_space<vmem>>, vector<64x128xf32>
    %eq3A_2371 = arith.constant 6 : i32
    %eq3A_2372 = arith.cmpi eq, %select_n3A_2224, %eq3A_2371 : i32
    %select_n3A_2373 = arith.select %eq3A_2372, %broadcast_in_dim3A_2313, %get3A_2370 : vector<64x128xf32>
    %max3A_2374 = arith.maximumf %min3A_2367, %select_n3A_2373 : vector<64x128xf32>
    %min3A_2375 = arith.minimumf %min3A_2366, %max3A_2374 : vector<64x128xf32>
    %min3A_2376 = arith.minimumf %min3A_2367, %select_n3A_2373 : vector<64x128xf32>
    %get3A_2377 = arith.constant 320 : index
    %get3A_2378 = arith.constant 896 : index
    %get3A_2379 = vector.load %arg1[%get3A_2377, %get3A_2378] : memref<512x4096xf32, #tpu.memory_space<vmem>>, vector<64x128xf32>
    %eq3A_2380 = arith.constant 7 : i32
    %eq3A_2381 = arith.cmpi eq, %select_n3A_2224, %eq3A_2380 : i32
    %select_n3A_2382 = arith.select %eq3A_2381, %broadcast_in_dim3A_2313, %get3A_2379 : vector<64x128xf32>
    %max3A_2383 = arith.maximumf %min3A_2376, %select_n3A_2382 : vector<64x128xf32>
    %min3A_2384 = arith.minimumf %min3A_2375, %max3A_2383 : vector<64x128xf32>
    %min3A_2385 = arith.minimumf %min3A_2376, %select_n3A_2382 : vector<64x128xf32>
    %get3A_2386 = arith.constant 320 : index
    %get3A_2387 = arith.constant 1024 : index
    %get3A_2388 = vector.load %arg1[%get3A_2386, %get3A_2387] : memref<512x4096xf32, #tpu.memory_space<vmem>>, vector<64x128xf32>
    %eq3A_2389 = arith.constant 8 : i32
    %eq3A_2390 = arith.cmpi eq, %select_n3A_2224, %eq3A_2389 : i32
    %select_n3A_2391 = arith.select %eq3A_2390, %broadcast_in_dim3A_2313, %get3A_2388 : vector<64x128xf32>
    %max3A_2392 = arith.maximumf %min3A_2385, %select_n3A_2391 : vector<64x128xf32>
    %min3A_2393 = arith.minimumf %min3A_2384, %max3A_2392 : vector<64x128xf32>
    %min3A_2394 = arith.minimumf %min3A_2385, %select_n3A_2391 : vector<64x128xf32>
    %get3A_2395 = arith.constant 320 : index
    %get3A_2396 = arith.constant 1152 : index
    %get3A_2397 = vector.load %arg1[%get3A_2395, %get3A_2396] : memref<512x4096xf32, #tpu.memory_space<vmem>>, vector<64x128xf32>
    %eq3A_2398 = arith.constant 9 : i32
    %eq3A_2399 = arith.cmpi eq, %select_n3A_2224, %eq3A_2398 : i32
    %select_n3A_2400 = arith.select %eq3A_2399, %broadcast_in_dim3A_2313, %get3A_2397 : vector<64x128xf32>
    %max3A_2401 = arith.maximumf %min3A_2394, %select_n3A_2400 : vector<64x128xf32>
    %min3A_2402 = arith.minimumf %min3A_2393, %max3A_2401 : vector<64x128xf32>
    %min3A_2403 = arith.minimumf %min3A_2394, %select_n3A_2400 : vector<64x128xf32>
    %get3A_2404 = arith.constant 320 : index
    %get3A_2405 = arith.constant 1280 : index
    %get3A_2406 = vector.load %arg1[%get3A_2404, %get3A_2405] : memref<512x4096xf32, #tpu.memory_space<vmem>>, vector<64x128xf32>
    %eq3A_2407 = arith.constant 10 : i32
    %eq3A_2408 = arith.cmpi eq, %select_n3A_2224, %eq3A_2407 : i32
    %select_n3A_2409 = arith.select %eq3A_2408, %broadcast_in_dim3A_2313, %get3A_2406 : vector<64x128xf32>
    %max3A_2410 = arith.maximumf %min3A_2403, %select_n3A_2409 : vector<64x128xf32>
    %min3A_2411 = arith.minimumf %min3A_2402, %max3A_2410 : vector<64x128xf32>
    %min3A_2412 = arith.minimumf %min3A_2403, %select_n3A_2409 : vector<64x128xf32>
    %get3A_2413 = arith.constant 320 : index
    %get3A_2414 = arith.constant 1408 : index
    %get3A_2415 = vector.load %arg1[%get3A_2413, %get3A_2414] : memref<512x4096xf32, #tpu.memory_space<vmem>>, vector<64x128xf32>
    %eq3A_2416 = arith.constant 11 : i32
    %eq3A_2417 = arith.cmpi eq, %select_n3A_2224, %eq3A_2416 : i32
    %select_n3A_2418 = arith.select %eq3A_2417, %broadcast_in_dim3A_2313, %get3A_2415 : vector<64x128xf32>
    %max3A_2419 = arith.maximumf %min3A_2412, %select_n3A_2418 : vector<64x128xf32>
    %min3A_2420 = arith.minimumf %min3A_2411, %max3A_2419 : vector<64x128xf32>
    %min3A_2421 = arith.minimumf %min3A_2412, %select_n3A_2418 : vector<64x128xf32>
    %get3A_2422 = arith.constant 320 : index
    %get3A_2423 = arith.constant 1536 : index
    %get3A_2424 = vector.load %arg1[%get3A_2422, %get3A_2423] : memref<512x4096xf32, #tpu.memory_space<vmem>>, vector<64x128xf32>
    %eq3A_2425 = arith.constant 12 : i32
    %eq3A_2426 = arith.cmpi eq, %select_n3A_2224, %eq3A_2425 : i32
    %select_n3A_2427 = arith.select %eq3A_2426, %broadcast_in_dim3A_2313, %get3A_2424 : vector<64x128xf32>
    %max3A_2428 = arith.maximumf %min3A_2421, %select_n3A_2427 : vector<64x128xf32>
    %min3A_2429 = arith.minimumf %min3A_2420, %max3A_2428 : vector<64x128xf32>
    %min3A_2430 = arith.minimumf %min3A_2421, %select_n3A_2427 : vector<64x128xf32>
    %get3A_2431 = arith.constant 320 : index
    %get3A_2432 = arith.constant 1664 : index
    %get3A_2433 = vector.load %arg1[%get3A_2431, %get3A_2432] : memref<512x4096xf32, #tpu.memory_space<vmem>>, vector<64x128xf32>
    %eq3A_2434 = arith.constant 13 : i32
    %eq3A_2435 = arith.cmpi eq, %select_n3A_2224, %eq3A_2434 : i32
    %select_n3A_2436 = arith.select %eq3A_2435, %broadcast_in_dim3A_2313, %get3A_2433 : vector<64x128xf32>
    %max3A_2437 = arith.maximumf %min3A_2430, %select_n3A_2436 : vector<64x128xf32>
    %min3A_2438 = arith.minimumf %min3A_2429, %max3A_2437 : vector<64x128xf32>
    %min3A_2439 = arith.minimumf %min3A_2430, %select_n3A_2436 : vector<64x128xf32>
    %get3A_2440 = arith.constant 320 : index
    %get3A_2441 = arith.constant 1792 : index
    %get3A_2442 = vector.load %arg1[%get3A_2440, %get3A_2441] : memref<512x4096xf32, #tpu.memory_space<vmem>>, vector<64x128xf32>
    %eq3A_2443 = arith.constant 14 : i32
    %eq3A_2444 = arith.cmpi eq, %select_n3A_2224, %eq3A_2443 : i32
    %select_n3A_2445 = arith.select %eq3A_2444, %broadcast_in_dim3A_2313, %get3A_2442 : vector<64x128xf32>
    %max3A_2446 = arith.maximumf %min3A_2439, %select_n3A_2445 : vector<64x128xf32>
    %min3A_2447 = arith.minimumf %min3A_2438, %max3A_2446 : vector<64x128xf32>
    %min3A_2448 = arith.minimumf %min3A_2439, %select_n3A_2445 : vector<64x128xf32>
    %get3A_2449 = arith.constant 320 : index
    %get3A_2450 = arith.constant 1920 : index
    %get3A_2451 = vector.load %arg1[%get3A_2449, %get3A_2450] : memref<512x4096xf32, #tpu.memory_space<vmem>>, vector<64x128xf32>
    %eq3A_2452 = arith.constant 15 : i32
    %eq3A_2453 = arith.cmpi eq, %select_n3A_2224, %eq3A_2452 : i32
    %select_n3A_2454 = arith.select %eq3A_2453, %broadcast_in_dim3A_2313, %get3A_2451 : vector<64x128xf32>
    %max3A_2455 = arith.maximumf %min3A_2448, %select_n3A_2454 : vector<64x128xf32>
    %min3A_2456 = arith.minimumf %min3A_2447, %max3A_2455 : vector<64x128xf32>
    %min3A_2457 = arith.minimumf %min3A_2448, %select_n3A_2454 : vector<64x128xf32>
    %get3A_2458 = arith.constant 320 : index
    %get3A_2459 = arith.constant 2048 : index
    %get3A_2460 = vector.load %arg1[%get3A_2458, %get3A_2459] : memref<512x4096xf32, #tpu.memory_space<vmem>>, vector<64x128xf32>
    %eq3A_2461 = arith.constant 16 : i32
    %eq3A_2462 = arith.cmpi eq, %select_n3A_2224, %eq3A_2461 : i32
    %select_n3A_2463 = arith.select %eq3A_2462, %broadcast_in_dim3A_2313, %get3A_2460 : vector<64x128xf32>
    %max3A_2464 = arith.maximumf %min3A_2457, %select_n3A_2463 : vector<64x128xf32>
    %min3A_2465 = arith.minimumf %min3A_2456, %max3A_2464 : vector<64x128xf32>
    %min3A_2466 = arith.minimumf %min3A_2457, %select_n3A_2463 : vector<64x128xf32>
    %get3A_2467 = arith.constant 320 : index
    %get3A_2468 = arith.constant 2176 : index
    %get3A_2469 = vector.load %arg1[%get3A_2467, %get3A_2468] : memref<512x4096xf32, #tpu.memory_space<vmem>>, vector<64x128xf32>
    %eq3A_2470 = arith.constant 17 : i32
    %eq3A_2471 = arith.cmpi eq, %select_n3A_2224, %eq3A_2470 : i32
    %select_n3A_2472 = arith.select %eq3A_2471, %broadcast_in_dim3A_2313, %get3A_2469 : vector<64x128xf32>
    %max3A_2473 = arith.maximumf %min3A_2466, %select_n3A_2472 : vector<64x128xf32>
    %min3A_2474 = arith.minimumf %min3A_2465, %max3A_2473 : vector<64x128xf32>
    %min3A_2475 = arith.minimumf %min3A_2466, %select_n3A_2472 : vector<64x128xf32>
    %get3A_2476 = arith.constant 320 : index
    %get3A_2477 = arith.constant 2304 : index
    %get3A_2478 = vector.load %arg1[%get3A_2476, %get3A_2477] : memref<512x4096xf32, #tpu.memory_space<vmem>>, vector<64x128xf32>
    %eq3A_2479 = arith.constant 18 : i32
    %eq3A_2480 = arith.cmpi eq, %select_n3A_2224, %eq3A_2479 : i32
    %select_n3A_2481 = arith.select %eq3A_2480, %broadcast_in_dim3A_2313, %get3A_2478 : vector<64x128xf32>
    %max3A_2482 = arith.maximumf %min3A_2475, %select_n3A_2481 : vector<64x128xf32>
    %min3A_2483 = arith.minimumf %min3A_2474, %max3A_2482 : vector<64x128xf32>
    %min3A_2484 = arith.minimumf %min3A_2475, %select_n3A_2481 : vector<64x128xf32>
    %get3A_2485 = arith.constant 320 : index
    %get3A_2486 = arith.constant 2432 : index
    %get3A_2487 = vector.load %arg1[%get3A_2485, %get3A_2486] : memref<512x4096xf32, #tpu.memory_space<vmem>>, vector<64x128xf32>
    %eq3A_2488 = arith.constant 19 : i32
    %eq3A_2489 = arith.cmpi eq, %select_n3A_2224, %eq3A_2488 : i32
    %select_n3A_2490 = arith.select %eq3A_2489, %broadcast_in_dim3A_2313, %get3A_2487 : vector<64x128xf32>
    %max3A_2491 = arith.maximumf %min3A_2484, %select_n3A_2490 : vector<64x128xf32>
    %min3A_2492 = arith.minimumf %min3A_2483, %max3A_2491 : vector<64x128xf32>
    %min3A_2493 = arith.minimumf %min3A_2484, %select_n3A_2490 : vector<64x128xf32>
    %get3A_2494 = arith.constant 320 : index
    %get3A_2495 = arith.constant 2560 : index
    %get3A_2496 = vector.load %arg1[%get3A_2494, %get3A_2495] : memref<512x4096xf32, #tpu.memory_space<vmem>>, vector<64x128xf32>
    %eq3A_2497 = arith.constant 20 : i32
    %eq3A_2498 = arith.cmpi eq, %select_n3A_2224, %eq3A_2497 : i32
    %select_n3A_2499 = arith.select %eq3A_2498, %broadcast_in_dim3A_2313, %get3A_2496 : vector<64x128xf32>
    %max3A_2500 = arith.maximumf %min3A_2493, %select_n3A_2499 : vector<64x128xf32>
    %min3A_2501 = arith.minimumf %min3A_2492, %max3A_2500 : vector<64x128xf32>
    %min3A_2502 = arith.minimumf %min3A_2493, %select_n3A_2499 : vector<64x128xf32>
    %get3A_2503 = arith.constant 320 : index
    %get3A_2504 = arith.constant 2688 : index
    %get3A_2505 = vector.load %arg1[%get3A_2503, %get3A_2504] : memref<512x4096xf32, #tpu.memory_space<vmem>>, vector<64x128xf32>
    %eq3A_2506 = arith.constant 21 : i32
    %eq3A_2507 = arith.cmpi eq, %select_n3A_2224, %eq3A_2506 : i32
    %select_n3A_2508 = arith.select %eq3A_2507, %broadcast_in_dim3A_2313, %get3A_2505 : vector<64x128xf32>
    %max3A_2509 = arith.maximumf %min3A_2502, %select_n3A_2508 : vector<64x128xf32>
    %min3A_2510 = arith.minimumf %min3A_2501, %max3A_2509 : vector<64x128xf32>
    %min3A_2511 = arith.minimumf %min3A_2502, %select_n3A_2508 : vector<64x128xf32>
    %get3A_2512 = arith.constant 320 : index
    %get3A_2513 = arith.constant 2816 : index
    %get3A_2514 = vector.load %arg1[%get3A_2512, %get3A_2513] : memref<512x4096xf32, #tpu.memory_space<vmem>>, vector<64x128xf32>
    %eq3A_2515 = arith.constant 22 : i32
    %eq3A_2516 = arith.cmpi eq, %select_n3A_2224, %eq3A_2515 : i32
    %select_n3A_2517 = arith.select %eq3A_2516, %broadcast_in_dim3A_2313, %get3A_2514 : vector<64x128xf32>
    %max3A_2518 = arith.maximumf %min3A_2511, %select_n3A_2517 : vector<64x128xf32>
    %min3A_2519 = arith.minimumf %min3A_2510, %max3A_2518 : vector<64x128xf32>
    %min3A_2520 = arith.minimumf %min3A_2511, %select_n3A_2517 : vector<64x128xf32>
    %get3A_2521 = arith.constant 320 : index
    %get3A_2522 = arith.constant 2944 : index
    %get3A_2523 = vector.load %arg1[%get3A_2521, %get3A_2522] : memref<512x4096xf32, #tpu.memory_space<vmem>>, vector<64x128xf32>
    %eq3A_2524 = arith.constant 23 : i32
    %eq3A_2525 = arith.cmpi eq, %select_n3A_2224, %eq3A_2524 : i32
    %select_n3A_2526 = arith.select %eq3A_2525, %broadcast_in_dim3A_2313, %get3A_2523 : vector<64x128xf32>
    %max3A_2527 = arith.maximumf %min3A_2520, %select_n3A_2526 : vector<64x128xf32>
    %min3A_2528 = arith.minimumf %min3A_2519, %max3A_2527 : vector<64x128xf32>
    %min3A_2529 = arith.minimumf %min3A_2520, %select_n3A_2526 : vector<64x128xf32>
    %get3A_2530 = arith.constant 320 : index
    %get3A_2531 = arith.constant 3072 : index
    %get3A_2532 = vector.load %arg1[%get3A_2530, %get3A_2531] : memref<512x4096xf32, #tpu.memory_space<vmem>>, vector<64x128xf32>
    %eq3A_2533 = arith.constant 24 : i32
    %eq3A_2534 = arith.cmpi eq, %select_n3A_2224, %eq3A_2533 : i32
    %select_n3A_2535 = arith.select %eq3A_2534, %broadcast_in_dim3A_2313, %get3A_2532 : vector<64x128xf32>
    %max3A_2536 = arith.maximumf %min3A_2529, %select_n3A_2535 : vector<64x128xf32>
    %min3A_2537 = arith.minimumf %min3A_2528, %max3A_2536 : vector<64x128xf32>
    %min3A_2538 = arith.minimumf %min3A_2529, %select_n3A_2535 : vector<64x128xf32>
    %get3A_2539 = arith.constant 320 : index
    %get3A_2540 = arith.constant 3200 : index
    %get3A_2541 = vector.load %arg1[%get3A_2539, %get3A_2540] : memref<512x4096xf32, #tpu.memory_space<vmem>>, vector<64x128xf32>
    %eq3A_2542 = arith.constant 25 : i32
    %eq3A_2543 = arith.cmpi eq, %select_n3A_2224, %eq3A_2542 : i32
    %select_n3A_2544 = arith.select %eq3A_2543, %broadcast_in_dim3A_2313, %get3A_2541 : vector<64x128xf32>
    %max3A_2545 = arith.maximumf %min3A_2538, %select_n3A_2544 : vector<64x128xf32>
    %min3A_2546 = arith.minimumf %min3A_2537, %max3A_2545 : vector<64x128xf32>
    %min3A_2547 = arith.minimumf %min3A_2538, %select_n3A_2544 : vector<64x128xf32>
    %get3A_2548 = arith.constant 320 : index
    %get3A_2549 = arith.constant 3328 : index
    %get3A_2550 = vector.load %arg1[%get3A_2548, %get3A_2549] : memref<512x4096xf32, #tpu.memory_space<vmem>>, vector<64x128xf32>
    %eq3A_2551 = arith.constant 26 : i32
    %eq3A_2552 = arith.cmpi eq, %select_n3A_2224, %eq3A_2551 : i32
    %select_n3A_2553 = arith.select %eq3A_2552, %broadcast_in_dim3A_2313, %get3A_2550 : vector<64x128xf32>
    %max3A_2554 = arith.maximumf %min3A_2547, %select_n3A_2553 : vector<64x128xf32>
    %min3A_2555 = arith.minimumf %min3A_2546, %max3A_2554 : vector<64x128xf32>
    %min3A_2556 = arith.minimumf %min3A_2547, %select_n3A_2553 : vector<64x128xf32>
    %get3A_2557 = arith.constant 320 : index
    %get3A_2558 = arith.constant 3456 : index
    %get3A_2559 = vector.load %arg1[%get3A_2557, %get3A_2558] : memref<512x4096xf32, #tpu.memory_space<vmem>>, vector<64x128xf32>
    %eq3A_2560 = arith.constant 27 : i32
    %eq3A_2561 = arith.cmpi eq, %select_n3A_2224, %eq3A_2560 : i32
    %select_n3A_2562 = arith.select %eq3A_2561, %broadcast_in_dim3A_2313, %get3A_2559 : vector<64x128xf32>
    %max3A_2563 = arith.maximumf %min3A_2556, %select_n3A_2562 : vector<64x128xf32>
    %min3A_2564 = arith.minimumf %min3A_2555, %max3A_2563 : vector<64x128xf32>
    %min3A_2565 = arith.minimumf %min3A_2556, %select_n3A_2562 : vector<64x128xf32>
    %get3A_2566 = arith.constant 320 : index
    %get3A_2567 = arith.constant 3584 : index
    %get3A_2568 = vector.load %arg1[%get3A_2566, %get3A_2567] : memref<512x4096xf32, #tpu.memory_space<vmem>>, vector<64x128xf32>
    %eq3A_2569 = arith.constant 28 : i32
    %eq3A_2570 = arith.cmpi eq, %select_n3A_2224, %eq3A_2569 : i32
    %select_n3A_2571 = arith.select %eq3A_2570, %broadcast_in_dim3A_2313, %get3A_2568 : vector<64x128xf32>
    %max3A_2572 = arith.maximumf %min3A_2565, %select_n3A_2571 : vector<64x128xf32>
    %min3A_2573 = arith.minimumf %min3A_2564, %max3A_2572 : vector<64x128xf32>
    %min3A_2574 = arith.minimumf %min3A_2565, %select_n3A_2571 : vector<64x128xf32>
    %get3A_2575 = arith.constant 320 : index
    %get3A_2576 = arith.constant 3712 : index
    %get3A_2577 = vector.load %arg1[%get3A_2575, %get3A_2576] : memref<512x4096xf32, #tpu.memory_space<vmem>>, vector<64x128xf32>
    %eq3A_2578 = arith.constant 29 : i32
    %eq3A_2579 = arith.cmpi eq, %select_n3A_2224, %eq3A_2578 : i32
    %select_n3A_2580 = arith.select %eq3A_2579, %broadcast_in_dim3A_2313, %get3A_2577 : vector<64x128xf32>
    %max3A_2581 = arith.maximumf %min3A_2574, %select_n3A_2580 : vector<64x128xf32>
    %min3A_2582 = arith.minimumf %min3A_2573, %max3A_2581 : vector<64x128xf32>
    %min3A_2583 = arith.minimumf %min3A_2574, %select_n3A_2580 : vector<64x128xf32>
    %get3A_2584 = arith.constant 320 : index
    %get3A_2585 = arith.constant 3840 : index
    %get3A_2586 = vector.load %arg1[%get3A_2584, %get3A_2585] : memref<512x4096xf32, #tpu.memory_space<vmem>>, vector<64x128xf32>
    %eq3A_2587 = arith.constant 30 : i32
    %eq3A_2588 = arith.cmpi eq, %select_n3A_2224, %eq3A_2587 : i32
    %select_n3A_2589 = arith.select %eq3A_2588, %broadcast_in_dim3A_2313, %get3A_2586 : vector<64x128xf32>
    %max3A_2590 = arith.maximumf %min3A_2583, %select_n3A_2589 : vector<64x128xf32>
    %min3A_2591 = arith.minimumf %min3A_2582, %max3A_2590 : vector<64x128xf32>
    %min3A_2592 = arith.minimumf %min3A_2583, %select_n3A_2589 : vector<64x128xf32>
    %get3A_2593 = arith.constant 320 : index
    %get3A_2594 = arith.constant 3968 : index
    %get3A_2595 = vector.load %arg1[%get3A_2593, %get3A_2594] : memref<512x4096xf32, #tpu.memory_space<vmem>>, vector<64x128xf32>
    %eq3A_2596 = arith.constant 31 : i32
    %eq3A_2597 = arith.cmpi eq, %select_n3A_2224, %eq3A_2596 : i32
    %select_n3A_2598 = arith.select %eq3A_2597, %broadcast_in_dim3A_2313, %get3A_2595 : vector<64x128xf32>
    %max3A_2599 = arith.maximumf %min3A_2592, %select_n3A_2598 : vector<64x128xf32>
    %min3A_2600 = arith.minimumf %min3A_2591, %max3A_2599 : vector<64x128xf32>
    %min3A_2601 = arith.minimumf %min3A_2592, %select_n3A_2598 : vector<64x128xf32>
    %reduce_min3A_2602 = arith.constant dense<0x7F800000> : vector<64xf32>
    %reduce_min3A_2603 = vector.multi_reduction <minimumf>, %min3A_2601, %reduce_min3A_2602 [1] : vector<64x128xf32> to vector<64xf32>
    %broadcast_in_dim3A_2604 = vector.shape_cast %reduce_min3A_2603 : vector<64xf32> to vector<64x1xf32>
    %eq3A_2605 = vector.broadcast %broadcast_in_dim3A_2604 : vector<64x1xf32> to vector<64x128xf32>
    %eq3A_2606 = arith.cmpf oeq, %min3A_2601, %eq3A_2605 : vector<64x128xf32>
    %convert_element_type3A_2607 = arith.extui %eq3A_2606 : vector<64x128xi1> to vector<64x128xi32>
    %convert_element_type3A_2608 = arith.sitofp %convert_element_type3A_2607 : vector<64x128xi32> to vector<64x128xf32>
    %reduce_sum3A_2609 = arith.constant dense<0.000000e+00> : vector<64xf32>
    %reduce_sum3A_2610 = vector.multi_reduction <add>, %convert_element_type3A_2608, %reduce_sum3A_2609 [1] : vector<64x128xf32> to vector<64xf32>
    %broadcast_in_dim3A_2611 = vector.shape_cast %reduce_sum3A_2610 : vector<64xf32> to vector<64x1xf32>
    %jit3A_2612 = arith.constant 0x7F800000 : f32
    %broadcast_in_dim3A_2613 = vector.broadcast %jit3A_2612 : f32 to vector<64x128xf32>
    %select_n3A_2614 = arith.select %eq3A_2606, %broadcast_in_dim3A_2613, %min3A_2601 : vector<64x128xi1>, vector<64x128xf32>
    %reduce_min3A_2615 = arith.constant dense<0x7F800000> : vector<64xf32>
    %reduce_min3A_2616 = vector.multi_reduction <minimumf>, %select_n3A_2614, %reduce_min3A_2615 [1] : vector<64x128xf32> to vector<64xf32>
    %broadcast_in_dim3A_2617 = vector.shape_cast %reduce_min3A_2616 : vector<64xf32> to vector<64x1xf32>
    %jit3A_2618 = arith.constant 0x7F800000 : f32
    %broadcast_in_dim3A_2619 = vector.broadcast %jit3A_2618 : f32 to vector<64x128xf32>
    %select_n3A_2620 = arith.select %eq3A_2606, %min3A_2600, %broadcast_in_dim3A_2619 : vector<64x128xi1>, vector<64x128xf32>
    %reduce_min3A_2621 = arith.constant dense<0x7F800000> : vector<64xf32>
    %reduce_min3A_2622 = vector.multi_reduction <minimumf>, %select_n3A_2620, %reduce_min3A_2621 [1] : vector<64x128xf32> to vector<64xf32>
    %broadcast_in_dim3A_2623 = vector.shape_cast %reduce_min3A_2622 : vector<64xf32> to vector<64x1xf32>
    %ge3A_2624 = arith.constant 2.000000e+00 : f32
    %ge3A_2625 = vector.broadcast %ge3A_2624 : f32 to vector<64x1xf32>
    %ge3A_2626 = arith.cmpf oge, %broadcast_in_dim3A_2611, %ge3A_2625 : vector<64x1xf32>
    %min3A_2627 = arith.minimumf %broadcast_in_dim3A_2617, %broadcast_in_dim3A_2623 : vector<64x1xf32>
    %select_n3A_2628 = arith.select %ge3A_2626, %broadcast_in_dim3A_2604, %min3A_2627 : vector<64x1xi1>, vector<64x1xf32>
    %sub3A_2629 = arith.subf %broadcast_in_dim3A_2306, %select_n3A_2628 : vector<64x1xf32>
    %add3A_2630 = arith.constant 3.000000e-01 : f32
    %add3A_2631 = vector.broadcast %add3A_2630 : f32 to vector<64x1xf32>
    %add3A_2632 = arith.addf %sub3A_2629, %add3A_2631 : vector<64x1xf32>
    %max3A_2633 = arith.constant 0.000000e+00 : f32
    %max3A_2634 = vector.broadcast %max3A_2633 : f32 to vector<64x1xf32>
    %max3A_2635 = arith.maximumf %add3A_2632, %max3A_2634 : vector<64x1xf32>
    %reduce_sum3A_2636 = vector.shape_cast %max3A_2635 : vector<64x1xf32> to vector<1x64x1xf32>
    %reduce_sum3A_2637 = arith.constant dense<0.000000e+00> : vector<1xf32>
    %reduce_sum3A_2638 = vector.multi_reduction <add>, %reduce_sum3A_2636, %reduce_sum3A_2637 [1, 2] : vector<1x64x1xf32> to vector<1xf32>
    %reduce_sum3A_2639 = vector.shape_cast %reduce_sum3A_2638 : vector<1xf32> to vector<1x1x1xf32>
    %reduce_sum3A_2640 = vector.extract %reduce_sum3A_2639[0, 0, 0] : f32 from vector<1x1x1xf32>
    %add3A_2641 = arith.addf %add3A_2198, %reduce_sum3A_2640 : f32
    %add3A_2642 = arith.constant 384 : i32
    %add3A_2643 = arith.addi %add3A_1, %add3A_2642 : i32
    %jit3A_2644 = arith.constant 128 : i32
    %div3A_2645 = arith.divsi %add3A_2643, %jit3A_2644 : i32
    %sign3A_2646 = arith.constant 0 : i32
    %sign3A_2647 = arith.cmpi sgt, %add3A_2643, %sign3A_2646 : i32
    %sign3A_2648 = arith.extui %sign3A_2647 : i1 to i32
    %sign3A_2649 = arith.constant 0 : i32
    %sign3A_2650 = arith.cmpi slt, %add3A_2643, %sign3A_2649 : i32
    %sign3A_2651 = arith.extui %sign3A_2650 : i1 to i32
    %sign3A_2652 = arith.subi %sign3A_2648, %sign3A_2651 : i32
    %sign3A_2653 = arith.constant 0 : i32
    %sign3A_2654 = arith.cmpi sgt, %jit3A_2644, %sign3A_2653 : i32
    %sign3A_2655 = arith.extui %sign3A_2654 : i1 to i32
    %sign3A_2656 = arith.constant 0 : i32
    %sign3A_2657 = arith.cmpi slt, %jit3A_2644, %sign3A_2656 : i32
    %sign3A_2658 = arith.extui %sign3A_2657 : i1 to i32
    %sign3A_2659 = arith.subi %sign3A_2655, %sign3A_2658 : i32
    %ne3A_2660 = arith.cmpi ne, %sign3A_2652, %sign3A_2659 : i32
    %rem3A_2661 = arith.remsi %add3A_2643, %jit3A_2644 : i32
    %ne3A_2662 = arith.constant 0 : i32
    %ne3A_2663 = arith.cmpi ne, %rem3A_2661, %ne3A_2662 : i32
    %and3A_2664 = arith.andi %ne3A_2660, %ne3A_2663 : i1
    %sub3A_2665 = arith.constant 1 : i32
    %sub3A_2666 = arith.subi %div3A_2645, %sub3A_2665 : i32
    %select_n3A_2667 = arith.select %and3A_2664, %sub3A_2666, %div3A_2645 : i32
    %add3A_2668 = arith.constant 384 : i32
    %add3A_2669 = arith.addi %add3A_1, %add3A_2668 : i32
    %iota3A_2670 = tpu.iota {dimensions = array<i32: 0>} : vector<64x128xi32>
    %add3A_2671 = vector.broadcast %add3A_2669 : i32 to vector<64x128xi32>
    %add3A_2672 = arith.addi %add3A_2671, %iota3A_2670 : vector<64x128xi32>
    %iota3A_2673 = tpu.iota {dimensions = array<i32: 1>} : vector<64x128xi32>
    %add3A_2674 = vector.broadcast %add3A_2643 : i32 to vector<64x128xi32>
    %add3A_2675 = arith.addi %add3A_2674, %iota3A_2673 : vector<64x128xi32>
    %jit3A_2676 = arith.constant 8 : i32
    %div3A_2677 = vector.broadcast %jit3A_2676 : i32 to vector<64x128xi32>
    %div3A_2678 = arith.divsi %add3A_2675, %div3A_2677 : vector<64x128xi32>
    %sign3A_2679 = arith.constant 0 : i32
    %sign3A_2680 = vector.broadcast %sign3A_2679 : i32 to vector<64x128xi32>
    %sign3A_2681 = arith.cmpi sgt, %add3A_2675, %sign3A_2680 : vector<64x128xi32>
    %sign3A_2682 = arith.extui %sign3A_2681 : vector<64x128xi1> to vector<64x128xi32>
    %sign3A_2683 = arith.constant 0 : i32
    %sign3A_2684 = vector.broadcast %sign3A_2683 : i32 to vector<64x128xi32>
    %sign3A_2685 = arith.cmpi slt, %add3A_2675, %sign3A_2684 : vector<64x128xi32>
    %sign3A_2686 = arith.extui %sign3A_2685 : vector<64x128xi1> to vector<64x128xi32>
    %sign3A_2687 = arith.subi %sign3A_2682, %sign3A_2686 : vector<64x128xi32>
    %sign3A_2688 = arith.constant 0 : i32
    %sign3A_2689 = arith.cmpi sgt, %jit3A_2676, %sign3A_2688 : i32
    %sign3A_2690 = arith.extui %sign3A_2689 : i1 to i32
    %sign3A_2691 = arith.constant 0 : i32
    %sign3A_2692 = arith.cmpi slt, %jit3A_2676, %sign3A_2691 : i32
    %sign3A_2693 = arith.extui %sign3A_2692 : i1 to i32
    %sign3A_2694 = arith.subi %sign3A_2690, %sign3A_2693 : i32
    %ne3A_2695 = vector.broadcast %sign3A_2694 : i32 to vector<64x128xi32>
    %ne3A_2696 = arith.cmpi ne, %sign3A_2687, %ne3A_2695 : vector<64x128xi32>
    %rem3A_2697 = vector.broadcast %jit3A_2676 : i32 to vector<64x128xi32>
    %rem3A_2698 = arith.remsi %add3A_2675, %rem3A_2697 : vector<64x128xi32>
    %ne3A_2699 = arith.constant 0 : i32
    %ne3A_2700 = vector.broadcast %ne3A_2699 : i32 to vector<64x128xi32>
    %ne3A_2701 = arith.cmpi ne, %rem3A_2698, %ne3A_2700 : vector<64x128xi32>
    %and3A_2702 = arith.andi %ne3A_2696, %ne3A_2701 : vector<64x128xi1>
    %sub3A_2703 = arith.constant 1 : i32
    %sub3A_2704 = vector.broadcast %sub3A_2703 : i32 to vector<64x128xi32>
    %sub3A_2705 = arith.subi %div3A_2678, %sub3A_2704 : vector<64x128xi32>
    %select_n3A_2706 = arith.select %and3A_2702, %sub3A_2705, %div3A_2678 : vector<64x128xi1>, vector<64x128xi32>
    %jit3A_2707 = arith.constant 8 : i32
    %div3A_2708 = vector.broadcast %jit3A_2707 : i32 to vector<64x128xi32>
    %div3A_2709 = arith.divsi %add3A_2672, %div3A_2708 : vector<64x128xi32>
    %sign3A_2710 = arith.constant 0 : i32
    %sign3A_2711 = vector.broadcast %sign3A_2710 : i32 to vector<64x128xi32>
    %sign3A_2712 = arith.cmpi sgt, %add3A_2672, %sign3A_2711 : vector<64x128xi32>
    %sign3A_2713 = arith.extui %sign3A_2712 : vector<64x128xi1> to vector<64x128xi32>
    %sign3A_2714 = arith.constant 0 : i32
    %sign3A_2715 = vector.broadcast %sign3A_2714 : i32 to vector<64x128xi32>
    %sign3A_2716 = arith.cmpi slt, %add3A_2672, %sign3A_2715 : vector<64x128xi32>
    %sign3A_2717 = arith.extui %sign3A_2716 : vector<64x128xi1> to vector<64x128xi32>
    %sign3A_2718 = arith.subi %sign3A_2713, %sign3A_2717 : vector<64x128xi32>
    %sign3A_2719 = arith.constant 0 : i32
    %sign3A_2720 = arith.cmpi sgt, %jit3A_2707, %sign3A_2719 : i32
    %sign3A_2721 = arith.extui %sign3A_2720 : i1 to i32
    %sign3A_2722 = arith.constant 0 : i32
    %sign3A_2723 = arith.cmpi slt, %jit3A_2707, %sign3A_2722 : i32
    %sign3A_2724 = arith.extui %sign3A_2723 : i1 to i32
    %sign3A_2725 = arith.subi %sign3A_2721, %sign3A_2724 : i32
    %ne3A_2726 = vector.broadcast %sign3A_2725 : i32 to vector<64x128xi32>
    %ne3A_2727 = arith.cmpi ne, %sign3A_2718, %ne3A_2726 : vector<64x128xi32>
    %rem3A_2728 = vector.broadcast %jit3A_2707 : i32 to vector<64x128xi32>
    %rem3A_2729 = arith.remsi %add3A_2672, %rem3A_2728 : vector<64x128xi32>
    %ne3A_2730 = arith.constant 0 : i32
    %ne3A_2731 = vector.broadcast %ne3A_2730 : i32 to vector<64x128xi32>
    %ne3A_2732 = arith.cmpi ne, %rem3A_2729, %ne3A_2731 : vector<64x128xi32>
    %and3A_2733 = arith.andi %ne3A_2727, %ne3A_2732 : vector<64x128xi1>
    %sub3A_2734 = arith.constant 1 : i32
    %sub3A_2735 = vector.broadcast %sub3A_2734 : i32 to vector<64x128xi32>
    %sub3A_2736 = arith.subi %div3A_2709, %sub3A_2735 : vector<64x128xi32>
    %select_n3A_2737 = arith.select %and3A_2733, %sub3A_2736, %div3A_2709 : vector<64x128xi1>, vector<64x128xi32>
    %eq3A_2738 = arith.cmpi eq, %select_n3A_2706, %select_n3A_2737 : vector<64x128xi32>
    %ne3A_2739 = arith.cmpi ne, %add3A_2675, %add3A_2672 : vector<64x128xi32>
    %and3A_2740 = arith.andi %eq3A_2738, %ne3A_2739 : vector<64x128xi1>
    %get3A_2741 = arith.constant 384 : index
    %get3A_2742 = arith.index_cast %add3A_2643 : i32 to index
    %get3A_2743 = vector.load %arg1[%get3A_2741, %get3A_2742] : memref<512x4096xf32, #tpu.memory_space<vmem>>, vector<64x128xf32>
    %jit3A_2744 = arith.constant 0.000000e+00 : f32
    %broadcast_in_dim3A_2745 = vector.broadcast %jit3A_2744 : f32 to vector<64x128xf32>
    %select_n3A_2746 = arith.select %and3A_2740, %get3A_2743, %broadcast_in_dim3A_2745 : vector<64x128xi1>, vector<64x128xf32>
    %reduce_max3A_2747 = arith.constant dense<0xFF800000> : vector<64xf32>
    %reduce_max3A_2748 = vector.multi_reduction <maximumf>, %select_n3A_2746, %reduce_max3A_2747 [1] : vector<64x128xf32> to vector<64xf32>
    %broadcast_in_dim3A_2749 = vector.shape_cast %reduce_max3A_2748 : vector<64xf32> to vector<64x1xf32>
    %jit3A_2750 = arith.constant 0x7F800000 : f32
    %broadcast_in_dim3A_2751 = vector.broadcast %jit3A_2750 : f32 to vector<64x128xf32>
    %select_n3A_2752 = arith.select %and3A_2740, %broadcast_in_dim3A_2751, %get3A_2743 : vector<64x128xi1>, vector<64x128xf32>
    %broadcast_in_dim3A_2753 = arith.constant 0x7F800000 : f32
    %broadcast_in_dim3A_2754 = vector.broadcast %broadcast_in_dim3A_2753 : f32 to vector<64x128xf32>
    %broadcast_in_dim3A_2755 = arith.constant 0x7F800000 : f32
    %broadcast_in_dim3A_2756 = vector.broadcast %broadcast_in_dim3A_2755 : f32 to vector<64x128xf32>
    %get3A_2757 = arith.constant 384 : index
    %get3A_2758 = arith.constant 0 : index
    %get3A_2759 = vector.load %arg1[%get3A_2757, %get3A_2758] : memref<512x4096xf32, #tpu.memory_space<vmem>>, vector<64x128xf32>
    %eq3A_2760 = arith.constant 0 : i32
    %eq3A_2761 = arith.cmpi eq, %select_n3A_2667, %eq3A_2760 : i32
    %select_n3A_2762 = arith.select %eq3A_2761, %broadcast_in_dim3A_2756, %get3A_2759 : vector<64x128xf32>
    %max3A_2763 = arith.maximumf %select_n3A_2752, %select_n3A_2762 : vector<64x128xf32>
    %min3A_2764 = arith.minimumf %broadcast_in_dim3A_2754, %max3A_2763 : vector<64x128xf32>
    %min3A_2765 = arith.minimumf %select_n3A_2752, %select_n3A_2762 : vector<64x128xf32>
    %get3A_2766 = arith.constant 384 : index
    %get3A_2767 = arith.constant 128 : index
    %get3A_2768 = vector.load %arg1[%get3A_2766, %get3A_2767] : memref<512x4096xf32, #tpu.memory_space<vmem>>, vector<64x128xf32>
    %eq3A_2769 = arith.constant 1 : i32
    %eq3A_2770 = arith.cmpi eq, %select_n3A_2667, %eq3A_2769 : i32
    %select_n3A_2771 = arith.select %eq3A_2770, %broadcast_in_dim3A_2756, %get3A_2768 : vector<64x128xf32>
    %max3A_2772 = arith.maximumf %min3A_2765, %select_n3A_2771 : vector<64x128xf32>
    %min3A_2773 = arith.minimumf %min3A_2764, %max3A_2772 : vector<64x128xf32>
    %min3A_2774 = arith.minimumf %min3A_2765, %select_n3A_2771 : vector<64x128xf32>
    %get3A_2775 = arith.constant 384 : index
    %get3A_2776 = arith.constant 256 : index
    %get3A_2777 = vector.load %arg1[%get3A_2775, %get3A_2776] : memref<512x4096xf32, #tpu.memory_space<vmem>>, vector<64x128xf32>
    %eq3A_2778 = arith.constant 2 : i32
    %eq3A_2779 = arith.cmpi eq, %select_n3A_2667, %eq3A_2778 : i32
    %select_n3A_2780 = arith.select %eq3A_2779, %broadcast_in_dim3A_2756, %get3A_2777 : vector<64x128xf32>
    %max3A_2781 = arith.maximumf %min3A_2774, %select_n3A_2780 : vector<64x128xf32>
    %min3A_2782 = arith.minimumf %min3A_2773, %max3A_2781 : vector<64x128xf32>
    %min3A_2783 = arith.minimumf %min3A_2774, %select_n3A_2780 : vector<64x128xf32>
    %get3A_2784 = arith.constant 384 : index
    %get3A_2785 = arith.constant 384 : index
    %get3A_2786 = vector.load %arg1[%get3A_2784, %get3A_2785] : memref<512x4096xf32, #tpu.memory_space<vmem>>, vector<64x128xf32>
    %eq3A_2787 = arith.constant 3 : i32
    %eq3A_2788 = arith.cmpi eq, %select_n3A_2667, %eq3A_2787 : i32
    %select_n3A_2789 = arith.select %eq3A_2788, %broadcast_in_dim3A_2756, %get3A_2786 : vector<64x128xf32>
    %max3A_2790 = arith.maximumf %min3A_2783, %select_n3A_2789 : vector<64x128xf32>
    %min3A_2791 = arith.minimumf %min3A_2782, %max3A_2790 : vector<64x128xf32>
    %min3A_2792 = arith.minimumf %min3A_2783, %select_n3A_2789 : vector<64x128xf32>
    %get3A_2793 = arith.constant 384 : index
    %get3A_2794 = arith.constant 512 : index
    %get3A_2795 = vector.load %arg1[%get3A_2793, %get3A_2794] : memref<512x4096xf32, #tpu.memory_space<vmem>>, vector<64x128xf32>
    %eq3A_2796 = arith.constant 4 : i32
    %eq3A_2797 = arith.cmpi eq, %select_n3A_2667, %eq3A_2796 : i32
    %select_n3A_2798 = arith.select %eq3A_2797, %broadcast_in_dim3A_2756, %get3A_2795 : vector<64x128xf32>
    %max3A_2799 = arith.maximumf %min3A_2792, %select_n3A_2798 : vector<64x128xf32>
    %min3A_2800 = arith.minimumf %min3A_2791, %max3A_2799 : vector<64x128xf32>
    %min3A_2801 = arith.minimumf %min3A_2792, %select_n3A_2798 : vector<64x128xf32>
    %get3A_2802 = arith.constant 384 : index
    %get3A_2803 = arith.constant 640 : index
    %get3A_2804 = vector.load %arg1[%get3A_2802, %get3A_2803] : memref<512x4096xf32, #tpu.memory_space<vmem>>, vector<64x128xf32>
    %eq3A_2805 = arith.constant 5 : i32
    %eq3A_2806 = arith.cmpi eq, %select_n3A_2667, %eq3A_2805 : i32
    %select_n3A_2807 = arith.select %eq3A_2806, %broadcast_in_dim3A_2756, %get3A_2804 : vector<64x128xf32>
    %max3A_2808 = arith.maximumf %min3A_2801, %select_n3A_2807 : vector<64x128xf32>
    %min3A_2809 = arith.minimumf %min3A_2800, %max3A_2808 : vector<64x128xf32>
    %min3A_2810 = arith.minimumf %min3A_2801, %select_n3A_2807 : vector<64x128xf32>
    %get3A_2811 = arith.constant 384 : index
    %get3A_2812 = arith.constant 768 : index
    %get3A_2813 = vector.load %arg1[%get3A_2811, %get3A_2812] : memref<512x4096xf32, #tpu.memory_space<vmem>>, vector<64x128xf32>
    %eq3A_2814 = arith.constant 6 : i32
    %eq3A_2815 = arith.cmpi eq, %select_n3A_2667, %eq3A_2814 : i32
    %select_n3A_2816 = arith.select %eq3A_2815, %broadcast_in_dim3A_2756, %get3A_2813 : vector<64x128xf32>
    %max3A_2817 = arith.maximumf %min3A_2810, %select_n3A_2816 : vector<64x128xf32>
    %min3A_2818 = arith.minimumf %min3A_2809, %max3A_2817 : vector<64x128xf32>
    %min3A_2819 = arith.minimumf %min3A_2810, %select_n3A_2816 : vector<64x128xf32>
    %get3A_2820 = arith.constant 384 : index
    %get3A_2821 = arith.constant 896 : index
    %get3A_2822 = vector.load %arg1[%get3A_2820, %get3A_2821] : memref<512x4096xf32, #tpu.memory_space<vmem>>, vector<64x128xf32>
    %eq3A_2823 = arith.constant 7 : i32
    %eq3A_2824 = arith.cmpi eq, %select_n3A_2667, %eq3A_2823 : i32
    %select_n3A_2825 = arith.select %eq3A_2824, %broadcast_in_dim3A_2756, %get3A_2822 : vector<64x128xf32>
    %max3A_2826 = arith.maximumf %min3A_2819, %select_n3A_2825 : vector<64x128xf32>
    %min3A_2827 = arith.minimumf %min3A_2818, %max3A_2826 : vector<64x128xf32>
    %min3A_2828 = arith.minimumf %min3A_2819, %select_n3A_2825 : vector<64x128xf32>
    %get3A_2829 = arith.constant 384 : index
    %get3A_2830 = arith.constant 1024 : index
    %get3A_2831 = vector.load %arg1[%get3A_2829, %get3A_2830] : memref<512x4096xf32, #tpu.memory_space<vmem>>, vector<64x128xf32>
    %eq3A_2832 = arith.constant 8 : i32
    %eq3A_2833 = arith.cmpi eq, %select_n3A_2667, %eq3A_2832 : i32
    %select_n3A_2834 = arith.select %eq3A_2833, %broadcast_in_dim3A_2756, %get3A_2831 : vector<64x128xf32>
    %max3A_2835 = arith.maximumf %min3A_2828, %select_n3A_2834 : vector<64x128xf32>
    %min3A_2836 = arith.minimumf %min3A_2827, %max3A_2835 : vector<64x128xf32>
    %min3A_2837 = arith.minimumf %min3A_2828, %select_n3A_2834 : vector<64x128xf32>
    %get3A_2838 = arith.constant 384 : index
    %get3A_2839 = arith.constant 1152 : index
    %get3A_2840 = vector.load %arg1[%get3A_2838, %get3A_2839] : memref<512x4096xf32, #tpu.memory_space<vmem>>, vector<64x128xf32>
    %eq3A_2841 = arith.constant 9 : i32
    %eq3A_2842 = arith.cmpi eq, %select_n3A_2667, %eq3A_2841 : i32
    %select_n3A_2843 = arith.select %eq3A_2842, %broadcast_in_dim3A_2756, %get3A_2840 : vector<64x128xf32>
    %max3A_2844 = arith.maximumf %min3A_2837, %select_n3A_2843 : vector<64x128xf32>
    %min3A_2845 = arith.minimumf %min3A_2836, %max3A_2844 : vector<64x128xf32>
    %min3A_2846 = arith.minimumf %min3A_2837, %select_n3A_2843 : vector<64x128xf32>
    %get3A_2847 = arith.constant 384 : index
    %get3A_2848 = arith.constant 1280 : index
    %get3A_2849 = vector.load %arg1[%get3A_2847, %get3A_2848] : memref<512x4096xf32, #tpu.memory_space<vmem>>, vector<64x128xf32>
    %eq3A_2850 = arith.constant 10 : i32
    %eq3A_2851 = arith.cmpi eq, %select_n3A_2667, %eq3A_2850 : i32
    %select_n3A_2852 = arith.select %eq3A_2851, %broadcast_in_dim3A_2756, %get3A_2849 : vector<64x128xf32>
    %max3A_2853 = arith.maximumf %min3A_2846, %select_n3A_2852 : vector<64x128xf32>
    %min3A_2854 = arith.minimumf %min3A_2845, %max3A_2853 : vector<64x128xf32>
    %min3A_2855 = arith.minimumf %min3A_2846, %select_n3A_2852 : vector<64x128xf32>
    %get3A_2856 = arith.constant 384 : index
    %get3A_2857 = arith.constant 1408 : index
    %get3A_2858 = vector.load %arg1[%get3A_2856, %get3A_2857] : memref<512x4096xf32, #tpu.memory_space<vmem>>, vector<64x128xf32>
    %eq3A_2859 = arith.constant 11 : i32
    %eq3A_2860 = arith.cmpi eq, %select_n3A_2667, %eq3A_2859 : i32
    %select_n3A_2861 = arith.select %eq3A_2860, %broadcast_in_dim3A_2756, %get3A_2858 : vector<64x128xf32>
    %max3A_2862 = arith.maximumf %min3A_2855, %select_n3A_2861 : vector<64x128xf32>
    %min3A_2863 = arith.minimumf %min3A_2854, %max3A_2862 : vector<64x128xf32>
    %min3A_2864 = arith.minimumf %min3A_2855, %select_n3A_2861 : vector<64x128xf32>
    %get3A_2865 = arith.constant 384 : index
    %get3A_2866 = arith.constant 1536 : index
    %get3A_2867 = vector.load %arg1[%get3A_2865, %get3A_2866] : memref<512x4096xf32, #tpu.memory_space<vmem>>, vector<64x128xf32>
    %eq3A_2868 = arith.constant 12 : i32
    %eq3A_2869 = arith.cmpi eq, %select_n3A_2667, %eq3A_2868 : i32
    %select_n3A_2870 = arith.select %eq3A_2869, %broadcast_in_dim3A_2756, %get3A_2867 : vector<64x128xf32>
    %max3A_2871 = arith.maximumf %min3A_2864, %select_n3A_2870 : vector<64x128xf32>
    %min3A_2872 = arith.minimumf %min3A_2863, %max3A_2871 : vector<64x128xf32>
    %min3A_2873 = arith.minimumf %min3A_2864, %select_n3A_2870 : vector<64x128xf32>
    %get3A_2874 = arith.constant 384 : index
    %get3A_2875 = arith.constant 1664 : index
    %get3A_2876 = vector.load %arg1[%get3A_2874, %get3A_2875] : memref<512x4096xf32, #tpu.memory_space<vmem>>, vector<64x128xf32>
    %eq3A_2877 = arith.constant 13 : i32
    %eq3A_2878 = arith.cmpi eq, %select_n3A_2667, %eq3A_2877 : i32
    %select_n3A_2879 = arith.select %eq3A_2878, %broadcast_in_dim3A_2756, %get3A_2876 : vector<64x128xf32>
    %max3A_2880 = arith.maximumf %min3A_2873, %select_n3A_2879 : vector<64x128xf32>
    %min3A_2881 = arith.minimumf %min3A_2872, %max3A_2880 : vector<64x128xf32>
    %min3A_2882 = arith.minimumf %min3A_2873, %select_n3A_2879 : vector<64x128xf32>
    %get3A_2883 = arith.constant 384 : index
    %get3A_2884 = arith.constant 1792 : index
    %get3A_2885 = vector.load %arg1[%get3A_2883, %get3A_2884] : memref<512x4096xf32, #tpu.memory_space<vmem>>, vector<64x128xf32>
    %eq3A_2886 = arith.constant 14 : i32
    %eq3A_2887 = arith.cmpi eq, %select_n3A_2667, %eq3A_2886 : i32
    %select_n3A_2888 = arith.select %eq3A_2887, %broadcast_in_dim3A_2756, %get3A_2885 : vector<64x128xf32>
    %max3A_2889 = arith.maximumf %min3A_2882, %select_n3A_2888 : vector<64x128xf32>
    %min3A_2890 = arith.minimumf %min3A_2881, %max3A_2889 : vector<64x128xf32>
    %min3A_2891 = arith.minimumf %min3A_2882, %select_n3A_2888 : vector<64x128xf32>
    %get3A_2892 = arith.constant 384 : index
    %get3A_2893 = arith.constant 1920 : index
    %get3A_2894 = vector.load %arg1[%get3A_2892, %get3A_2893] : memref<512x4096xf32, #tpu.memory_space<vmem>>, vector<64x128xf32>
    %eq3A_2895 = arith.constant 15 : i32
    %eq3A_2896 = arith.cmpi eq, %select_n3A_2667, %eq3A_2895 : i32
    %select_n3A_2897 = arith.select %eq3A_2896, %broadcast_in_dim3A_2756, %get3A_2894 : vector<64x128xf32>
    %max3A_2898 = arith.maximumf %min3A_2891, %select_n3A_2897 : vector<64x128xf32>
    %min3A_2899 = arith.minimumf %min3A_2890, %max3A_2898 : vector<64x128xf32>
    %min3A_2900 = arith.minimumf %min3A_2891, %select_n3A_2897 : vector<64x128xf32>
    %get3A_2901 = arith.constant 384 : index
    %get3A_2902 = arith.constant 2048 : index
    %get3A_2903 = vector.load %arg1[%get3A_2901, %get3A_2902] : memref<512x4096xf32, #tpu.memory_space<vmem>>, vector<64x128xf32>
    %eq3A_2904 = arith.constant 16 : i32
    %eq3A_2905 = arith.cmpi eq, %select_n3A_2667, %eq3A_2904 : i32
    %select_n3A_2906 = arith.select %eq3A_2905, %broadcast_in_dim3A_2756, %get3A_2903 : vector<64x128xf32>
    %max3A_2907 = arith.maximumf %min3A_2900, %select_n3A_2906 : vector<64x128xf32>
    %min3A_2908 = arith.minimumf %min3A_2899, %max3A_2907 : vector<64x128xf32>
    %min3A_2909 = arith.minimumf %min3A_2900, %select_n3A_2906 : vector<64x128xf32>
    %get3A_2910 = arith.constant 384 : index
    %get3A_2911 = arith.constant 2176 : index
    %get3A_2912 = vector.load %arg1[%get3A_2910, %get3A_2911] : memref<512x4096xf32, #tpu.memory_space<vmem>>, vector<64x128xf32>
    %eq3A_2913 = arith.constant 17 : i32
    %eq3A_2914 = arith.cmpi eq, %select_n3A_2667, %eq3A_2913 : i32
    %select_n3A_2915 = arith.select %eq3A_2914, %broadcast_in_dim3A_2756, %get3A_2912 : vector<64x128xf32>
    %max3A_2916 = arith.maximumf %min3A_2909, %select_n3A_2915 : vector<64x128xf32>
    %min3A_2917 = arith.minimumf %min3A_2908, %max3A_2916 : vector<64x128xf32>
    %min3A_2918 = arith.minimumf %min3A_2909, %select_n3A_2915 : vector<64x128xf32>
    %get3A_2919 = arith.constant 384 : index
    %get3A_2920 = arith.constant 2304 : index
    %get3A_2921 = vector.load %arg1[%get3A_2919, %get3A_2920] : memref<512x4096xf32, #tpu.memory_space<vmem>>, vector<64x128xf32>
    %eq3A_2922 = arith.constant 18 : i32
    %eq3A_2923 = arith.cmpi eq, %select_n3A_2667, %eq3A_2922 : i32
    %select_n3A_2924 = arith.select %eq3A_2923, %broadcast_in_dim3A_2756, %get3A_2921 : vector<64x128xf32>
    %max3A_2925 = arith.maximumf %min3A_2918, %select_n3A_2924 : vector<64x128xf32>
    %min3A_2926 = arith.minimumf %min3A_2917, %max3A_2925 : vector<64x128xf32>
    %min3A_2927 = arith.minimumf %min3A_2918, %select_n3A_2924 : vector<64x128xf32>
    %get3A_2928 = arith.constant 384 : index
    %get3A_2929 = arith.constant 2432 : index
    %get3A_2930 = vector.load %arg1[%get3A_2928, %get3A_2929] : memref<512x4096xf32, #tpu.memory_space<vmem>>, vector<64x128xf32>
    %eq3A_2931 = arith.constant 19 : i32
    %eq3A_2932 = arith.cmpi eq, %select_n3A_2667, %eq3A_2931 : i32
    %select_n3A_2933 = arith.select %eq3A_2932, %broadcast_in_dim3A_2756, %get3A_2930 : vector<64x128xf32>
    %max3A_2934 = arith.maximumf %min3A_2927, %select_n3A_2933 : vector<64x128xf32>
    %min3A_2935 = arith.minimumf %min3A_2926, %max3A_2934 : vector<64x128xf32>
    %min3A_2936 = arith.minimumf %min3A_2927, %select_n3A_2933 : vector<64x128xf32>
    %get3A_2937 = arith.constant 384 : index
    %get3A_2938 = arith.constant 2560 : index
    %get3A_2939 = vector.load %arg1[%get3A_2937, %get3A_2938] : memref<512x4096xf32, #tpu.memory_space<vmem>>, vector<64x128xf32>
    %eq3A_2940 = arith.constant 20 : i32
    %eq3A_2941 = arith.cmpi eq, %select_n3A_2667, %eq3A_2940 : i32
    %select_n3A_2942 = arith.select %eq3A_2941, %broadcast_in_dim3A_2756, %get3A_2939 : vector<64x128xf32>
    %max3A_2943 = arith.maximumf %min3A_2936, %select_n3A_2942 : vector<64x128xf32>
    %min3A_2944 = arith.minimumf %min3A_2935, %max3A_2943 : vector<64x128xf32>
    %min3A_2945 = arith.minimumf %min3A_2936, %select_n3A_2942 : vector<64x128xf32>
    %get3A_2946 = arith.constant 384 : index
    %get3A_2947 = arith.constant 2688 : index
    %get3A_2948 = vector.load %arg1[%get3A_2946, %get3A_2947] : memref<512x4096xf32, #tpu.memory_space<vmem>>, vector<64x128xf32>
    %eq3A_2949 = arith.constant 21 : i32
    %eq3A_2950 = arith.cmpi eq, %select_n3A_2667, %eq3A_2949 : i32
    %select_n3A_2951 = arith.select %eq3A_2950, %broadcast_in_dim3A_2756, %get3A_2948 : vector<64x128xf32>
    %max3A_2952 = arith.maximumf %min3A_2945, %select_n3A_2951 : vector<64x128xf32>
    %min3A_2953 = arith.minimumf %min3A_2944, %max3A_2952 : vector<64x128xf32>
    %min3A_2954 = arith.minimumf %min3A_2945, %select_n3A_2951 : vector<64x128xf32>
    %get3A_2955 = arith.constant 384 : index
    %get3A_2956 = arith.constant 2816 : index
    %get3A_2957 = vector.load %arg1[%get3A_2955, %get3A_2956] : memref<512x4096xf32, #tpu.memory_space<vmem>>, vector<64x128xf32>
    %eq3A_2958 = arith.constant 22 : i32
    %eq3A_2959 = arith.cmpi eq, %select_n3A_2667, %eq3A_2958 : i32
    %select_n3A_2960 = arith.select %eq3A_2959, %broadcast_in_dim3A_2756, %get3A_2957 : vector<64x128xf32>
    %max3A_2961 = arith.maximumf %min3A_2954, %select_n3A_2960 : vector<64x128xf32>
    %min3A_2962 = arith.minimumf %min3A_2953, %max3A_2961 : vector<64x128xf32>
    %min3A_2963 = arith.minimumf %min3A_2954, %select_n3A_2960 : vector<64x128xf32>
    %get3A_2964 = arith.constant 384 : index
    %get3A_2965 = arith.constant 2944 : index
    %get3A_2966 = vector.load %arg1[%get3A_2964, %get3A_2965] : memref<512x4096xf32, #tpu.memory_space<vmem>>, vector<64x128xf32>
    %eq3A_2967 = arith.constant 23 : i32
    %eq3A_2968 = arith.cmpi eq, %select_n3A_2667, %eq3A_2967 : i32
    %select_n3A_2969 = arith.select %eq3A_2968, %broadcast_in_dim3A_2756, %get3A_2966 : vector<64x128xf32>
    %max3A_2970 = arith.maximumf %min3A_2963, %select_n3A_2969 : vector<64x128xf32>
    %min3A_2971 = arith.minimumf %min3A_2962, %max3A_2970 : vector<64x128xf32>
    %min3A_2972 = arith.minimumf %min3A_2963, %select_n3A_2969 : vector<64x128xf32>
    %get3A_2973 = arith.constant 384 : index
    %get3A_2974 = arith.constant 3072 : index
    %get3A_2975 = vector.load %arg1[%get3A_2973, %get3A_2974] : memref<512x4096xf32, #tpu.memory_space<vmem>>, vector<64x128xf32>
    %eq3A_2976 = arith.constant 24 : i32
    %eq3A_2977 = arith.cmpi eq, %select_n3A_2667, %eq3A_2976 : i32
    %select_n3A_2978 = arith.select %eq3A_2977, %broadcast_in_dim3A_2756, %get3A_2975 : vector<64x128xf32>
    %max3A_2979 = arith.maximumf %min3A_2972, %select_n3A_2978 : vector<64x128xf32>
    %min3A_2980 = arith.minimumf %min3A_2971, %max3A_2979 : vector<64x128xf32>
    %min3A_2981 = arith.minimumf %min3A_2972, %select_n3A_2978 : vector<64x128xf32>
    %get3A_2982 = arith.constant 384 : index
    %get3A_2983 = arith.constant 3200 : index
    %get3A_2984 = vector.load %arg1[%get3A_2982, %get3A_2983] : memref<512x4096xf32, #tpu.memory_space<vmem>>, vector<64x128xf32>
    %eq3A_2985 = arith.constant 25 : i32
    %eq3A_2986 = arith.cmpi eq, %select_n3A_2667, %eq3A_2985 : i32
    %select_n3A_2987 = arith.select %eq3A_2986, %broadcast_in_dim3A_2756, %get3A_2984 : vector<64x128xf32>
    %max3A_2988 = arith.maximumf %min3A_2981, %select_n3A_2987 : vector<64x128xf32>
    %min3A_2989 = arith.minimumf %min3A_2980, %max3A_2988 : vector<64x128xf32>
    %min3A_2990 = arith.minimumf %min3A_2981, %select_n3A_2987 : vector<64x128xf32>
    %get3A_2991 = arith.constant 384 : index
    %get3A_2992 = arith.constant 3328 : index
    %get3A_2993 = vector.load %arg1[%get3A_2991, %get3A_2992] : memref<512x4096xf32, #tpu.memory_space<vmem>>, vector<64x128xf32>
    %eq3A_2994 = arith.constant 26 : i32
    %eq3A_2995 = arith.cmpi eq, %select_n3A_2667, %eq3A_2994 : i32
    %select_n3A_2996 = arith.select %eq3A_2995, %broadcast_in_dim3A_2756, %get3A_2993 : vector<64x128xf32>
    %max3A_2997 = arith.maximumf %min3A_2990, %select_n3A_2996 : vector<64x128xf32>
    %min3A_2998 = arith.minimumf %min3A_2989, %max3A_2997 : vector<64x128xf32>
    %min3A_2999 = arith.minimumf %min3A_2990, %select_n3A_2996 : vector<64x128xf32>
    %get3A_3000 = arith.constant 384 : index
    %get3A_3001 = arith.constant 3456 : index
    %get3A_3002 = vector.load %arg1[%get3A_3000, %get3A_3001] : memref<512x4096xf32, #tpu.memory_space<vmem>>, vector<64x128xf32>
    %eq3A_3003 = arith.constant 27 : i32
    %eq3A_3004 = arith.cmpi eq, %select_n3A_2667, %eq3A_3003 : i32
    %select_n3A_3005 = arith.select %eq3A_3004, %broadcast_in_dim3A_2756, %get3A_3002 : vector<64x128xf32>
    %max3A_3006 = arith.maximumf %min3A_2999, %select_n3A_3005 : vector<64x128xf32>
    %min3A_3007 = arith.minimumf %min3A_2998, %max3A_3006 : vector<64x128xf32>
    %min3A_3008 = arith.minimumf %min3A_2999, %select_n3A_3005 : vector<64x128xf32>
    %get3A_3009 = arith.constant 384 : index
    %get3A_3010 = arith.constant 3584 : index
    %get3A_3011 = vector.load %arg1[%get3A_3009, %get3A_3010] : memref<512x4096xf32, #tpu.memory_space<vmem>>, vector<64x128xf32>
    %eq3A_3012 = arith.constant 28 : i32
    %eq3A_3013 = arith.cmpi eq, %select_n3A_2667, %eq3A_3012 : i32
    %select_n3A_3014 = arith.select %eq3A_3013, %broadcast_in_dim3A_2756, %get3A_3011 : vector<64x128xf32>
    %max3A_3015 = arith.maximumf %min3A_3008, %select_n3A_3014 : vector<64x128xf32>
    %min3A_3016 = arith.minimumf %min3A_3007, %max3A_3015 : vector<64x128xf32>
    %min3A_3017 = arith.minimumf %min3A_3008, %select_n3A_3014 : vector<64x128xf32>
    %get3A_3018 = arith.constant 384 : index
    %get3A_3019 = arith.constant 3712 : index
    %get3A_3020 = vector.load %arg1[%get3A_3018, %get3A_3019] : memref<512x4096xf32, #tpu.memory_space<vmem>>, vector<64x128xf32>
    %eq3A_3021 = arith.constant 29 : i32
    %eq3A_3022 = arith.cmpi eq, %select_n3A_2667, %eq3A_3021 : i32
    %select_n3A_3023 = arith.select %eq3A_3022, %broadcast_in_dim3A_2756, %get3A_3020 : vector<64x128xf32>
    %max3A_3024 = arith.maximumf %min3A_3017, %select_n3A_3023 : vector<64x128xf32>
    %min3A_3025 = arith.minimumf %min3A_3016, %max3A_3024 : vector<64x128xf32>
    %min3A_3026 = arith.minimumf %min3A_3017, %select_n3A_3023 : vector<64x128xf32>
    %get3A_3027 = arith.constant 384 : index
    %get3A_3028 = arith.constant 3840 : index
    %get3A_3029 = vector.load %arg1[%get3A_3027, %get3A_3028] : memref<512x4096xf32, #tpu.memory_space<vmem>>, vector<64x128xf32>
    %eq3A_3030 = arith.constant 30 : i32
    %eq3A_3031 = arith.cmpi eq, %select_n3A_2667, %eq3A_3030 : i32
    %select_n3A_3032 = arith.select %eq3A_3031, %broadcast_in_dim3A_2756, %get3A_3029 : vector<64x128xf32>
    %max3A_3033 = arith.maximumf %min3A_3026, %select_n3A_3032 : vector<64x128xf32>
    %min3A_3034 = arith.minimumf %min3A_3025, %max3A_3033 : vector<64x128xf32>
    %min3A_3035 = arith.minimumf %min3A_3026, %select_n3A_3032 : vector<64x128xf32>
    %get3A_3036 = arith.constant 384 : index
    %get3A_3037 = arith.constant 3968 : index
    %get3A_3038 = vector.load %arg1[%get3A_3036, %get3A_3037] : memref<512x4096xf32, #tpu.memory_space<vmem>>, vector<64x128xf32>
    %eq3A_3039 = arith.constant 31 : i32
    %eq3A_3040 = arith.cmpi eq, %select_n3A_2667, %eq3A_3039 : i32
    %select_n3A_3041 = arith.select %eq3A_3040, %broadcast_in_dim3A_2756, %get3A_3038 : vector<64x128xf32>
    %max3A_3042 = arith.maximumf %min3A_3035, %select_n3A_3041 : vector<64x128xf32>
    %min3A_3043 = arith.minimumf %min3A_3034, %max3A_3042 : vector<64x128xf32>
    %min3A_3044 = arith.minimumf %min3A_3035, %select_n3A_3041 : vector<64x128xf32>
    %reduce_min3A_3045 = arith.constant dense<0x7F800000> : vector<64xf32>
    %reduce_min3A_3046 = vector.multi_reduction <minimumf>, %min3A_3044, %reduce_min3A_3045 [1] : vector<64x128xf32> to vector<64xf32>
    %broadcast_in_dim3A_3047 = vector.shape_cast %reduce_min3A_3046 : vector<64xf32> to vector<64x1xf32>
    %eq3A_3048 = vector.broadcast %broadcast_in_dim3A_3047 : vector<64x1xf32> to vector<64x128xf32>
    %eq3A_3049 = arith.cmpf oeq, %min3A_3044, %eq3A_3048 : vector<64x128xf32>
    %convert_element_type3A_3050 = arith.extui %eq3A_3049 : vector<64x128xi1> to vector<64x128xi32>
    %convert_element_type3A_3051 = arith.sitofp %convert_element_type3A_3050 : vector<64x128xi32> to vector<64x128xf32>
    %reduce_sum3A_3052 = arith.constant dense<0.000000e+00> : vector<64xf32>
    %reduce_sum3A_3053 = vector.multi_reduction <add>, %convert_element_type3A_3051, %reduce_sum3A_3052 [1] : vector<64x128xf32> to vector<64xf32>
    %broadcast_in_dim3A_3054 = vector.shape_cast %reduce_sum3A_3053 : vector<64xf32> to vector<64x1xf32>
    %jit3A_3055 = arith.constant 0x7F800000 : f32
    %broadcast_in_dim3A_3056 = vector.broadcast %jit3A_3055 : f32 to vector<64x128xf32>
    %select_n3A_3057 = arith.select %eq3A_3049, %broadcast_in_dim3A_3056, %min3A_3044 : vector<64x128xi1>, vector<64x128xf32>
    %reduce_min3A_3058 = arith.constant dense<0x7F800000> : vector<64xf32>
    %reduce_min3A_3059 = vector.multi_reduction <minimumf>, %select_n3A_3057, %reduce_min3A_3058 [1] : vector<64x128xf32> to vector<64xf32>
    %broadcast_in_dim3A_3060 = vector.shape_cast %reduce_min3A_3059 : vector<64xf32> to vector<64x1xf32>
    %jit3A_3061 = arith.constant 0x7F800000 : f32
    %broadcast_in_dim3A_3062 = vector.broadcast %jit3A_3061 : f32 to vector<64x128xf32>
    %select_n3A_3063 = arith.select %eq3A_3049, %min3A_3043, %broadcast_in_dim3A_3062 : vector<64x128xi1>, vector<64x128xf32>
    %reduce_min3A_3064 = arith.constant dense<0x7F800000> : vector<64xf32>
    %reduce_min3A_3065 = vector.multi_reduction <minimumf>, %select_n3A_3063, %reduce_min3A_3064 [1] : vector<64x128xf32> to vector<64xf32>
    %broadcast_in_dim3A_3066 = vector.shape_cast %reduce_min3A_3065 : vector<64xf32> to vector<64x1xf32>
    %ge3A_3067 = arith.constant 2.000000e+00 : f32
    %ge3A_3068 = vector.broadcast %ge3A_3067 : f32 to vector<64x1xf32>
    %ge3A_3069 = arith.cmpf oge, %broadcast_in_dim3A_3054, %ge3A_3068 : vector<64x1xf32>
    %min3A_3070 = arith.minimumf %broadcast_in_dim3A_3060, %broadcast_in_dim3A_3066 : vector<64x1xf32>
    %select_n3A_3071 = arith.select %ge3A_3069, %broadcast_in_dim3A_3047, %min3A_3070 : vector<64x1xi1>, vector<64x1xf32>
    %sub3A_3072 = arith.subf %broadcast_in_dim3A_2749, %select_n3A_3071 : vector<64x1xf32>
    %add3A_3073 = arith.constant 3.000000e-01 : f32
    %add3A_3074 = vector.broadcast %add3A_3073 : f32 to vector<64x1xf32>
    %add3A_3075 = arith.addf %sub3A_3072, %add3A_3074 : vector<64x1xf32>
    %max3A_3076 = arith.constant 0.000000e+00 : f32
    %max3A_3077 = vector.broadcast %max3A_3076 : f32 to vector<64x1xf32>
    %max3A_3078 = arith.maximumf %add3A_3075, %max3A_3077 : vector<64x1xf32>
    %reduce_sum3A_3079 = vector.shape_cast %max3A_3078 : vector<64x1xf32> to vector<1x64x1xf32>
    %reduce_sum3A_3080 = arith.constant dense<0.000000e+00> : vector<1xf32>
    %reduce_sum3A_3081 = vector.multi_reduction <add>, %reduce_sum3A_3079, %reduce_sum3A_3080 [1, 2] : vector<1x64x1xf32> to vector<1xf32>
    %reduce_sum3A_3082 = vector.shape_cast %reduce_sum3A_3081 : vector<1xf32> to vector<1x1x1xf32>
    %reduce_sum3A_3083 = vector.extract %reduce_sum3A_3082[0, 0, 0] : f32 from vector<1x1x1xf32>
    %add3A_3084 = arith.addf %add3A_2641, %reduce_sum3A_3083 : f32
    %add3A_3085 = arith.constant 384 : i32
    %add3A_3086 = arith.addi %add3A_1, %add3A_3085 : i32
    %jit3A_3087 = arith.constant 128 : i32
    %div3A_3088 = arith.divsi %add3A_3086, %jit3A_3087 : i32
    %sign3A_3089 = arith.constant 0 : i32
    %sign3A_3090 = arith.cmpi sgt, %add3A_3086, %sign3A_3089 : i32
    %sign3A_3091 = arith.extui %sign3A_3090 : i1 to i32
    %sign3A_3092 = arith.constant 0 : i32
    %sign3A_3093 = arith.cmpi slt, %add3A_3086, %sign3A_3092 : i32
    %sign3A_3094 = arith.extui %sign3A_3093 : i1 to i32
    %sign3A_3095 = arith.subi %sign3A_3091, %sign3A_3094 : i32
    %sign3A_3096 = arith.constant 0 : i32
    %sign3A_3097 = arith.cmpi sgt, %jit3A_3087, %sign3A_3096 : i32
    %sign3A_3098 = arith.extui %sign3A_3097 : i1 to i32
    %sign3A_3099 = arith.constant 0 : i32
    %sign3A_3100 = arith.cmpi slt, %jit3A_3087, %sign3A_3099 : i32
    %sign3A_3101 = arith.extui %sign3A_3100 : i1 to i32
    %sign3A_3102 = arith.subi %sign3A_3098, %sign3A_3101 : i32
    %ne3A_3103 = arith.cmpi ne, %sign3A_3095, %sign3A_3102 : i32
    %rem3A_3104 = arith.remsi %add3A_3086, %jit3A_3087 : i32
    %ne3A_3105 = arith.constant 0 : i32
    %ne3A_3106 = arith.cmpi ne, %rem3A_3104, %ne3A_3105 : i32
    %and3A_3107 = arith.andi %ne3A_3103, %ne3A_3106 : i1
    %sub3A_3108 = arith.constant 1 : i32
    %sub3A_3109 = arith.subi %div3A_3088, %sub3A_3108 : i32
    %select_n3A_3110 = arith.select %and3A_3107, %sub3A_3109, %div3A_3088 : i32
    %add3A_3111 = arith.constant 448 : i32
    %add3A_3112 = arith.addi %add3A_1, %add3A_3111 : i32
    %iota3A_3113 = tpu.iota {dimensions = array<i32: 0>} : vector<64x128xi32>
    %add3A_3114 = vector.broadcast %add3A_3112 : i32 to vector<64x128xi32>
    %add3A_3115 = arith.addi %add3A_3114, %iota3A_3113 : vector<64x128xi32>
    %iota3A_3116 = tpu.iota {dimensions = array<i32: 1>} : vector<64x128xi32>
    %add3A_3117 = vector.broadcast %add3A_3086 : i32 to vector<64x128xi32>
    %add3A_3118 = arith.addi %add3A_3117, %iota3A_3116 : vector<64x128xi32>
    %jit3A_3119 = arith.constant 8 : i32
    %div3A_3120 = vector.broadcast %jit3A_3119 : i32 to vector<64x128xi32>
    %div3A_3121 = arith.divsi %add3A_3118, %div3A_3120 : vector<64x128xi32>
    %sign3A_3122 = arith.constant 0 : i32
    %sign3A_3123 = vector.broadcast %sign3A_3122 : i32 to vector<64x128xi32>
    %sign3A_3124 = arith.cmpi sgt, %add3A_3118, %sign3A_3123 : vector<64x128xi32>
    %sign3A_3125 = arith.extui %sign3A_3124 : vector<64x128xi1> to vector<64x128xi32>
    %sign3A_3126 = arith.constant 0 : i32
    %sign3A_3127 = vector.broadcast %sign3A_3126 : i32 to vector<64x128xi32>
    %sign3A_3128 = arith.cmpi slt, %add3A_3118, %sign3A_3127 : vector<64x128xi32>
    %sign3A_3129 = arith.extui %sign3A_3128 : vector<64x128xi1> to vector<64x128xi32>
    %sign3A_3130 = arith.subi %sign3A_3125, %sign3A_3129 : vector<64x128xi32>
    %sign3A_3131 = arith.constant 0 : i32
    %sign3A_3132 = arith.cmpi sgt, %jit3A_3119, %sign3A_3131 : i32
    %sign3A_3133 = arith.extui %sign3A_3132 : i1 to i32
    %sign3A_3134 = arith.constant 0 : i32
    %sign3A_3135 = arith.cmpi slt, %jit3A_3119, %sign3A_3134 : i32
    %sign3A_3136 = arith.extui %sign3A_3135 : i1 to i32
    %sign3A_3137 = arith.subi %sign3A_3133, %sign3A_3136 : i32
    %ne3A_3138 = vector.broadcast %sign3A_3137 : i32 to vector<64x128xi32>
    %ne3A_3139 = arith.cmpi ne, %sign3A_3130, %ne3A_3138 : vector<64x128xi32>
    %rem3A_3140 = vector.broadcast %jit3A_3119 : i32 to vector<64x128xi32>
    %rem3A_3141 = arith.remsi %add3A_3118, %rem3A_3140 : vector<64x128xi32>
    %ne3A_3142 = arith.constant 0 : i32
    %ne3A_3143 = vector.broadcast %ne3A_3142 : i32 to vector<64x128xi32>
    %ne3A_3144 = arith.cmpi ne, %rem3A_3141, %ne3A_3143 : vector<64x128xi32>
    %and3A_3145 = arith.andi %ne3A_3139, %ne3A_3144 : vector<64x128xi1>
    %sub3A_3146 = arith.constant 1 : i32
    %sub3A_3147 = vector.broadcast %sub3A_3146 : i32 to vector<64x128xi32>
    %sub3A_3148 = arith.subi %div3A_3121, %sub3A_3147 : vector<64x128xi32>
    %select_n3A_3149 = arith.select %and3A_3145, %sub3A_3148, %div3A_3121 : vector<64x128xi1>, vector<64x128xi32>
    %jit3A_3150 = arith.constant 8 : i32
    %div3A_3151 = vector.broadcast %jit3A_3150 : i32 to vector<64x128xi32>
    %div3A_3152 = arith.divsi %add3A_3115, %div3A_3151 : vector<64x128xi32>
    %sign3A_3153 = arith.constant 0 : i32
    %sign3A_3154 = vector.broadcast %sign3A_3153 : i32 to vector<64x128xi32>
    %sign3A_3155 = arith.cmpi sgt, %add3A_3115, %sign3A_3154 : vector<64x128xi32>
    %sign3A_3156 = arith.extui %sign3A_3155 : vector<64x128xi1> to vector<64x128xi32>
    %sign3A_3157 = arith.constant 0 : i32
    %sign3A_3158 = vector.broadcast %sign3A_3157 : i32 to vector<64x128xi32>
    %sign3A_3159 = arith.cmpi slt, %add3A_3115, %sign3A_3158 : vector<64x128xi32>
    %sign3A_3160 = arith.extui %sign3A_3159 : vector<64x128xi1> to vector<64x128xi32>
    %sign3A_3161 = arith.subi %sign3A_3156, %sign3A_3160 : vector<64x128xi32>
    %sign3A_3162 = arith.constant 0 : i32
    %sign3A_3163 = arith.cmpi sgt, %jit3A_3150, %sign3A_3162 : i32
    %sign3A_3164 = arith.extui %sign3A_3163 : i1 to i32
    %sign3A_3165 = arith.constant 0 : i32
    %sign3A_3166 = arith.cmpi slt, %jit3A_3150, %sign3A_3165 : i32
    %sign3A_3167 = arith.extui %sign3A_3166 : i1 to i32
    %sign3A_3168 = arith.subi %sign3A_3164, %sign3A_3167 : i32
    %ne3A_3169 = vector.broadcast %sign3A_3168 : i32 to vector<64x128xi32>
    %ne3A_3170 = arith.cmpi ne, %sign3A_3161, %ne3A_3169 : vector<64x128xi32>
    %rem3A_3171 = vector.broadcast %jit3A_3150 : i32 to vector<64x128xi32>
    %rem3A_3172 = arith.remsi %add3A_3115, %rem3A_3171 : vector<64x128xi32>
    %ne3A_3173 = arith.constant 0 : i32
    %ne3A_3174 = vector.broadcast %ne3A_3173 : i32 to vector<64x128xi32>
    %ne3A_3175 = arith.cmpi ne, %rem3A_3172, %ne3A_3174 : vector<64x128xi32>
    %and3A_3176 = arith.andi %ne3A_3170, %ne3A_3175 : vector<64x128xi1>
    %sub3A_3177 = arith.constant 1 : i32
    %sub3A_3178 = vector.broadcast %sub3A_3177 : i32 to vector<64x128xi32>
    %sub3A_3179 = arith.subi %div3A_3152, %sub3A_3178 : vector<64x128xi32>
    %select_n3A_3180 = arith.select %and3A_3176, %sub3A_3179, %div3A_3152 : vector<64x128xi1>, vector<64x128xi32>
    %eq3A_3181 = arith.cmpi eq, %select_n3A_3149, %select_n3A_3180 : vector<64x128xi32>
    %ne3A_3182 = arith.cmpi ne, %add3A_3118, %add3A_3115 : vector<64x128xi32>
    %and3A_3183 = arith.andi %eq3A_3181, %ne3A_3182 : vector<64x128xi1>
    %get3A_3184 = arith.constant 448 : index
    %get3A_3185 = arith.index_cast %add3A_3086 : i32 to index
    %get3A_3186 = vector.load %arg1[%get3A_3184, %get3A_3185] : memref<512x4096xf32, #tpu.memory_space<vmem>>, vector<64x128xf32>
    %jit3A_3187 = arith.constant 0.000000e+00 : f32
    %broadcast_in_dim3A_3188 = vector.broadcast %jit3A_3187 : f32 to vector<64x128xf32>
    %select_n3A_3189 = arith.select %and3A_3183, %get3A_3186, %broadcast_in_dim3A_3188 : vector<64x128xi1>, vector<64x128xf32>
    %reduce_max3A_3190 = arith.constant dense<0xFF800000> : vector<64xf32>
    %reduce_max3A_3191 = vector.multi_reduction <maximumf>, %select_n3A_3189, %reduce_max3A_3190 [1] : vector<64x128xf32> to vector<64xf32>
    %broadcast_in_dim3A_3192 = vector.shape_cast %reduce_max3A_3191 : vector<64xf32> to vector<64x1xf32>
    %jit3A_3193 = arith.constant 0x7F800000 : f32
    %broadcast_in_dim3A_3194 = vector.broadcast %jit3A_3193 : f32 to vector<64x128xf32>
    %select_n3A_3195 = arith.select %and3A_3183, %broadcast_in_dim3A_3194, %get3A_3186 : vector<64x128xi1>, vector<64x128xf32>
    %broadcast_in_dim3A_3196 = arith.constant 0x7F800000 : f32
    %broadcast_in_dim3A_3197 = vector.broadcast %broadcast_in_dim3A_3196 : f32 to vector<64x128xf32>
    %broadcast_in_dim3A_3198 = arith.constant 0x7F800000 : f32
    %broadcast_in_dim3A_3199 = vector.broadcast %broadcast_in_dim3A_3198 : f32 to vector<64x128xf32>
    %get3A_3200 = arith.constant 448 : index
    %get3A_3201 = arith.constant 0 : index
    %get3A_3202 = vector.load %arg1[%get3A_3200, %get3A_3201] : memref<512x4096xf32, #tpu.memory_space<vmem>>, vector<64x128xf32>
    %eq3A_3203 = arith.constant 0 : i32
    %eq3A_3204 = arith.cmpi eq, %select_n3A_3110, %eq3A_3203 : i32
    %select_n3A_3205 = arith.select %eq3A_3204, %broadcast_in_dim3A_3199, %get3A_3202 : vector<64x128xf32>
    %max3A_3206 = arith.maximumf %select_n3A_3195, %select_n3A_3205 : vector<64x128xf32>
    %min3A_3207 = arith.minimumf %broadcast_in_dim3A_3197, %max3A_3206 : vector<64x128xf32>
    %min3A_3208 = arith.minimumf %select_n3A_3195, %select_n3A_3205 : vector<64x128xf32>
    %get3A_3209 = arith.constant 448 : index
    %get3A_3210 = arith.constant 128 : index
    %get3A_3211 = vector.load %arg1[%get3A_3209, %get3A_3210] : memref<512x4096xf32, #tpu.memory_space<vmem>>, vector<64x128xf32>
    %eq3A_3212 = arith.constant 1 : i32
    %eq3A_3213 = arith.cmpi eq, %select_n3A_3110, %eq3A_3212 : i32
    %select_n3A_3214 = arith.select %eq3A_3213, %broadcast_in_dim3A_3199, %get3A_3211 : vector<64x128xf32>
    %max3A_3215 = arith.maximumf %min3A_3208, %select_n3A_3214 : vector<64x128xf32>
    %min3A_3216 = arith.minimumf %min3A_3207, %max3A_3215 : vector<64x128xf32>
    %min3A_3217 = arith.minimumf %min3A_3208, %select_n3A_3214 : vector<64x128xf32>
    %get3A_3218 = arith.constant 448 : index
    %get3A_3219 = arith.constant 256 : index
    %get3A_3220 = vector.load %arg1[%get3A_3218, %get3A_3219] : memref<512x4096xf32, #tpu.memory_space<vmem>>, vector<64x128xf32>
    %eq3A_3221 = arith.constant 2 : i32
    %eq3A_3222 = arith.cmpi eq, %select_n3A_3110, %eq3A_3221 : i32
    %select_n3A_3223 = arith.select %eq3A_3222, %broadcast_in_dim3A_3199, %get3A_3220 : vector<64x128xf32>
    %max3A_3224 = arith.maximumf %min3A_3217, %select_n3A_3223 : vector<64x128xf32>
    %min3A_3225 = arith.minimumf %min3A_3216, %max3A_3224 : vector<64x128xf32>
    %min3A_3226 = arith.minimumf %min3A_3217, %select_n3A_3223 : vector<64x128xf32>
    %get3A_3227 = arith.constant 448 : index
    %get3A_3228 = arith.constant 384 : index
    %get3A_3229 = vector.load %arg1[%get3A_3227, %get3A_3228] : memref<512x4096xf32, #tpu.memory_space<vmem>>, vector<64x128xf32>
    %eq3A_3230 = arith.constant 3 : i32
    %eq3A_3231 = arith.cmpi eq, %select_n3A_3110, %eq3A_3230 : i32
    %select_n3A_3232 = arith.select %eq3A_3231, %broadcast_in_dim3A_3199, %get3A_3229 : vector<64x128xf32>
    %max3A_3233 = arith.maximumf %min3A_3226, %select_n3A_3232 : vector<64x128xf32>
    %min3A_3234 = arith.minimumf %min3A_3225, %max3A_3233 : vector<64x128xf32>
    %min3A_3235 = arith.minimumf %min3A_3226, %select_n3A_3232 : vector<64x128xf32>
    %get3A_3236 = arith.constant 448 : index
    %get3A_3237 = arith.constant 512 : index
    %get3A_3238 = vector.load %arg1[%get3A_3236, %get3A_3237] : memref<512x4096xf32, #tpu.memory_space<vmem>>, vector<64x128xf32>
    %eq3A_3239 = arith.constant 4 : i32
    %eq3A_3240 = arith.cmpi eq, %select_n3A_3110, %eq3A_3239 : i32
    %select_n3A_3241 = arith.select %eq3A_3240, %broadcast_in_dim3A_3199, %get3A_3238 : vector<64x128xf32>
    %max3A_3242 = arith.maximumf %min3A_3235, %select_n3A_3241 : vector<64x128xf32>
    %min3A_3243 = arith.minimumf %min3A_3234, %max3A_3242 : vector<64x128xf32>
    %min3A_3244 = arith.minimumf %min3A_3235, %select_n3A_3241 : vector<64x128xf32>
    %get3A_3245 = arith.constant 448 : index
    %get3A_3246 = arith.constant 640 : index
    %get3A_3247 = vector.load %arg1[%get3A_3245, %get3A_3246] : memref<512x4096xf32, #tpu.memory_space<vmem>>, vector<64x128xf32>
    %eq3A_3248 = arith.constant 5 : i32
    %eq3A_3249 = arith.cmpi eq, %select_n3A_3110, %eq3A_3248 : i32
    %select_n3A_3250 = arith.select %eq3A_3249, %broadcast_in_dim3A_3199, %get3A_3247 : vector<64x128xf32>
    %max3A_3251 = arith.maximumf %min3A_3244, %select_n3A_3250 : vector<64x128xf32>
    %min3A_3252 = arith.minimumf %min3A_3243, %max3A_3251 : vector<64x128xf32>
    %min3A_3253 = arith.minimumf %min3A_3244, %select_n3A_3250 : vector<64x128xf32>
    %get3A_3254 = arith.constant 448 : index
    %get3A_3255 = arith.constant 768 : index
    %get3A_3256 = vector.load %arg1[%get3A_3254, %get3A_3255] : memref<512x4096xf32, #tpu.memory_space<vmem>>, vector<64x128xf32>
    %eq3A_3257 = arith.constant 6 : i32
    %eq3A_3258 = arith.cmpi eq, %select_n3A_3110, %eq3A_3257 : i32
    %select_n3A_3259 = arith.select %eq3A_3258, %broadcast_in_dim3A_3199, %get3A_3256 : vector<64x128xf32>
    %max3A_3260 = arith.maximumf %min3A_3253, %select_n3A_3259 : vector<64x128xf32>
    %min3A_3261 = arith.minimumf %min3A_3252, %max3A_3260 : vector<64x128xf32>
    %min3A_3262 = arith.minimumf %min3A_3253, %select_n3A_3259 : vector<64x128xf32>
    %get3A_3263 = arith.constant 448 : index
    %get3A_3264 = arith.constant 896 : index
    %get3A_3265 = vector.load %arg1[%get3A_3263, %get3A_3264] : memref<512x4096xf32, #tpu.memory_space<vmem>>, vector<64x128xf32>
    %eq3A_3266 = arith.constant 7 : i32
    %eq3A_3267 = arith.cmpi eq, %select_n3A_3110, %eq3A_3266 : i32
    %select_n3A_3268 = arith.select %eq3A_3267, %broadcast_in_dim3A_3199, %get3A_3265 : vector<64x128xf32>
    %max3A_3269 = arith.maximumf %min3A_3262, %select_n3A_3268 : vector<64x128xf32>
    %min3A_3270 = arith.minimumf %min3A_3261, %max3A_3269 : vector<64x128xf32>
    %min3A_3271 = arith.minimumf %min3A_3262, %select_n3A_3268 : vector<64x128xf32>
    %get3A_3272 = arith.constant 448 : index
    %get3A_3273 = arith.constant 1024 : index
    %get3A_3274 = vector.load %arg1[%get3A_3272, %get3A_3273] : memref<512x4096xf32, #tpu.memory_space<vmem>>, vector<64x128xf32>
    %eq3A_3275 = arith.constant 8 : i32
    %eq3A_3276 = arith.cmpi eq, %select_n3A_3110, %eq3A_3275 : i32
    %select_n3A_3277 = arith.select %eq3A_3276, %broadcast_in_dim3A_3199, %get3A_3274 : vector<64x128xf32>
    %max3A_3278 = arith.maximumf %min3A_3271, %select_n3A_3277 : vector<64x128xf32>
    %min3A_3279 = arith.minimumf %min3A_3270, %max3A_3278 : vector<64x128xf32>
    %min3A_3280 = arith.minimumf %min3A_3271, %select_n3A_3277 : vector<64x128xf32>
    %get3A_3281 = arith.constant 448 : index
    %get3A_3282 = arith.constant 1152 : index
    %get3A_3283 = vector.load %arg1[%get3A_3281, %get3A_3282] : memref<512x4096xf32, #tpu.memory_space<vmem>>, vector<64x128xf32>
    %eq3A_3284 = arith.constant 9 : i32
    %eq3A_3285 = arith.cmpi eq, %select_n3A_3110, %eq3A_3284 : i32
    %select_n3A_3286 = arith.select %eq3A_3285, %broadcast_in_dim3A_3199, %get3A_3283 : vector<64x128xf32>
    %max3A_3287 = arith.maximumf %min3A_3280, %select_n3A_3286 : vector<64x128xf32>
    %min3A_3288 = arith.minimumf %min3A_3279, %max3A_3287 : vector<64x128xf32>
    %min3A_3289 = arith.minimumf %min3A_3280, %select_n3A_3286 : vector<64x128xf32>
    %get3A_3290 = arith.constant 448 : index
    %get3A_3291 = arith.constant 1280 : index
    %get3A_3292 = vector.load %arg1[%get3A_3290, %get3A_3291] : memref<512x4096xf32, #tpu.memory_space<vmem>>, vector<64x128xf32>
    %eq3A_3293 = arith.constant 10 : i32
    %eq3A_3294 = arith.cmpi eq, %select_n3A_3110, %eq3A_3293 : i32
    %select_n3A_3295 = arith.select %eq3A_3294, %broadcast_in_dim3A_3199, %get3A_3292 : vector<64x128xf32>
    %max3A_3296 = arith.maximumf %min3A_3289, %select_n3A_3295 : vector<64x128xf32>
    %min3A_3297 = arith.minimumf %min3A_3288, %max3A_3296 : vector<64x128xf32>
    %min3A_3298 = arith.minimumf %min3A_3289, %select_n3A_3295 : vector<64x128xf32>
    %get3A_3299 = arith.constant 448 : index
    %get3A_3300 = arith.constant 1408 : index
    %get3A_3301 = vector.load %arg1[%get3A_3299, %get3A_3300] : memref<512x4096xf32, #tpu.memory_space<vmem>>, vector<64x128xf32>
    %eq3A_3302 = arith.constant 11 : i32
    %eq3A_3303 = arith.cmpi eq, %select_n3A_3110, %eq3A_3302 : i32
    %select_n3A_3304 = arith.select %eq3A_3303, %broadcast_in_dim3A_3199, %get3A_3301 : vector<64x128xf32>
    %max3A_3305 = arith.maximumf %min3A_3298, %select_n3A_3304 : vector<64x128xf32>
    %min3A_3306 = arith.minimumf %min3A_3297, %max3A_3305 : vector<64x128xf32>
    %min3A_3307 = arith.minimumf %min3A_3298, %select_n3A_3304 : vector<64x128xf32>
    %get3A_3308 = arith.constant 448 : index
    %get3A_3309 = arith.constant 1536 : index
    %get3A_3310 = vector.load %arg1[%get3A_3308, %get3A_3309] : memref<512x4096xf32, #tpu.memory_space<vmem>>, vector<64x128xf32>
    %eq3A_3311 = arith.constant 12 : i32
    %eq3A_3312 = arith.cmpi eq, %select_n3A_3110, %eq3A_3311 : i32
    %select_n3A_3313 = arith.select %eq3A_3312, %broadcast_in_dim3A_3199, %get3A_3310 : vector<64x128xf32>
    %max3A_3314 = arith.maximumf %min3A_3307, %select_n3A_3313 : vector<64x128xf32>
    %min3A_3315 = arith.minimumf %min3A_3306, %max3A_3314 : vector<64x128xf32>
    %min3A_3316 = arith.minimumf %min3A_3307, %select_n3A_3313 : vector<64x128xf32>
    %get3A_3317 = arith.constant 448 : index
    %get3A_3318 = arith.constant 1664 : index
    %get3A_3319 = vector.load %arg1[%get3A_3317, %get3A_3318] : memref<512x4096xf32, #tpu.memory_space<vmem>>, vector<64x128xf32>
    %eq3A_3320 = arith.constant 13 : i32
    %eq3A_3321 = arith.cmpi eq, %select_n3A_3110, %eq3A_3320 : i32
    %select_n3A_3322 = arith.select %eq3A_3321, %broadcast_in_dim3A_3199, %get3A_3319 : vector<64x128xf32>
    %max3A_3323 = arith.maximumf %min3A_3316, %select_n3A_3322 : vector<64x128xf32>
    %min3A_3324 = arith.minimumf %min3A_3315, %max3A_3323 : vector<64x128xf32>
    %min3A_3325 = arith.minimumf %min3A_3316, %select_n3A_3322 : vector<64x128xf32>
    %get3A_3326 = arith.constant 448 : index
    %get3A_3327 = arith.constant 1792 : index
    %get3A_3328 = vector.load %arg1[%get3A_3326, %get3A_3327] : memref<512x4096xf32, #tpu.memory_space<vmem>>, vector<64x128xf32>
    %eq3A_3329 = arith.constant 14 : i32
    %eq3A_3330 = arith.cmpi eq, %select_n3A_3110, %eq3A_3329 : i32
    %select_n3A_3331 = arith.select %eq3A_3330, %broadcast_in_dim3A_3199, %get3A_3328 : vector<64x128xf32>
    %max3A_3332 = arith.maximumf %min3A_3325, %select_n3A_3331 : vector<64x128xf32>
    %min3A_3333 = arith.minimumf %min3A_3324, %max3A_3332 : vector<64x128xf32>
    %min3A_3334 = arith.minimumf %min3A_3325, %select_n3A_3331 : vector<64x128xf32>
    %get3A_3335 = arith.constant 448 : index
    %get3A_3336 = arith.constant 1920 : index
    %get3A_3337 = vector.load %arg1[%get3A_3335, %get3A_3336] : memref<512x4096xf32, #tpu.memory_space<vmem>>, vector<64x128xf32>
    %eq3A_3338 = arith.constant 15 : i32
    %eq3A_3339 = arith.cmpi eq, %select_n3A_3110, %eq3A_3338 : i32
    %select_n3A_3340 = arith.select %eq3A_3339, %broadcast_in_dim3A_3199, %get3A_3337 : vector<64x128xf32>
    %max3A_3341 = arith.maximumf %min3A_3334, %select_n3A_3340 : vector<64x128xf32>
    %min3A_3342 = arith.minimumf %min3A_3333, %max3A_3341 : vector<64x128xf32>
    %min3A_3343 = arith.minimumf %min3A_3334, %select_n3A_3340 : vector<64x128xf32>
    %get3A_3344 = arith.constant 448 : index
    %get3A_3345 = arith.constant 2048 : index
    %get3A_3346 = vector.load %arg1[%get3A_3344, %get3A_3345] : memref<512x4096xf32, #tpu.memory_space<vmem>>, vector<64x128xf32>
    %eq3A_3347 = arith.constant 16 : i32
    %eq3A_3348 = arith.cmpi eq, %select_n3A_3110, %eq3A_3347 : i32
    %select_n3A_3349 = arith.select %eq3A_3348, %broadcast_in_dim3A_3199, %get3A_3346 : vector<64x128xf32>
    %max3A_3350 = arith.maximumf %min3A_3343, %select_n3A_3349 : vector<64x128xf32>
    %min3A_3351 = arith.minimumf %min3A_3342, %max3A_3350 : vector<64x128xf32>
    %min3A_3352 = arith.minimumf %min3A_3343, %select_n3A_3349 : vector<64x128xf32>
    %get3A_3353 = arith.constant 448 : index
    %get3A_3354 = arith.constant 2176 : index
    %get3A_3355 = vector.load %arg1[%get3A_3353, %get3A_3354] : memref<512x4096xf32, #tpu.memory_space<vmem>>, vector<64x128xf32>
    %eq3A_3356 = arith.constant 17 : i32
    %eq3A_3357 = arith.cmpi eq, %select_n3A_3110, %eq3A_3356 : i32
    %select_n3A_3358 = arith.select %eq3A_3357, %broadcast_in_dim3A_3199, %get3A_3355 : vector<64x128xf32>
    %max3A_3359 = arith.maximumf %min3A_3352, %select_n3A_3358 : vector<64x128xf32>
    %min3A_3360 = arith.minimumf %min3A_3351, %max3A_3359 : vector<64x128xf32>
    %min3A_3361 = arith.minimumf %min3A_3352, %select_n3A_3358 : vector<64x128xf32>
    %get3A_3362 = arith.constant 448 : index
    %get3A_3363 = arith.constant 2304 : index
    %get3A_3364 = vector.load %arg1[%get3A_3362, %get3A_3363] : memref<512x4096xf32, #tpu.memory_space<vmem>>, vector<64x128xf32>
    %eq3A_3365 = arith.constant 18 : i32
    %eq3A_3366 = arith.cmpi eq, %select_n3A_3110, %eq3A_3365 : i32
    %select_n3A_3367 = arith.select %eq3A_3366, %broadcast_in_dim3A_3199, %get3A_3364 : vector<64x128xf32>
    %max3A_3368 = arith.maximumf %min3A_3361, %select_n3A_3367 : vector<64x128xf32>
    %min3A_3369 = arith.minimumf %min3A_3360, %max3A_3368 : vector<64x128xf32>
    %min3A_3370 = arith.minimumf %min3A_3361, %select_n3A_3367 : vector<64x128xf32>
    %get3A_3371 = arith.constant 448 : index
    %get3A_3372 = arith.constant 2432 : index
    %get3A_3373 = vector.load %arg1[%get3A_3371, %get3A_3372] : memref<512x4096xf32, #tpu.memory_space<vmem>>, vector<64x128xf32>
    %eq3A_3374 = arith.constant 19 : i32
    %eq3A_3375 = arith.cmpi eq, %select_n3A_3110, %eq3A_3374 : i32
    %select_n3A_3376 = arith.select %eq3A_3375, %broadcast_in_dim3A_3199, %get3A_3373 : vector<64x128xf32>
    %max3A_3377 = arith.maximumf %min3A_3370, %select_n3A_3376 : vector<64x128xf32>
    %min3A_3378 = arith.minimumf %min3A_3369, %max3A_3377 : vector<64x128xf32>
    %min3A_3379 = arith.minimumf %min3A_3370, %select_n3A_3376 : vector<64x128xf32>
    %get3A_3380 = arith.constant 448 : index
    %get3A_3381 = arith.constant 2560 : index
    %get3A_3382 = vector.load %arg1[%get3A_3380, %get3A_3381] : memref<512x4096xf32, #tpu.memory_space<vmem>>, vector<64x128xf32>
    %eq3A_3383 = arith.constant 20 : i32
    %eq3A_3384 = arith.cmpi eq, %select_n3A_3110, %eq3A_3383 : i32
    %select_n3A_3385 = arith.select %eq3A_3384, %broadcast_in_dim3A_3199, %get3A_3382 : vector<64x128xf32>
    %max3A_3386 = arith.maximumf %min3A_3379, %select_n3A_3385 : vector<64x128xf32>
    %min3A_3387 = arith.minimumf %min3A_3378, %max3A_3386 : vector<64x128xf32>
    %min3A_3388 = arith.minimumf %min3A_3379, %select_n3A_3385 : vector<64x128xf32>
    %get3A_3389 = arith.constant 448 : index
    %get3A_3390 = arith.constant 2688 : index
    %get3A_3391 = vector.load %arg1[%get3A_3389, %get3A_3390] : memref<512x4096xf32, #tpu.memory_space<vmem>>, vector<64x128xf32>
    %eq3A_3392 = arith.constant 21 : i32
    %eq3A_3393 = arith.cmpi eq, %select_n3A_3110, %eq3A_3392 : i32
    %select_n3A_3394 = arith.select %eq3A_3393, %broadcast_in_dim3A_3199, %get3A_3391 : vector<64x128xf32>
    %max3A_3395 = arith.maximumf %min3A_3388, %select_n3A_3394 : vector<64x128xf32>
    %min3A_3396 = arith.minimumf %min3A_3387, %max3A_3395 : vector<64x128xf32>
    %min3A_3397 = arith.minimumf %min3A_3388, %select_n3A_3394 : vector<64x128xf32>
    %get3A_3398 = arith.constant 448 : index
    %get3A_3399 = arith.constant 2816 : index
    %get3A_3400 = vector.load %arg1[%get3A_3398, %get3A_3399] : memref<512x4096xf32, #tpu.memory_space<vmem>>, vector<64x128xf32>
    %eq3A_3401 = arith.constant 22 : i32
    %eq3A_3402 = arith.cmpi eq, %select_n3A_3110, %eq3A_3401 : i32
    %select_n3A_3403 = arith.select %eq3A_3402, %broadcast_in_dim3A_3199, %get3A_3400 : vector<64x128xf32>
    %max3A_3404 = arith.maximumf %min3A_3397, %select_n3A_3403 : vector<64x128xf32>
    %min3A_3405 = arith.minimumf %min3A_3396, %max3A_3404 : vector<64x128xf32>
    %min3A_3406 = arith.minimumf %min3A_3397, %select_n3A_3403 : vector<64x128xf32>
    %get3A_3407 = arith.constant 448 : index
    %get3A_3408 = arith.constant 2944 : index
    %get3A_3409 = vector.load %arg1[%get3A_3407, %get3A_3408] : memref<512x4096xf32, #tpu.memory_space<vmem>>, vector<64x128xf32>
    %eq3A_3410 = arith.constant 23 : i32
    %eq3A_3411 = arith.cmpi eq, %select_n3A_3110, %eq3A_3410 : i32
    %select_n3A_3412 = arith.select %eq3A_3411, %broadcast_in_dim3A_3199, %get3A_3409 : vector<64x128xf32>
    %max3A_3413 = arith.maximumf %min3A_3406, %select_n3A_3412 : vector<64x128xf32>
    %min3A_3414 = arith.minimumf %min3A_3405, %max3A_3413 : vector<64x128xf32>
    %min3A_3415 = arith.minimumf %min3A_3406, %select_n3A_3412 : vector<64x128xf32>
    %get3A_3416 = arith.constant 448 : index
    %get3A_3417 = arith.constant 3072 : index
    %get3A_3418 = vector.load %arg1[%get3A_3416, %get3A_3417] : memref<512x4096xf32, #tpu.memory_space<vmem>>, vector<64x128xf32>
    %eq3A_3419 = arith.constant 24 : i32
    %eq3A_3420 = arith.cmpi eq, %select_n3A_3110, %eq3A_3419 : i32
    %select_n3A_3421 = arith.select %eq3A_3420, %broadcast_in_dim3A_3199, %get3A_3418 : vector<64x128xf32>
    %max3A_3422 = arith.maximumf %min3A_3415, %select_n3A_3421 : vector<64x128xf32>
    %min3A_3423 = arith.minimumf %min3A_3414, %max3A_3422 : vector<64x128xf32>
    %min3A_3424 = arith.minimumf %min3A_3415, %select_n3A_3421 : vector<64x128xf32>
    %get3A_3425 = arith.constant 448 : index
    %get3A_3426 = arith.constant 3200 : index
    %get3A_3427 = vector.load %arg1[%get3A_3425, %get3A_3426] : memref<512x4096xf32, #tpu.memory_space<vmem>>, vector<64x128xf32>
    %eq3A_3428 = arith.constant 25 : i32
    %eq3A_3429 = arith.cmpi eq, %select_n3A_3110, %eq3A_3428 : i32
    %select_n3A_3430 = arith.select %eq3A_3429, %broadcast_in_dim3A_3199, %get3A_3427 : vector<64x128xf32>
    %max3A_3431 = arith.maximumf %min3A_3424, %select_n3A_3430 : vector<64x128xf32>
    %min3A_3432 = arith.minimumf %min3A_3423, %max3A_3431 : vector<64x128xf32>
    %min3A_3433 = arith.minimumf %min3A_3424, %select_n3A_3430 : vector<64x128xf32>
    %get3A_3434 = arith.constant 448 : index
    %get3A_3435 = arith.constant 3328 : index
    %get3A_3436 = vector.load %arg1[%get3A_3434, %get3A_3435] : memref<512x4096xf32, #tpu.memory_space<vmem>>, vector<64x128xf32>
    %eq3A_3437 = arith.constant 26 : i32
    %eq3A_3438 = arith.cmpi eq, %select_n3A_3110, %eq3A_3437 : i32
    %select_n3A_3439 = arith.select %eq3A_3438, %broadcast_in_dim3A_3199, %get3A_3436 : vector<64x128xf32>
    %max3A_3440 = arith.maximumf %min3A_3433, %select_n3A_3439 : vector<64x128xf32>
    %min3A_3441 = arith.minimumf %min3A_3432, %max3A_3440 : vector<64x128xf32>
    %min3A_3442 = arith.minimumf %min3A_3433, %select_n3A_3439 : vector<64x128xf32>
    %get3A_3443 = arith.constant 448 : index
    %get3A_3444 = arith.constant 3456 : index
    %get3A_3445 = vector.load %arg1[%get3A_3443, %get3A_3444] : memref<512x4096xf32, #tpu.memory_space<vmem>>, vector<64x128xf32>
    %eq3A_3446 = arith.constant 27 : i32
    %eq3A_3447 = arith.cmpi eq, %select_n3A_3110, %eq3A_3446 : i32
    %select_n3A_3448 = arith.select %eq3A_3447, %broadcast_in_dim3A_3199, %get3A_3445 : vector<64x128xf32>
    %max3A_3449 = arith.maximumf %min3A_3442, %select_n3A_3448 : vector<64x128xf32>
    %min3A_3450 = arith.minimumf %min3A_3441, %max3A_3449 : vector<64x128xf32>
    %min3A_3451 = arith.minimumf %min3A_3442, %select_n3A_3448 : vector<64x128xf32>
    %get3A_3452 = arith.constant 448 : index
    %get3A_3453 = arith.constant 3584 : index
    %get3A_3454 = vector.load %arg1[%get3A_3452, %get3A_3453] : memref<512x4096xf32, #tpu.memory_space<vmem>>, vector<64x128xf32>
    %eq3A_3455 = arith.constant 28 : i32
    %eq3A_3456 = arith.cmpi eq, %select_n3A_3110, %eq3A_3455 : i32
    %select_n3A_3457 = arith.select %eq3A_3456, %broadcast_in_dim3A_3199, %get3A_3454 : vector<64x128xf32>
    %max3A_3458 = arith.maximumf %min3A_3451, %select_n3A_3457 : vector<64x128xf32>
    %min3A_3459 = arith.minimumf %min3A_3450, %max3A_3458 : vector<64x128xf32>
    %min3A_3460 = arith.minimumf %min3A_3451, %select_n3A_3457 : vector<64x128xf32>
    %get3A_3461 = arith.constant 448 : index
    %get3A_3462 = arith.constant 3712 : index
    %get3A_3463 = vector.load %arg1[%get3A_3461, %get3A_3462] : memref<512x4096xf32, #tpu.memory_space<vmem>>, vector<64x128xf32>
    %eq3A_3464 = arith.constant 29 : i32
    %eq3A_3465 = arith.cmpi eq, %select_n3A_3110, %eq3A_3464 : i32
    %select_n3A_3466 = arith.select %eq3A_3465, %broadcast_in_dim3A_3199, %get3A_3463 : vector<64x128xf32>
    %max3A_3467 = arith.maximumf %min3A_3460, %select_n3A_3466 : vector<64x128xf32>
    %min3A_3468 = arith.minimumf %min3A_3459, %max3A_3467 : vector<64x128xf32>
    %min3A_3469 = arith.minimumf %min3A_3460, %select_n3A_3466 : vector<64x128xf32>
    %get3A_3470 = arith.constant 448 : index
    %get3A_3471 = arith.constant 3840 : index
    %get3A_3472 = vector.load %arg1[%get3A_3470, %get3A_3471] : memref<512x4096xf32, #tpu.memory_space<vmem>>, vector<64x128xf32>
    %eq3A_3473 = arith.constant 30 : i32
    %eq3A_3474 = arith.cmpi eq, %select_n3A_3110, %eq3A_3473 : i32
    %select_n3A_3475 = arith.select %eq3A_3474, %broadcast_in_dim3A_3199, %get3A_3472 : vector<64x128xf32>
    %max3A_3476 = arith.maximumf %min3A_3469, %select_n3A_3475 : vector<64x128xf32>
    %min3A_3477 = arith.minimumf %min3A_3468, %max3A_3476 : vector<64x128xf32>
    %min3A_3478 = arith.minimumf %min3A_3469, %select_n3A_3475 : vector<64x128xf32>
    %get3A_3479 = arith.constant 448 : index
    %get3A_3480 = arith.constant 3968 : index
    %get3A_3481 = vector.load %arg1[%get3A_3479, %get3A_3480] : memref<512x4096xf32, #tpu.memory_space<vmem>>, vector<64x128xf32>
    %eq3A_3482 = arith.constant 31 : i32
    %eq3A_3483 = arith.cmpi eq, %select_n3A_3110, %eq3A_3482 : i32
    %select_n3A_3484 = arith.select %eq3A_3483, %broadcast_in_dim3A_3199, %get3A_3481 : vector<64x128xf32>
    %max3A_3485 = arith.maximumf %min3A_3478, %select_n3A_3484 : vector<64x128xf32>
    %min3A_3486 = arith.minimumf %min3A_3477, %max3A_3485 : vector<64x128xf32>
    %min3A_3487 = arith.minimumf %min3A_3478, %select_n3A_3484 : vector<64x128xf32>
    %reduce_min3A_3488 = arith.constant dense<0x7F800000> : vector<64xf32>
    %reduce_min3A_3489 = vector.multi_reduction <minimumf>, %min3A_3487, %reduce_min3A_3488 [1] : vector<64x128xf32> to vector<64xf32>
    %broadcast_in_dim3A_3490 = vector.shape_cast %reduce_min3A_3489 : vector<64xf32> to vector<64x1xf32>
    %eq3A_3491 = vector.broadcast %broadcast_in_dim3A_3490 : vector<64x1xf32> to vector<64x128xf32>
    %eq3A_3492 = arith.cmpf oeq, %min3A_3487, %eq3A_3491 : vector<64x128xf32>
    %convert_element_type3A_3493 = arith.extui %eq3A_3492 : vector<64x128xi1> to vector<64x128xi32>
    %convert_element_type3A_3494 = arith.sitofp %convert_element_type3A_3493 : vector<64x128xi32> to vector<64x128xf32>
    %reduce_sum3A_3495 = arith.constant dense<0.000000e+00> : vector<64xf32>
    %reduce_sum3A_3496 = vector.multi_reduction <add>, %convert_element_type3A_3494, %reduce_sum3A_3495 [1] : vector<64x128xf32> to vector<64xf32>
    %broadcast_in_dim3A_3497 = vector.shape_cast %reduce_sum3A_3496 : vector<64xf32> to vector<64x1xf32>
    %jit3A_3498 = arith.constant 0x7F800000 : f32
    %broadcast_in_dim3A_3499 = vector.broadcast %jit3A_3498 : f32 to vector<64x128xf32>
    %select_n3A_3500 = arith.select %eq3A_3492, %broadcast_in_dim3A_3499, %min3A_3487 : vector<64x128xi1>, vector<64x128xf32>
    %reduce_min3A_3501 = arith.constant dense<0x7F800000> : vector<64xf32>
    %reduce_min3A_3502 = vector.multi_reduction <minimumf>, %select_n3A_3500, %reduce_min3A_3501 [1] : vector<64x128xf32> to vector<64xf32>
    %broadcast_in_dim3A_3503 = vector.shape_cast %reduce_min3A_3502 : vector<64xf32> to vector<64x1xf32>
    %jit3A_3504 = arith.constant 0x7F800000 : f32
    %broadcast_in_dim3A_3505 = vector.broadcast %jit3A_3504 : f32 to vector<64x128xf32>
    %select_n3A_3506 = arith.select %eq3A_3492, %min3A_3486, %broadcast_in_dim3A_3505 : vector<64x128xi1>, vector<64x128xf32>
    %reduce_min3A_3507 = arith.constant dense<0x7F800000> : vector<64xf32>
    %reduce_min3A_3508 = vector.multi_reduction <minimumf>, %select_n3A_3506, %reduce_min3A_3507 [1] : vector<64x128xf32> to vector<64xf32>
    %broadcast_in_dim3A_3509 = vector.shape_cast %reduce_min3A_3508 : vector<64xf32> to vector<64x1xf32>
    %ge3A_3510 = arith.constant 2.000000e+00 : f32
    %ge3A_3511 = vector.broadcast %ge3A_3510 : f32 to vector<64x1xf32>
    %ge3A_3512 = arith.cmpf oge, %broadcast_in_dim3A_3497, %ge3A_3511 : vector<64x1xf32>
    %min3A_3513 = arith.minimumf %broadcast_in_dim3A_3503, %broadcast_in_dim3A_3509 : vector<64x1xf32>
    %select_n3A_3514 = arith.select %ge3A_3512, %broadcast_in_dim3A_3490, %min3A_3513 : vector<64x1xi1>, vector<64x1xf32>
    %sub3A_3515 = arith.subf %broadcast_in_dim3A_3192, %select_n3A_3514 : vector<64x1xf32>
    %add3A_3516 = arith.constant 3.000000e-01 : f32
    %add3A_3517 = vector.broadcast %add3A_3516 : f32 to vector<64x1xf32>
    %add3A_3518 = arith.addf %sub3A_3515, %add3A_3517 : vector<64x1xf32>
    %max3A_3519 = arith.constant 0.000000e+00 : f32
    %max3A_3520 = vector.broadcast %max3A_3519 : f32 to vector<64x1xf32>
    %max3A_3521 = arith.maximumf %add3A_3518, %max3A_3520 : vector<64x1xf32>
    %reduce_sum3A_3522 = vector.shape_cast %max3A_3521 : vector<64x1xf32> to vector<1x64x1xf32>
    %reduce_sum3A_3523 = arith.constant dense<0.000000e+00> : vector<1xf32>
    %reduce_sum3A_3524 = vector.multi_reduction <add>, %reduce_sum3A_3522, %reduce_sum3A_3523 [1, 2] : vector<1x64x1xf32> to vector<1xf32>
    %reduce_sum3A_3525 = vector.shape_cast %reduce_sum3A_3524 : vector<1xf32> to vector<1x1x1xf32>
    %reduce_sum3A_3526 = vector.extract %reduce_sum3A_3525[0, 0, 0] : f32 from vector<1x1x1xf32>
    %add3A_3527 = arith.addf %add3A_3084, %reduce_sum3A_3526 : f32
    %swap3A = arith.constant 0 : index
    %swap3A_3528 = arith.constant 0 : index
    %swap3A_3529 = arith.constant 0 : index
    %swap3A_3530 = memref.load %arg2[%swap3A, %swap3A_3528, %swap3A_3529] : memref<1x1x1xf32, #tpu.memory_space<smem>>
    memref.store %add3A_3527, %arg2[%swap3A, %swap3A_3528, %swap3A_3529] : memref<1x1x1xf32, #tpu.memory_space<smem>>
    return
  }
  func.func @transform_0(%arg0: i32) -> (i32, i32) {
    %add3A = arith.constant 4 : i32
    %add3A_0 = arith.addi %add3A, %arg0 : i32
    %c0_i32 = arith.constant 0 : i32
    %c0_i32_1 = arith.constant 0 : i32
    return %add3A_0, %c0_i32 : i32, i32
  }
  func.func @transform_1(%arg0: i32) -> (i32, i32, i32) {
    %c0_i32 = arith.constant 0 : i32
    %c0_i32_0 = arith.constant 0 : i32
    %c0_i32_1 = arith.constant 0 : i32
    return %arg0, %c0_i32, %c0_i32_0 : i32, i32, i32
  }
}

</mosaic_0001>

<sc_bundles>
// kernel: _loss.4.cloned.1.call-start
scs
__scs_entry_jumppad:
0x0: {  	(pc) =	sbr.rel $0x88, $3  }
0x1: {  	(tag) =	ssettag $0x0;
	lr =	simm.s32 $0x1  }
0x2: {  	[smem:$0x3FA0] =	sst lr;
	_ =	strace $0xD0000000  }
0x3: {  	_ = 	snop  }
0x4: {  	_ = 	snop  }
0x5: {  	_ = 	snop  }
0x6: {  	_ = 	snop  }
0x7: {  	_ = 	snop  }
__scs_overlays_trampoline_lowered:
0x8: {  	[smem:$0x3FAF] =	sst s0  }
0x9: {  	[smem:$0x3FB0] =	sst s1  }
0xa: {  	[smem:$0x3FB1] =	sst s2  }
0xb: {  	[smem:$0x3FB2] =	sst s3  }
0xc: {  	[smem:$0x3FB3] =	sst s4  }
0xd: {  	[smem:$0x3FB4] =	sst s5  }
0xe: {  	[smem:$0x3FB5] =	sst s6  }
0xf: {  	[smem:$0x3FB6] =	sst s7  }
0x10: {  	[smem:$0x3FB7] =	sst s8  }
0x11: {  	[smem:$0x3FB8] =	sst s9;
	s0 =	simm.s32 @!p0 $0x0  }
0x12: {  	s1 =	sld [smem:$0x3F9E];
	s0 =	simm.s32 @p0 $0x1  }
0x13: {  	[smem:$0x3FB9] =	sst s0;
	s0 =	simm.s32 @!p1 $0x0  }
0x14: {  	s2 =	sld [smem:$0x3F9D];
	s0 =	simm.s32 @p1 $0x1  }
0x15: {  	[smem:$0x3FBA] =	sst s0;
	s0 =	simm.s32 @!p2 $0x0  }
0x16: {  	s3 =	sld [smem:$0x3FDB];
	s0 =	simm.s32 @p2 $0x1  }
0x17: {  	s4 =	simm.s32 $0x1BF5;
	[smem:$0x3FBC] =	sst s0  }
0x18: {  	s0 =	sld [smem:$0x3F9F];
	_ =	swait.ge [sflag:s4], $0x0  }
0x19: {  	s7 =	sld [smem:$0x3FA0]  }
0x1a: {  	s8 =	sadd.s32 $0xFFFFE003, lr  }
0x1b: {  	s9 =	sadd.s32 $0xFFFFFEF7, lr;
	s5 =	simm.s32 $0xFFFFFFFF;
	p2 =	slt.u32 s8, $0xFFFFF086  }
0x1c: {  	p1 =	slt.u32 s9, $0xF7A;
	s5 =	simm.s32 @!p2 $0x0  }
0x1d: {  	s5 =	simm.s32 @p1 $0x1;
	p0 =	seq.s32 s7, s2  }
0x1e: {  	s7 =	smul.u32 @!p0 $0xF7A, s2;
	p2 =	seq.s32 @!p0 s5, $0x0  }
0x1f: {  	s9 =	smul.u32 $0xF7A, s1;
	s8 =	simm.s32 @!p0 $0x1BF5;
	p2 =	por !p2, p0  }
0x20: {  	[sflag:s8] =	ssyncset.s32 @!p0 $0xFFFFF086;
	s6 =	sadd.s32 @!p0 s3, s7;
	s7 =	simm.s32 @!p0 $0x108  }
0x21: {  	s3 =	sadd.s32 s3, s9;
	s6 =	sadd.s32 @!p0 $0x88, s6;
	s7 =	simm.s32 @p2 $0x1082  }
0x22: {  	[simem:s7], [sflag:s8] =	dma.local @!p0 [hbm:s6], $0xF7A  }
0x23: {  	s9 =	sor.u32 $0xD0000000, s2;
	s6 =	simm.s32 $0x108;
	_ =	swait.ge @!p0 [sflag:s8], $0x0  }
0x24: {  	s3 =	sadd.s32 $0x88, s3;
	s6 =	simm.s32 @!p1 $0x1082;
	[sflag:s4] =	ssyncset.s32 $0xFFFFF086  }
0x25: {  	[simem:s6], [sflag:s4] =	dma.local [hbm:s3], $0xF7A  }
0x26: {  	[smem:$0x3FA0] =	sst s1;
	(tag) =	ssettag s2;
	_ =	strace s9  }
0x27: {  	s1 =	sld [smem:$0x3FB0]  }
0x28: {  	s2 =	sld [smem:$0x3FB1]  }
0x29: {  	s4 =	sld [smem:$0x3FB3]  }
0x2a: {  	p0 =	seq.s32 s5, $0x0;
	s5 =	sld [smem:$0x3FB4]  }
0x2b: {  	s6 =	sld [smem:$0x3FB5]  }
0x2c: {  	s7 =	sld [smem:$0x3FB6]  }
0x2d: {  	s3 =	simm.s32 $0x108;
	s8 =	sld [smem:$0x3FB7]  }
0x2e: {  	s3 =	simm.s32 @!p0 $0x1082;
	s9 =	sld [smem:$0x3FB8]  }
0x2f: {  	lr =	sadd.s32 s0, s3;
	s0 =	sld [smem:$0x3FAF]  }
0x30: {  	s3 =	sld [smem:$0x3FB2]  }
0x31: {  	[smem:$0x3FBB] =	sst s10  }
0x32: {  	s10 =	sld [smem:$0x3FB9];
	_ =	sdelay $0x3  }
0x33: {  	p0 =	seq.s32 s10, $0x1;
	s10 =	sld [smem:$0x3FBB];
	_ =	sdelay $0x3  }
0x34: {  	[smem:$0x3FBB] =	sst s10  }
0x35: {  	s10 =	sld [smem:$0x3FBA];
	_ =	sdelay $0x3  }
0x36: {  	p1 =	seq.s32 s10, $0x1;
	s10 =	sld [smem:$0x3FBB];
	_ =	sdelay $0x3  }
0x37: {  	[smem:$0x3FBB] =	sst s10  }
0x38: {  	s10 =	sld [smem:$0x3FBC]  }
0x39: {  	_ = 	snop;
	(pc) =	sbr.ind lr, $3  }
0x3a: {  	_ = 	snop  }
0x3b: {  	_ = 	snop  }
0x3c: {  	p2 =	seq.s32 s10, $0x1;
	s10 =	sld [smem:$0x3FBB]  }
0x3d: {  	_ =	shalt  }
0x3e: {  	_ =	shalt  }
0x3f: {  	_ =	shalt  }
0x40: {  	_ =	shalt  }
0x41: {  	_ =	shalt  }
0x42: {  	_ =	shalt  }
0x43: {  	_ =	shalt  }
0x44: {  	_ =	shalt  }
0x45: {  	_ =	shalt  }
0x46: {  	_ =	shalt  }
0x47: {  	_ =	shalt  }
0x48: {  	_ =	shalt  }
0x49: {  	_ =	shalt  }
0x4a: {  	_ =	shalt  }
0x4b: {  	_ =	shalt  }
0x4c: {  	_ =	shalt  }
0x4d: {  	_ =	shalt  }
0x4e: {  	_ =	shalt  }
0x4f: {  	_ =	shalt  }
0x50: {  	_ =	shalt  }
0x51: {  	_ =	shalt  }
0x52: {  	_ =	shalt  }
0x53: {  	_ =	shalt  }
0x54: {  	_ =	shalt  }
0x55: {  	_ =	shalt  }
0x56: {  	_ =	shalt  }
0x57: {  	_ =	shalt  }
0x58: {  	_ =	shalt  }
0x59: {  	_ =	shalt  }
0x5a: {  	_ =	shalt  }
0x5b: {  	_ =	shalt  }
0x5c: {  	_ =	shalt  }
0x5d: {  	_ =	shalt  }
0x5e: {  	_ =	shalt  }
0x5f: {  	_ =	shalt  }
0x60: {  	_ =	shalt  }
0x61: {  	_ =	shalt  }
0x62: {  	_ =	shalt  }
0x63: {  	_ =	shalt  }
0x64: {  	_ =	shalt  }
0x65: {  	_ =	shalt  }
0x66: {  	_ =	shalt  }
0x67: {  	_ =	shalt  }
0x68: {  	_ =	shalt  }
0x69: {  	_ =	shalt  }
0x6a: {  	_ =	shalt  }
0x6b: {  	_ =	shalt  }
0x6c: {  	_ =	shalt  }
0x6d: {  	_ =	shalt  }
0x6e: {  	_ =	shalt  }
0x6f: {  	_ =	shalt  }
0x70: {  	_ =	shalt  }
0x71: {  	_ =	shalt  }
0x72: {  	_ =	shalt  }
0x73: {  	_ =	shalt  }
0x74: {  	_ =	shalt  }
0x75: {  	_ =	shalt  }
0x76: {  	_ =	shalt  }
0x77: {  	_ =	shalt  }
0x78: {  	_ =	shalt  }
0x79: {  	_ =	shalt  }
0x7a: {  	_ =	shalt  }
0x7b: {  	_ =	shalt  }
0x7c: {  	_ =	shalt  }
0x7d: {  	_ =	shalt  }
0x7e: {  	_ =	shalt  }
0x7f: {  	_ =	shalt  }
0x80: {  	_ =	shalt  }
0x81: {  	_ =	shalt  }
0x82: {  	_ =	shalt  }
0x83: {  	_ =	shalt  }
0x84: {  	_ =	shalt  }
0x85: {  	_ =	shalt  }
0x86: {  	_ =	shalt  }
0x87: {  	_ =	shalt  }
.Lfunc_end0:
.L_simem_size_0:
called_computation_lowered:
.L_overlay_start_0:
0x88: {  	s2 =	sld [smem:$0x3FD9]  }
0x89: {  	s3 =	sld [smem:$0x3FFE];
	_ =	sdelay $0x1  }
0x8a: {  	s1 =	srdreg.scid  }
0x8b: {  	s0 =	sand.u32 $0x1, s1  }
0x8c: {  	s17 =	sshll.u32 s0, $0xA;
	s2 =	sadd.s32 s3, s2  }
0x8d: {  	s2 =	sadd.s32 s2, s17  }
0x8e: {  	[smem:$0x3FC7] =	sst s2  }
0x8f: {  	_ = 	snop  }
0x90: {  	s2 =	sld [smem:$0x3FC9];
	(tm) =	ssettm $0x1  }
0x91: {  	s18 =	sld [smem:$0x3FFB];
	_ =	sdelay $0x3  }
0x92: {  	_ =	strace s18  }
0x93: {  	s3 =	sld [smem:$0x3FFC];
	_ =	sdelay $0x3  }
0x94: {  	_ =	strace s3  }
0x95: {  	s3 =	sld [smem:$0x3FFD];
	_ =	sdelay $0x3  }
0x96: {  	_ =	strace s3  }
0x97: {  	_ =	strace $0x8FFFFFFF  }
0x98: {  	s19 =	sld [smem:$0x3FDB];
	_ =	sdelay $0x1  }
0x99: {  	s4 =	simm.s32 $_scs_section_size  }
0x9a: {  	s5 =	simm.s32 $_size__tile_overlayer_lowered;
	s6 =	simm.s32 $_tile_overlayer_lowered  }
0x9b: {  	s22 =	simm.s32 $0x1BFF;
	s21 =	sshll.u32 s6, $0x1;
	s3 =	sadd.s32 s4, s19  }
0x9c: {  	s7 =	simm.s32 $0x0;
	s20 =	sshll.u32 s5, $0x1;
	s5 =	sadd.s32 s21, s3  }
0x9d: {  	[timem:s7], [sflag:s22] =	dma.local [hbm:s5], s20  }
0x9e: {  	_ =	swait.ge [sflag:s22], s20  }
0x9f: {  	s4 =	ssub.s32 $0x0, s20;
	[sflag:s22] =	ssyncset.done $0x0  }
0xa0: {  	[sflag:s22] =	ssyncadd.s32 s4;
	_ =	sdelay $0x1  }
0xa1: {  	s23 =	simm.s32 $0x1B8B  }
0xa2: {  	_ =	swait.ge [sflag:s23], $0x1  }
0xa3: {  	[sflag:s23] =	ssyncset.done $0x0  }
0xa4: {  	s25 =	simm.s32 $0x1B8E;
	s24 =	sld [smem:$0x3FFE];
	[sflag:s23] =	ssyncadd.s32 $0xFFFFFFFF  }
0xa5: {  	s26 =	simm.s32 $execute0_lowered;
	[smem:$0x3FD2] =	sst s25  }
0xa6: {  	s5 =	sshll.u32 s26, $0x1;
	_ =	strace $0x80000046;
	[dreg:$0x1] =	wrdreg $0xFFFFFFFF  }
0xa7: {  	s28 =	simm.s32 $_size_execute0_lowered;
	s3 =	sadd.s32 s3, s5;
	[dreg:$0x0] =	wrdreg $0x0  }
0xa8: {  	s5 =	sshll.u32 s28, $0x1;
	[dreg:$0x2] =	wrdreg s3  }
0xa9: {  	[dreg:$0x3] =	wrdreg s5  }
0xaa: {  	[dreg:$0x4] =	wrdreg $0xC0  }
0xab: {  	_ =	task [dreg:s7], $0x5FFFF  }
0xac: {  	[dreg:$0x1] =	wrdreg $0xFFFFFFFF  }
0xad: {  	[dreg:$0x0] =	wrdreg $0x60  }
0xae: {  	[dreg:$0x2] =	wrdreg s2  }
0xaf: {  	[dreg:$0x3] =	wrdreg s24  }
0xb0: {  	[dreg:$0x4] =	wrdreg $0x9  }
0xb1: {  	_ =	task.clear_ibuf [dreg:s7], $0x5FFFF;
	_ =	strace $0x90000046  }
0xb2: {  	s29 =	simm.s32 $0x9;
	_ =	strace $0x80000048  }
0xb3: {  	_ =	swait.ge [sflag:s29], $0x1  }
0xb4: {  	[sflag:s29] =	ssyncadd.s32 $0xFFFFFFFF  }
0xb5: {  	_ =	strace $0x90000048  }
0xb6: {  	_ =	sfence  }
0xb7: {  	s30 =	sld [smem:$0x0];
	_ =	sdelay $0x2  }
0xb8: {  	s31 =	sshll.u32 s1, $0xD;
	s1 =	sshrl.u32 s1, $0x2  }
0xb9: {  	s3 =	sand.u32 $0x4000, s31;
	s1 =	sadd.s32 s1, s30  }
0xba: {  	s0 =	sor.u32 s3, s0;
	s1 =	sshll.u32 s1, $0x11  }
0xbb: {  	s0 =	sor.u32 s1, s0  }
0xbc: {  	s0 =	sadd.s32 $0x8F2B, s0  }
0xbd: {  	[sflag:s0] =	ssyncadd.remote.s32 $0x1  }
0xbe: {  	_ =	sfence.sel $0xFFFF  }
0xbf: {  	[dreg:$0x0] =	wrdreg $0xFFFFFFFF;
	(pc) =	sbr.abs _section_cstart, $3  }
0xc0: {  	[dreg:$0x1] =	wrdreg $0xFFFFFFFF  }
0xc1: {  	_ =	task.clear_ibuf [dreg:s7], $0x2FFFF;
	_ =	strace $0x9FFFFFFF  }
0xc2: {  	(tm) =	ssettm $0x7FFFFFFF  }
0xc3: {  	_ =	shalt  }
tec
execute0_lowered:
.L_overlay_start_1:
0x0: {  	(tag) =	ssettag $0x1  }
0x1: {  	s3 =	rddreg [dreg:$0x0]  }
0x2: {  	s9 =	rddreg [dreg:$0x1];
	s2 =	srdreg.scid  }
0x3: {  	s1 =	stileid.u32;
	s0 =	rddreg [dreg:$0x2]  }
0x4: {  	s12 =	simm.s32 $0x1;
	s13 =	simm.s32 $0x2;
	s14 =	simm.s32 $0x10000  }
0x5: {  	s15 =	simm.s32 $0x3;
	s16 =	simm.s32 $0x0;
	s4 =	sand.u32 $0x1, s2  }
0x6: {  	s5 =	sshll.u32 s1, $0x1;
	s2 =	simm.s32 $0x0;
	s7 =	sshll.u32 s1, $0xA  }
0x7: {  	s6 =	ssub.s32 $0x2, s4;
	s8 =	sor.u32 s4, s5;
	[smem:$0x7FF] =	sst s2  }
.Ltmp0:
0x8: {  	s7 =	sor.u32 $0x8000, s7;
	s31 =	sshrl.u32 s6, $0x1;
	(pc) =	sbr.rel .LBB2_1-.Ltmp0, $4  }
0x9: {  	s5 =	sshll.u32 s8, $0xF;
	_ =	strace $0x80000047;
	s4 =	sshll.u32 s8, $0x6  }
0xa: {  	s11 =	sshll.u32 s8, $0x4;
	s10 =	ssub.s32 s6, s31;
	s3 =	sadd.s32 s3, s5  }
0xb: {  	vm0 =	vcmask $0x3F24;
	vm1 =	vcmask $0x1F04;
	s9 =	sadd.s32 s9, s11;
	s11 =	simm.s32 $0x8000;
	s5 =	sadd.s32 $0x1000, s3  }
0xc: {  	v0 =	vlaneseq.u32;
	v1 =	vimm.s32 $0x0;
	vm0 =	vmor vm1, vm0;
	s6 =	sadd.s32 $0x2000, s3;
	s8 =	sadd.s32 $0x3000, s3;
	s10 =	smax.u32 s10, $0x1  }
.LBB2_12:
0xd: {  	s16 =	sadd.s32 $0x1, s16  }
0xe: {  	p0 =	sne.s32 s16, s10  }
.Ltmp1:
0xf: {  	[tilespmem:$0x10000] =	vst v2;
	(pc) =	sbr.rel @!p0 .LBB2_13-.Ltmp1, $4  }
0x10: {  	[hbm4b:s9+s2] =	stream.linear.scatter [tilespmem:s14], [sflag:$0x3], $0x80, $0x38;
	[tilespmem:$0x10080] =	vst v63  }
0x11: {  	_ =	swait.ge [sflag:s15], $0x80  }
0x12: {  	[sflag:s15] =	ssyncset.done $0x0  }
0x13: {  	[sflag:s15] =	ssyncadd.s32 $0xFFFFFF80  }
.LBB2_1:
0x14: {  	[tilespmem:s2], [sflag:$0x1] =	stream.linear.gather [hbm4b:s3+s2], $0x8000, $0x38;
	[tilespmem:$0x10080] =	vst v63  }
0x15: {  	s17 =	simm.s32 $0x0  }
0x16: {  	v2 =	vimm.f32 $0.0e+00;
	[tilespmem:s11], [sflag:$0x2] =	stream.linear.gather [hbm4b:s5+s2], $0x8000, $0x38;
	[tilespmem:$0x10080] =	vst v63  }
.LBB2_2:
0x17: {  	s18 =	sshll.u32 s17, $0x4;
	_ =	swait.ge [sflag:s12], $0x8000;
	s21 =	simm.s32 $0x0  }
0x18: {  	s22 =	simm.s32 $0x400;
	s18 =	sor.u32 s4, s18;
	[sflag:s12] =	ssyncset.done $0x0  }
0x19: {  	[sflag:s12] =	ssyncadd.s32 $0xFFFF8000;
	s19 =	sshrl.u32 s18, $0x4;
	s20 =	sshrl.u32 s18, $0x3  }
.LBB2_3:
0x1a: {  	s23 =	sor.u32 s18, s21  }
0x1b: {  	p1 =	sne.s32 s21, $0x0;
	p0 =	seq.s32 s23, $0x0  }
0x1c: {  	p0 =	por !p1, !p0  }
0x1d: {  	s24 =	simm.s32 $0x1;
	p0 =	por !p0, !p0  }
0x1e: {  	s24 =	simm.s32 @!p0 $0x0  }
0x1f: {  	s25 =	ssub.s32 s19, s24  }
0x20: {  	s26 =	sshll.u32 s25, $0x4  }
0x21: {  	v4 =	vor.u32 s26, v0  }
0x22: {  	s25 =	sshll.u32 s25, $0x7;
	v3 =	vmov s26;
	vm1 =	vgt.s32 v4, $0x0  }
0x23: {  	s26 =	sand.u32 $0x70, s26;
	s25 =	sand.u32 $0xFFFFFC00, s25;
	v3 =	vshra.s32 v3, $0x1F;
	v5 =	vsel vm1, $0x1, v1  }
0x24: {  	s28 =	sshll.u32 s21, $0x7;
	s25 =	sor.u32 s26, s25;
	v5 =	vadd.s32 v5, v3  }
0x25: {  	s25 =	sadd.s32 s28, s25;
	v6 =	vshrl.u32 v3, $0x1D;
	vm1 =	vne.s32 v5, $0x1  }
0x26: {  	v3 =	vld [tilespmem:s25+$0x0];
	v5 =	vadd.s32 v6, v4;
	vm1 =	vmand vm1, vm0  }
0x27: {  	v5 =	vshra.s32 v5, $0x3;
	v6 =	vsel vm1, $0xFFFFFFFF, v1  }
0x28: {  	s24 =	ssub.s32 s20, s24;
	v5 =	vadd.s32 v6, v5  }
0x29: {  	vm2 =	vne.s32 v4, s23;
	vm1 =	veq.s32 v5, s24  }
0x2a: {  	vm1 =	vmand vm2, vm1  }
0x2b: {  	v4 =	vsel vm1, $0x7F800000, v3  }
0x2c: {  	[tilespmem:s25+$0x0] =	vst v4  }
0x2d: {  	v7 =	vld [tilespmem:s22+$0x0]  }
0x2e: {  	v9 =	vld [tilespmem:s22+$0x10]  }
0x2f: {  	v10 =	vld [tilespmem:s22+$0xFFFFFC10]  }
0x30: {  	v13 =	vld [tilespmem:s22+$0xFFFFFC20]  }
0x31: {  	v14 =	vld [tilespmem:s22+$0xFFFFFC30]  }
0x32: {  	v16 =	vld [tilespmem:s22+$0xFFFFFC00]  }
0x33: {  	v8 =	vld [tilespmem:s22+$0xFFFFFC40]  }
0x34: {  	v12 =	vld [tilespmem:s22+$0xFFFFFC50]  }
0x35: {  	v4 =	vld [tilespmem:s22+$0xFFFFFC60]  }
0x36: {  	v5 =	vld [tilespmem:s22+$0x30]  }
0x37: {  	v6 =	vimm.f32 $+Inf;
	v19 =	vld [tilespmem:s22+$0x20];
	v15 =	vmax.f32 v7, v9;
	v17 =	vmin.f32 v13, v14  }
0x38: {  	v11 =	vld [tilespmem:s22+$0x70];
	v23 =	vmin.f32 v7, v9;
	v7 =	vmax.f32 v16, v10;
	v20 =	vmax.f32 v13, v14  }
0x39: {  	v18 =	vld [tilespmem:s22+$0xFFFFFC70];
	v9 =	vmin.f32 v16, v10;
	v10 =	vmax.f32 v8, v12;
	v13 =	vimm.f32 $+Inf  }
0x3a: {  	v16 =	vld [tilespmem:s22+$0x60];
	v21 =	vmax.f32 v6, v17;
	v22 =	vmin.f32 v6, v17;
	v25 =	vmax.f32 v6, v9  }
0x3b: {  	v14 =	vld [tilespmem:s22+$0x40];
	v26 =	vmin.f32 v6, v9;
	v27 =	vmin.f32 v6, v7;
	v10 =	vmin.f32 v6, v10  }
0x3c: {  	s23 =	simm.s32 $0x0;
	s24 =	sadd.s32 $0x800, s22;
	v9 =	vld [tilespmem:s22+$0x50];
	v17 =	vimm.f32 $+Inf;
	v7 =	vimm.f32 $+Inf;
	v24 =	vmax.f32 v26, v23  }
.LBB2_4:
0x3d: {  	v28 =	vld [tilespmem:s24+$0xFFFFFC60];
	s23 =	sadd.s32 $0x100, s23;
	v25 =	vmin.f32 v25, v27;
	v27 =	vmin.f32 v19, v5;
	v19 =	vmax.f32 v19, v5  }
0x3e: {  	v26 =	vmin.f32 v26, v23;
	v5 =	vld [tilespmem:s24+$0x30];
	p0 =	slt.u32 s23, $0xF00;
	v29 =	vmin.f32 v4, v18;
	v15 =	vmin.f32 v25, v15  }
0x3f: {  	v23 =	vld [tilespmem:s24+$0x0];
	v24 =	vmin.f32 v24, v15;
	v15 =	vmax.f32 v22, v27;
	v22 =	vmin.f32 v22, v27  }
0x40: {  	v6 =	vmin.f32 v6, v20;
	v20 =	vmax.f32 v4, v18;
	v18 =	vmax.f32 v16, v11;
	v25 =	vld [tilespmem:s24+$0x10]  }
0x41: {  	v6 =	vmin.f32 v21, v6;
	v17 =	vmin.f32 v17, v20;
	v11 =	vmin.f32 v16, v11;
	v27 =	vld [tilespmem:s24+$0xFFFFFC10]  }
0x42: {  	v12 =	vmin.f32 v8, v12;
	v8 =	vmax.f32 v7, v29;
	v6 =	vmin.f32 v6, v19;
	v16 =	vld [tilespmem:s24+$0xFFFFFC20];
	v4 =	vmovc v28  }
0x43: {  	v8 =	vmin.f32 v8, v17;
	v6 =	vmin.f32 v15, v6;
	v17 =	vmax.f32 v14, v9;
	v20 =	vld [tilespmem:s24+$0xFFFFFC30]  }
0x44: {  	v19 =	vmax.f32 v13, v12;
	v7 =	vmin.f32 v7, v29;
	v18 =	vmin.f32 v8, v18;
	v21 =	vld [tilespmem:s24+$0xFFFFFC00]  }
0x45: {  	v13 =	vmin.f32 v13, v12;
	v28 =	vmax.f32 v7, v11;
	v7 =	vmin.f32 v7, v11;
	v8 =	vld [tilespmem:s24+$0xFFFFFC40]  }
0x46: {  	v10 =	vmin.f32 v19, v10;
	v9 =	vmin.f32 v14, v9;
	v15 =	vmax.f32 v23, v25;
	v12 =	vld [tilespmem:s24+$0xFFFFFC50]  }
0x47: {  	v14 =	vmax.f32 v13, v9;
	v10 =	vmin.f32 v10, v17;
	v17 =	vmin.f32 v28, v18;
	v19 =	vld [tilespmem:s24+$0x20]  }
.Ltmp2:
0x48: {  	v10 =	vmin.f32 v14, v10;
	v23 =	vmin.f32 v23, v25;
	v28 =	vmin.f32 v16, v20;
	v11 =	vld [tilespmem:s24+$0x70];
	(pc) =	sbr.rel @p0 .LBB2_4-.Ltmp2, $4  }
0x49: {  	v13 =	vmin.f32 v13, v9;
	v20 =	vmax.f32 v16, v20;
	v14 =	vmax.f32 v21, v27;
	v18 =	vld [tilespmem:s24+$0xFFFFFC70]  }
0x4a: {  	v9 =	vmin.f32 v21, v27;
	v21 =	vmax.f32 v22, v28;
	v22 =	vmin.f32 v22, v28;
	v16 =	vld [tilespmem:s24+$0x60]  }
0x4b: {  	v25 =	vmax.f32 v26, v9;
	v26 =	vmin.f32 v26, v9;
	v28 =	vmax.f32 v8, v12;
	v9 =	vld [tilespmem:s24+$0x50]  }
0x4c: {  	v27 =	vmin.f32 v24, v14;
	v24 =	vmax.f32 v26, v23;
	v10 =	vmin.f32 v10, v28;
	v14 =	vld [tilespmem:s24+$0x40];
	s24 =	sadd.s32 $0x800, s24  }
0x4d: {  	_ =	sdelay $0x1  }
0x4e: {  	v28 =	vmin.f32 v19, v5;
	v8 =	vmin.f32 v8, v12  }
0x4f: {  	v23 =	vmin.f32 v26, v23;
	v29 =	vmin.f32 v4, v18;
	v30 =	vmin.f32 v13, v8  }
0x50: {  	v48 =	vmin.f32 v16, v11;
	v49 =	vmin.f32 v7, v29;
	v31 =	vmin.f32 v14, v9  }
0x51: {  	v32 =	vmin.f32 v22, v28;
	v33 =	vmin.f32 v49, v48;
	v34 =	vmin.f32 v30, v31  }
0x52: {  	v3 =	vnsel vm1, $0x0, v3;
	v35 =	vmin.f32 v23, v32;
	v36 =	vmin.f32 v34, v33  }
0x53: {  	(xrf0) =	vmax.scan.msk.f32 $0xffff, v3;
	v3 =	vmin.f32 v35, v36  }
0x54: {  	v25 =	vmin.f32 v25, v27;
	v50 =	vmax.f32 v19, v5;
	(xrf0) =	vmin.scan.msk.f32 $0xffff, v3  }
0x55: {  	v6 =	vmin.f32 v6, v20;
	v15 =	vmin.f32 v25, v15;
	v51 =	vmax.f32 v22, v28  }
0x56: {  	v52 =	vmax.f32 v4, v18;
	v6 =	vmin.f32 v21, v6;
	v8 =	vmax.f32 v13, v8  }
0x57: {  	v15 =	vmin.f32 v24, v15;
	v4 =	vmin.f32 v17, v52;
	v53 =	vmax.f32 v7, v29  }
0x58: {  	v5 =	vmin.f32 v6, v50;
	v54 =	vmax.f32 v16, v11;
	v8 =	vmin.f32 v8, v10  }
0x59: {  	v61 =	vmax.f32 v23, v32;
	v4 =	vmin.f32 v53, v4;
	v5 =	vmin.f32 v51, v5;
	v55, _, _ =	vpop (xrf0)  }
0x5a: {  	v57 =	vmax.f32 v49, v48;
	v56 =	vmax.f32 v14, v9;
	v4 =	vmin.f32 v4, v54;
	v59, _, _ =	vpop (xrf0)  }
0x5b: {  	v58 =	vmax.f32 v30, v31;
	v8 =	vmin.f32 v8, v56;
	v60 =	vbroadcast v59, $0xF  }
0x5c: {  	v5 =	vmin.f32 v15, v5;
	v4 =	vmin.f32 v57, v4;
	v8 =	vmin.f32 v58, v8  }
0x5d: {  	v62 =	vmax.f32 v34, v33;
	v4 =	vmin.f32 v8, v4;
	vm1 =	veq.f32 v3, v60  }
0x5e: {  	v5 =	vmin.f32 v61, v5;
	v4 =	vmin.f32 v62, v4;
	v6 =	vmctz.xlane vm1  }
0x5f: {  	v63 =	vmax.f32 v35, v36;
	v4 =	vmin.f32 v5, v4  }
0x60: {  	v4 =	vmin.f32 v63, v4;
	vm1 =	veq.s32 v6, v0  }
0x61: {  	v3 =	vsel vm1, v4, v3  }
0x62: {  	(xrf0) =	vmin.scan.msk.f32 $0xffff, v3;
	_ =	sdelay $0x5  }
0x63: {  	v3, _, _ =	vpop (xrf0)  }
0x64: {  	v3 =	vsub.f32 v55, v3  }
0x65: {  	s21 =	sadd.s32 $0x1, s21  }
0x66: {  	p0 =	sne.s32 s21, $0x8;
	v3 =	vadd.f32 $3.000000120e-01, v3  }
.Ltmp3:
0x67: {  	_ = 	snop;
	(pc) =	sbr.rel @p0 .LBB2_3-.Ltmp3, $3  }
0x68: {  	v3 =	vmax.f32 v3, $0.0e+00  }
0x69: {  	v3 =	vbroadcast v3, $0xF;
	_ =	sdelay $0x1  }
0x6a: {  	s22 =	sadd.s32 $0x80, s22;
	v2 =	vadd.f32 v3, v2  }
0x6b: {  	s19 =	sshll.u32 s17, $0xD;
	p0 =	seq.s32 s17, $0x3  }
0x6c: {  	v3 =	vmov s18;
	s20 =	sadd.s32 @!p0 s19, s6;
	s21 =	simm.s32 @!p0 $0x0  }
0x6d: {  	vm1 =	veq.s32 v3, v0;
	[tilespmem:s21], [sflag:$0x1] =	stream.linear.gather @!p0 [hbm4b:s20+s21], $0x8000, $0x38;
	[tilespmem:$0x10080] =	vst v63  }
0x6e: {  	v3 =	vor.u32 s18, v0;
	s20 =	sor.u32 $0x8, s18;
	vm1 =	vmand vm1, vm0  }
0x6f: {  	s30 =	sand.u32 $0x70, s18;
	v4 =	vshrl.u32 v3, $0x3;
	_ =	swait.ge [sflag:s13], $0x8000;
	v5 =	vsel vm1, $0xFFFFFFFF, v1;
	s31 =	sshrl.u32 s20, $0x3  }
0x70: {  	s22 =	sadd.s32 s30, s7;
	[sflag:s13] =	ssyncset.done $0x0;
	v4 =	vadd.s32 v5, v4;
	v5 =	vmov s31  }
0x71: {  	s18 =	simm.s32 $0x0;
	s21 =	simm.s32 $0x8400;
	[sflag:s13] =	ssyncadd.s32 $0xFFFF8000;
	vm1 =	veq.s32 v4, v5;
	v4 =	vmov s22  }
.LBB2_7:
0x72: {  	_ =	sdelay $0x2  }
0x73: {  	s22 =	sshll.u32 s18, $0x7  }
0x74: {  	v5 =	vld.idx.msk [tilespmem:v4+s22+$0x0 ss:$0x1], $0xffff;
	_ =	sdelay $0x1  }
0x75: {  	s23 =	sor.u32 s20, s18  }
0x76: {  	vm2 =	vne.s32 v3, s23  }
0x77: {  	vm2 =	vmand vm1, vm2  }
0x78: {  	v6 =	vsel vm2, $0x7F800000, v5  }
0x79: {  	[tilespmem:v4+s22+$0x0 ss:$0x1] =	vst.idx.msk $0xffff, v6  }
0x7a: {  	v9 =	vld [tilespmem:s21+$0x0]  }
0x7b: {  	v11 =	vld [tilespmem:s21+$0x10]  }
0x7c: {  	v12 =	vld [tilespmem:s21+$0xFFFFFC10]  }
0x7d: {  	v15 =	vld [tilespmem:s21+$0xFFFFFC20]  }
0x7e: {  	v16 =	vld [tilespmem:s21+$0xFFFFFC30]  }
0x7f: {  	v18 =	vld [tilespmem:s21+$0xFFFFFC00]  }
0x80: {  	v10 =	vld [tilespmem:s21+$0xFFFFFC40]  }
0x81: {  	v14 =	vld [tilespmem:s21+$0xFFFFFC50]  }
0x82: {  	v6 =	vld [tilespmem:s21+$0xFFFFFC60]  }
0x83: {  	v7 =	vld [tilespmem:s21+$0x30]  }
0x84: {  	v8 =	vimm.f32 $+Inf;
	v21 =	vld [tilespmem:s21+$0x20];
	v17 =	vmax.f32 v9, v11;
	v19 =	vmin.f32 v15, v16  }
0x85: {  	v13 =	vld [tilespmem:s21+$0x70];
	v25 =	vmin.f32 v9, v11;
	v9 =	vmax.f32 v18, v12;
	v22 =	vmax.f32 v15, v16  }
0x86: {  	v20 =	vld [tilespmem:s21+$0xFFFFFC70];
	v11 =	vmin.f32 v18, v12;
	v12 =	vmax.f32 v10, v14;
	v15 =	vimm.f32 $+Inf  }
0x87: {  	v18 =	vld [tilespmem:s21+$0x60];
	v23 =	vmax.f32 v8, v19;
	v24 =	vmin.f32 v8, v19;
	v27 =	vmax.f32 v8, v11  }
0x88: {  	v16 =	vld [tilespmem:s21+$0x40];
	v28 =	vmin.f32 v8, v11;
	v29 =	vmin.f32 v8, v9;
	v12 =	vmin.f32 v8, v12  }
0x89: {  	s23 =	sadd.s32 $0x800, s21;
	s22 =	simm.s32 $0x0;
	v11 =	vld [tilespmem:s21+$0x50];
	v19 =	vimm.f32 $+Inf;
	v9 =	vimm.f32 $+Inf;
	v26 =	vmax.f32 v28, v25  }
.LBB2_8:
0x8a: {  	v30 =	vld [tilespmem:s23+$0xFFFFFC60];
	s22 =	sadd.s32 $0x100, s22;
	v27 =	vmin.f32 v27, v29;
	v29 =	vmin.f32 v21, v7;
	v21 =	vmax.f32 v21, v7  }
0x8b: {  	v28 =	vmin.f32 v28, v25;
	v7 =	vld [tilespmem:s23+$0x30];
	p1 =	slt.u32 s22, $0xF00;
	v31 =	vmin.f32 v6, v20;
	v17 =	vmin.f32 v27, v17  }
0x8c: {  	v25 =	vld [tilespmem:s23+$0x0];
	v26 =	vmin.f32 v26, v17;
	v17 =	vmax.f32 v24, v29;
	v24 =	vmin.f32 v24, v29  }
0x8d: {  	v8 =	vmin.f32 v8, v22;
	v22 =	vmax.f32 v6, v20;
	v20 =	vmax.f32 v18, v13;
	v27 =	vld [tilespmem:s23+$0x10]  }
0x8e: {  	v8 =	vmin.f32 v23, v8;
	v19 =	vmin.f32 v19, v22;
	v13 =	vmin.f32 v18, v13;
	v29 =	vld [tilespmem:s23+$0xFFFFFC10]  }
0x8f: {  	v14 =	vmin.f32 v10, v14;
	v10 =	vmax.f32 v9, v31;
	v8 =	vmin.f32 v8, v21;
	v18 =	vld [tilespmem:s23+$0xFFFFFC20];
	v6 =	vmovc v30  }
0x90: {  	v10 =	vmin.f32 v10, v19;
	v8 =	vmin.f32 v17, v8;
	v19 =	vmax.f32 v16, v11;
	v22 =	vld [tilespmem:s23+$0xFFFFFC30]  }
0x91: {  	v21 =	vmax.f32 v15, v14;
	v9 =	vmin.f32 v9, v31;
	v20 =	vmin.f32 v10, v20;
	v23 =	vld [tilespmem:s23+$0xFFFFFC00]  }
0x92: {  	v15 =	vmin.f32 v15, v14;
	v30 =	vmax.f32 v9, v13;
	v9 =	vmin.f32 v9, v13;
	v10 =	vld [tilespmem:s23+$0xFFFFFC40]  }
0x93: {  	v12 =	vmin.f32 v21, v12;
	v11 =	vmin.f32 v16, v11;
	v17 =	vmax.f32 v25, v27;
	v14 =	vld [tilespmem:s23+$0xFFFFFC50]  }
0x94: {  	v16 =	vmax.f32 v15, v11;
	v12 =	vmin.f32 v12, v19;
	v19 =	vmin.f32 v30, v20;
	v21 =	vld [tilespmem:s23+$0x20]  }
.Ltmp4:
0x95: {  	v12 =	vmin.f32 v16, v12;
	v25 =	vmin.f32 v25, v27;
	v30 =	vmin.f32 v18, v22;
	v13 =	vld [tilespmem:s23+$0x70];
	(pc) =	sbr.rel @p1 .LBB2_8-.Ltmp4, $4  }
0x96: {  	v15 =	vmin.f32 v15, v11;
	v22 =	vmax.f32 v18, v22;
	v16 =	vmax.f32 v23, v29;
	v20 =	vld [tilespmem:s23+$0xFFFFFC70]  }
0x97: {  	v11 =	vmin.f32 v23, v29;
	v23 =	vmax.f32 v24, v30;
	v24 =	vmin.f32 v24, v30;
	v18 =	vld [tilespmem:s23+$0x60]  }
0x98: {  	v27 =	vmax.f32 v28, v11;
	v28 =	vmin.f32 v28, v11;
	v30 =	vmax.f32 v10, v14;
	v11 =	vld [tilespmem:s23+$0x50]  }
0x99: {  	v29 =	vmin.f32 v26, v16;
	v26 =	vmax.f32 v28, v25;
	v12 =	vmin.f32 v12, v30;
	v16 =	vld [tilespmem:s23+$0x40];
	s23 =	sadd.s32 $0x800, s23  }
0x9a: {  	_ =	sdelay $0x1  }
0x9b: {  	v30 =	vmin.f32 v21, v7;
	v10 =	vmin.f32 v10, v14  }
0x9c: {  	v25 =	vmin.f32 v28, v25;
	v31 =	vmin.f32 v6, v20;
	v32 =	vmin.f32 v15, v10  }
0x9d: {  	v50 =	vmin.f32 v18, v13;
	v51 =	vmin.f32 v9, v31;
	v33 =	vmin.f32 v16, v11  }
0x9e: {  	v34 =	vmin.f32 v24, v30;
	v35 =	vmin.f32 v51, v50;
	v36 =	vmin.f32 v32, v33  }
0x9f: {  	v5 =	vnsel vm2, $0x0, v5;
	v37 =	vmin.f32 v25, v34;
	v38 =	vmin.f32 v36, v35  }
0xa0: {  	(xrf0) =	vmax.scan.msk.f32 $0xffff, v5;
	v5 =	vmin.f32 v37, v38  }
0xa1: {  	v27 =	vmin.f32 v27, v29;
	v7 =	vmax.f32 v21, v7;
	(xrf0) =	vmin.scan.msk.f32 $0xffff, v5  }
0xa2: {  	v8 =	vmin.f32 v8, v22;
	v17 =	vmin.f32 v27, v17;
	v52 =	vmax.f32 v24, v30  }
0xa3: {  	v6 =	vmax.f32 v6, v20;
	v8 =	vmin.f32 v23, v8;
	v10 =	vmax.f32 v15, v10  }
0xa4: {  	v17 =	vmin.f32 v26, v17;
	v6 =	vmin.f32 v19, v6;
	v53 =	vmax.f32 v9, v31  }
0xa5: {  	v7 =	vmin.f32 v8, v7;
	v54 =	vmax.f32 v18, v13;
	v10 =	vmin.f32 v10, v12  }
0xa6: {  	v61 =	vmax.f32 v25, v34;
	v6 =	vmin.f32 v53, v6;
	v7 =	vmin.f32 v52, v7;
	v55, _, _ =	vpop (xrf0)  }
0xa7: {  	v57 =	vmax.f32 v51, v50;
	v56 =	vmax.f32 v16, v11;
	v6 =	vmin.f32 v6, v54;
	v59, _, _ =	vpop (xrf0)  }
0xa8: {  	v58 =	vmax.f32 v32, v33;
	v10 =	vmin.f32 v10, v56;
	v60 =	vbroadcast v59, $0xF  }
0xa9: {  	v7 =	vmin.f32 v17, v7;
	v6 =	vmin.f32 v57, v6;
	v10 =	vmin.f32 v58, v10  }
0xaa: {  	v62 =	vmax.f32 v36, v35;
	v6 =	vmin.f32 v10, v6;
	vm2 =	veq.f32 v5, v60  }
0xab: {  	v7 =	vmin.f32 v61, v7;
	v6 =	vmin.f32 v62, v6;
	v8 =	vmctz.xlane vm2  }
0xac: {  	v63 =	vmax.f32 v37, v38;
	v6 =	vmin.f32 v7, v6  }
0xad: {  	v6 =	vmin.f32 v63, v6;
	vm2 =	veq.s32 v8, v0  }
0xae: {  	v5 =	vsel vm2, v6, v5  }
0xaf: {  	(xrf0) =	vmin.scan.msk.f32 $0xffff, v5;
	_ =	sdelay $0x5  }
0xb0: {  	v5, _, _ =	vpop (xrf0)  }
0xb1: {  	v5 =	vsub.f32 v55, v5  }
0xb2: {  	s18 =	sadd.s32 $0x1, s18  }
0xb3: {  	p1 =	sne.s32 s18, $0x8;
	v5 =	vadd.f32 $3.000000120e-01, v5  }
.Ltmp5:
0xb4: {  	_ = 	snop;
	(pc) =	sbr.rel @p1 .LBB2_7-.Ltmp5, $3  }
0xb5: {  	v5 =	vmax.f32 v5, $0.0e+00  }
0xb6: {  	v5 =	vbroadcast v5, $0xF;
	_ =	sdelay $0x1  }
0xb7: {  	s21 =	sadd.s32 $0x80, s21;
	v2 =	vadd.f32 v5, v2  }
.Ltmp6:
0xb8: {  	(pc) =	sbr.rel @p0 .LBB2_12-.Ltmp6, $1  }
0xb9: {  	_ =	sdelay $0x3  }
.Ltmp7:
0xba: {  	(pc) =	sbr.rel .LBB2_2-.Ltmp7, $3  }
0xbb: {  	_ =	sdelay $0x1  }
0xbc: {  	s18 =	sadd.s32 s19, s8;
	s17 =	sadd.s32 $0x1, s17  }
0xbd: {  	[tilespmem:s11], [sflag:$0x2] =	stream.linear.gather [hbm4b:s18+s2], $0x8000, $0x38;
	[tilespmem:$0x10080] =	vst v63  }
.LBB2_13:
0xbe: {  	_ =	sfence.sel $0x180000  }
0xbf: {  	[bflag:$0x0] =	sbarrier.arrive $0xFFFF  }
0xc0: {  	p0 =	sne.s32 s1, $0x0;
	_ =	strace $0x90000047  }
0xc1: {  	s0 =	sadd.s32 @!p0 $0x100000, s0;
	[bflag:$0x2] =	sbarrier.arrive $0xFFFF  }
0xc2: {  	[sflag:s0] =	ssyncadd.tile.s32 @!p0 $0x1;
	_ =	shalt  }
.Lfunc_end2:
_tile_overlayer_lowered:
.L_overlay_start_2:
0xc3: {  	(tag) =	ssettag $0x2  }
0xc4: {  	s0 =	rddreg [dreg:$0x0];
	s2 =	stileid.u32  }
0xc5: {  	s1 =	rddreg [dreg:$0x1];
	p0 =	sne.s32 s2, $0x0  }
0xc6: {  	s3 =	rddreg [dreg:$0x2];
	[bflag:$0x3] =	sbarrier.arrive $0xFFFF;
	s2 =	simm.s32 @!p0 $0x1C03  }
0xc7: {  	[timem:s3], [sflag:s2] =	dma.local @!p0 [hbm:s0], s1  }
0xc8: {  	s0 =	simm.s32 @!p0 $0x3  }
0xc9: {  	_ =	swait.ge @!p0 [sflag:s0], s1  }
0xca: {  	s1 =	ssub.s32 @!p0 $0x0, s1;
	[sflag:s0] =	ssyncset.done @!p0 $0x0  }
0xcb: {  	[sflag:s0] =	ssyncadd.s32 @!p0 s1  }
0xcc: {  	[bflag:$0x3] =	sbarrier.arrive $0xFFFF  }
0xcd: {  	_ =	shalt  }

</sc_bundles>
